<compile_context>
chip_gen: v7x
topology: tpu7x:2x2x1
jax: 0.10.2.dev20260603
libtpu: 0.0.44.dev20260713+nightly
codegen_flags: <defaults>
</compile_context>

<pallas_src>
import functools

import jax
import jax.numpy as jnp
from jax import lax
from jax.experimental import pallas as pl
from jax.experimental.pallas import tpu as pltpu
from jax.experimental.pallas import tpu_sc as plsc

_NC = 2
_NS = 16
_NW = _NC * _NS


def _make_gather(N, S, V, D, R, NB):
    assert N % (_NW * R * NB) == 0
    rows_per_w = N // _NW
    n_chunks = rows_per_w // R
    n_groups = n_chunks // NB
    mesh = plsc.VectorSubcoreMesh(core_axis_name="c", subcore_axis_name="s")

    scratch = (
        [pltpu.VMEM((rows_per_w, S), jnp.int32)]
        + [pltpu.VMEM((R, S, D), jnp.float32) for _ in range(NB)]
        + [pltpu.SemaphoreType.DMA for _ in range(2 * NB)]
    )

    @functools.partial(
        pl.kernel,
        mesh=mesh,
        out_type=jax.ShapeDtypeStruct((N, S, D), jnp.float32),
        scratch_types=scratch,
        compiler_params=pltpu.CompilerParams(use_tc_tiling_on_sc=False),
    )
    def gather_kernel(idx_hbm, table_hbm, out_hbm, idx_v, *rest):
        bufs = rest[:NB]
        gsems = rest[NB:2 * NB]
        osems = rest[2 * NB:]
        wid = lax.axis_index("s") * _NC + lax.axis_index("c")
        row_base = wid * rows_per_w
        pltpu.sync_copy(idx_hbm.at[pl.ds(row_base, rows_per_w)], idx_v)

        def gather(j, b):
            for r in range(R):
                pltpu.async_copy(
                    table_hbm.at[idx_v.at[j * R + r]], bufs[b].at[r],
                    gsems[b])

        def wait_gather(j, b):
            for r in range(R):
                pltpu.make_async_copy(
                    table_hbm.at[idx_v.at[j * R + r]], bufs[b].at[r],
                    gsems[b]).wait()

        def write(j, b):
            pltpu.async_copy(
                bufs[b], out_hbm.at[pl.ds(row_base + j * R, R)], osems[b])

        def wait_write(j, b):
            pltpu.make_async_copy(
                bufs[b], out_hbm.at[pl.ds(row_base + j * R, R)],
                osems[b]).wait()

        for b in range(NB):
            gather(b, b)

        def body(g, carry):
            for b in range(NB):
                wait_gather(g * NB + b, b)
                write(g * NB + b, b)

            @pl.when(g + 1 < n_groups)
            def _():
                for b in range(NB):
                    wait_write(g * NB + b, b)
                    gather((g + 1) * NB + b, b)

            return carry

        lax.fori_loop(0, n_groups, body, 0)
        for b in range(NB):
            wait_write((n_groups - 1) * NB + b, b)

    return gather_kernel


def kernel(input, table):
    N, S = input.shape
    V, D = table.shape
    return _make_gather(N, S, V, D, 16, 4)(input, table)

# --- scband reference (transcript-rebuilt; emitter-appended) ---
"""Pipeline reference for scband-embedding-matrix-36764920054402 (READ-ONLY COPY).

The authoritative reference and input builder live on the scoring server;
editing this copy changes nothing except your own understanding.
"""

import jax, jax.numpy as jnp
import numpy as np

def setup_inputs(seed: int = 0) -> dict:
    key = jax.random.key(seed)
    k1, k2 = jax.random.split(key)
    input_idx = jax.random.randint(k1, (16384, 26), 0, 1000000, dtype=jnp.int64 if jax.config.jax_enable_x64 else jnp.int32)
    table = jax.random.normal(k2, (1000000, 64), dtype=jnp.float32)
    return {"input": input_idx, "table": table}

def reference(input, table):
    # EmbeddingMatrix.forward: nn.Embedding lookup
    return jnp.take(table, input, axis=0)

if __name__ == "__main__":
    import jax
    _d = setup_inputs()
    print(jax.jit(kernel)(*tuple(_d.values())))

</pallas_src>

<mosaic_0001>
#map = affine_map<(d0, d1) -> (0, 0)>
#map1 = affine_map<(d0, d1) -> (0, 0, 0)>
module attributes {stable_mosaic.version = 14 : i64} {
  func.func @gather_kernel(%arg0: i32, %arg1: i32, %arg2: memref<16384x26xi32, #tpu.memory_space<hbm>>, %arg3: memref<1000000x64xf32, #tpu.memory_space<hbm>>, %arg4: memref<16384x26x64xf32, #tpu.memory_space<hbm>>, %arg5: memref<512x26xi32, #tpu.memory_space<vmem>>, %arg6: memref<16x26x64xf32, #tpu.memory_space<vmem>>, %arg7: memref<16x26x64xf32, #tpu.memory_space<vmem>>, %arg8: memref<16x26x64xf32, #tpu.memory_space<vmem>>, %arg9: memref<16x26x64xf32, #tpu.memory_space<vmem>>, %arg10: memref<!tpu.dma_semaphore, #tpu.memory_space<semaphore_mem>>, %arg11: memref<!tpu.dma_semaphore, #tpu.memory_space<semaphore_mem>>, %arg12: memref<!tpu.dma_semaphore, #tpu.memory_space<semaphore_mem>>, %arg13: memref<!tpu.dma_semaphore, #tpu.memory_space<semaphore_mem>>, %arg14: memref<!tpu.dma_semaphore, #tpu.memory_space<semaphore_mem>>, %arg15: memref<!tpu.dma_semaphore, #tpu.memory_space<semaphore_mem>>, %arg16: memref<!tpu.dma_semaphore, #tpu.memory_space<semaphore_mem>>, %arg17: memref<!tpu.dma_semaphore, #tpu.memory_space<semaphore_mem>>) attributes {dimension_semantics = [#tpu.dimension_semantics<core_parallel>, #tpu.dimension_semantics<subcore_parallel>], iteration_bounds = array<i64: 2, 16>, scalar_prefetch = 0 : i64, scratch_operands = 13 : i64, tpu.core_type = #tpu.core_type<sc_vector_subcore>, window_params = [{transform_indices = #map}, {transform_indices = #map}, {transform_indices = #map1}]} {
    %mul3A = arith.constant 2 : i32
    %mul3A_0 = arith.muli %arg1, %mul3A : i32
    %add3A = arith.addi %mul3A_0, %arg0 : i32
    %mul3A_1 = arith.constant 512 : i32
    %mul3A_2 = arith.muli %add3A, %mul3A_1 : i32
    "tpu.region"() ({
      %run_scoped3A = tpu.sem_alloc : memref<!tpu.dma_semaphore, #tpu.memory_space<semaphore_mem>>
      %dma_start3A_806 = arith.constant 0 : i32
      %dma_start3A_807 = tpu.memref_slice %arg2[%mul3A_2, %dma_start3A_806] : memref<16384x26xi32, #tpu.memory_space<hbm>> -> memref<512x26xi32, #tpu.memory_space<hbm>>
      %dma_start3A_808 = arith.constant 0 : i32
      %dma_start3A_809 = tpu.memref_slice %arg2[%mul3A_2, %dma_start3A_808] : memref<16384x26xi32, #tpu.memory_space<hbm>> -> memref<512x26xi32, #tpu.memory_space<hbm>>
      tpu.enqueue_dma source(%dma_start3A_809 : memref<512x26xi32, #tpu.memory_space<hbm>>) target(%arg5 : memref<512x26xi32, #tpu.memory_space<vmem>>) target_semaphore(%run_scoped3A : memref<!tpu.dma_semaphore, #tpu.memory_space<semaphore_mem>>)
      %dma_wait3A_810 = arith.constant 0 : i32
      %dma_wait3A_811 = tpu.memref_slice %arg2[%mul3A_2, %dma_wait3A_810] : memref<16384x26xi32, #tpu.memory_space<hbm>> -> memref<512x26xi32, #tpu.memory_space<hbm>>
      %dma_wait3A_812 = arith.constant 0 : i32
      %dma_wait3A_813 = tpu.memref_slice %arg2[%mul3A_2, %dma_wait3A_812] : memref<16384x26xi32, #tpu.memory_space<hbm>> -> memref<512x26xi32, #tpu.memory_space<hbm>>
      tpu.wait_dma2 semaphore(%run_scoped3A : memref<!tpu.dma_semaphore, #tpu.memory_space<semaphore_mem>>) src(%dma_wait3A_813 : memref<512x26xi32, #tpu.memory_space<hbm>>) dst(%arg5 : memref<512x26xi32, #tpu.memory_space<vmem>>)
      tpu.yield
    }) : () -> ()
    %dma_start3A = arith.constant 0 : i32
    %dma_start3A_3 = arith.constant 0 : i32
    %dma_start3A_4 = arith.constant 0 : i32
    %dma_start3A_5 = arith.constant 0 : i32
    %dma_start3A_6 = tpu.memref_slice %arg6[%dma_start3A_3, %dma_start3A_4, %dma_start3A_5] : memref<16x26x64xf32, #tpu.memory_space<vmem>> -> memref<1x26x64xf32, #tpu.memory_space<vmem>>
    %dma_start3A_7 = tpu.memref_squeeze %dma_start3A_6 : memref<1x26x64xf32, #tpu.memory_space<vmem>> -> memref<26x64xf32, #tpu.memory_space<vmem>>
    %dma_start3A_8 = arith.constant 0 : i32
    %dma_start3A_9 = tpu.memref_slice %arg5[%dma_start3A, %dma_start3A_8] : memref<512x26xi32, #tpu.memory_space<vmem>> -> memref<1x26xi32, #tpu.memory_space<vmem>>
    %dma_start3A_10 = tpu.memref_squeeze %dma_start3A_9 : memref<1x26xi32, #tpu.memory_space<vmem>> -> memref<26xi32, #tpu.memory_space<vmem>>
    %dma_start3A_11 = arith.constant 0 : i32
    %dma_start3A_12 = arith.constant 0 : i32
    %dma_start3A_13 = tpu.memref_slice %arg3[%dma_start3A_11, %dma_start3A_12] : memref<1000000x64xf32, #tpu.memory_space<hbm>> -> memref<1000000x64xf32, #tpu.memory_space<hbm>>
    tpu.enqueue_indirect_dma source(%dma_start3A_13 : memref<1000000x64xf32, #tpu.memory_space<hbm>>) target(%dma_start3A_7 : memref<26x64xf32, #tpu.memory_space<vmem>>) offsets(%dma_start3A_10 : memref<26xi32, #tpu.memory_space<vmem>>) semaphore(%arg10 : memref<!tpu.dma_semaphore, #tpu.memory_space<semaphore_mem>>)
    %dma_start3A_14 = arith.constant 1 : i32
    %dma_start3A_15 = arith.constant 1 : i32
    %dma_start3A_16 = arith.constant 0 : i32
    %dma_start3A_17 = arith.constant 0 : i32
    %dma_start3A_18 = tpu.memref_slice %arg6[%dma_start3A_15, %dma_start3A_16, %dma_start3A_17] : memref<16x26x64xf32, #tpu.memory_space<vmem>> -> memref<1x26x64xf32, #tpu.memory_space<vmem>>
    %dma_start3A_19 = tpu.memref_squeeze %dma_start3A_18 : memref<1x26x64xf32, #tpu.memory_space<vmem>> -> memref<26x64xf32, #tpu.memory_space<vmem>>
    %dma_start3A_20 = arith.constant 0 : i32
    %dma_start3A_21 = tpu.memref_slice %arg5[%dma_start3A_14, %dma_start3A_20] : memref<512x26xi32, #tpu.memory_space<vmem>> -> memref<1x26xi32, #tpu.memory_space<vmem>>
    %dma_start3A_22 = tpu.memref_squeeze %dma_start3A_21 : memref<1x26xi32, #tpu.memory_space<vmem>> -> memref<26xi32, #tpu.memory_space<vmem>>
    %dma_start3A_23 = arith.constant 0 : i32
    %dma_start3A_24 = arith.constant 0 : i32
    %dma_start3A_25 = tpu.memref_slice %arg3[%dma_start3A_23, %dma_start3A_24] : memref<1000000x64xf32, #tpu.memory_space<hbm>> -> memref<1000000x64xf32, #tpu.memory_space<hbm>>
    tpu.enqueue_indirect_dma source(%dma_start3A_25 : memref<1000000x64xf32, #tpu.memory_space<hbm>>) target(%dma_start3A_19 : memref<26x64xf32, #tpu.memory_space<vmem>>) offsets(%dma_start3A_22 : memref<26xi32, #tpu.memory_space<vmem>>) semaphore(%arg10 : memref<!tpu.dma_semaphore, #tpu.memory_space<semaphore_mem>>)
    %dma_start3A_26 = arith.constant 2 : i32
    %dma_start3A_27 = arith.constant 2 : i32
    %dma_start3A_28 = arith.constant 0 : i32
    %dma_start3A_29 = arith.constant 0 : i32
    %dma_start3A_30 = tpu.memref_slice %arg6[%dma_start3A_27, %dma_start3A_28, %dma_start3A_29] : memref<16x26x64xf32, #tpu.memory_space<vmem>> -> memref<1x26x64xf32, #tpu.memory_space<vmem>>
    %dma_start3A_31 = tpu.memref_squeeze %dma_start3A_30 : memref<1x26x64xf32, #tpu.memory_space<vmem>> -> memref<26x64xf32, #tpu.memory_space<vmem>>
    %dma_start3A_32 = arith.constant 0 : i32
    %dma_start3A_33 = tpu.memref_slice %arg5[%dma_start3A_26, %dma_start3A_32] : memref<512x26xi32, #tpu.memory_space<vmem>> -> memref<1x26xi32, #tpu.memory_space<vmem>>
    %dma_start3A_34 = tpu.memref_squeeze %dma_start3A_33 : memref<1x26xi32, #tpu.memory_space<vmem>> -> memref<26xi32, #tpu.memory_space<vmem>>
    %dma_start3A_35 = arith.constant 0 : i32
    %dma_start3A_36 = arith.constant 0 : i32
    %dma_start3A_37 = tpu.memref_slice %arg3[%dma_start3A_35, %dma_start3A_36] : memref<1000000x64xf32, #tpu.memory_space<hbm>> -> memref<1000000x64xf32, #tpu.memory_space<hbm>>
    tpu.enqueue_indirect_dma source(%dma_start3A_37 : memref<1000000x64xf32, #tpu.memory_space<hbm>>) target(%dma_start3A_31 : memref<26x64xf32, #tpu.memory_space<vmem>>) offsets(%dma_start3A_34 : memref<26xi32, #tpu.memory_space<vmem>>) semaphore(%arg10 : memref<!tpu.dma_semaphore, #tpu.memory_space<semaphore_mem>>)
    %dma_start3A_38 = arith.constant 3 : i32
    %dma_start3A_39 = arith.constant 3 : i32
    %dma_start3A_40 = arith.constant 0 : i32
    %dma_start3A_41 = arith.constant 0 : i32
    %dma_start3A_42 = tpu.memref_slice %arg6[%dma_start3A_39, %dma_start3A_40, %dma_start3A_41] : memref<16x26x64xf32, #tpu.memory_space<vmem>> -> memref<1x26x64xf32, #tpu.memory_space<vmem>>
    %dma_start3A_43 = tpu.memref_squeeze %dma_start3A_42 : memref<1x26x64xf32, #tpu.memory_space<vmem>> -> memref<26x64xf32, #tpu.memory_space<vmem>>
    %dma_start3A_44 = arith.constant 0 : i32
    %dma_start3A_45 = tpu.memref_slice %arg5[%dma_start3A_38, %dma_start3A_44] : memref<512x26xi32, #tpu.memory_space<vmem>> -> memref<1x26xi32, #tpu.memory_space<vmem>>
    %dma_start3A_46 = tpu.memref_squeeze %dma_start3A_45 : memref<1x26xi32, #tpu.memory_space<vmem>> -> memref<26xi32, #tpu.memory_space<vmem>>
    %dma_start3A_47 = arith.constant 0 : i32
    %dma_start3A_48 = arith.constant 0 : i32
    %dma_start3A_49 = tpu.memref_slice %arg3[%dma_start3A_47, %dma_start3A_48] : memref<1000000x64xf32, #tpu.memory_space<hbm>> -> memref<1000000x64xf32, #tpu.memory_space<hbm>>
    tpu.enqueue_indirect_dma source(%dma_start3A_49 : memref<1000000x64xf32, #tpu.memory_space<hbm>>) target(%dma_start3A_43 : memref<26x64xf32, #tpu.memory_space<vmem>>) offsets(%dma_start3A_46 : memref<26xi32, #tpu.memory_space<vmem>>) semaphore(%arg10 : memref<!tpu.dma_semaphore, #tpu.memory_space<semaphore_mem>>)
    %dma_start3A_50 = arith.constant 4 : i32
    %dma_start3A_51 = arith.constant 4 : i32
    %dma_start3A_52 = arith.constant 0 : i32
    %dma_start3A_53 = arith.constant 0 : i32
    %dma_start3A_54 = tpu.memref_slice %arg6[%dma_start3A_51, %dma_start3A_52, %dma_start3A_53] : memref<16x26x64xf32, #tpu.memory_space<vmem>> -> memref<1x26x64xf32, #tpu.memory_space<vmem>>
    %dma_start3A_55 = tpu.memref_squeeze %dma_start3A_54 : memref<1x26x64xf32, #tpu.memory_space<vmem>> -> memref<26x64xf32, #tpu.memory_space<vmem>>
    %dma_start3A_56 = arith.constant 0 : i32
    %dma_start3A_57 = tpu.memref_slice %arg5[%dma_start3A_50, %dma_start3A_56] : memref<512x26xi32, #tpu.memory_space<vmem>> -> memref<1x26xi32, #tpu.memory_space<vmem>>
    %dma_start3A_58 = tpu.memref_squeeze %dma_start3A_57 : memref<1x26xi32, #tpu.memory_space<vmem>> -> memref<26xi32, #tpu.memory_space<vmem>>
    %dma_start3A_59 = arith.constant 0 : i32
    %dma_start3A_60 = arith.constant 0 : i32
    %dma_start3A_61 = tpu.memref_slice %arg3[%dma_start3A_59, %dma_start3A_60] : memref<1000000x64xf32, #tpu.memory_space<hbm>> -> memref<1000000x64xf32, #tpu.memory_space<hbm>>
    tpu.enqueue_indirect_dma source(%dma_start3A_61 : memref<1000000x64xf32, #tpu.memory_space<hbm>>) target(%dma_start3A_55 : memref<26x64xf32, #tpu.memory_space<vmem>>) offsets(%dma_start3A_58 : memref<26xi32, #tpu.memory_space<vmem>>) semaphore(%arg10 : memref<!tpu.dma_semaphore, #tpu.memory_space<semaphore_mem>>)
    %dma_start3A_62 = arith.constant 5 : i32
    %dma_start3A_63 = arith.constant 5 : i32
    %dma_start3A_64 = arith.constant 0 : i32
    %dma_start3A_65 = arith.constant 0 : i32
    %dma_start3A_66 = tpu.memref_slice %arg6[%dma_start3A_63, %dma_start3A_64, %dma_start3A_65] : memref<16x26x64xf32, #tpu.memory_space<vmem>> -> memref<1x26x64xf32, #tpu.memory_space<vmem>>
    %dma_start3A_67 = tpu.memref_squeeze %dma_start3A_66 : memref<1x26x64xf32, #tpu.memory_space<vmem>> -> memref<26x64xf32, #tpu.memory_space<vmem>>
    %dma_start3A_68 = arith.constant 0 : i32
    %dma_start3A_69 = tpu.memref_slice %arg5[%dma_start3A_62, %dma_start3A_68] : memref<512x26xi32, #tpu.memory_space<vmem>> -> memref<1x26xi32, #tpu.memory_space<vmem>>
    %dma_start3A_70 = tpu.memref_squeeze %dma_start3A_69 : memref<1x26xi32, #tpu.memory_space<vmem>> -> memref<26xi32, #tpu.memory_space<vmem>>
    %dma_start3A_71 = arith.constant 0 : i32
    %dma_start3A_72 = arith.constant 0 : i32
    %dma_start3A_73 = tpu.memref_slice %arg3[%dma_start3A_71, %dma_start3A_72] : memref<1000000x64xf32, #tpu.memory_space<hbm>> -> memref<1000000x64xf32, #tpu.memory_space<hbm>>
    tpu.enqueue_indirect_dma source(%dma_start3A_73 : memref<1000000x64xf32, #tpu.memory_space<hbm>>) target(%dma_start3A_67 : memref<26x64xf32, #tpu.memory_space<vmem>>) offsets(%dma_start3A_70 : memref<26xi32, #tpu.memory_space<vmem>>) semaphore(%arg10 : memref<!tpu.dma_semaphore, #tpu.memory_space<semaphore_mem>>)
    %dma_start3A_74 = arith.constant 6 : i32
    %dma_start3A_75 = arith.constant 6 : i32
    %dma_start3A_76 = arith.constant 0 : i32
    %dma_start3A_77 = arith.constant 0 : i32
    %dma_start3A_78 = tpu.memref_slice %arg6[%dma_start3A_75, %dma_start3A_76, %dma_start3A_77] : memref<16x26x64xf32, #tpu.memory_space<vmem>> -> memref<1x26x64xf32, #tpu.memory_space<vmem>>
    %dma_start3A_79 = tpu.memref_squeeze %dma_start3A_78 : memref<1x26x64xf32, #tpu.memory_space<vmem>> -> memref<26x64xf32, #tpu.memory_space<vmem>>
    %dma_start3A_80 = arith.constant 0 : i32
    %dma_start3A_81 = tpu.memref_slice %arg5[%dma_start3A_74, %dma_start3A_80] : memref<512x26xi32, #tpu.memory_space<vmem>> -> memref<1x26xi32, #tpu.memory_space<vmem>>
    %dma_start3A_82 = tpu.memref_squeeze %dma_start3A_81 : memref<1x26xi32, #tpu.memory_space<vmem>> -> memref<26xi32, #tpu.memory_space<vmem>>
    %dma_start3A_83 = arith.constant 0 : i32
    %dma_start3A_84 = arith.constant 0 : i32
    %dma_start3A_85 = tpu.memref_slice %arg3[%dma_start3A_83, %dma_start3A_84] : memref<1000000x64xf32, #tpu.memory_space<hbm>> -> memref<1000000x64xf32, #tpu.memory_space<hbm>>
    tpu.enqueue_indirect_dma source(%dma_start3A_85 : memref<1000000x64xf32, #tpu.memory_space<hbm>>) target(%dma_start3A_79 : memref<26x64xf32, #tpu.memory_space<vmem>>) offsets(%dma_start3A_82 : memref<26xi32, #tpu.memory_space<vmem>>) semaphore(%arg10 : memref<!tpu.dma_semaphore, #tpu.memory_space<semaphore_mem>>)
    %dma_start3A_86 = arith.constant 7 : i32
    %dma_start3A_87 = arith.constant 7 : i32
    %dma_start3A_88 = arith.constant 0 : i32
    %dma_start3A_89 = arith.constant 0 : i32
    %dma_start3A_90 = tpu.memref_slice %arg6[%dma_start3A_87, %dma_start3A_88, %dma_start3A_89] : memref<16x26x64xf32, #tpu.memory_space<vmem>> -> memref<1x26x64xf32, #tpu.memory_space<vmem>>
    %dma_start3A_91 = tpu.memref_squeeze %dma_start3A_90 : memref<1x26x64xf32, #tpu.memory_space<vmem>> -> memref<26x64xf32, #tpu.memory_space<vmem>>
    %dma_start3A_92 = arith.constant 0 : i32
    %dma_start3A_93 = tpu.memref_slice %arg5[%dma_start3A_86, %dma_start3A_92] : memref<512x26xi32, #tpu.memory_space<vmem>> -> memref<1x26xi32, #tpu.memory_space<vmem>>
    %dma_start3A_94 = tpu.memref_squeeze %dma_start3A_93 : memref<1x26xi32, #tpu.memory_space<vmem>> -> memref<26xi32, #tpu.memory_space<vmem>>
    %dma_start3A_95 = arith.constant 0 : i32
    %dma_start3A_96 = arith.constant 0 : i32
    %dma_start3A_97 = tpu.memref_slice %arg3[%dma_start3A_95, %dma_start3A_96] : memref<1000000x64xf32, #tpu.memory_space<hbm>> -> memref<1000000x64xf32, #tpu.memory_space<hbm>>
    tpu.enqueue_indirect_dma source(%dma_start3A_97 : memref<1000000x64xf32, #tpu.memory_space<hbm>>) target(%dma_start3A_91 : memref<26x64xf32, #tpu.memory_space<vmem>>) offsets(%dma_start3A_94 : memref<26xi32, #tpu.memory_space<vmem>>) semaphore(%arg10 : memref<!tpu.dma_semaphore, #tpu.memory_space<semaphore_mem>>)
    %dma_start3A_98 = arith.constant 8 : i32
    %dma_start3A_99 = arith.constant 8 : i32
    %dma_start3A_100 = arith.constant 0 : i32
    %dma_start3A_101 = arith.constant 0 : i32
    %dma_start3A_102 = tpu.memref_slice %arg6[%dma_start3A_99, %dma_start3A_100, %dma_start3A_101] : memref<16x26x64xf32, #tpu.memory_space<vmem>> -> memref<1x26x64xf32, #tpu.memory_space<vmem>>
    %dma_start3A_103 = tpu.memref_squeeze %dma_start3A_102 : memref<1x26x64xf32, #tpu.memory_space<vmem>> -> memref<26x64xf32, #tpu.memory_space<vmem>>
    %dma_start3A_104 = arith.constant 0 : i32
    %dma_start3A_105 = tpu.memref_slice %arg5[%dma_start3A_98, %dma_start3A_104] : memref<512x26xi32, #tpu.memory_space<vmem>> -> memref<1x26xi32, #tpu.memory_space<vmem>>
    %dma_start3A_106 = tpu.memref_squeeze %dma_start3A_105 : memref<1x26xi32, #tpu.memory_space<vmem>> -> memref<26xi32, #tpu.memory_space<vmem>>
    %dma_start3A_107 = arith.constant 0 : i32
    %dma_start3A_108 = arith.constant 0 : i32
    %dma_start3A_109 = tpu.memref_slice %arg3[%dma_start3A_107, %dma_start3A_108] : memref<1000000x64xf32, #tpu.memory_space<hbm>> -> memref<1000000x64xf32, #tpu.memory_space<hbm>>
    tpu.enqueue_indirect_dma source(%dma_start3A_109 : memref<1000000x64xf32, #tpu.memory_space<hbm>>) target(%dma_start3A_103 : memref<26x64xf32, #tpu.memory_space<vmem>>) offsets(%dma_start3A_106 : memref<26xi32, #tpu.memory_space<vmem>>) semaphore(%arg10 : memref<!tpu.dma_semaphore, #tpu.memory_space<semaphore_mem>>)
    %dma_start3A_110 = arith.constant 9 : i32
    %dma_start3A_111 = arith.constant 9 : i32
    %dma_start3A_112 = arith.constant 0 : i32
    %dma_start3A_113 = arith.constant 0 : i32
    %dma_start3A_114 = tpu.memref_slice %arg6[%dma_start3A_111, %dma_start3A_112, %dma_start3A_113] : memref<16x26x64xf32, #tpu.memory_space<vmem>> -> memref<1x26x64xf32, #tpu.memory_space<vmem>>
    %dma_start3A_115 = tpu.memref_squeeze %dma_start3A_114 : memref<1x26x64xf32, #tpu.memory_space<vmem>> -> memref<26x64xf32, #tpu.memory_space<vmem>>
    %dma_start3A_116 = arith.constant 0 : i32
    %dma_start3A_117 = tpu.memref_slice %arg5[%dma_start3A_110, %dma_start3A_116] : memref<512x26xi32, #tpu.memory_space<vmem>> -> memref<1x26xi32, #tpu.memory_space<vmem>>
    %dma_start3A_118 = tpu.memref_squeeze %dma_start3A_117 : memref<1x26xi32, #tpu.memory_space<vmem>> -> memref<26xi32, #tpu.memory_space<vmem>>
    %dma_start3A_119 = arith.constant 0 : i32
    %dma_start3A_120 = arith.constant 0 : i32
    %dma_start3A_121 = tpu.memref_slice %arg3[%dma_start3A_119, %dma_start3A_120] : memref<1000000x64xf32, #tpu.memory_space<hbm>> -> memref<1000000x64xf32, #tpu.memory_space<hbm>>
    tpu.enqueue_indirect_dma source(%dma_start3A_121 : memref<1000000x64xf32, #tpu.memory_space<hbm>>) target(%dma_start3A_115 : memref<26x64xf32, #tpu.memory_space<vmem>>) offsets(%dma_start3A_118 : memref<26xi32, #tpu.memory_space<vmem>>) semaphore(%arg10 : memref<!tpu.dma_semaphore, #tpu.memory_space<semaphore_mem>>)
    %dma_start3A_122 = arith.constant 10 : i32
    %dma_start3A_123 = arith.constant 10 : i32
    %dma_start3A_124 = arith.constant 0 : i32
    %dma_start3A_125 = arith.constant 0 : i32
    %dma_start3A_126 = tpu.memref_slice %arg6[%dma_start3A_123, %dma_start3A_124, %dma_start3A_125] : memref<16x26x64xf32, #tpu.memory_space<vmem>> -> memref<1x26x64xf32, #tpu.memory_space<vmem>>
    %dma_start3A_127 = tpu.memref_squeeze %dma_start3A_126 : memref<1x26x64xf32, #tpu.memory_space<vmem>> -> memref<26x64xf32, #tpu.memory_space<vmem>>
    %dma_start3A_128 = arith.constant 0 : i32
    %dma_start3A_129 = tpu.memref_slice %arg5[%dma_start3A_122, %dma_start3A_128] : memref<512x26xi32, #tpu.memory_space<vmem>> -> memref<1x26xi32, #tpu.memory_space<vmem>>
    %dma_start3A_130 = tpu.memref_squeeze %dma_start3A_129 : memref<1x26xi32, #tpu.memory_space<vmem>> -> memref<26xi32, #tpu.memory_space<vmem>>
    %dma_start3A_131 = arith.constant 0 : i32
    %dma_start3A_132 = arith.constant 0 : i32
    %dma_start3A_133 = tpu.memref_slice %arg3[%dma_start3A_131, %dma_start3A_132] : memref<1000000x64xf32, #tpu.memory_space<hbm>> -> memref<1000000x64xf32, #tpu.memory_space<hbm>>
    tpu.enqueue_indirect_dma source(%dma_start3A_133 : memref<1000000x64xf32, #tpu.memory_space<hbm>>) target(%dma_start3A_127 : memref<26x64xf32, #tpu.memory_space<vmem>>) offsets(%dma_start3A_130 : memref<26xi32, #tpu.memory_space<vmem>>) semaphore(%arg10 : memref<!tpu.dma_semaphore, #tpu.memory_space<semaphore_mem>>)
    %dma_start3A_134 = arith.constant 11 : i32
    %dma_start3A_135 = arith.constant 11 : i32
    %dma_start3A_136 = arith.constant 0 : i32
    %dma_start3A_137 = arith.constant 0 : i32
    %dma_start3A_138 = tpu.memref_slice %arg6[%dma_start3A_135, %dma_start3A_136, %dma_start3A_137] : memref<16x26x64xf32, #tpu.memory_space<vmem>> -> memref<1x26x64xf32, #tpu.memory_space<vmem>>
    %dma_start3A_139 = tpu.memref_squeeze %dma_start3A_138 : memref<1x26x64xf32, #tpu.memory_space<vmem>> -> memref<26x64xf32, #tpu.memory_space<vmem>>
    %dma_start3A_140 = arith.constant 0 : i32
    %dma_start3A_141 = tpu.memref_slice %arg5[%dma_start3A_134, %dma_start3A_140] : memref<512x26xi32, #tpu.memory_space<vmem>> -> memref<1x26xi32, #tpu.memory_space<vmem>>
    %dma_start3A_142 = tpu.memref_squeeze %dma_start3A_141 : memref<1x26xi32, #tpu.memory_space<vmem>> -> memref<26xi32, #tpu.memory_space<vmem>>
    %dma_start3A_143 = arith.constant 0 : i32
    %dma_start3A_144 = arith.constant 0 : i32
    %dma_start3A_145 = tpu.memref_slice %arg3[%dma_start3A_143, %dma_start3A_144] : memref<1000000x64xf32, #tpu.memory_space<hbm>> -> memref<1000000x64xf32, #tpu.memory_space<hbm>>
    tpu.enqueue_indirect_dma source(%dma_start3A_145 : memref<1000000x64xf32, #tpu.memory_space<hbm>>) target(%dma_start3A_139 : memref<26x64xf32, #tpu.memory_space<vmem>>) offsets(%dma_start3A_142 : memref<26xi32, #tpu.memory_space<vmem>>) semaphore(%arg10 : memref<!tpu.dma_semaphore, #tpu.memory_space<semaphore_mem>>)
    %dma_start3A_146 = arith.constant 12 : i32
    %dma_start3A_147 = arith.constant 12 : i32
    %dma_start3A_148 = arith.constant 0 : i32
    %dma_start3A_149 = arith.constant 0 : i32
    %dma_start3A_150 = tpu.memref_slice %arg6[%dma_start3A_147, %dma_start3A_148, %dma_start3A_149] : memref<16x26x64xf32, #tpu.memory_space<vmem>> -> memref<1x26x64xf32, #tpu.memory_space<vmem>>
    %dma_start3A_151 = tpu.memref_squeeze %dma_start3A_150 : memref<1x26x64xf32, #tpu.memory_space<vmem>> -> memref<26x64xf32, #tpu.memory_space<vmem>>
    %dma_start3A_152 = arith.constant 0 : i32
    %dma_start3A_153 = tpu.memref_slice %arg5[%dma_start3A_146, %dma_start3A_152] : memref<512x26xi32, #tpu.memory_space<vmem>> -> memref<1x26xi32, #tpu.memory_space<vmem>>
    %dma_start3A_154 = tpu.memref_squeeze %dma_start3A_153 : memref<1x26xi32, #tpu.memory_space<vmem>> -> memref<26xi32, #tpu.memory_space<vmem>>
    %dma_start3A_155 = arith.constant 0 : i32
    %dma_start3A_156 = arith.constant 0 : i32
    %dma_start3A_157 = tpu.memref_slice %arg3[%dma_start3A_155, %dma_start3A_156] : memref<1000000x64xf32, #tpu.memory_space<hbm>> -> memref<1000000x64xf32, #tpu.memory_space<hbm>>
    tpu.enqueue_indirect_dma source(%dma_start3A_157 : memref<1000000x64xf32, #tpu.memory_space<hbm>>) target(%dma_start3A_151 : memref<26x64xf32, #tpu.memory_space<vmem>>) offsets(%dma_start3A_154 : memref<26xi32, #tpu.memory_space<vmem>>) semaphore(%arg10 : memref<!tpu.dma_semaphore, #tpu.memory_space<semaphore_mem>>)
    %dma_start3A_158 = arith.constant 13 : i32
    %dma_start3A_159 = arith.constant 13 : i32
    %dma_start3A_160 = arith.constant 0 : i32
    %dma_start3A_161 = arith.constant 0 : i32
    %dma_start3A_162 = tpu.memref_slice %arg6[%dma_start3A_159, %dma_start3A_160, %dma_start3A_161] : memref<16x26x64xf32, #tpu.memory_space<vmem>> -> memref<1x26x64xf32, #tpu.memory_space<vmem>>
    %dma_start3A_163 = tpu.memref_squeeze %dma_start3A_162 : memref<1x26x64xf32, #tpu.memory_space<vmem>> -> memref<26x64xf32, #tpu.memory_space<vmem>>
    %dma_start3A_164 = arith.constant 0 : i32
    %dma_start3A_165 = tpu.memref_slice %arg5[%dma_start3A_158, %dma_start3A_164] : memref<512x26xi32, #tpu.memory_space<vmem>> -> memref<1x26xi32, #tpu.memory_space<vmem>>
    %dma_start3A_166 = tpu.memref_squeeze %dma_start3A_165 : memref<1x26xi32, #tpu.memory_space<vmem>> -> memref<26xi32, #tpu.memory_space<vmem>>
    %dma_start3A_167 = arith.constant 0 : i32
    %dma_start3A_168 = arith.constant 0 : i32
    %dma_start3A_169 = tpu.memref_slice %arg3[%dma_start3A_167, %dma_start3A_168] : memref<1000000x64xf32, #tpu.memory_space<hbm>> -> memref<1000000x64xf32, #tpu.memory_space<hbm>>
    tpu.enqueue_indirect_dma source(%dma_start3A_169 : memref<1000000x64xf32, #tpu.memory_space<hbm>>) target(%dma_start3A_163 : memref<26x64xf32, #tpu.memory_space<vmem>>) offsets(%dma_start3A_166 : memref<26xi32, #tpu.memory_space<vmem>>) semaphore(%arg10 : memref<!tpu.dma_semaphore, #tpu.memory_space<semaphore_mem>>)
    %dma_start3A_170 = arith.constant 14 : i32
    %dma_start3A_171 = arith.constant 14 : i32
    %dma_start3A_172 = arith.constant 0 : i32
    %dma_start3A_173 = arith.constant 0 : i32
    %dma_start3A_174 = tpu.memref_slice %arg6[%dma_start3A_171, %dma_start3A_172, %dma_start3A_173] : memref<16x26x64xf32, #tpu.memory_space<vmem>> -> memref<1x26x64xf32, #tpu.memory_space<vmem>>
    %dma_start3A_175 = tpu.memref_squeeze %dma_start3A_174 : memref<1x26x64xf32, #tpu.memory_space<vmem>> -> memref<26x64xf32, #tpu.memory_space<vmem>>
    %dma_start3A_176 = arith.constant 0 : i32
    %dma_start3A_177 = tpu.memref_slice %arg5[%dma_start3A_170, %dma_start3A_176] : memref<512x26xi32, #tpu.memory_space<vmem>> -> memref<1x26xi32, #tpu.memory_space<vmem>>
    %dma_start3A_178 = tpu.memref_squeeze %dma_start3A_177 : memref<1x26xi32, #tpu.memory_space<vmem>> -> memref<26xi32, #tpu.memory_space<vmem>>
    %dma_start3A_179 = arith.constant 0 : i32
    %dma_start3A_180 = arith.constant 0 : i32
    %dma_start3A_181 = tpu.memref_slice %arg3[%dma_start3A_179, %dma_start3A_180] : memref<1000000x64xf32, #tpu.memory_space<hbm>> -> memref<1000000x64xf32, #tpu.memory_space<hbm>>
    tpu.enqueue_indirect_dma source(%dma_start3A_181 : memref<1000000x64xf32, #tpu.memory_space<hbm>>) target(%dma_start3A_175 : memref<26x64xf32, #tpu.memory_space<vmem>>) offsets(%dma_start3A_178 : memref<26xi32, #tpu.memory_space<vmem>>) semaphore(%arg10 : memref<!tpu.dma_semaphore, #tpu.memory_space<semaphore_mem>>)
    %dma_start3A_182 = arith.constant 15 : i32
    %dma_start3A_183 = arith.constant 15 : i32
    %dma_start3A_184 = arith.constant 0 : i32
    %dma_start3A_185 = arith.constant 0 : i32
    %dma_start3A_186 = tpu.memref_slice %arg6[%dma_start3A_183, %dma_start3A_184, %dma_start3A_185] : memref<16x26x64xf32, #tpu.memory_space<vmem>> -> memref<1x26x64xf32, #tpu.memory_space<vmem>>
    %dma_start3A_187 = tpu.memref_squeeze %dma_start3A_186 : memref<1x26x64xf32, #tpu.memory_space<vmem>> -> memref<26x64xf32, #tpu.memory_space<vmem>>
    %dma_start3A_188 = arith.constant 0 : i32
    %dma_start3A_189 = tpu.memref_slice %arg5[%dma_start3A_182, %dma_start3A_188] : memref<512x26xi32, #tpu.memory_space<vmem>> -> memref<1x26xi32, #tpu.memory_space<vmem>>
    %dma_start3A_190 = tpu.memref_squeeze %dma_start3A_189 : memref<1x26xi32, #tpu.memory_space<vmem>> -> memref<26xi32, #tpu.memory_space<vmem>>
    %dma_start3A_191 = arith.constant 0 : i32
    %dma_start3A_192 = arith.constant 0 : i32
    %dma_start3A_193 = tpu.memref_slice %arg3[%dma_start3A_191, %dma_start3A_192] : memref<1000000x64xf32, #tpu.memory_space<hbm>> -> memref<1000000x64xf32, #tpu.memory_space<hbm>>
    tpu.enqueue_indirect_dma source(%dma_start3A_193 : memref<1000000x64xf32, #tpu.memory_space<hbm>>) target(%dma_start3A_187 : memref<26x64xf32, #tpu.memory_space<vmem>>) offsets(%dma_start3A_190 : memref<26xi32, #tpu.memory_space<vmem>>) semaphore(%arg10 : memref<!tpu.dma_semaphore, #tpu.memory_space<semaphore_mem>>)
    %dma_start3A_194 = arith.constant 16 : i32
    %dma_start3A_195 = arith.constant 0 : i32
    %dma_start3A_196 = arith.constant 0 : i32
    %dma_start3A_197 = arith.constant 0 : i32
    %dma_start3A_198 = tpu.memref_slice %arg7[%dma_start3A_195, %dma_start3A_196, %dma_start3A_197] : memref<16x26x64xf32, #tpu.memory_space<vmem>> -> memref<1x26x64xf32, #tpu.memory_space<vmem>>
    %dma_start3A_199 = tpu.memref_squeeze %dma_start3A_198 : memref<1x26x64xf32, #tpu.memory_space<vmem>> -> memref<26x64xf32, #tpu.memory_space<vmem>>
    %dma_start3A_200 = arith.constant 0 : i32
    %dma_start3A_201 = tpu.memref_slice %arg5[%dma_start3A_194, %dma_start3A_200] : memref<512x26xi32, #tpu.memory_space<vmem>> -> memref<1x26xi32, #tpu.memory_space<vmem>>
    %dma_start3A_202 = tpu.memref_squeeze %dma_start3A_201 : memref<1x26xi32, #tpu.memory_space<vmem>> -> memref<26xi32, #tpu.memory_space<vmem>>
    %dma_start3A_203 = arith.constant 0 : i32
    %dma_start3A_204 = arith.constant 0 : i32
    %dma_start3A_205 = tpu.memref_slice %arg3[%dma_start3A_203, %dma_start3A_204] : memref<1000000x64xf32, #tpu.memory_space<hbm>> -> memref<1000000x64xf32, #tpu.memory_space<hbm>>
    tpu.enqueue_indirect_dma source(%dma_start3A_205 : memref<1000000x64xf32, #tpu.memory_space<hbm>>) target(%dma_start3A_199 : memref<26x64xf32, #tpu.memory_space<vmem>>) offsets(%dma_start3A_202 : memref<26xi32, #tpu.memory_space<vmem>>) semaphore(%arg11 : memref<!tpu.dma_semaphore, #tpu.memory_space<semaphore_mem>>)
    %dma_start3A_206 = arith.constant 17 : i32
    %dma_start3A_207 = arith.constant 1 : i32
    %dma_start3A_208 = arith.constant 0 : i32
    %dma_start3A_209 = arith.constant 0 : i32
    %dma_start3A_210 = tpu.memref_slice %arg7[%dma_start3A_207, %dma_start3A_208, %dma_start3A_209] : memref<16x26x64xf32, #tpu.memory_space<vmem>> -> memref<1x26x64xf32, #tpu.memory_space<vmem>>
    %dma_start3A_211 = tpu.memref_squeeze %dma_start3A_210 : memref<1x26x64xf32, #tpu.memory_space<vmem>> -> memref<26x64xf32, #tpu.memory_space<vmem>>
    %dma_start3A_212 = arith.constant 0 : i32
    %dma_start3A_213 = tpu.memref_slice %arg5[%dma_start3A_206, %dma_start3A_212] : memref<512x26xi32, #tpu.memory_space<vmem>> -> memref<1x26xi32, #tpu.memory_space<vmem>>
    %dma_start3A_214 = tpu.memref_squeeze %dma_start3A_213 : memref<1x26xi32, #tpu.memory_space<vmem>> -> memref<26xi32, #tpu.memory_space<vmem>>
    %dma_start3A_215 = arith.constant 0 : i32
    %dma_start3A_216 = arith.constant 0 : i32
    %dma_start3A_217 = tpu.memref_slice %arg3[%dma_start3A_215, %dma_start3A_216] : memref<1000000x64xf32, #tpu.memory_space<hbm>> -> memref<1000000x64xf32, #tpu.memory_space<hbm>>
    tpu.enqueue_indirect_dma source(%dma_start3A_217 : memref<1000000x64xf32, #tpu.memory_space<hbm>>) target(%dma_start3A_211 : memref<26x64xf32, #tpu.memory_space<vmem>>) offsets(%dma_start3A_214 : memref<26xi32, #tpu.memory_space<vmem>>) semaphore(%arg11 : memref<!tpu.dma_semaphore, #tpu.memory_space<semaphore_mem>>)
    %dma_start3A_218 = arith.constant 18 : i32
    %dma_start3A_219 = arith.constant 2 : i32
    %dma_start3A_220 = arith.constant 0 : i32
    %dma_start3A_221 = arith.constant 0 : i32
    %dma_start3A_222 = tpu.memref_slice %arg7[%dma_start3A_219, %dma_start3A_220, %dma_start3A_221] : memref<16x26x64xf32, #tpu.memory_space<vmem>> -> memref<1x26x64xf32, #tpu.memory_space<vmem>>
    %dma_start3A_223 = tpu.memref_squeeze %dma_start3A_222 : memref<1x26x64xf32, #tpu.memory_space<vmem>> -> memref<26x64xf32, #tpu.memory_space<vmem>>
    %dma_start3A_224 = arith.constant 0 : i32
    %dma_start3A_225 = tpu.memref_slice %arg5[%dma_start3A_218, %dma_start3A_224] : memref<512x26xi32, #tpu.memory_space<vmem>> -> memref<1x26xi32, #tpu.memory_space<vmem>>
    %dma_start3A_226 = tpu.memref_squeeze %dma_start3A_225 : memref<1x26xi32, #tpu.memory_space<vmem>> -> memref<26xi32, #tpu.memory_space<vmem>>
    %dma_start3A_227 = arith.constant 0 : i32
    %dma_start3A_228 = arith.constant 0 : i32
    %dma_start3A_229 = tpu.memref_slice %arg3[%dma_start3A_227, %dma_start3A_228] : memref<1000000x64xf32, #tpu.memory_space<hbm>> -> memref<1000000x64xf32, #tpu.memory_space<hbm>>
    tpu.enqueue_indirect_dma source(%dma_start3A_229 : memref<1000000x64xf32, #tpu.memory_space<hbm>>) target(%dma_start3A_223 : memref<26x64xf32, #tpu.memory_space<vmem>>) offsets(%dma_start3A_226 : memref<26xi32, #tpu.memory_space<vmem>>) semaphore(%arg11 : memref<!tpu.dma_semaphore, #tpu.memory_space<semaphore_mem>>)
    %dma_start3A_230 = arith.constant 19 : i32
    %dma_start3A_231 = arith.constant 3 : i32
    %dma_start3A_232 = arith.constant 0 : i32
    %dma_start3A_233 = arith.constant 0 : i32
    %dma_start3A_234 = tpu.memref_slice %arg7[%dma_start3A_231, %dma_start3A_232, %dma_start3A_233] : memref<16x26x64xf32, #tpu.memory_space<vmem>> -> memref<1x26x64xf32, #tpu.memory_space<vmem>>
    %dma_start3A_235 = tpu.memref_squeeze %dma_start3A_234 : memref<1x26x64xf32, #tpu.memory_space<vmem>> -> memref<26x64xf32, #tpu.memory_space<vmem>>
    %dma_start3A_236 = arith.constant 0 : i32
    %dma_start3A_237 = tpu.memref_slice %arg5[%dma_start3A_230, %dma_start3A_236] : memref<512x26xi32, #tpu.memory_space<vmem>> -> memref<1x26xi32, #tpu.memory_space<vmem>>
    %dma_start3A_238 = tpu.memref_squeeze %dma_start3A_237 : memref<1x26xi32, #tpu.memory_space<vmem>> -> memref<26xi32, #tpu.memory_space<vmem>>
    %dma_start3A_239 = arith.constant 0 : i32
    %dma_start3A_240 = arith.constant 0 : i32
    %dma_start3A_241 = tpu.memref_slice %arg3[%dma_start3A_239, %dma_start3A_240] : memref<1000000x64xf32, #tpu.memory_space<hbm>> -> memref<1000000x64xf32, #tpu.memory_space<hbm>>
    tpu.enqueue_indirect_dma source(%dma_start3A_241 : memref<1000000x64xf32, #tpu.memory_space<hbm>>) target(%dma_start3A_235 : memref<26x64xf32, #tpu.memory_space<vmem>>) offsets(%dma_start3A_238 : memref<26xi32, #tpu.memory_space<vmem>>) semaphore(%arg11 : memref<!tpu.dma_semaphore, #tpu.memory_space<semaphore_mem>>)
    %dma_start3A_242 = arith.constant 20 : i32
    %dma_start3A_243 = arith.constant 4 : i32
    %dma_start3A_244 = arith.constant 0 : i32
    %dma_start3A_245 = arith.constant 0 : i32
    %dma_start3A_246 = tpu.memref_slice %arg7[%dma_start3A_243, %dma_start3A_244, %dma_start3A_245] : memref<16x26x64xf32, #tpu.memory_space<vmem>> -> memref<1x26x64xf32, #tpu.memory_space<vmem>>
    %dma_start3A_247 = tpu.memref_squeeze %dma_start3A_246 : memref<1x26x64xf32, #tpu.memory_space<vmem>> -> memref<26x64xf32, #tpu.memory_space<vmem>>
    %dma_start3A_248 = arith.constant 0 : i32
    %dma_start3A_249 = tpu.memref_slice %arg5[%dma_start3A_242, %dma_start3A_248] : memref<512x26xi32, #tpu.memory_space<vmem>> -> memref<1x26xi32, #tpu.memory_space<vmem>>
    %dma_start3A_250 = tpu.memref_squeeze %dma_start3A_249 : memref<1x26xi32, #tpu.memory_space<vmem>> -> memref<26xi32, #tpu.memory_space<vmem>>
    %dma_start3A_251 = arith.constant 0 : i32
    %dma_start3A_252 = arith.constant 0 : i32
    %dma_start3A_253 = tpu.memref_slice %arg3[%dma_start3A_251, %dma_start3A_252] : memref<1000000x64xf32, #tpu.memory_space<hbm>> -> memref<1000000x64xf32, #tpu.memory_space<hbm>>
    tpu.enqueue_indirect_dma source(%dma_start3A_253 : memref<1000000x64xf32, #tpu.memory_space<hbm>>) target(%dma_start3A_247 : memref<26x64xf32, #tpu.memory_space<vmem>>) offsets(%dma_start3A_250 : memref<26xi32, #tpu.memory_space<vmem>>) semaphore(%arg11 : memref<!tpu.dma_semaphore, #tpu.memory_space<semaphore_mem>>)
    %dma_start3A_254 = arith.constant 21 : i32
    %dma_start3A_255 = arith.constant 5 : i32
    %dma_start3A_256 = arith.constant 0 : i32
    %dma_start3A_257 = arith.constant 0 : i32
    %dma_start3A_258 = tpu.memref_slice %arg7[%dma_start3A_255, %dma_start3A_256, %dma_start3A_257] : memref<16x26x64xf32, #tpu.memory_space<vmem>> -> memref<1x26x64xf32, #tpu.memory_space<vmem>>
    %dma_start3A_259 = tpu.memref_squeeze %dma_start3A_258 : memref<1x26x64xf32, #tpu.memory_space<vmem>> -> memref<26x64xf32, #tpu.memory_space<vmem>>
    %dma_start3A_260 = arith.constant 0 : i32
    %dma_start3A_261 = tpu.memref_slice %arg5[%dma_start3A_254, %dma_start3A_260] : memref<512x26xi32, #tpu.memory_space<vmem>> -> memref<1x26xi32, #tpu.memory_space<vmem>>
    %dma_start3A_262 = tpu.memref_squeeze %dma_start3A_261 : memref<1x26xi32, #tpu.memory_space<vmem>> -> memref<26xi32, #tpu.memory_space<vmem>>
    %dma_start3A_263 = arith.constant 0 : i32
    %dma_start3A_264 = arith.constant 0 : i32
    %dma_start3A_265 = tpu.memref_slice %arg3[%dma_start3A_263, %dma_start3A_264] : memref<1000000x64xf32, #tpu.memory_space<hbm>> -> memref<1000000x64xf32, #tpu.memory_space<hbm>>
    tpu.enqueue_indirect_dma source(%dma_start3A_265 : memref<1000000x64xf32, #tpu.memory_space<hbm>>) target(%dma_start3A_259 : memref<26x64xf32, #tpu.memory_space<vmem>>) offsets(%dma_start3A_262 : memref<26xi32, #tpu.memory_space<vmem>>) semaphore(%arg11 : memref<!tpu.dma_semaphore, #tpu.memory_space<semaphore_mem>>)
    %dma_start3A_266 = arith.constant 22 : i32
    %dma_start3A_267 = arith.constant 6 : i32
    %dma_start3A_268 = arith.constant 0 : i32
    %dma_start3A_269 = arith.constant 0 : i32
    %dma_start3A_270 = tpu.memref_slice %arg7[%dma_start3A_267, %dma_start3A_268, %dma_start3A_269] : memref<16x26x64xf32, #tpu.memory_space<vmem>> -> memref<1x26x64xf32, #tpu.memory_space<vmem>>
    %dma_start3A_271 = tpu.memref_squeeze %dma_start3A_270 : memref<1x26x64xf32, #tpu.memory_space<vmem>> -> memref<26x64xf32, #tpu.memory_space<vmem>>
    %dma_start3A_272 = arith.constant 0 : i32
    %dma_start3A_273 = tpu.memref_slice %arg5[%dma_start3A_266, %dma_start3A_272] : memref<512x26xi32, #tpu.memory_space<vmem>> -> memref<1x26xi32, #tpu.memory_space<vmem>>
    %dma_start3A_274 = tpu.memref_squeeze %dma_start3A_273 : memref<1x26xi32, #tpu.memory_space<vmem>> -> memref<26xi32, #tpu.memory_space<vmem>>
    %dma_start3A_275 = arith.constant 0 : i32
    %dma_start3A_276 = arith.constant 0 : i32
    %dma_start3A_277 = tpu.memref_slice %arg3[%dma_start3A_275, %dma_start3A_276] : memref<1000000x64xf32, #tpu.memory_space<hbm>> -> memref<1000000x64xf32, #tpu.memory_space<hbm>>
    tpu.enqueue_indirect_dma source(%dma_start3A_277 : memref<1000000x64xf32, #tpu.memory_space<hbm>>) target(%dma_start3A_271 : memref<26x64xf32, #tpu.memory_space<vmem>>) offsets(%dma_start3A_274 : memref<26xi32, #tpu.memory_space<vmem>>) semaphore(%arg11 : memref<!tpu.dma_semaphore, #tpu.memory_space<semaphore_mem>>)
    %dma_start3A_278 = arith.constant 23 : i32
    %dma_start3A_279 = arith.constant 7 : i32
    %dma_start3A_280 = arith.constant 0 : i32
    %dma_start3A_281 = arith.constant 0 : i32
    %dma_start3A_282 = tpu.memref_slice %arg7[%dma_start3A_279, %dma_start3A_280, %dma_start3A_281] : memref<16x26x64xf32, #tpu.memory_space<vmem>> -> memref<1x26x64xf32, #tpu.memory_space<vmem>>
    %dma_start3A_283 = tpu.memref_squeeze %dma_start3A_282 : memref<1x26x64xf32, #tpu.memory_space<vmem>> -> memref<26x64xf32, #tpu.memory_space<vmem>>
    %dma_start3A_284 = arith.constant 0 : i32
    %dma_start3A_285 = tpu.memref_slice %arg5[%dma_start3A_278, %dma_start3A_284] : memref<512x26xi32, #tpu.memory_space<vmem>> -> memref<1x26xi32, #tpu.memory_space<vmem>>
    %dma_start3A_286 = tpu.memref_squeeze %dma_start3A_285 : memref<1x26xi32, #tpu.memory_space<vmem>> -> memref<26xi32, #tpu.memory_space<vmem>>
    %dma_start3A_287 = arith.constant 0 : i32
    %dma_start3A_288 = arith.constant 0 : i32
    %dma_start3A_289 = tpu.memref_slice %arg3[%dma_start3A_287, %dma_start3A_288] : memref<1000000x64xf32, #tpu.memory_space<hbm>> -> memref<1000000x64xf32, #tpu.memory_space<hbm>>
    tpu.enqueue_indirect_dma source(%dma_start3A_289 : memref<1000000x64xf32, #tpu.memory_space<hbm>>) target(%dma_start3A_283 : memref<26x64xf32, #tpu.memory_space<vmem>>) offsets(%dma_start3A_286 : memref<26xi32, #tpu.memory_space<vmem>>) semaphore(%arg11 : memref<!tpu.dma_semaphore, #tpu.memory_space<semaphore_mem>>)
    %dma_start3A_290 = arith.constant 24 : i32
    %dma_start3A_291 = arith.constant 8 : i32
    %dma_start3A_292 = arith.constant 0 : i32
    %dma_start3A_293 = arith.constant 0 : i32
    %dma_start3A_294 = tpu.memref_slice %arg7[%dma_start3A_291, %dma_start3A_292, %dma_start3A_293] : memref<16x26x64xf32, #tpu.memory_space<vmem>> -> memref<1x26x64xf32, #tpu.memory_space<vmem>>
    %dma_start3A_295 = tpu.memref_squeeze %dma_start3A_294 : memref<1x26x64xf32, #tpu.memory_space<vmem>> -> memref<26x64xf32, #tpu.memory_space<vmem>>
    %dma_start3A_296 = arith.constant 0 : i32
    %dma_start3A_297 = tpu.memref_slice %arg5[%dma_start3A_290, %dma_start3A_296] : memref<512x26xi32, #tpu.memory_space<vmem>> -> memref<1x26xi32, #tpu.memory_space<vmem>>
    %dma_start3A_298 = tpu.memref_squeeze %dma_start3A_297 : memref<1x26xi32, #tpu.memory_space<vmem>> -> memref<26xi32, #tpu.memory_space<vmem>>
    %dma_start3A_299 = arith.constant 0 : i32
    %dma_start3A_300 = arith.constant 0 : i32
    %dma_start3A_301 = tpu.memref_slice %arg3[%dma_start3A_299, %dma_start3A_300] : memref<1000000x64xf32, #tpu.memory_space<hbm>> -> memref<1000000x64xf32, #tpu.memory_space<hbm>>
    tpu.enqueue_indirect_dma source(%dma_start3A_301 : memref<1000000x64xf32, #tpu.memory_space<hbm>>) target(%dma_start3A_295 : memref<26x64xf32, #tpu.memory_space<vmem>>) offsets(%dma_start3A_298 : memref<26xi32, #tpu.memory_space<vmem>>) semaphore(%arg11 : memref<!tpu.dma_semaphore, #tpu.memory_space<semaphore_mem>>)
    %dma_start3A_302 = arith.constant 25 : i32
    %dma_start3A_303 = arith.constant 9 : i32
    %dma_start3A_304 = arith.constant 0 : i32
    %dma_start3A_305 = arith.constant 0 : i32
    %dma_start3A_306 = tpu.memref_slice %arg7[%dma_start3A_303, %dma_start3A_304, %dma_start3A_305] : memref<16x26x64xf32, #tpu.memory_space<vmem>> -> memref<1x26x64xf32, #tpu.memory_space<vmem>>
    %dma_start3A_307 = tpu.memref_squeeze %dma_start3A_306 : memref<1x26x64xf32, #tpu.memory_space<vmem>> -> memref<26x64xf32, #tpu.memory_space<vmem>>
    %dma_start3A_308 = arith.constant 0 : i32
    %dma_start3A_309 = tpu.memref_slice %arg5[%dma_start3A_302, %dma_start3A_308] : memref<512x26xi32, #tpu.memory_space<vmem>> -> memref<1x26xi32, #tpu.memory_space<vmem>>
    %dma_start3A_310 = tpu.memref_squeeze %dma_start3A_309 : memref<1x26xi32, #tpu.memory_space<vmem>> -> memref<26xi32, #tpu.memory_space<vmem>>
    %dma_start3A_311 = arith.constant 0 : i32
    %dma_start3A_312 = arith.constant 0 : i32
    %dma_start3A_313 = tpu.memref_slice %arg3[%dma_start3A_311, %dma_start3A_312] : memref<1000000x64xf32, #tpu.memory_space<hbm>> -> memref<1000000x64xf32, #tpu.memory_space<hbm>>
    tpu.enqueue_indirect_dma source(%dma_start3A_313 : memref<1000000x64xf32, #tpu.memory_space<hbm>>) target(%dma_start3A_307 : memref<26x64xf32, #tpu.memory_space<vmem>>) offsets(%dma_start3A_310 : memref<26xi32, #tpu.memory_space<vmem>>) semaphore(%arg11 : memref<!tpu.dma_semaphore, #tpu.memory_space<semaphore_mem>>)
    %dma_start3A_314 = arith.constant 26 : i32
    %dma_start3A_315 = arith.constant 10 : i32
    %dma_start3A_316 = arith.constant 0 : i32
    %dma_start3A_317 = arith.constant 0 : i32
    %dma_start3A_318 = tpu.memref_slice %arg7[%dma_start3A_315, %dma_start3A_316, %dma_start3A_317] : memref<16x26x64xf32, #tpu.memory_space<vmem>> -> memref<1x26x64xf32, #tpu.memory_space<vmem>>
    %dma_start3A_319 = tpu.memref_squeeze %dma_start3A_318 : memref<1x26x64xf32, #tpu.memory_space<vmem>> -> memref<26x64xf32, #tpu.memory_space<vmem>>
    %dma_start3A_320 = arith.constant 0 : i32
    %dma_start3A_321 = tpu.memref_slice %arg5[%dma_start3A_314, %dma_start3A_320] : memref<512x26xi32, #tpu.memory_space<vmem>> -> memref<1x26xi32, #tpu.memory_space<vmem>>
    %dma_start3A_322 = tpu.memref_squeeze %dma_start3A_321 : memref<1x26xi32, #tpu.memory_space<vmem>> -> memref<26xi32, #tpu.memory_space<vmem>>
    %dma_start3A_323 = arith.constant 0 : i32
    %dma_start3A_324 = arith.constant 0 : i32
    %dma_start3A_325 = tpu.memref_slice %arg3[%dma_start3A_323, %dma_start3A_324] : memref<1000000x64xf32, #tpu.memory_space<hbm>> -> memref<1000000x64xf32, #tpu.memory_space<hbm>>
    tpu.enqueue_indirect_dma source(%dma_start3A_325 : memref<1000000x64xf32, #tpu.memory_space<hbm>>) target(%dma_start3A_319 : memref<26x64xf32, #tpu.memory_space<vmem>>) offsets(%dma_start3A_322 : memref<26xi32, #tpu.memory_space<vmem>>) semaphore(%arg11 : memref<!tpu.dma_semaphore, #tpu.memory_space<semaphore_mem>>)
    %dma_start3A_326 = arith.constant 27 : i32
    %dma_start3A_327 = arith.constant 11 : i32
    %dma_start3A_328 = arith.constant 0 : i32
    %dma_start3A_329 = arith.constant 0 : i32
    %dma_start3A_330 = tpu.memref_slice %arg7[%dma_start3A_327, %dma_start3A_328, %dma_start3A_329] : memref<16x26x64xf32, #tpu.memory_space<vmem>> -> memref<1x26x64xf32, #tpu.memory_space<vmem>>
    %dma_start3A_331 = tpu.memref_squeeze %dma_start3A_330 : memref<1x26x64xf32, #tpu.memory_space<vmem>> -> memref<26x64xf32, #tpu.memory_space<vmem>>
    %dma_start3A_332 = arith.constant 0 : i32
    %dma_start3A_333 = tpu.memref_slice %arg5[%dma_start3A_326, %dma_start3A_332] : memref<512x26xi32, #tpu.memory_space<vmem>> -> memref<1x26xi32, #tpu.memory_space<vmem>>
    %dma_start3A_334 = tpu.memref_squeeze %dma_start3A_333 : memref<1x26xi32, #tpu.memory_space<vmem>> -> memref<26xi32, #tpu.memory_space<vmem>>
    %dma_start3A_335 = arith.constant 0 : i32
    %dma_start3A_336 = arith.constant 0 : i32
    %dma_start3A_337 = tpu.memref_slice %arg3[%dma_start3A_335, %dma_start3A_336] : memref<1000000x64xf32, #tpu.memory_space<hbm>> -> memref<1000000x64xf32, #tpu.memory_space<hbm>>
    tpu.enqueue_indirect_dma source(%dma_start3A_337 : memref<1000000x64xf32, #tpu.memory_space<hbm>>) target(%dma_start3A_331 : memref<26x64xf32, #tpu.memory_space<vmem>>) offsets(%dma_start3A_334 : memref<26xi32, #tpu.memory_space<vmem>>) semaphore(%arg11 : memref<!tpu.dma_semaphore, #tpu.memory_space<semaphore_mem>>)
    %dma_start3A_338 = arith.constant 28 : i32
    %dma_start3A_339 = arith.constant 12 : i32
    %dma_start3A_340 = arith.constant 0 : i32
    %dma_start3A_341 = arith.constant 0 : i32
    %dma_start3A_342 = tpu.memref_slice %arg7[%dma_start3A_339, %dma_start3A_340, %dma_start3A_341] : memref<16x26x64xf32, #tpu.memory_space<vmem>> -> memref<1x26x64xf32, #tpu.memory_space<vmem>>
    %dma_start3A_343 = tpu.memref_squeeze %dma_start3A_342 : memref<1x26x64xf32, #tpu.memory_space<vmem>> -> memref<26x64xf32, #tpu.memory_space<vmem>>
    %dma_start3A_344 = arith.constant 0 : i32
    %dma_start3A_345 = tpu.memref_slice %arg5[%dma_start3A_338, %dma_start3A_344] : memref<512x26xi32, #tpu.memory_space<vmem>> -> memref<1x26xi32, #tpu.memory_space<vmem>>
    %dma_start3A_346 = tpu.memref_squeeze %dma_start3A_345 : memref<1x26xi32, #tpu.memory_space<vmem>> -> memref<26xi32, #tpu.memory_space<vmem>>
    %dma_start3A_347 = arith.constant 0 : i32
    %dma_start3A_348 = arith.constant 0 : i32
    %dma_start3A_349 = tpu.memref_slice %arg3[%dma_start3A_347, %dma_start3A_348] : memref<1000000x64xf32, #tpu.memory_space<hbm>> -> memref<1000000x64xf32, #tpu.memory_space<hbm>>
    tpu.enqueue_indirect_dma source(%dma_start3A_349 : memref<1000000x64xf32, #tpu.memory_space<hbm>>) target(%dma_start3A_343 : memref<26x64xf32, #tpu.memory_space<vmem>>) offsets(%dma_start3A_346 : memref<26xi32, #tpu.memory_space<vmem>>) semaphore(%arg11 : memref<!tpu.dma_semaphore, #tpu.memory_space<semaphore_mem>>)
    %dma_start3A_350 = arith.constant 29 : i32
    %dma_start3A_351 = arith.constant 13 : i32
    %dma_start3A_352 = arith.constant 0 : i32
    %dma_start3A_353 = arith.constant 0 : i32
    %dma_start3A_354 = tpu.memref_slice %arg7[%dma_start3A_351, %dma_start3A_352, %dma_start3A_353] : memref<16x26x64xf32, #tpu.memory_space<vmem>> -> memref<1x26x64xf32, #tpu.memory_space<vmem>>
    %dma_start3A_355 = tpu.memref_squeeze %dma_start3A_354 : memref<1x26x64xf32, #tpu.memory_space<vmem>> -> memref<26x64xf32, #tpu.memory_space<vmem>>
    %dma_start3A_356 = arith.constant 0 : i32
    %dma_start3A_357 = tpu.memref_slice %arg5[%dma_start3A_350, %dma_start3A_356] : memref<512x26xi32, #tpu.memory_space<vmem>> -> memref<1x26xi32, #tpu.memory_space<vmem>>
    %dma_start3A_358 = tpu.memref_squeeze %dma_start3A_357 : memref<1x26xi32, #tpu.memory_space<vmem>> -> memref<26xi32, #tpu.memory_space<vmem>>
    %dma_start3A_359 = arith.constant 0 : i32
    %dma_start3A_360 = arith.constant 0 : i32
    %dma_start3A_361 = tpu.memref_slice %arg3[%dma_start3A_359, %dma_start3A_360] : memref<1000000x64xf32, #tpu.memory_space<hbm>> -> memref<1000000x64xf32, #tpu.memory_space<hbm>>
    tpu.enqueue_indirect_dma source(%dma_start3A_361 : memref<1000000x64xf32, #tpu.memory_space<hbm>>) target(%dma_start3A_355 : memref<26x64xf32, #tpu.memory_space<vmem>>) offsets(%dma_start3A_358 : memref<26xi32, #tpu.memory_space<vmem>>) semaphore(%arg11 : memref<!tpu.dma_semaphore, #tpu.memory_space<semaphore_mem>>)
    %dma_start3A_362 = arith.constant 30 : i32
    %dma_start3A_363 = arith.constant 14 : i32
    %dma_start3A_364 = arith.constant 0 : i32
    %dma_start3A_365 = arith.constant 0 : i32
    %dma_start3A_366 = tpu.memref_slice %arg7[%dma_start3A_363, %dma_start3A_364, %dma_start3A_365] : memref<16x26x64xf32, #tpu.memory_space<vmem>> -> memref<1x26x64xf32, #tpu.memory_space<vmem>>
    %dma_start3A_367 = tpu.memref_squeeze %dma_start3A_366 : memref<1x26x64xf32, #tpu.memory_space<vmem>> -> memref<26x64xf32, #tpu.memory_space<vmem>>
    %dma_start3A_368 = arith.constant 0 : i32
    %dma_start3A_369 = tpu.memref_slice %arg5[%dma_start3A_362, %dma_start3A_368] : memref<512x26xi32, #tpu.memory_space<vmem>> -> memref<1x26xi32, #tpu.memory_space<vmem>>
    %dma_start3A_370 = tpu.memref_squeeze %dma_start3A_369 : memref<1x26xi32, #tpu.memory_space<vmem>> -> memref<26xi32, #tpu.memory_space<vmem>>
    %dma_start3A_371 = arith.constant 0 : i32
    %dma_start3A_372 = arith.constant 0 : i32
    %dma_start3A_373 = tpu.memref_slice %arg3[%dma_start3A_371, %dma_start3A_372] : memref<1000000x64xf32, #tpu.memory_space<hbm>> -> memref<1000000x64xf32, #tpu.memory_space<hbm>>
    tpu.enqueue_indirect_dma source(%dma_start3A_373 : memref<1000000x64xf32, #tpu.memory_space<hbm>>) target(%dma_start3A_367 : memref<26x64xf32, #tpu.memory_space<vmem>>) offsets(%dma_start3A_370 : memref<26xi32, #tpu.memory_space<vmem>>) semaphore(%arg11 : memref<!tpu.dma_semaphore, #tpu.memory_space<semaphore_mem>>)
    %dma_start3A_374 = arith.constant 31 : i32
    %dma_start3A_375 = arith.constant 15 : i32
    %dma_start3A_376 = arith.constant 0 : i32
    %dma_start3A_377 = arith.constant 0 : i32
    %dma_start3A_378 = tpu.memref_slice %arg7[%dma_start3A_375, %dma_start3A_376, %dma_start3A_377] : memref<16x26x64xf32, #tpu.memory_space<vmem>> -> memref<1x26x64xf32, #tpu.memory_space<vmem>>
    %dma_start3A_379 = tpu.memref_squeeze %dma_start3A_378 : memref<1x26x64xf32, #tpu.memory_space<vmem>> -> memref<26x64xf32, #tpu.memory_space<vmem>>
    %dma_start3A_380 = arith.constant 0 : i32
    %dma_start3A_381 = tpu.memref_slice %arg5[%dma_start3A_374, %dma_start3A_380] : memref<512x26xi32, #tpu.memory_space<vmem>> -> memref<1x26xi32, #tpu.memory_space<vmem>>
    %dma_start3A_382 = tpu.memref_squeeze %dma_start3A_381 : memref<1x26xi32, #tpu.memory_space<vmem>> -> memref<26xi32, #tpu.memory_space<vmem>>
    %dma_start3A_383 = arith.constant 0 : i32
    %dma_start3A_384 = arith.constant 0 : i32
    %dma_start3A_385 = tpu.memref_slice %arg3[%dma_start3A_383, %dma_start3A_384] : memref<1000000x64xf32, #tpu.memory_space<hbm>> -> memref<1000000x64xf32, #tpu.memory_space<hbm>>
    tpu.enqueue_indirect_dma source(%dma_start3A_385 : memref<1000000x64xf32, #tpu.memory_space<hbm>>) target(%dma_start3A_379 : memref<26x64xf32, #tpu.memory_space<vmem>>) offsets(%dma_start3A_382 : memref<26xi32, #tpu.memory_space<vmem>>) semaphore(%arg11 : memref<!tpu.dma_semaphore, #tpu.memory_space<semaphore_mem>>)
    %dma_start3A_386 = arith.constant 32 : i32
    %dma_start3A_387 = arith.constant 0 : i32
    %dma_start3A_388 = arith.constant 0 : i32
    %dma_start3A_389 = arith.constant 0 : i32
    %dma_start3A_390 = tpu.memref_slice %arg8[%dma_start3A_387, %dma_start3A_388, %dma_start3A_389] : memref<16x26x64xf32, #tpu.memory_space<vmem>> -> memref<1x26x64xf32, #tpu.memory_space<vmem>>
    %dma_start3A_391 = tpu.memref_squeeze %dma_start3A_390 : memref<1x26x64xf32, #tpu.memory_space<vmem>> -> memref<26x64xf32, #tpu.memory_space<vmem>>
    %dma_start3A_392 = arith.constant 0 : i32
    %dma_start3A_393 = tpu.memref_slice %arg5[%dma_start3A_386, %dma_start3A_392] : memref<512x26xi32, #tpu.memory_space<vmem>> -> memref<1x26xi32, #tpu.memory_space<vmem>>
    %dma_start3A_394 = tpu.memref_squeeze %dma_start3A_393 : memref<1x26xi32, #tpu.memory_space<vmem>> -> memref<26xi32, #tpu.memory_space<vmem>>
    %dma_start3A_395 = arith.constant 0 : i32
    %dma_start3A_396 = arith.constant 0 : i32
    %dma_start3A_397 = tpu.memref_slice %arg3[%dma_start3A_395, %dma_start3A_396] : memref<1000000x64xf32, #tpu.memory_space<hbm>> -> memref<1000000x64xf32, #tpu.memory_space<hbm>>
    tpu.enqueue_indirect_dma source(%dma_start3A_397 : memref<1000000x64xf32, #tpu.memory_space<hbm>>) target(%dma_start3A_391 : memref<26x64xf32, #tpu.memory_space<vmem>>) offsets(%dma_start3A_394 : memref<26xi32, #tpu.memory_space<vmem>>) semaphore(%arg12 : memref<!tpu.dma_semaphore, #tpu.memory_space<semaphore_mem>>)
    %dma_start3A_398 = arith.constant 33 : i32
    %dma_start3A_399 = arith.constant 1 : i32
    %dma_start3A_400 = arith.constant 0 : i32
    %dma_start3A_401 = arith.constant 0 : i32
    %dma_start3A_402 = tpu.memref_slice %arg8[%dma_start3A_399, %dma_start3A_400, %dma_start3A_401] : memref<16x26x64xf32, #tpu.memory_space<vmem>> -> memref<1x26x64xf32, #tpu.memory_space<vmem>>
    %dma_start3A_403 = tpu.memref_squeeze %dma_start3A_402 : memref<1x26x64xf32, #tpu.memory_space<vmem>> -> memref<26x64xf32, #tpu.memory_space<vmem>>
    %dma_start3A_404 = arith.constant 0 : i32
    %dma_start3A_405 = tpu.memref_slice %arg5[%dma_start3A_398, %dma_start3A_404] : memref<512x26xi32, #tpu.memory_space<vmem>> -> memref<1x26xi32, #tpu.memory_space<vmem>>
    %dma_start3A_406 = tpu.memref_squeeze %dma_start3A_405 : memref<1x26xi32, #tpu.memory_space<vmem>> -> memref<26xi32, #tpu.memory_space<vmem>>
    %dma_start3A_407 = arith.constant 0 : i32
    %dma_start3A_408 = arith.constant 0 : i32
    %dma_start3A_409 = tpu.memref_slice %arg3[%dma_start3A_407, %dma_start3A_408] : memref<1000000x64xf32, #tpu.memory_space<hbm>> -> memref<1000000x64xf32, #tpu.memory_space<hbm>>
    tpu.enqueue_indirect_dma source(%dma_start3A_409 : memref<1000000x64xf32, #tpu.memory_space<hbm>>) target(%dma_start3A_403 : memref<26x64xf32, #tpu.memory_space<vmem>>) offsets(%dma_start3A_406 : memref<26xi32, #tpu.memory_space<vmem>>) semaphore(%arg12 : memref<!tpu.dma_semaphore, #tpu.memory_space<semaphore_mem>>)
    %dma_start3A_410 = arith.constant 34 : i32
    %dma_start3A_411 = arith.constant 2 : i32
    %dma_start3A_412 = arith.constant 0 : i32
    %dma_start3A_413 = arith.constant 0 : i32
    %dma_start3A_414 = tpu.memref_slice %arg8[%dma_start3A_411, %dma_start3A_412, %dma_start3A_413] : memref<16x26x64xf32, #tpu.memory_space<vmem>> -> memref<1x26x64xf32, #tpu.memory_space<vmem>>
    %dma_start3A_415 = tpu.memref_squeeze %dma_start3A_414 : memref<1x26x64xf32, #tpu.memory_space<vmem>> -> memref<26x64xf32, #tpu.memory_space<vmem>>
    %dma_start3A_416 = arith.constant 0 : i32
    %dma_start3A_417 = tpu.memref_slice %arg5[%dma_start3A_410, %dma_start3A_416] : memref<512x26xi32, #tpu.memory_space<vmem>> -> memref<1x26xi32, #tpu.memory_space<vmem>>
    %dma_start3A_418 = tpu.memref_squeeze %dma_start3A_417 : memref<1x26xi32, #tpu.memory_space<vmem>> -> memref<26xi32, #tpu.memory_space<vmem>>
    %dma_start3A_419 = arith.constant 0 : i32
    %dma_start3A_420 = arith.constant 0 : i32
    %dma_start3A_421 = tpu.memref_slice %arg3[%dma_start3A_419, %dma_start3A_420] : memref<1000000x64xf32, #tpu.memory_space<hbm>> -> memref<1000000x64xf32, #tpu.memory_space<hbm>>
    tpu.enqueue_indirect_dma source(%dma_start3A_421 : memref<1000000x64xf32, #tpu.memory_space<hbm>>) target(%dma_start3A_415 : memref<26x64xf32, #tpu.memory_space<vmem>>) offsets(%dma_start3A_418 : memref<26xi32, #tpu.memory_space<vmem>>) semaphore(%arg12 : memref<!tpu.dma_semaphore, #tpu.memory_space<semaphore_mem>>)
    %dma_start3A_422 = arith.constant 35 : i32
    %dma_start3A_423 = arith.constant 3 : i32
    %dma_start3A_424 = arith.constant 0 : i32
    %dma_start3A_425 = arith.constant 0 : i32
    %dma_start3A_426 = tpu.memref_slice %arg8[%dma_start3A_423, %dma_start3A_424, %dma_start3A_425] : memref<16x26x64xf32, #tpu.memory_space<vmem>> -> memref<1x26x64xf32, #tpu.memory_space<vmem>>
    %dma_start3A_427 = tpu.memref_squeeze %dma_start3A_426 : memref<1x26x64xf32, #tpu.memory_space<vmem>> -> memref<26x64xf32, #tpu.memory_space<vmem>>
    %dma_start3A_428 = arith.constant 0 : i32
    %dma_start3A_429 = tpu.memref_slice %arg5[%dma_start3A_422, %dma_start3A_428] : memref<512x26xi32, #tpu.memory_space<vmem>> -> memref<1x26xi32, #tpu.memory_space<vmem>>
    %dma_start3A_430 = tpu.memref_squeeze %dma_start3A_429 : memref<1x26xi32, #tpu.memory_space<vmem>> -> memref<26xi32, #tpu.memory_space<vmem>>
    %dma_start3A_431 = arith.constant 0 : i32
    %dma_start3A_432 = arith.constant 0 : i32
    %dma_start3A_433 = tpu.memref_slice %arg3[%dma_start3A_431, %dma_start3A_432] : memref<1000000x64xf32, #tpu.memory_space<hbm>> -> memref<1000000x64xf32, #tpu.memory_space<hbm>>
    tpu.enqueue_indirect_dma source(%dma_start3A_433 : memref<1000000x64xf32, #tpu.memory_space<hbm>>) target(%dma_start3A_427 : memref<26x64xf32, #tpu.memory_space<vmem>>) offsets(%dma_start3A_430 : memref<26xi32, #tpu.memory_space<vmem>>) semaphore(%arg12 : memref<!tpu.dma_semaphore, #tpu.memory_space<semaphore_mem>>)
    %dma_start3A_434 = arith.constant 36 : i32
    %dma_start3A_435 = arith.constant 4 : i32
    %dma_start3A_436 = arith.constant 0 : i32
    %dma_start3A_437 = arith.constant 0 : i32
    %dma_start3A_438 = tpu.memref_slice %arg8[%dma_start3A_435, %dma_start3A_436, %dma_start3A_437] : memref<16x26x64xf32, #tpu.memory_space<vmem>> -> memref<1x26x64xf32, #tpu.memory_space<vmem>>
    %dma_start3A_439 = tpu.memref_squeeze %dma_start3A_438 : memref<1x26x64xf32, #tpu.memory_space<vmem>> -> memref<26x64xf32, #tpu.memory_space<vmem>>
    %dma_start3A_440 = arith.constant 0 : i32
    %dma_start3A_441 = tpu.memref_slice %arg5[%dma_start3A_434, %dma_start3A_440] : memref<512x26xi32, #tpu.memory_space<vmem>> -> memref<1x26xi32, #tpu.memory_space<vmem>>
    %dma_start3A_442 = tpu.memref_squeeze %dma_start3A_441 : memref<1x26xi32, #tpu.memory_space<vmem>> -> memref<26xi32, #tpu.memory_space<vmem>>
    %dma_start3A_443 = arith.constant 0 : i32
    %dma_start3A_444 = arith.constant 0 : i32
    %dma_start3A_445 = tpu.memref_slice %arg3[%dma_start3A_443, %dma_start3A_444] : memref<1000000x64xf32, #tpu.memory_space<hbm>> -> memref<1000000x64xf32, #tpu.memory_space<hbm>>
    tpu.enqueue_indirect_dma source(%dma_start3A_445 : memref<1000000x64xf32, #tpu.memory_space<hbm>>) target(%dma_start3A_439 : memref<26x64xf32, #tpu.memory_space<vmem>>) offsets(%dma_start3A_442 : memref<26xi32, #tpu.memory_space<vmem>>) semaphore(%arg12 : memref<!tpu.dma_semaphore, #tpu.memory_space<semaphore_mem>>)
    %dma_start3A_446 = arith.constant 37 : i32
    %dma_start3A_447 = arith.constant 5 : i32
    %dma_start3A_448 = arith.constant 0 : i32
    %dma_start3A_449 = arith.constant 0 : i32
    %dma_start3A_450 = tpu.memref_slice %arg8[%dma_start3A_447, %dma_start3A_448, %dma_start3A_449] : memref<16x26x64xf32, #tpu.memory_space<vmem>> -> memref<1x26x64xf32, #tpu.memory_space<vmem>>
    %dma_start3A_451 = tpu.memref_squeeze %dma_start3A_450 : memref<1x26x64xf32, #tpu.memory_space<vmem>> -> memref<26x64xf32, #tpu.memory_space<vmem>>
    %dma_start3A_452 = arith.constant 0 : i32
    %dma_start3A_453 = tpu.memref_slice %arg5[%dma_start3A_446, %dma_start3A_452] : memref<512x26xi32, #tpu.memory_space<vmem>> -> memref<1x26xi32, #tpu.memory_space<vmem>>
    %dma_start3A_454 = tpu.memref_squeeze %dma_start3A_453 : memref<1x26xi32, #tpu.memory_space<vmem>> -> memref<26xi32, #tpu.memory_space<vmem>>
    %dma_start3A_455 = arith.constant 0 : i32
    %dma_start3A_456 = arith.constant 0 : i32
    %dma_start3A_457 = tpu.memref_slice %arg3[%dma_start3A_455, %dma_start3A_456] : memref<1000000x64xf32, #tpu.memory_space<hbm>> -> memref<1000000x64xf32, #tpu.memory_space<hbm>>
    tpu.enqueue_indirect_dma source(%dma_start3A_457 : memref<1000000x64xf32, #tpu.memory_space<hbm>>) target(%dma_start3A_451 : memref<26x64xf32, #tpu.memory_space<vmem>>) offsets(%dma_start3A_454 : memref<26xi32, #tpu.memory_space<vmem>>) semaphore(%arg12 : memref<!tpu.dma_semaphore, #tpu.memory_space<semaphore_mem>>)
    %dma_start3A_458 = arith.constant 38 : i32
    %dma_start3A_459 = arith.constant 6 : i32
    %dma_start3A_460 = arith.constant 0 : i32
    %dma_start3A_461 = arith.constant 0 : i32
    %dma_start3A_462 = tpu.memref_slice %arg8[%dma_start3A_459, %dma_start3A_460, %dma_start3A_461] : memref<16x26x64xf32, #tpu.memory_space<vmem>> -> memref<1x26x64xf32, #tpu.memory_space<vmem>>
    %dma_start3A_463 = tpu.memref_squeeze %dma_start3A_462 : memref<1x26x64xf32, #tpu.memory_space<vmem>> -> memref<26x64xf32, #tpu.memory_space<vmem>>
    %dma_start3A_464 = arith.constant 0 : i32
    %dma_start3A_465 = tpu.memref_slice %arg5[%dma_start3A_458, %dma_start3A_464] : memref<512x26xi32, #tpu.memory_space<vmem>> -> memref<1x26xi32, #tpu.memory_space<vmem>>
    %dma_start3A_466 = tpu.memref_squeeze %dma_start3A_465 : memref<1x26xi32, #tpu.memory_space<vmem>> -> memref<26xi32, #tpu.memory_space<vmem>>
    %dma_start3A_467 = arith.constant 0 : i32
    %dma_start3A_468 = arith.constant 0 : i32
    %dma_start3A_469 = tpu.memref_slice %arg3[%dma_start3A_467, %dma_start3A_468] : memref<1000000x64xf32, #tpu.memory_space<hbm>> -> memref<1000000x64xf32, #tpu.memory_space<hbm>>
    tpu.enqueue_indirect_dma source(%dma_start3A_469 : memref<1000000x64xf32, #tpu.memory_space<hbm>>) target(%dma_start3A_463 : memref<26x64xf32, #tpu.memory_space<vmem>>) offsets(%dma_start3A_466 : memref<26xi32, #tpu.memory_space<vmem>>) semaphore(%arg12 : memref<!tpu.dma_semaphore, #tpu.memory_space<semaphore_mem>>)
    %dma_start3A_470 = arith.constant 39 : i32
    %dma_start3A_471 = arith.constant 7 : i32
    %dma_start3A_472 = arith.constant 0 : i32
    %dma_start3A_473 = arith.constant 0 : i32
    %dma_start3A_474 = tpu.memref_slice %arg8[%dma_start3A_471, %dma_start3A_472, %dma_start3A_473] : memref<16x26x64xf32, #tpu.memory_space<vmem>> -> memref<1x26x64xf32, #tpu.memory_space<vmem>>
    %dma_start3A_475 = tpu.memref_squeeze %dma_start3A_474 : memref<1x26x64xf32, #tpu.memory_space<vmem>> -> memref<26x64xf32, #tpu.memory_space<vmem>>
    %dma_start3A_476 = arith.constant 0 : i32
    %dma_start3A_477 = tpu.memref_slice %arg5[%dma_start3A_470, %dma_start3A_476] : memref<512x26xi32, #tpu.memory_space<vmem>> -> memref<1x26xi32, #tpu.memory_space<vmem>>
    %dma_start3A_478 = tpu.memref_squeeze %dma_start3A_477 : memref<1x26xi32, #tpu.memory_space<vmem>> -> memref<26xi32, #tpu.memory_space<vmem>>
    %dma_start3A_479 = arith.constant 0 : i32
    %dma_start3A_480 = arith.constant 0 : i32
    %dma_start3A_481 = tpu.memref_slice %arg3[%dma_start3A_479, %dma_start3A_480] : memref<1000000x64xf32, #tpu.memory_space<hbm>> -> memref<1000000x64xf32, #tpu.memory_space<hbm>>
    tpu.enqueue_indirect_dma source(%dma_start3A_481 : memref<1000000x64xf32, #tpu.memory_space<hbm>>) target(%dma_start3A_475 : memref<26x64xf32, #tpu.memory_space<vmem>>) offsets(%dma_start3A_478 : memref<26xi32, #tpu.memory_space<vmem>>) semaphore(%arg12 : memref<!tpu.dma_semaphore, #tpu.memory_space<semaphore_mem>>)
    %dma_start3A_482 = arith.constant 40 : i32
    %dma_start3A_483 = arith.constant 8 : i32
    %dma_start3A_484 = arith.constant 0 : i32
    %dma_start3A_485 = arith.constant 0 : i32
    %dma_start3A_486 = tpu.memref_slice %arg8[%dma_start3A_483, %dma_start3A_484, %dma_start3A_485] : memref<16x26x64xf32, #tpu.memory_space<vmem>> -> memref<1x26x64xf32, #tpu.memory_space<vmem>>
    %dma_start3A_487 = tpu.memref_squeeze %dma_start3A_486 : memref<1x26x64xf32, #tpu.memory_space<vmem>> -> memref<26x64xf32, #tpu.memory_space<vmem>>
    %dma_start3A_488 = arith.constant 0 : i32
    %dma_start3A_489 = tpu.memref_slice %arg5[%dma_start3A_482, %dma_start3A_488] : memref<512x26xi32, #tpu.memory_space<vmem>> -> memref<1x26xi32, #tpu.memory_space<vmem>>
    %dma_start3A_490 = tpu.memref_squeeze %dma_start3A_489 : memref<1x26xi32, #tpu.memory_space<vmem>> -> memref<26xi32, #tpu.memory_space<vmem>>
    %dma_start3A_491 = arith.constant 0 : i32
    %dma_start3A_492 = arith.constant 0 : i32
    %dma_start3A_493 = tpu.memref_slice %arg3[%dma_start3A_491, %dma_start3A_492] : memref<1000000x64xf32, #tpu.memory_space<hbm>> -> memref<1000000x64xf32, #tpu.memory_space<hbm>>
    tpu.enqueue_indirect_dma source(%dma_start3A_493 : memref<1000000x64xf32, #tpu.memory_space<hbm>>) target(%dma_start3A_487 : memref<26x64xf32, #tpu.memory_space<vmem>>) offsets(%dma_start3A_490 : memref<26xi32, #tpu.memory_space<vmem>>) semaphore(%arg12 : memref<!tpu.dma_semaphore, #tpu.memory_space<semaphore_mem>>)
    %dma_start3A_494 = arith.constant 41 : i32
    %dma_start3A_495 = arith.constant 9 : i32
    %dma_start3A_496 = arith.constant 0 : i32
    %dma_start3A_497 = arith.constant 0 : i32
    %dma_start3A_498 = tpu.memref_slice %arg8[%dma_start3A_495, %dma_start3A_496, %dma_start3A_497] : memref<16x26x64xf32, #tpu.memory_space<vmem>> -> memref<1x26x64xf32, #tpu.memory_space<vmem>>
    %dma_start3A_499 = tpu.memref_squeeze %dma_start3A_498 : memref<1x26x64xf32, #tpu.memory_space<vmem>> -> memref<26x64xf32, #tpu.memory_space<vmem>>
    %dma_start3A_500 = arith.constant 0 : i32
    %dma_start3A_501 = tpu.memref_slice %arg5[%dma_start3A_494, %dma_start3A_500] : memref<512x26xi32, #tpu.memory_space<vmem>> -> memref<1x26xi32, #tpu.memory_space<vmem>>
    %dma_start3A_502 = tpu.memref_squeeze %dma_start3A_501 : memref<1x26xi32, #tpu.memory_space<vmem>> -> memref<26xi32, #tpu.memory_space<vmem>>
    %dma_start3A_503 = arith.constant 0 : i32
    %dma_start3A_504 = arith.constant 0 : i32
    %dma_start3A_505 = tpu.memref_slice %arg3[%dma_start3A_503, %dma_start3A_504] : memref<1000000x64xf32, #tpu.memory_space<hbm>> -> memref<1000000x64xf32, #tpu.memory_space<hbm>>
    tpu.enqueue_indirect_dma source(%dma_start3A_505 : memref<1000000x64xf32, #tpu.memory_space<hbm>>) target(%dma_start3A_499 : memref<26x64xf32, #tpu.memory_space<vmem>>) offsets(%dma_start3A_502 : memref<26xi32, #tpu.memory_space<vmem>>) semaphore(%arg12 : memref<!tpu.dma_semaphore, #tpu.memory_space<semaphore_mem>>)
    %dma_start3A_506 = arith.constant 42 : i32
    %dma_start3A_507 = arith.constant 10 : i32
    %dma_start3A_508 = arith.constant 0 : i32
    %dma_start3A_509 = arith.constant 0 : i32
    %dma_start3A_510 = tpu.memref_slice %arg8[%dma_start3A_507, %dma_start3A_508, %dma_start3A_509] : memref<16x26x64xf32, #tpu.memory_space<vmem>> -> memref<1x26x64xf32, #tpu.memory_space<vmem>>
    %dma_start3A_511 = tpu.memref_squeeze %dma_start3A_510 : memref<1x26x64xf32, #tpu.memory_space<vmem>> -> memref<26x64xf32, #tpu.memory_space<vmem>>
    %dma_start3A_512 = arith.constant 0 : i32
    %dma_start3A_513 = tpu.memref_slice %arg5[%dma_start3A_506, %dma_start3A_512] : memref<512x26xi32, #tpu.memory_space<vmem>> -> memref<1x26xi32, #tpu.memory_space<vmem>>
    %dma_start3A_514 = tpu.memref_squeeze %dma_start3A_513 : memref<1x26xi32, #tpu.memory_space<vmem>> -> memref<26xi32, #tpu.memory_space<vmem>>
    %dma_start3A_515 = arith.constant 0 : i32
    %dma_start3A_516 = arith.constant 0 : i32
    %dma_start3A_517 = tpu.memref_slice %arg3[%dma_start3A_515, %dma_start3A_516] : memref<1000000x64xf32, #tpu.memory_space<hbm>> -> memref<1000000x64xf32, #tpu.memory_space<hbm>>
    tpu.enqueue_indirect_dma source(%dma_start3A_517 : memref<1000000x64xf32, #tpu.memory_space<hbm>>) target(%dma_start3A_511 : memref<26x64xf32, #tpu.memory_space<vmem>>) offsets(%dma_start3A_514 : memref<26xi32, #tpu.memory_space<vmem>>) semaphore(%arg12 : memref<!tpu.dma_semaphore, #tpu.memory_space<semaphore_mem>>)
    %dma_start3A_518 = arith.constant 43 : i32
    %dma_start3A_519 = arith.constant 11 : i32
    %dma_start3A_520 = arith.constant 0 : i32
    %dma_start3A_521 = arith.constant 0 : i32
    %dma_start3A_522 = tpu.memref_slice %arg8[%dma_start3A_519, %dma_start3A_520, %dma_start3A_521] : memref<16x26x64xf32, #tpu.memory_space<vmem>> -> memref<1x26x64xf32, #tpu.memory_space<vmem>>
    %dma_start3A_523 = tpu.memref_squeeze %dma_start3A_522 : memref<1x26x64xf32, #tpu.memory_space<vmem>> -> memref<26x64xf32, #tpu.memory_space<vmem>>
    %dma_start3A_524 = arith.constant 0 : i32
    %dma_start3A_525 = tpu.memref_slice %arg5[%dma_start3A_518, %dma_start3A_524] : memref<512x26xi32, #tpu.memory_space<vmem>> -> memref<1x26xi32, #tpu.memory_space<vmem>>
    %dma_start3A_526 = tpu.memref_squeeze %dma_start3A_525 : memref<1x26xi32, #tpu.memory_space<vmem>> -> memref<26xi32, #tpu.memory_space<vmem>>
    %dma_start3A_527 = arith.constant 0 : i32
    %dma_start3A_528 = arith.constant 0 : i32
    %dma_start3A_529 = tpu.memref_slice %arg3[%dma_start3A_527, %dma_start3A_528] : memref<1000000x64xf32, #tpu.memory_space<hbm>> -> memref<1000000x64xf32, #tpu.memory_space<hbm>>
    tpu.enqueue_indirect_dma source(%dma_start3A_529 : memref<1000000x64xf32, #tpu.memory_space<hbm>>) target(%dma_start3A_523 : memref<26x64xf32, #tpu.memory_space<vmem>>) offsets(%dma_start3A_526 : memref<26xi32, #tpu.memory_space<vmem>>) semaphore(%arg12 : memref<!tpu.dma_semaphore, #tpu.memory_space<semaphore_mem>>)
    %dma_start3A_530 = arith.constant 44 : i32
    %dma_start3A_531 = arith.constant 12 : i32
    %dma_start3A_532 = arith.constant 0 : i32
    %dma_start3A_533 = arith.constant 0 : i32
    %dma_start3A_534 = tpu.memref_slice %arg8[%dma_start3A_531, %dma_start3A_532, %dma_start3A_533] : memref<16x26x64xf32, #tpu.memory_space<vmem>> -> memref<1x26x64xf32, #tpu.memory_space<vmem>>
    %dma_start3A_535 = tpu.memref_squeeze %dma_start3A_534 : memref<1x26x64xf32, #tpu.memory_space<vmem>> -> memref<26x64xf32, #tpu.memory_space<vmem>>
    %dma_start3A_536 = arith.constant 0 : i32
    %dma_start3A_537 = tpu.memref_slice %arg5[%dma_start3A_530, %dma_start3A_536] : memref<512x26xi32, #tpu.memory_space<vmem>> -> memref<1x26xi32, #tpu.memory_space<vmem>>
    %dma_start3A_538 = tpu.memref_squeeze %dma_start3A_537 : memref<1x26xi32, #tpu.memory_space<vmem>> -> memref<26xi32, #tpu.memory_space<vmem>>
    %dma_start3A_539 = arith.constant 0 : i32
    %dma_start3A_540 = arith.constant 0 : i32
    %dma_start3A_541 = tpu.memref_slice %arg3[%dma_start3A_539, %dma_start3A_540] : memref<1000000x64xf32, #tpu.memory_space<hbm>> -> memref<1000000x64xf32, #tpu.memory_space<hbm>>
    tpu.enqueue_indirect_dma source(%dma_start3A_541 : memref<1000000x64xf32, #tpu.memory_space<hbm>>) target(%dma_start3A_535 : memref<26x64xf32, #tpu.memory_space<vmem>>) offsets(%dma_start3A_538 : memref<26xi32, #tpu.memory_space<vmem>>) semaphore(%arg12 : memref<!tpu.dma_semaphore, #tpu.memory_space<semaphore_mem>>)
    %dma_start3A_542 = arith.constant 45 : i32
    %dma_start3A_543 = arith.constant 13 : i32
    %dma_start3A_544 = arith.constant 0 : i32
    %dma_start3A_545 = arith.constant 0 : i32
    %dma_start3A_546 = tpu.memref_slice %arg8[%dma_start3A_543, %dma_start3A_544, %dma_start3A_545] : memref<16x26x64xf32, #tpu.memory_space<vmem>> -> memref<1x26x64xf32, #tpu.memory_space<vmem>>
    %dma_start3A_547 = tpu.memref_squeeze %dma_start3A_546 : memref<1x26x64xf32, #tpu.memory_space<vmem>> -> memref<26x64xf32, #tpu.memory_space<vmem>>
    %dma_start3A_548 = arith.constant 0 : i32
    %dma_start3A_549 = tpu.memref_slice %arg5[%dma_start3A_542, %dma_start3A_548] : memref<512x26xi32, #tpu.memory_space<vmem>> -> memref<1x26xi32, #tpu.memory_space<vmem>>
    %dma_start3A_550 = tpu.memref_squeeze %dma_start3A_549 : memref<1x26xi32, #tpu.memory_space<vmem>> -> memref<26xi32, #tpu.memory_space<vmem>>
    %dma_start3A_551 = arith.constant 0 : i32
    %dma_start3A_552 = arith.constant 0 : i32
    %dma_start3A_553 = tpu.memref_slice %arg3[%dma_start3A_551, %dma_start3A_552] : memref<1000000x64xf32, #tpu.memory_space<hbm>> -> memref<1000000x64xf32, #tpu.memory_space<hbm>>
    tpu.enqueue_indirect_dma source(%dma_start3A_553 : memref<1000000x64xf32, #tpu.memory_space<hbm>>) target(%dma_start3A_547 : memref<26x64xf32, #tpu.memory_space<vmem>>) offsets(%dma_start3A_550 : memref<26xi32, #tpu.memory_space<vmem>>) semaphore(%arg12 : memref<!tpu.dma_semaphore, #tpu.memory_space<semaphore_mem>>)
    %dma_start3A_554 = arith.constant 46 : i32
    %dma_start3A_555 = arith.constant 14 : i32
    %dma_start3A_556 = arith.constant 0 : i32
    %dma_start3A_557 = arith.constant 0 : i32
    %dma_start3A_558 = tpu.memref_slice %arg8[%dma_start3A_555, %dma_start3A_556, %dma_start3A_557] : memref<16x26x64xf32, #tpu.memory_space<vmem>> -> memref<1x26x64xf32, #tpu.memory_space<vmem>>
    %dma_start3A_559 = tpu.memref_squeeze %dma_start3A_558 : memref<1x26x64xf32, #tpu.memory_space<vmem>> -> memref<26x64xf32, #tpu.memory_space<vmem>>
    %dma_start3A_560 = arith.constant 0 : i32
    %dma_start3A_561 = tpu.memref_slice %arg5[%dma_start3A_554, %dma_start3A_560] : memref<512x26xi32, #tpu.memory_space<vmem>> -> memref<1x26xi32, #tpu.memory_space<vmem>>
    %dma_start3A_562 = tpu.memref_squeeze %dma_start3A_561 : memref<1x26xi32, #tpu.memory_space<vmem>> -> memref<26xi32, #tpu.memory_space<vmem>>
    %dma_start3A_563 = arith.constant 0 : i32
    %dma_start3A_564 = arith.constant 0 : i32
    %dma_start3A_565 = tpu.memref_slice %arg3[%dma_start3A_563, %dma_start3A_564] : memref<1000000x64xf32, #tpu.memory_space<hbm>> -> memref<1000000x64xf32, #tpu.memory_space<hbm>>
    tpu.enqueue_indirect_dma source(%dma_start3A_565 : memref<1000000x64xf32, #tpu.memory_space<hbm>>) target(%dma_start3A_559 : memref<26x64xf32, #tpu.memory_space<vmem>>) offsets(%dma_start3A_562 : memref<26xi32, #tpu.memory_space<vmem>>) semaphore(%arg12 : memref<!tpu.dma_semaphore, #tpu.memory_space<semaphore_mem>>)
    %dma_start3A_566 = arith.constant 47 : i32
    %dma_start3A_567 = arith.constant 15 : i32
    %dma_start3A_568 = arith.constant 0 : i32
    %dma_start3A_569 = arith.constant 0 : i32
    %dma_start3A_570 = tpu.memref_slice %arg8[%dma_start3A_567, %dma_start3A_568, %dma_start3A_569] : memref<16x26x64xf32, #tpu.memory_space<vmem>> -> memref<1x26x64xf32, #tpu.memory_space<vmem>>
    %dma_start3A_571 = tpu.memref_squeeze %dma_start3A_570 : memref<1x26x64xf32, #tpu.memory_space<vmem>> -> memref<26x64xf32, #tpu.memory_space<vmem>>
    %dma_start3A_572 = arith.constant 0 : i32
    %dma_start3A_573 = tpu.memref_slice %arg5[%dma_start3A_566, %dma_start3A_572] : memref<512x26xi32, #tpu.memory_space<vmem>> -> memref<1x26xi32, #tpu.memory_space<vmem>>
    %dma_start3A_574 = tpu.memref_squeeze %dma_start3A_573 : memref<1x26xi32, #tpu.memory_space<vmem>> -> memref<26xi32, #tpu.memory_space<vmem>>
    %dma_start3A_575 = arith.constant 0 : i32
    %dma_start3A_576 = arith.constant 0 : i32
    %dma_start3A_577 = tpu.memref_slice %arg3[%dma_start3A_575, %dma_start3A_576] : memref<1000000x64xf32, #tpu.memory_space<hbm>> -> memref<1000000x64xf32, #tpu.memory_space<hbm>>
    tpu.enqueue_indirect_dma source(%dma_start3A_577 : memref<1000000x64xf32, #tpu.memory_space<hbm>>) target(%dma_start3A_571 : memref<26x64xf32, #tpu.memory_space<vmem>>) offsets(%dma_start3A_574 : memref<26xi32, #tpu.memory_space<vmem>>) semaphore(%arg12 : memref<!tpu.dma_semaphore, #tpu.memory_space<semaphore_mem>>)
    %dma_start3A_578 = arith.constant 48 : i32
    %dma_start3A_579 = arith.constant 0 : i32
    %dma_start3A_580 = arith.constant 0 : i32
    %dma_start3A_581 = arith.constant 0 : i32
    %dma_start3A_582 = tpu.memref_slice %arg9[%dma_start3A_579, %dma_start3A_580, %dma_start3A_581] : memref<16x26x64xf32, #tpu.memory_space<vmem>> -> memref<1x26x64xf32, #tpu.memory_space<vmem>>
    %dma_start3A_583 = tpu.memref_squeeze %dma_start3A_582 : memref<1x26x64xf32, #tpu.memory_space<vmem>> -> memref<26x64xf32, #tpu.memory_space<vmem>>
    %dma_start3A_584 = arith.constant 0 : i32
    %dma_start3A_585 = tpu.memref_slice %arg5[%dma_start3A_578, %dma_start3A_584] : memref<512x26xi32, #tpu.memory_space<vmem>> -> memref<1x26xi32, #tpu.memory_space<vmem>>
    %dma_start3A_586 = tpu.memref_squeeze %dma_start3A_585 : memref<1x26xi32, #tpu.memory_space<vmem>> -> memref<26xi32, #tpu.memory_space<vmem>>
    %dma_start3A_587 = arith.constant 0 : i32
    %dma_start3A_588 = arith.constant 0 : i32
    %dma_start3A_589 = tpu.memref_slice %arg3[%dma_start3A_587, %dma_start3A_588] : memref<1000000x64xf32, #tpu.memory_space<hbm>> -> memref<1000000x64xf32, #tpu.memory_space<hbm>>
    tpu.enqueue_indirect_dma source(%dma_start3A_589 : memref<1000000x64xf32, #tpu.memory_space<hbm>>) target(%dma_start3A_583 : memref<26x64xf32, #tpu.memory_space<vmem>>) offsets(%dma_start3A_586 : memref<26xi32, #tpu.memory_space<vmem>>) semaphore(%arg13 : memref<!tpu.dma_semaphore, #tpu.memory_space<semaphore_mem>>)
    %dma_start3A_590 = arith.constant 49 : i32
    %dma_start3A_591 = arith.constant 1 : i32
    %dma_start3A_592 = arith.constant 0 : i32
    %dma_start3A_593 = arith.constant 0 : i32
    %dma_start3A_594 = tpu.memref_slice %arg9[%dma_start3A_591, %dma_start3A_592, %dma_start3A_593] : memref<16x26x64xf32, #tpu.memory_space<vmem>> -> memref<1x26x64xf32, #tpu.memory_space<vmem>>
    %dma_start3A_595 = tpu.memref_squeeze %dma_start3A_594 : memref<1x26x64xf32, #tpu.memory_space<vmem>> -> memref<26x64xf32, #tpu.memory_space<vmem>>
    %dma_start3A_596 = arith.constant 0 : i32
    %dma_start3A_597 = tpu.memref_slice %arg5[%dma_start3A_590, %dma_start3A_596] : memref<512x26xi32, #tpu.memory_space<vmem>> -> memref<1x26xi32, #tpu.memory_space<vmem>>
    %dma_start3A_598 = tpu.memref_squeeze %dma_start3A_597 : memref<1x26xi32, #tpu.memory_space<vmem>> -> memref<26xi32, #tpu.memory_space<vmem>>
    %dma_start3A_599 = arith.constant 0 : i32
    %dma_start3A_600 = arith.constant 0 : i32
    %dma_start3A_601 = tpu.memref_slice %arg3[%dma_start3A_599, %dma_start3A_600] : memref<1000000x64xf32, #tpu.memory_space<hbm>> -> memref<1000000x64xf32, #tpu.memory_space<hbm>>
    tpu.enqueue_indirect_dma source(%dma_start3A_601 : memref<1000000x64xf32, #tpu.memory_space<hbm>>) target(%dma_start3A_595 : memref<26x64xf32, #tpu.memory_space<vmem>>) offsets(%dma_start3A_598 : memref<26xi32, #tpu.memory_space<vmem>>) semaphore(%arg13 : memref<!tpu.dma_semaphore, #tpu.memory_space<semaphore_mem>>)
    %dma_start3A_602 = arith.constant 50 : i32
    %dma_start3A_603 = arith.constant 2 : i32
    %dma_start3A_604 = arith.constant 0 : i32
    %dma_start3A_605 = arith.constant 0 : i32
    %dma_start3A_606 = tpu.memref_slice %arg9[%dma_start3A_603, %dma_start3A_604, %dma_start3A_605] : memref<16x26x64xf32, #tpu.memory_space<vmem>> -> memref<1x26x64xf32, #tpu.memory_space<vmem>>
    %dma_start3A_607 = tpu.memref_squeeze %dma_start3A_606 : memref<1x26x64xf32, #tpu.memory_space<vmem>> -> memref<26x64xf32, #tpu.memory_space<vmem>>
    %dma_start3A_608 = arith.constant 0 : i32
    %dma_start3A_609 = tpu.memref_slice %arg5[%dma_start3A_602, %dma_start3A_608] : memref<512x26xi32, #tpu.memory_space<vmem>> -> memref<1x26xi32, #tpu.memory_space<vmem>>
    %dma_start3A_610 = tpu.memref_squeeze %dma_start3A_609 : memref<1x26xi32, #tpu.memory_space<vmem>> -> memref<26xi32, #tpu.memory_space<vmem>>
    %dma_start3A_611 = arith.constant 0 : i32
    %dma_start3A_612 = arith.constant 0 : i32
    %dma_start3A_613 = tpu.memref_slice %arg3[%dma_start3A_611, %dma_start3A_612] : memref<1000000x64xf32, #tpu.memory_space<hbm>> -> memref<1000000x64xf32, #tpu.memory_space<hbm>>
    tpu.enqueue_indirect_dma source(%dma_start3A_613 : memref<1000000x64xf32, #tpu.memory_space<hbm>>) target(%dma_start3A_607 : memref<26x64xf32, #tpu.memory_space<vmem>>) offsets(%dma_start3A_610 : memref<26xi32, #tpu.memory_space<vmem>>) semaphore(%arg13 : memref<!tpu.dma_semaphore, #tpu.memory_space<semaphore_mem>>)
    %dma_start3A_614 = arith.constant 51 : i32
    %dma_start3A_615 = arith.constant 3 : i32
    %dma_start3A_616 = arith.constant 0 : i32
    %dma_start3A_617 = arith.constant 0 : i32
    %dma_start3A_618 = tpu.memref_slice %arg9[%dma_start3A_615, %dma_start3A_616, %dma_start3A_617] : memref<16x26x64xf32, #tpu.memory_space<vmem>> -> memref<1x26x64xf32, #tpu.memory_space<vmem>>
    %dma_start3A_619 = tpu.memref_squeeze %dma_start3A_618 : memref<1x26x64xf32, #tpu.memory_space<vmem>> -> memref<26x64xf32, #tpu.memory_space<vmem>>
    %dma_start3A_620 = arith.constant 0 : i32
    %dma_start3A_621 = tpu.memref_slice %arg5[%dma_start3A_614, %dma_start3A_620] : memref<512x26xi32, #tpu.memory_space<vmem>> -> memref<1x26xi32, #tpu.memory_space<vmem>>
    %dma_start3A_622 = tpu.memref_squeeze %dma_start3A_621 : memref<1x26xi32, #tpu.memory_space<vmem>> -> memref<26xi32, #tpu.memory_space<vmem>>
    %dma_start3A_623 = arith.constant 0 : i32
    %dma_start3A_624 = arith.constant 0 : i32
    %dma_start3A_625 = tpu.memref_slice %arg3[%dma_start3A_623, %dma_start3A_624] : memref<1000000x64xf32, #tpu.memory_space<hbm>> -> memref<1000000x64xf32, #tpu.memory_space<hbm>>
    tpu.enqueue_indirect_dma source(%dma_start3A_625 : memref<1000000x64xf32, #tpu.memory_space<hbm>>) target(%dma_start3A_619 : memref<26x64xf32, #tpu.memory_space<vmem>>) offsets(%dma_start3A_622 : memref<26xi32, #tpu.memory_space<vmem>>) semaphore(%arg13 : memref<!tpu.dma_semaphore, #tpu.memory_space<semaphore_mem>>)
    %dma_start3A_626 = arith.constant 52 : i32
    %dma_start3A_627 = arith.constant 4 : i32
    %dma_start3A_628 = arith.constant 0 : i32
    %dma_start3A_629 = arith.constant 0 : i32
    %dma_start3A_630 = tpu.memref_slice %arg9[%dma_start3A_627, %dma_start3A_628, %dma_start3A_629] : memref<16x26x64xf32, #tpu.memory_space<vmem>> -> memref<1x26x64xf32, #tpu.memory_space<vmem>>
    %dma_start3A_631 = tpu.memref_squeeze %dma_start3A_630 : memref<1x26x64xf32, #tpu.memory_space<vmem>> -> memref<26x64xf32, #tpu.memory_space<vmem>>
    %dma_start3A_632 = arith.constant 0 : i32
    %dma_start3A_633 = tpu.memref_slice %arg5[%dma_start3A_626, %dma_start3A_632] : memref<512x26xi32, #tpu.memory_space<vmem>> -> memref<1x26xi32, #tpu.memory_space<vmem>>
    %dma_start3A_634 = tpu.memref_squeeze %dma_start3A_633 : memref<1x26xi32, #tpu.memory_space<vmem>> -> memref<26xi32, #tpu.memory_space<vmem>>
    %dma_start3A_635 = arith.constant 0 : i32
    %dma_start3A_636 = arith.constant 0 : i32
    %dma_start3A_637 = tpu.memref_slice %arg3[%dma_start3A_635, %dma_start3A_636] : memref<1000000x64xf32, #tpu.memory_space<hbm>> -> memref<1000000x64xf32, #tpu.memory_space<hbm>>
    tpu.enqueue_indirect_dma source(%dma_start3A_637 : memref<1000000x64xf32, #tpu.memory_space<hbm>>) target(%dma_start3A_631 : memref<26x64xf32, #tpu.memory_space<vmem>>) offsets(%dma_start3A_634 : memref<26xi32, #tpu.memory_space<vmem>>) semaphore(%arg13 : memref<!tpu.dma_semaphore, #tpu.memory_space<semaphore_mem>>)
    %dma_start3A_638 = arith.constant 53 : i32
    %dma_start3A_639 = arith.constant 5 : i32
    %dma_start3A_640 = arith.constant 0 : i32
    %dma_start3A_641 = arith.constant 0 : i32
    %dma_start3A_642 = tpu.memref_slice %arg9[%dma_start3A_639, %dma_start3A_640, %dma_start3A_641] : memref<16x26x64xf32, #tpu.memory_space<vmem>> -> memref<1x26x64xf32, #tpu.memory_space<vmem>>
    %dma_start3A_643 = tpu.memref_squeeze %dma_start3A_642 : memref<1x26x64xf32, #tpu.memory_space<vmem>> -> memref<26x64xf32, #tpu.memory_space<vmem>>
    %dma_start3A_644 = arith.constant 0 : i32
    %dma_start3A_645 = tpu.memref_slice %arg5[%dma_start3A_638, %dma_start3A_644] : memref<512x26xi32, #tpu.memory_space<vmem>> -> memref<1x26xi32, #tpu.memory_space<vmem>>
    %dma_start3A_646 = tpu.memref_squeeze %dma_start3A_645 : memref<1x26xi32, #tpu.memory_space<vmem>> -> memref<26xi32, #tpu.memory_space<vmem>>
    %dma_start3A_647 = arith.constant 0 : i32
    %dma_start3A_648 = arith.constant 0 : i32
    %dma_start3A_649 = tpu.memref_slice %arg3[%dma_start3A_647, %dma_start3A_648] : memref<1000000x64xf32, #tpu.memory_space<hbm>> -> memref<1000000x64xf32, #tpu.memory_space<hbm>>
    tpu.enqueue_indirect_dma source(%dma_start3A_649 : memref<1000000x64xf32, #tpu.memory_space<hbm>>) target(%dma_start3A_643 : memref<26x64xf32, #tpu.memory_space<vmem>>) offsets(%dma_start3A_646 : memref<26xi32, #tpu.memory_space<vmem>>) semaphore(%arg13 : memref<!tpu.dma_semaphore, #tpu.memory_space<semaphore_mem>>)
    %dma_start3A_650 = arith.constant 54 : i32
    %dma_start3A_651 = arith.constant 6 : i32
    %dma_start3A_652 = arith.constant 0 : i32
    %dma_start3A_653 = arith.constant 0 : i32
    %dma_start3A_654 = tpu.memref_slice %arg9[%dma_start3A_651, %dma_start3A_652, %dma_start3A_653] : memref<16x26x64xf32, #tpu.memory_space<vmem>> -> memref<1x26x64xf32, #tpu.memory_space<vmem>>
    %dma_start3A_655 = tpu.memref_squeeze %dma_start3A_654 : memref<1x26x64xf32, #tpu.memory_space<vmem>> -> memref<26x64xf32, #tpu.memory_space<vmem>>
    %dma_start3A_656 = arith.constant 0 : i32
    %dma_start3A_657 = tpu.memref_slice %arg5[%dma_start3A_650, %dma_start3A_656] : memref<512x26xi32, #tpu.memory_space<vmem>> -> memref<1x26xi32, #tpu.memory_space<vmem>>
    %dma_start3A_658 = tpu.memref_squeeze %dma_start3A_657 : memref<1x26xi32, #tpu.memory_space<vmem>> -> memref<26xi32, #tpu.memory_space<vmem>>
    %dma_start3A_659 = arith.constant 0 : i32
    %dma_start3A_660 = arith.constant 0 : i32
    %dma_start3A_661 = tpu.memref_slice %arg3[%dma_start3A_659, %dma_start3A_660] : memref<1000000x64xf32, #tpu.memory_space<hbm>> -> memref<1000000x64xf32, #tpu.memory_space<hbm>>
    tpu.enqueue_indirect_dma source(%dma_start3A_661 : memref<1000000x64xf32, #tpu.memory_space<hbm>>) target(%dma_start3A_655 : memref<26x64xf32, #tpu.memory_space<vmem>>) offsets(%dma_start3A_658 : memref<26xi32, #tpu.memory_space<vmem>>) semaphore(%arg13 : memref<!tpu.dma_semaphore, #tpu.memory_space<semaphore_mem>>)
    %dma_start3A_662 = arith.constant 55 : i32
    %dma_start3A_663 = arith.constant 7 : i32
    %dma_start3A_664 = arith.constant 0 : i32
    %dma_start3A_665 = arith.constant 0 : i32
    %dma_start3A_666 = tpu.memref_slice %arg9[%dma_start3A_663, %dma_start3A_664, %dma_start3A_665] : memref<16x26x64xf32, #tpu.memory_space<vmem>> -> memref<1x26x64xf32, #tpu.memory_space<vmem>>
    %dma_start3A_667 = tpu.memref_squeeze %dma_start3A_666 : memref<1x26x64xf32, #tpu.memory_space<vmem>> -> memref<26x64xf32, #tpu.memory_space<vmem>>
    %dma_start3A_668 = arith.constant 0 : i32
    %dma_start3A_669 = tpu.memref_slice %arg5[%dma_start3A_662, %dma_start3A_668] : memref<512x26xi32, #tpu.memory_space<vmem>> -> memref<1x26xi32, #tpu.memory_space<vmem>>
    %dma_start3A_670 = tpu.memref_squeeze %dma_start3A_669 : memref<1x26xi32, #tpu.memory_space<vmem>> -> memref<26xi32, #tpu.memory_space<vmem>>
    %dma_start3A_671 = arith.constant 0 : i32
    %dma_start3A_672 = arith.constant 0 : i32
    %dma_start3A_673 = tpu.memref_slice %arg3[%dma_start3A_671, %dma_start3A_672] : memref<1000000x64xf32, #tpu.memory_space<hbm>> -> memref<1000000x64xf32, #tpu.memory_space<hbm>>
    tpu.enqueue_indirect_dma source(%dma_start3A_673 : memref<1000000x64xf32, #tpu.memory_space<hbm>>) target(%dma_start3A_667 : memref<26x64xf32, #tpu.memory_space<vmem>>) offsets(%dma_start3A_670 : memref<26xi32, #tpu.memory_space<vmem>>) semaphore(%arg13 : memref<!tpu.dma_semaphore, #tpu.memory_space<semaphore_mem>>)
    %dma_start3A_674 = arith.constant 56 : i32
    %dma_start3A_675 = arith.constant 8 : i32
    %dma_start3A_676 = arith.constant 0 : i32
    %dma_start3A_677 = arith.constant 0 : i32
    %dma_start3A_678 = tpu.memref_slice %arg9[%dma_start3A_675, %dma_start3A_676, %dma_start3A_677] : memref<16x26x64xf32, #tpu.memory_space<vmem>> -> memref<1x26x64xf32, #tpu.memory_space<vmem>>
    %dma_start3A_679 = tpu.memref_squeeze %dma_start3A_678 : memref<1x26x64xf32, #tpu.memory_space<vmem>> -> memref<26x64xf32, #tpu.memory_space<vmem>>
    %dma_start3A_680 = arith.constant 0 : i32
    %dma_start3A_681 = tpu.memref_slice %arg5[%dma_start3A_674, %dma_start3A_680] : memref<512x26xi32, #tpu.memory_space<vmem>> -> memref<1x26xi32, #tpu.memory_space<vmem>>
    %dma_start3A_682 = tpu.memref_squeeze %dma_start3A_681 : memref<1x26xi32, #tpu.memory_space<vmem>> -> memref<26xi32, #tpu.memory_space<vmem>>
    %dma_start3A_683 = arith.constant 0 : i32
    %dma_start3A_684 = arith.constant 0 : i32
    %dma_start3A_685 = tpu.memref_slice %arg3[%dma_start3A_683, %dma_start3A_684] : memref<1000000x64xf32, #tpu.memory_space<hbm>> -> memref<1000000x64xf32, #tpu.memory_space<hbm>>
    tpu.enqueue_indirect_dma source(%dma_start3A_685 : memref<1000000x64xf32, #tpu.memory_space<hbm>>) target(%dma_start3A_679 : memref<26x64xf32, #tpu.memory_space<vmem>>) offsets(%dma_start3A_682 : memref<26xi32, #tpu.memory_space<vmem>>) semaphore(%arg13 : memref<!tpu.dma_semaphore, #tpu.memory_space<semaphore_mem>>)
    %dma_start3A_686 = arith.constant 57 : i32
    %dma_start3A_687 = arith.constant 9 : i32
    %dma_start3A_688 = arith.constant 0 : i32
    %dma_start3A_689 = arith.constant 0 : i32
    %dma_start3A_690 = tpu.memref_slice %arg9[%dma_start3A_687, %dma_start3A_688, %dma_start3A_689] : memref<16x26x64xf32, #tpu.memory_space<vmem>> -> memref<1x26x64xf32, #tpu.memory_space<vmem>>
    %dma_start3A_691 = tpu.memref_squeeze %dma_start3A_690 : memref<1x26x64xf32, #tpu.memory_space<vmem>> -> memref<26x64xf32, #tpu.memory_space<vmem>>
    %dma_start3A_692 = arith.constant 0 : i32
    %dma_start3A_693 = tpu.memref_slice %arg5[%dma_start3A_686, %dma_start3A_692] : memref<512x26xi32, #tpu.memory_space<vmem>> -> memref<1x26xi32, #tpu.memory_space<vmem>>
    %dma_start3A_694 = tpu.memref_squeeze %dma_start3A_693 : memref<1x26xi32, #tpu.memory_space<vmem>> -> memref<26xi32, #tpu.memory_space<vmem>>
    %dma_start3A_695 = arith.constant 0 : i32
    %dma_start3A_696 = arith.constant 0 : i32
    %dma_start3A_697 = tpu.memref_slice %arg3[%dma_start3A_695, %dma_start3A_696] : memref<1000000x64xf32, #tpu.memory_space<hbm>> -> memref<1000000x64xf32, #tpu.memory_space<hbm>>
    tpu.enqueue_indirect_dma source(%dma_start3A_697 : memref<1000000x64xf32, #tpu.memory_space<hbm>>) target(%dma_start3A_691 : memref<26x64xf32, #tpu.memory_space<vmem>>) offsets(%dma_start3A_694 : memref<26xi32, #tpu.memory_space<vmem>>) semaphore(%arg13 : memref<!tpu.dma_semaphore, #tpu.memory_space<semaphore_mem>>)
    %dma_start3A_698 = arith.constant 58 : i32
    %dma_start3A_699 = arith.constant 10 : i32
    %dma_start3A_700 = arith.constant 0 : i32
    %dma_start3A_701 = arith.constant 0 : i32
    %dma_start3A_702 = tpu.memref_slice %arg9[%dma_start3A_699, %dma_start3A_700, %dma_start3A_701] : memref<16x26x64xf32, #tpu.memory_space<vmem>> -> memref<1x26x64xf32, #tpu.memory_space<vmem>>
    %dma_start3A_703 = tpu.memref_squeeze %dma_start3A_702 : memref<1x26x64xf32, #tpu.memory_space<vmem>> -> memref<26x64xf32, #tpu.memory_space<vmem>>
    %dma_start3A_704 = arith.constant 0 : i32
    %dma_start3A_705 = tpu.memref_slice %arg5[%dma_start3A_698, %dma_start3A_704] : memref<512x26xi32, #tpu.memory_space<vmem>> -> memref<1x26xi32, #tpu.memory_space<vmem>>
    %dma_start3A_706 = tpu.memref_squeeze %dma_start3A_705 : memref<1x26xi32, #tpu.memory_space<vmem>> -> memref<26xi32, #tpu.memory_space<vmem>>
    %dma_start3A_707 = arith.constant 0 : i32
    %dma_start3A_708 = arith.constant 0 : i32
    %dma_start3A_709 = tpu.memref_slice %arg3[%dma_start3A_707, %dma_start3A_708] : memref<1000000x64xf32, #tpu.memory_space<hbm>> -> memref<1000000x64xf32, #tpu.memory_space<hbm>>
    tpu.enqueue_indirect_dma source(%dma_start3A_709 : memref<1000000x64xf32, #tpu.memory_space<hbm>>) target(%dma_start3A_703 : memref<26x64xf32, #tpu.memory_space<vmem>>) offsets(%dma_start3A_706 : memref<26xi32, #tpu.memory_space<vmem>>) semaphore(%arg13 : memref<!tpu.dma_semaphore, #tpu.memory_space<semaphore_mem>>)
    %dma_start3A_710 = arith.constant 59 : i32
    %dma_start3A_711 = arith.constant 11 : i32
    %dma_start3A_712 = arith.constant 0 : i32
    %dma_start3A_713 = arith.constant 0 : i32
    %dma_start3A_714 = tpu.memref_slice %arg9[%dma_start3A_711, %dma_start3A_712, %dma_start3A_713] : memref<16x26x64xf32, #tpu.memory_space<vmem>> -> memref<1x26x64xf32, #tpu.memory_space<vmem>>
    %dma_start3A_715 = tpu.memref_squeeze %dma_start3A_714 : memref<1x26x64xf32, #tpu.memory_space<vmem>> -> memref<26x64xf32, #tpu.memory_space<vmem>>
    %dma_start3A_716 = arith.constant 0 : i32
    %dma_start3A_717 = tpu.memref_slice %arg5[%dma_start3A_710, %dma_start3A_716] : memref<512x26xi32, #tpu.memory_space<vmem>> -> memref<1x26xi32, #tpu.memory_space<vmem>>
    %dma_start3A_718 = tpu.memref_squeeze %dma_start3A_717 : memref<1x26xi32, #tpu.memory_space<vmem>> -> memref<26xi32, #tpu.memory_space<vmem>>
    %dma_start3A_719 = arith.constant 0 : i32
    %dma_start3A_720 = arith.constant 0 : i32
    %dma_start3A_721 = tpu.memref_slice %arg3[%dma_start3A_719, %dma_start3A_720] : memref<1000000x64xf32, #tpu.memory_space<hbm>> -> memref<1000000x64xf32, #tpu.memory_space<hbm>>
    tpu.enqueue_indirect_dma source(%dma_start3A_721 : memref<1000000x64xf32, #tpu.memory_space<hbm>>) target(%dma_start3A_715 : memref<26x64xf32, #tpu.memory_space<vmem>>) offsets(%dma_start3A_718 : memref<26xi32, #tpu.memory_space<vmem>>) semaphore(%arg13 : memref<!tpu.dma_semaphore, #tpu.memory_space<semaphore_mem>>)
    %dma_start3A_722 = arith.constant 60 : i32
    %dma_start3A_723 = arith.constant 12 : i32
    %dma_start3A_724 = arith.constant 0 : i32
    %dma_start3A_725 = arith.constant 0 : i32
    %dma_start3A_726 = tpu.memref_slice %arg9[%dma_start3A_723, %dma_start3A_724, %dma_start3A_725] : memref<16x26x64xf32, #tpu.memory_space<vmem>> -> memref<1x26x64xf32, #tpu.memory_space<vmem>>
    %dma_start3A_727 = tpu.memref_squeeze %dma_start3A_726 : memref<1x26x64xf32, #tpu.memory_space<vmem>> -> memref<26x64xf32, #tpu.memory_space<vmem>>
    %dma_start3A_728 = arith.constant 0 : i32
    %dma_start3A_729 = tpu.memref_slice %arg5[%dma_start3A_722, %dma_start3A_728] : memref<512x26xi32, #tpu.memory_space<vmem>> -> memref<1x26xi32, #tpu.memory_space<vmem>>
    %dma_start3A_730 = tpu.memref_squeeze %dma_start3A_729 : memref<1x26xi32, #tpu.memory_space<vmem>> -> memref<26xi32, #tpu.memory_space<vmem>>
    %dma_start3A_731 = arith.constant 0 : i32
    %dma_start3A_732 = arith.constant 0 : i32
    %dma_start3A_733 = tpu.memref_slice %arg3[%dma_start3A_731, %dma_start3A_732] : memref<1000000x64xf32, #tpu.memory_space<hbm>> -> memref<1000000x64xf32, #tpu.memory_space<hbm>>
    tpu.enqueue_indirect_dma source(%dma_start3A_733 : memref<1000000x64xf32, #tpu.memory_space<hbm>>) target(%dma_start3A_727 : memref<26x64xf32, #tpu.memory_space<vmem>>) offsets(%dma_start3A_730 : memref<26xi32, #tpu.memory_space<vmem>>) semaphore(%arg13 : memref<!tpu.dma_semaphore, #tpu.memory_space<semaphore_mem>>)
    %dma_start3A_734 = arith.constant 61 : i32
    %dma_start3A_735 = arith.constant 13 : i32
    %dma_start3A_736 = arith.constant 0 : i32
    %dma_start3A_737 = arith.constant 0 : i32
    %dma_start3A_738 = tpu.memref_slice %arg9[%dma_start3A_735, %dma_start3A_736, %dma_start3A_737] : memref<16x26x64xf32, #tpu.memory_space<vmem>> -> memref<1x26x64xf32, #tpu.memory_space<vmem>>
    %dma_start3A_739 = tpu.memref_squeeze %dma_start3A_738 : memref<1x26x64xf32, #tpu.memory_space<vmem>> -> memref<26x64xf32, #tpu.memory_space<vmem>>
    %dma_start3A_740 = arith.constant 0 : i32
    %dma_start3A_741 = tpu.memref_slice %arg5[%dma_start3A_734, %dma_start3A_740] : memref<512x26xi32, #tpu.memory_space<vmem>> -> memref<1x26xi32, #tpu.memory_space<vmem>>
    %dma_start3A_742 = tpu.memref_squeeze %dma_start3A_741 : memref<1x26xi32, #tpu.memory_space<vmem>> -> memref<26xi32, #tpu.memory_space<vmem>>
    %dma_start3A_743 = arith.constant 0 : i32
    %dma_start3A_744 = arith.constant 0 : i32
    %dma_start3A_745 = tpu.memref_slice %arg3[%dma_start3A_743, %dma_start3A_744] : memref<1000000x64xf32, #tpu.memory_space<hbm>> -> memref<1000000x64xf32, #tpu.memory_space<hbm>>
    tpu.enqueue_indirect_dma source(%dma_start3A_745 : memref<1000000x64xf32, #tpu.memory_space<hbm>>) target(%dma_start3A_739 : memref<26x64xf32, #tpu.memory_space<vmem>>) offsets(%dma_start3A_742 : memref<26xi32, #tpu.memory_space<vmem>>) semaphore(%arg13 : memref<!tpu.dma_semaphore, #tpu.memory_space<semaphore_mem>>)
    %dma_start3A_746 = arith.constant 62 : i32
    %dma_start3A_747 = arith.constant 14 : i32
    %dma_start3A_748 = arith.constant 0 : i32
    %dma_start3A_749 = arith.constant 0 : i32
    %dma_start3A_750 = tpu.memref_slice %arg9[%dma_start3A_747, %dma_start3A_748, %dma_start3A_749] : memref<16x26x64xf32, #tpu.memory_space<vmem>> -> memref<1x26x64xf32, #tpu.memory_space<vmem>>
    %dma_start3A_751 = tpu.memref_squeeze %dma_start3A_750 : memref<1x26x64xf32, #tpu.memory_space<vmem>> -> memref<26x64xf32, #tpu.memory_space<vmem>>
    %dma_start3A_752 = arith.constant 0 : i32
    %dma_start3A_753 = tpu.memref_slice %arg5[%dma_start3A_746, %dma_start3A_752] : memref<512x26xi32, #tpu.memory_space<vmem>> -> memref<1x26xi32, #tpu.memory_space<vmem>>
    %dma_start3A_754 = tpu.memref_squeeze %dma_start3A_753 : memref<1x26xi32, #tpu.memory_space<vmem>> -> memref<26xi32, #tpu.memory_space<vmem>>
    %dma_start3A_755 = arith.constant 0 : i32
    %dma_start3A_756 = arith.constant 0 : i32
    %dma_start3A_757 = tpu.memref_slice %arg3[%dma_start3A_755, %dma_start3A_756] : memref<1000000x64xf32, #tpu.memory_space<hbm>> -> memref<1000000x64xf32, #tpu.memory_space<hbm>>
    tpu.enqueue_indirect_dma source(%dma_start3A_757 : memref<1000000x64xf32, #tpu.memory_space<hbm>>) target(%dma_start3A_751 : memref<26x64xf32, #tpu.memory_space<vmem>>) offsets(%dma_start3A_754 : memref<26xi32, #tpu.memory_space<vmem>>) semaphore(%arg13 : memref<!tpu.dma_semaphore, #tpu.memory_space<semaphore_mem>>)
    %dma_start3A_758 = arith.constant 63 : i32
    %dma_start3A_759 = arith.constant 15 : i32
    %dma_start3A_760 = arith.constant 0 : i32
    %dma_start3A_761 = arith.constant 0 : i32
    %dma_start3A_762 = tpu.memref_slice %arg9[%dma_start3A_759, %dma_start3A_760, %dma_start3A_761] : memref<16x26x64xf32, #tpu.memory_space<vmem>> -> memref<1x26x64xf32, #tpu.memory_space<vmem>>
    %dma_start3A_763 = tpu.memref_squeeze %dma_start3A_762 : memref<1x26x64xf32, #tpu.memory_space<vmem>> -> memref<26x64xf32, #tpu.memory_space<vmem>>
    %dma_start3A_764 = arith.constant 0 : i32
    %dma_start3A_765 = tpu.memref_slice %arg5[%dma_start3A_758, %dma_start3A_764] : memref<512x26xi32, #tpu.memory_space<vmem>> -> memref<1x26xi32, #tpu.memory_space<vmem>>
    %dma_start3A_766 = tpu.memref_squeeze %dma_start3A_765 : memref<1x26xi32, #tpu.memory_space<vmem>> -> memref<26xi32, #tpu.memory_space<vmem>>
    %dma_start3A_767 = arith.constant 0 : i32
    %dma_start3A_768 = arith.constant 0 : i32
    %dma_start3A_769 = tpu.memref_slice %arg3[%dma_start3A_767, %dma_start3A_768] : memref<1000000x64xf32, #tpu.memory_space<hbm>> -> memref<1000000x64xf32, #tpu.memory_space<hbm>>
    tpu.enqueue_indirect_dma source(%dma_start3A_769 : memref<1000000x64xf32, #tpu.memory_space<hbm>>) target(%dma_start3A_763 : memref<26x64xf32, #tpu.memory_space<vmem>>) offsets(%dma_start3A_766 : memref<26xi32, #tpu.memory_space<vmem>>) semaphore(%arg13 : memref<!tpu.dma_semaphore, #tpu.memory_space<semaphore_mem>>)
    %scan3A = arith.constant 0 : i32
    %scan3A_770 = arith.constant 0 : i32
    %scan3A_771 = arith.constant 8 : i32
    %scan3A_772 = arith.addi %scan3A_770, %scan3A_771 : i32
    %scan3A_773 = arith.constant 1 : i32
    scf.for %scan3A_806 = %scan3A_770 to %scan3A_772 step %scan3A_773  : i32 {
      %mul3A_807 = arith.constant 4 : i32
      %mul3A_808 = arith.muli %scan3A_806, %mul3A_807 : i32
      %add3A_809 = arith.constant 0 : i32
      %add3A_810 = arith.addi %mul3A_808, %add3A_809 : i32
      %mul3A_811 = arith.constant 16 : i32
      %mul3A_812 = arith.muli %add3A_810, %mul3A_811 : i32
      %add3A_813 = arith.constant 0 : i32
      %add3A_814 = arith.addi %mul3A_812, %add3A_813 : i32
      %dma_wait3A_815 = arith.constant 0 : i32
      %dma_wait3A_816 = arith.constant 0 : i32
      %dma_wait3A_817 = arith.constant 0 : i32
      %dma_wait3A_818 = tpu.memref_slice %arg6[%dma_wait3A_815, %dma_wait3A_816, %dma_wait3A_817] : memref<16x26x64xf32, #tpu.memory_space<vmem>> -> memref<1x26x64xf32, #tpu.memory_space<vmem>>
      %dma_wait3A_819 = tpu.memref_squeeze %dma_wait3A_818 : memref<1x26x64xf32, #tpu.memory_space<vmem>> -> memref<26x64xf32, #tpu.memory_space<vmem>>
      %dma_wait3A_820 = arith.constant 0 : i32
      %dma_wait3A_821 = tpu.memref_slice %arg5[%add3A_814, %dma_wait3A_820] : memref<512x26xi32, #tpu.memory_space<vmem>> -> memref<1x26xi32, #tpu.memory_space<vmem>>
      %dma_wait3A_822 = tpu.memref_squeeze %dma_wait3A_821 : memref<1x26xi32, #tpu.memory_space<vmem>> -> memref<26xi32, #tpu.memory_space<vmem>>
      %dma_wait3A_823 = arith.constant 0 : i32
      %dma_wait3A_824 = arith.constant 0 : i32
      %dma_wait3A_825 = tpu.memref_slice %arg3[%dma_wait3A_823, %dma_wait3A_824] : memref<1000000x64xf32, #tpu.memory_space<hbm>> -> memref<1000000x64xf32, #tpu.memory_space<hbm>>
      tpu.wait_indirect_dma semaphore(%arg10 : memref<!tpu.dma_semaphore, #tpu.memory_space<semaphore_mem>>) src(%dma_wait3A_825 : memref<1000000x64xf32, #tpu.memory_space<hbm>>) dst(%dma_wait3A_819 : memref<26x64xf32, #tpu.memory_space<vmem>>)
      %mul3A_826 = arith.constant 16 : i32
      %mul3A_827 = arith.muli %add3A_810, %mul3A_826 : i32
      %add3A_828 = arith.constant 1 : i32
      %add3A_829 = arith.addi %mul3A_827, %add3A_828 : i32
      %dma_wait3A_830 = arith.constant 1 : i32
      %dma_wait3A_831 = arith.constant 0 : i32
      %dma_wait3A_832 = arith.constant 0 : i32
      %dma_wait3A_833 = tpu.memref_slice %arg6[%dma_wait3A_830, %dma_wait3A_831, %dma_wait3A_832] : memref<16x26x64xf32, #tpu.memory_space<vmem>> -> memref<1x26x64xf32, #tpu.memory_space<vmem>>
      %dma_wait3A_834 = tpu.memref_squeeze %dma_wait3A_833 : memref<1x26x64xf32, #tpu.memory_space<vmem>> -> memref<26x64xf32, #tpu.memory_space<vmem>>
      %dma_wait3A_835 = arith.constant 0 : i32
      %dma_wait3A_836 = tpu.memref_slice %arg5[%add3A_829, %dma_wait3A_835] : memref<512x26xi32, #tpu.memory_space<vmem>> -> memref<1x26xi32, #tpu.memory_space<vmem>>
      %dma_wait3A_837 = tpu.memref_squeeze %dma_wait3A_836 : memref<1x26xi32, #tpu.memory_space<vmem>> -> memref<26xi32, #tpu.memory_space<vmem>>
      %dma_wait3A_838 = arith.constant 0 : i32
      %dma_wait3A_839 = arith.constant 0 : i32
      %dma_wait3A_840 = tpu.memref_slice %arg3[%dma_wait3A_838, %dma_wait3A_839] : memref<1000000x64xf32, #tpu.memory_space<hbm>> -> memref<1000000x64xf32, #tpu.memory_space<hbm>>
      tpu.wait_indirect_dma semaphore(%arg10 : memref<!tpu.dma_semaphore, #tpu.memory_space<semaphore_mem>>) src(%dma_wait3A_840 : memref<1000000x64xf32, #tpu.memory_space<hbm>>) dst(%dma_wait3A_834 : memref<26x64xf32, #tpu.memory_space<vmem>>)
      %mul3A_841 = arith.constant 16 : i32
      %mul3A_842 = arith.muli %add3A_810, %mul3A_841 : i32
      %add3A_843 = arith.constant 2 : i32
      %add3A_844 = arith.addi %mul3A_842, %add3A_843 : i32
      %dma_wait3A_845 = arith.constant 2 : i32
      %dma_wait3A_846 = arith.constant 0 : i32
      %dma_wait3A_847 = arith.constant 0 : i32
      %dma_wait3A_848 = tpu.memref_slice %arg6[%dma_wait3A_845, %dma_wait3A_846, %dma_wait3A_847] : memref<16x26x64xf32, #tpu.memory_space<vmem>> -> memref<1x26x64xf32, #tpu.memory_space<vmem>>
      %dma_wait3A_849 = tpu.memref_squeeze %dma_wait3A_848 : memref<1x26x64xf32, #tpu.memory_space<vmem>> -> memref<26x64xf32, #tpu.memory_space<vmem>>
      %dma_wait3A_850 = arith.constant 0 : i32
      %dma_wait3A_851 = tpu.memref_slice %arg5[%add3A_844, %dma_wait3A_850] : memref<512x26xi32, #tpu.memory_space<vmem>> -> memref<1x26xi32, #tpu.memory_space<vmem>>
      %dma_wait3A_852 = tpu.memref_squeeze %dma_wait3A_851 : memref<1x26xi32, #tpu.memory_space<vmem>> -> memref<26xi32, #tpu.memory_space<vmem>>
      %dma_wait3A_853 = arith.constant 0 : i32
      %dma_wait3A_854 = arith.constant 0 : i32
      %dma_wait3A_855 = tpu.memref_slice %arg3[%dma_wait3A_853, %dma_wait3A_854] : memref<1000000x64xf32, #tpu.memory_space<hbm>> -> memref<1000000x64xf32, #tpu.memory_space<hbm>>
      tpu.wait_indirect_dma semaphore(%arg10 : memref<!tpu.dma_semaphore, #tpu.memory_space<semaphore_mem>>) src(%dma_wait3A_855 : memref<1000000x64xf32, #tpu.memory_space<hbm>>) dst(%dma_wait3A_849 : memref<26x64xf32, #tpu.memory_space<vmem>>)
      %mul3A_856 = arith.constant 16 : i32
      %mul3A_857 = arith.muli %add3A_810, %mul3A_856 : i32
      %add3A_858 = arith.constant 3 : i32
      %add3A_859 = arith.addi %mul3A_857, %add3A_858 : i32
      %dma_wait3A_860 = arith.constant 3 : i32
      %dma_wait3A_861 = arith.constant 0 : i32
      %dma_wait3A_862 = arith.constant 0 : i32
      %dma_wait3A_863 = tpu.memref_slice %arg6[%dma_wait3A_860, %dma_wait3A_861, %dma_wait3A_862] : memref<16x26x64xf32, #tpu.memory_space<vmem>> -> memref<1x26x64xf32, #tpu.memory_space<vmem>>
      %dma_wait3A_864 = tpu.memref_squeeze %dma_wait3A_863 : memref<1x26x64xf32, #tpu.memory_space<vmem>> -> memref<26x64xf32, #tpu.memory_space<vmem>>
      %dma_wait3A_865 = arith.constant 0 : i32
      %dma_wait3A_866 = tpu.memref_slice %arg5[%add3A_859, %dma_wait3A_865] : memref<512x26xi32, #tpu.memory_space<vmem>> -> memref<1x26xi32, #tpu.memory_space<vmem>>
      %dma_wait3A_867 = tpu.memref_squeeze %dma_wait3A_866 : memref<1x26xi32, #tpu.memory_space<vmem>> -> memref<26xi32, #tpu.memory_space<vmem>>
      %dma_wait3A_868 = arith.constant 0 : i32
      %dma_wait3A_869 = arith.constant 0 : i32
      %dma_wait3A_870 = tpu.memref_slice %arg3[%dma_wait3A_868, %dma_wait3A_869] : memref<1000000x64xf32, #tpu.memory_space<hbm>> -> memref<1000000x64xf32, #tpu.memory_space<hbm>>
      tpu.wait_indirect_dma semaphore(%arg10 : memref<!tpu.dma_semaphore, #tpu.memory_space<semaphore_mem>>) src(%dma_wait3A_870 : memref<1000000x64xf32, #tpu.memory_space<hbm>>) dst(%dma_wait3A_864 : memref<26x64xf32, #tpu.memory_space<vmem>>)
      %mul3A_871 = arith.constant 16 : i32
      %mul3A_872 = arith.muli %add3A_810, %mul3A_871 : i32
      %add3A_873 = arith.constant 4 : i32
      %add3A_874 = arith.addi %mul3A_872, %add3A_873 : i32
      %dma_wait3A_875 = arith.constant 4 : i32
      %dma_wait3A_876 = arith.constant 0 : i32
      %dma_wait3A_877 = arith.constant 0 : i32
      %dma_wait3A_878 = tpu.memref_slice %arg6[%dma_wait3A_875, %dma_wait3A_876, %dma_wait3A_877] : memref<16x26x64xf32, #tpu.memory_space<vmem>> -> memref<1x26x64xf32, #tpu.memory_space<vmem>>
      %dma_wait3A_879 = tpu.memref_squeeze %dma_wait3A_878 : memref<1x26x64xf32, #tpu.memory_space<vmem>> -> memref<26x64xf32, #tpu.memory_space<vmem>>
      %dma_wait3A_880 = arith.constant 0 : i32
      %dma_wait3A_881 = tpu.memref_slice %arg5[%add3A_874, %dma_wait3A_880] : memref<512x26xi32, #tpu.memory_space<vmem>> -> memref<1x26xi32, #tpu.memory_space<vmem>>
      %dma_wait3A_882 = tpu.memref_squeeze %dma_wait3A_881 : memref<1x26xi32, #tpu.memory_space<vmem>> -> memref<26xi32, #tpu.memory_space<vmem>>
      %dma_wait3A_883 = arith.constant 0 : i32
      %dma_wait3A_884 = arith.constant 0 : i32
      %dma_wait3A_885 = tpu.memref_slice %arg3[%dma_wait3A_883, %dma_wait3A_884] : memref<1000000x64xf32, #tpu.memory_space<hbm>> -> memref<1000000x64xf32, #tpu.memory_space<hbm>>
      tpu.wait_indirect_dma semaphore(%arg10 : memref<!tpu.dma_semaphore, #tpu.memory_space<semaphore_mem>>) src(%dma_wait3A_885 : memref<1000000x64xf32, #tpu.memory_space<hbm>>) dst(%dma_wait3A_879 : memref<26x64xf32, #tpu.memory_space<vmem>>)
      %mul3A_886 = arith.constant 16 : i32
      %mul3A_887 = arith.muli %add3A_810, %mul3A_886 : i32
      %add3A_888 = arith.constant 5 : i32
      %add3A_889 = arith.addi %mul3A_887, %add3A_888 : i32
      %dma_wait3A_890 = arith.constant 5 : i32
      %dma_wait3A_891 = arith.constant 0 : i32
      %dma_wait3A_892 = arith.constant 0 : i32
      %dma_wait3A_893 = tpu.memref_slice %arg6[%dma_wait3A_890, %dma_wait3A_891, %dma_wait3A_892] : memref<16x26x64xf32, #tpu.memory_space<vmem>> -> memref<1x26x64xf32, #tpu.memory_space<vmem>>
      %dma_wait3A_894 = tpu.memref_squeeze %dma_wait3A_893 : memref<1x26x64xf32, #tpu.memory_space<vmem>> -> memref<26x64xf32, #tpu.memory_space<vmem>>
      %dma_wait3A_895 = arith.constant 0 : i32
      %dma_wait3A_896 = tpu.memref_slice %arg5[%add3A_889, %dma_wait3A_895] : memref<512x26xi32, #tpu.memory_space<vmem>> -> memref<1x26xi32, #tpu.memory_space<vmem>>
      %dma_wait3A_897 = tpu.memref_squeeze %dma_wait3A_896 : memref<1x26xi32, #tpu.memory_space<vmem>> -> memref<26xi32, #tpu.memory_space<vmem>>
      %dma_wait3A_898 = arith.constant 0 : i32
      %dma_wait3A_899 = arith.constant 0 : i32
      %dma_wait3A_900 = tpu.memref_slice %arg3[%dma_wait3A_898, %dma_wait3A_899] : memref<1000000x64xf32, #tpu.memory_space<hbm>> -> memref<1000000x64xf32, #tpu.memory_space<hbm>>
      tpu.wait_indirect_dma semaphore(%arg10 : memref<!tpu.dma_semaphore, #tpu.memory_space<semaphore_mem>>) src(%dma_wait3A_900 : memref<1000000x64xf32, #tpu.memory_space<hbm>>) dst(%dma_wait3A_894 : memref<26x64xf32, #tpu.memory_space<vmem>>)
      %mul3A_901 = arith.constant 16 : i32
      %mul3A_902 = arith.muli %add3A_810, %mul3A_901 : i32
      %add3A_903 = arith.constant 6 : i32
      %add3A_904 = arith.addi %mul3A_902, %add3A_903 : i32
      %dma_wait3A_905 = arith.constant 6 : i32
      %dma_wait3A_906 = arith.constant 0 : i32
      %dma_wait3A_907 = arith.constant 0 : i32
      %dma_wait3A_908 = tpu.memref_slice %arg6[%dma_wait3A_905, %dma_wait3A_906, %dma_wait3A_907] : memref<16x26x64xf32, #tpu.memory_space<vmem>> -> memref<1x26x64xf32, #tpu.memory_space<vmem>>
      %dma_wait3A_909 = tpu.memref_squeeze %dma_wait3A_908 : memref<1x26x64xf32, #tpu.memory_space<vmem>> -> memref<26x64xf32, #tpu.memory_space<vmem>>
      %dma_wait3A_910 = arith.constant 0 : i32
      %dma_wait3A_911 = tpu.memref_slice %arg5[%add3A_904, %dma_wait3A_910] : memref<512x26xi32, #tpu.memory_space<vmem>> -> memref<1x26xi32, #tpu.memory_space<vmem>>
      %dma_wait3A_912 = tpu.memref_squeeze %dma_wait3A_911 : memref<1x26xi32, #tpu.memory_space<vmem>> -> memref<26xi32, #tpu.memory_space<vmem>>
      %dma_wait3A_913 = arith.constant 0 : i32
      %dma_wait3A_914 = arith.constant 0 : i32
      %dma_wait3A_915 = tpu.memref_slice %arg3[%dma_wait3A_913, %dma_wait3A_914] : memref<1000000x64xf32, #tpu.memory_space<hbm>> -> memref<1000000x64xf32, #tpu.memory_space<hbm>>
      tpu.wait_indirect_dma semaphore(%arg10 : memref<!tpu.dma_semaphore, #tpu.memory_space<semaphore_mem>>) src(%dma_wait3A_915 : memref<1000000x64xf32, #tpu.memory_space<hbm>>) dst(%dma_wait3A_909 : memref<26x64xf32, #tpu.memory_space<vmem>>)
      %mul3A_916 = arith.constant 16 : i32
      %mul3A_917 = arith.muli %add3A_810, %mul3A_916 : i32
      %add3A_918 = arith.constant 7 : i32
      %add3A_919 = arith.addi %mul3A_917, %add3A_918 : i32
      %dma_wait3A_920 = arith.constant 7 : i32
      %dma_wait3A_921 = arith.constant 0 : i32
      %dma_wait3A_922 = arith.constant 0 : i32
      %dma_wait3A_923 = tpu.memref_slice %arg6[%dma_wait3A_920, %dma_wait3A_921, %dma_wait3A_922] : memref<16x26x64xf32, #tpu.memory_space<vmem>> -> memref<1x26x64xf32, #tpu.memory_space<vmem>>
      %dma_wait3A_924 = tpu.memref_squeeze %dma_wait3A_923 : memref<1x26x64xf32, #tpu.memory_space<vmem>> -> memref<26x64xf32, #tpu.memory_space<vmem>>
      %dma_wait3A_925 = arith.constant 0 : i32
      %dma_wait3A_926 = tpu.memref_slice %arg5[%add3A_919, %dma_wait3A_925] : memref<512x26xi32, #tpu.memory_space<vmem>> -> memref<1x26xi32, #tpu.memory_space<vmem>>
      %dma_wait3A_927 = tpu.memref_squeeze %dma_wait3A_926 : memref<1x26xi32, #tpu.memory_space<vmem>> -> memref<26xi32, #tpu.memory_space<vmem>>
      %dma_wait3A_928 = arith.constant 0 : i32
      %dma_wait3A_929 = arith.constant 0 : i32
      %dma_wait3A_930 = tpu.memref_slice %arg3[%dma_wait3A_928, %dma_wait3A_929] : memref<1000000x64xf32, #tpu.memory_space<hbm>> -> memref<1000000x64xf32, #tpu.memory_space<hbm>>
      tpu.wait_indirect_dma semaphore(%arg10 : memref<!tpu.dma_semaphore, #tpu.memory_space<semaphore_mem>>) src(%dma_wait3A_930 : memref<1000000x64xf32, #tpu.memory_space<hbm>>) dst(%dma_wait3A_924 : memref<26x64xf32, #tpu.memory_space<vmem>>)
      %mul3A_931 = arith.constant 16 : i32
      %mul3A_932 = arith.muli %add3A_810, %mul3A_931 : i32
      %add3A_933 = arith.constant 8 : i32
      %add3A_934 = arith.addi %mul3A_932, %add3A_933 : i32
      %dma_wait3A_935 = arith.constant 8 : i32
      %dma_wait3A_936 = arith.constant 0 : i32
      %dma_wait3A_937 = arith.constant 0 : i32
      %dma_wait3A_938 = tpu.memref_slice %arg6[%dma_wait3A_935, %dma_wait3A_936, %dma_wait3A_937] : memref<16x26x64xf32, #tpu.memory_space<vmem>> -> memref<1x26x64xf32, #tpu.memory_space<vmem>>
      %dma_wait3A_939 = tpu.memref_squeeze %dma_wait3A_938 : memref<1x26x64xf32, #tpu.memory_space<vmem>> -> memref<26x64xf32, #tpu.memory_space<vmem>>
      %dma_wait3A_940 = arith.constant 0 : i32
      %dma_wait3A_941 = tpu.memref_slice %arg5[%add3A_934, %dma_wait3A_940] : memref<512x26xi32, #tpu.memory_space<vmem>> -> memref<1x26xi32, #tpu.memory_space<vmem>>
      %dma_wait3A_942 = tpu.memref_squeeze %dma_wait3A_941 : memref<1x26xi32, #tpu.memory_space<vmem>> -> memref<26xi32, #tpu.memory_space<vmem>>
      %dma_wait3A_943 = arith.constant 0 : i32
      %dma_wait3A_944 = arith.constant 0 : i32
      %dma_wait3A_945 = tpu.memref_slice %arg3[%dma_wait3A_943, %dma_wait3A_944] : memref<1000000x64xf32, #tpu.memory_space<hbm>> -> memref<1000000x64xf32, #tpu.memory_space<hbm>>
      tpu.wait_indirect_dma semaphore(%arg10 : memref<!tpu.dma_semaphore, #tpu.memory_space<semaphore_mem>>) src(%dma_wait3A_945 : memref<1000000x64xf32, #tpu.memory_space<hbm>>) dst(%dma_wait3A_939 : memref<26x64xf32, #tpu.memory_space<vmem>>)
      %mul3A_946 = arith.constant 16 : i32
      %mul3A_947 = arith.muli %add3A_810, %mul3A_946 : i32
      %add3A_948 = arith.constant 9 : i32
      %add3A_949 = arith.addi %mul3A_947, %add3A_948 : i32
      %dma_wait3A_950 = arith.constant 9 : i32
      %dma_wait3A_951 = arith.constant 0 : i32
      %dma_wait3A_952 = arith.constant 0 : i32
      %dma_wait3A_953 = tpu.memref_slice %arg6[%dma_wait3A_950, %dma_wait3A_951, %dma_wait3A_952] : memref<16x26x64xf32, #tpu.memory_space<vmem>> -> memref<1x26x64xf32, #tpu.memory_space<vmem>>
      %dma_wait3A_954 = tpu.memref_squeeze %dma_wait3A_953 : memref<1x26x64xf32, #tpu.memory_space<vmem>> -> memref<26x64xf32, #tpu.memory_space<vmem>>
      %dma_wait3A_955 = arith.constant 0 : i32
      %dma_wait3A_956 = tpu.memref_slice %arg5[%add3A_949, %dma_wait3A_955] : memref<512x26xi32, #tpu.memory_space<vmem>> -> memref<1x26xi32, #tpu.memory_space<vmem>>
      %dma_wait3A_957 = tpu.memref_squeeze %dma_wait3A_956 : memref<1x26xi32, #tpu.memory_space<vmem>> -> memref<26xi32, #tpu.memory_space<vmem>>
      %dma_wait3A_958 = arith.constant 0 : i32
      %dma_wait3A_959 = arith.constant 0 : i32
      %dma_wait3A_960 = tpu.memref_slice %arg3[%dma_wait3A_958, %dma_wait3A_959] : memref<1000000x64xf32, #tpu.memory_space<hbm>> -> memref<1000000x64xf32, #tpu.memory_space<hbm>>
      tpu.wait_indirect_dma semaphore(%arg10 : memref<!tpu.dma_semaphore, #tpu.memory_space<semaphore_mem>>) src(%dma_wait3A_960 : memref<1000000x64xf32, #tpu.memory_space<hbm>>) dst(%dma_wait3A_954 : memref<26x64xf32, #tpu.memory_space<vmem>>)
      %mul3A_961 = arith.constant 16 : i32
      %mul3A_962 = arith.muli %add3A_810, %mul3A_961 : i32
      %add3A_963 = arith.constant 10 : i32
      %add3A_964 = arith.addi %mul3A_962, %add3A_963 : i32
      %dma_wait3A_965 = arith.constant 10 : i32
      %dma_wait3A_966 = arith.constant 0 : i32
      %dma_wait3A_967 = arith.constant 0 : i32
      %dma_wait3A_968 = tpu.memref_slice %arg6[%dma_wait3A_965, %dma_wait3A_966, %dma_wait3A_967] : memref<16x26x64xf32, #tpu.memory_space<vmem>> -> memref<1x26x64xf32, #tpu.memory_space<vmem>>
      %dma_wait3A_969 = tpu.memref_squeeze %dma_wait3A_968 : memref<1x26x64xf32, #tpu.memory_space<vmem>> -> memref<26x64xf32, #tpu.memory_space<vmem>>
      %dma_wait3A_970 = arith.constant 0 : i32
      %dma_wait3A_971 = tpu.memref_slice %arg5[%add3A_964, %dma_wait3A_970] : memref<512x26xi32, #tpu.memory_space<vmem>> -> memref<1x26xi32, #tpu.memory_space<vmem>>
      %dma_wait3A_972 = tpu.memref_squeeze %dma_wait3A_971 : memref<1x26xi32, #tpu.memory_space<vmem>> -> memref<26xi32, #tpu.memory_space<vmem>>
      %dma_wait3A_973 = arith.constant 0 : i32
      %dma_wait3A_974 = arith.constant 0 : i32
      %dma_wait3A_975 = tpu.memref_slice %arg3[%dma_wait3A_973, %dma_wait3A_974] : memref<1000000x64xf32, #tpu.memory_space<hbm>> -> memref<1000000x64xf32, #tpu.memory_space<hbm>>
      tpu.wait_indirect_dma semaphore(%arg10 : memref<!tpu.dma_semaphore, #tpu.memory_space<semaphore_mem>>) src(%dma_wait3A_975 : memref<1000000x64xf32, #tpu.memory_space<hbm>>) dst(%dma_wait3A_969 : memref<26x64xf32, #tpu.memory_space<vmem>>)
      %mul3A_976 = arith.constant 16 : i32
      %mul3A_977 = arith.muli %add3A_810, %mul3A_976 : i32
      %add3A_978 = arith.constant 11 : i32
      %add3A_979 = arith.addi %mul3A_977, %add3A_978 : i32
      %dma_wait3A_980 = arith.constant 11 : i32
      %dma_wait3A_981 = arith.constant 0 : i32
      %dma_wait3A_982 = arith.constant 0 : i32
      %dma_wait3A_983 = tpu.memref_slice %arg6[%dma_wait3A_980, %dma_wait3A_981, %dma_wait3A_982] : memref<16x26x64xf32, #tpu.memory_space<vmem>> -> memref<1x26x64xf32, #tpu.memory_space<vmem>>
      %dma_wait3A_984 = tpu.memref_squeeze %dma_wait3A_983 : memref<1x26x64xf32, #tpu.memory_space<vmem>> -> memref<26x64xf32, #tpu.memory_space<vmem>>
      %dma_wait3A_985 = arith.constant 0 : i32
      %dma_wait3A_986 = tpu.memref_slice %arg5[%add3A_979, %dma_wait3A_985] : memref<512x26xi32, #tpu.memory_space<vmem>> -> memref<1x26xi32, #tpu.memory_space<vmem>>
      %dma_wait3A_987 = tpu.memref_squeeze %dma_wait3A_986 : memref<1x26xi32, #tpu.memory_space<vmem>> -> memref<26xi32, #tpu.memory_space<vmem>>
      %dma_wait3A_988 = arith.constant 0 : i32
      %dma_wait3A_989 = arith.constant 0 : i32
      %dma_wait3A_990 = tpu.memref_slice %arg3[%dma_wait3A_988, %dma_wait3A_989] : memref<1000000x64xf32, #tpu.memory_space<hbm>> -> memref<1000000x64xf32, #tpu.memory_space<hbm>>
      tpu.wait_indirect_dma semaphore(%arg10 : memref<!tpu.dma_semaphore, #tpu.memory_space<semaphore_mem>>) src(%dma_wait3A_990 : memref<1000000x64xf32, #tpu.memory_space<hbm>>) dst(%dma_wait3A_984 : memref<26x64xf32, #tpu.memory_space<vmem>>)
      %mul3A_991 = arith.constant 16 : i32
      %mul3A_992 = arith.muli %add3A_810, %mul3A_991 : i32
      %add3A_993 = arith.constant 12 : i32
      %add3A_994 = arith.addi %mul3A_992, %add3A_993 : i32
      %dma_wait3A_995 = arith.constant 12 : i32
      %dma_wait3A_996 = arith.constant 0 : i32
      %dma_wait3A_997 = arith.constant 0 : i32
      %dma_wait3A_998 = tpu.memref_slice %arg6[%dma_wait3A_995, %dma_wait3A_996, %dma_wait3A_997] : memref<16x26x64xf32, #tpu.memory_space<vmem>> -> memref<1x26x64xf32, #tpu.memory_space<vmem>>
      %dma_wait3A_999 = tpu.memref_squeeze %dma_wait3A_998 : memref<1x26x64xf32, #tpu.memory_space<vmem>> -> memref<26x64xf32, #tpu.memory_space<vmem>>
      %dma_wait3A_1000 = arith.constant 0 : i32
      %dma_wait3A_1001 = tpu.memref_slice %arg5[%add3A_994, %dma_wait3A_1000] : memref<512x26xi32, #tpu.memory_space<vmem>> -> memref<1x26xi32, #tpu.memory_space<vmem>>
      %dma_wait3A_1002 = tpu.memref_squeeze %dma_wait3A_1001 : memref<1x26xi32, #tpu.memory_space<vmem>> -> memref<26xi32, #tpu.memory_space<vmem>>
      %dma_wait3A_1003 = arith.constant 0 : i32
      %dma_wait3A_1004 = arith.constant 0 : i32
      %dma_wait3A_1005 = tpu.memref_slice %arg3[%dma_wait3A_1003, %dma_wait3A_1004] : memref<1000000x64xf32, #tpu.memory_space<hbm>> -> memref<1000000x64xf32, #tpu.memory_space<hbm>>
      tpu.wait_indirect_dma semaphore(%arg10 : memref<!tpu.dma_semaphore, #tpu.memory_space<semaphore_mem>>) src(%dma_wait3A_1005 : memref<1000000x64xf32, #tpu.memory_space<hbm>>) dst(%dma_wait3A_999 : memref<26x64xf32, #tpu.memory_space<vmem>>)
      %mul3A_1006 = arith.constant 16 : i32
      %mul3A_1007 = arith.muli %add3A_810, %mul3A_1006 : i32
      %add3A_1008 = arith.constant 13 : i32
      %add3A_1009 = arith.addi %mul3A_1007, %add3A_1008 : i32
      %dma_wait3A_1010 = arith.constant 13 : i32
      %dma_wait3A_1011 = arith.constant 0 : i32
      %dma_wait3A_1012 = arith.constant 0 : i32
      %dma_wait3A_1013 = tpu.memref_slice %arg6[%dma_wait3A_1010, %dma_wait3A_1011, %dma_wait3A_1012] : memref<16x26x64xf32, #tpu.memory_space<vmem>> -> memref<1x26x64xf32, #tpu.memory_space<vmem>>
      %dma_wait3A_1014 = tpu.memref_squeeze %dma_wait3A_1013 : memref<1x26x64xf32, #tpu.memory_space<vmem>> -> memref<26x64xf32, #tpu.memory_space<vmem>>
      %dma_wait3A_1015 = arith.constant 0 : i32
      %dma_wait3A_1016 = tpu.memref_slice %arg5[%add3A_1009, %dma_wait3A_1015] : memref<512x26xi32, #tpu.memory_space<vmem>> -> memref<1x26xi32, #tpu.memory_space<vmem>>
      %dma_wait3A_1017 = tpu.memref_squeeze %dma_wait3A_1016 : memref<1x26xi32, #tpu.memory_space<vmem>> -> memref<26xi32, #tpu.memory_space<vmem>>
      %dma_wait3A_1018 = arith.constant 0 : i32
      %dma_wait3A_1019 = arith.constant 0 : i32
      %dma_wait3A_1020 = tpu.memref_slice %arg3[%dma_wait3A_1018, %dma_wait3A_1019] : memref<1000000x64xf32, #tpu.memory_space<hbm>> -> memref<1000000x64xf32, #tpu.memory_space<hbm>>
      tpu.wait_indirect_dma semaphore(%arg10 : memref<!tpu.dma_semaphore, #tpu.memory_space<semaphore_mem>>) src(%dma_wait3A_1020 : memref<1000000x64xf32, #tpu.memory_space<hbm>>) dst(%dma_wait3A_1014 : memref<26x64xf32, #tpu.memory_space<vmem>>)
      %mul3A_1021 = arith.constant 16 : i32
      %mul3A_1022 = arith.muli %add3A_810, %mul3A_1021 : i32
      %add3A_1023 = arith.constant 14 : i32
      %add3A_1024 = arith.addi %mul3A_1022, %add3A_1023 : i32
      %dma_wait3A_1025 = arith.constant 14 : i32
      %dma_wait3A_1026 = arith.constant 0 : i32
      %dma_wait3A_1027 = arith.constant 0 : i32
      %dma_wait3A_1028 = tpu.memref_slice %arg6[%dma_wait3A_1025, %dma_wait3A_1026, %dma_wait3A_1027] : memref<16x26x64xf32, #tpu.memory_space<vmem>> -> memref<1x26x64xf32, #tpu.memory_space<vmem>>
      %dma_wait3A_1029 = tpu.memref_squeeze %dma_wait3A_1028 : memref<1x26x64xf32, #tpu.memory_space<vmem>> -> memref<26x64xf32, #tpu.memory_space<vmem>>
      %dma_wait3A_1030 = arith.constant 0 : i32
      %dma_wait3A_1031 = tpu.memref_slice %arg5[%add3A_1024, %dma_wait3A_1030] : memref<512x26xi32, #tpu.memory_space<vmem>> -> memref<1x26xi32, #tpu.memory_space<vmem>>
      %dma_wait3A_1032 = tpu.memref_squeeze %dma_wait3A_1031 : memref<1x26xi32, #tpu.memory_space<vmem>> -> memref<26xi32, #tpu.memory_space<vmem>>
      %dma_wait3A_1033 = arith.constant 0 : i32
      %dma_wait3A_1034 = arith.constant 0 : i32
      %dma_wait3A_1035 = tpu.memref_slice %arg3[%dma_wait3A_1033, %dma_wait3A_1034] : memref<1000000x64xf32, #tpu.memory_space<hbm>> -> memref<1000000x64xf32, #tpu.memory_space<hbm>>
      tpu.wait_indirect_dma semaphore(%arg10 : memref<!tpu.dma_semaphore, #tpu.memory_space<semaphore_mem>>) src(%dma_wait3A_1035 : memref<1000000x64xf32, #tpu.memory_space<hbm>>) dst(%dma_wait3A_1029 : memref<26x64xf32, #tpu.memory_space<vmem>>)
      %mul3A_1036 = arith.constant 16 : i32
      %mul3A_1037 = arith.muli %add3A_810, %mul3A_1036 : i32
      %add3A_1038 = arith.constant 15 : i32
      %add3A_1039 = arith.addi %mul3A_1037, %add3A_1038 : i32
      %dma_wait3A_1040 = arith.constant 15 : i32
      %dma_wait3A_1041 = arith.constant 0 : i32
      %dma_wait3A_1042 = arith.constant 0 : i32
      %dma_wait3A_1043 = tpu.memref_slice %arg6[%dma_wait3A_1040, %dma_wait3A_1041, %dma_wait3A_1042] : memref<16x26x64xf32, #tpu.memory_space<vmem>> -> memref<1x26x64xf32, #tpu.memory_space<vmem>>
      %dma_wait3A_1044 = tpu.memref_squeeze %dma_wait3A_1043 : memref<1x26x64xf32, #tpu.memory_space<vmem>> -> memref<26x64xf32, #tpu.memory_space<vmem>>
      %dma_wait3A_1045 = arith.constant 0 : i32
      %dma_wait3A_1046 = tpu.memref_slice %arg5[%add3A_1039, %dma_wait3A_1045] : memref<512x26xi32, #tpu.memory_space<vmem>> -> memref<1x26xi32, #tpu.memory_space<vmem>>
      %dma_wait3A_1047 = tpu.memref_squeeze %dma_wait3A_1046 : memref<1x26xi32, #tpu.memory_space<vmem>> -> memref<26xi32, #tpu.memory_space<vmem>>
      %dma_wait3A_1048 = arith.constant 0 : i32
      %dma_wait3A_1049 = arith.constant 0 : i32
      %dma_wait3A_1050 = tpu.memref_slice %arg3[%dma_wait3A_1048, %dma_wait3A_1049] : memref<1000000x64xf32, #tpu.memory_space<hbm>> -> memref<1000000x64xf32, #tpu.memory_space<hbm>>
      tpu.wait_indirect_dma semaphore(%arg10 : memref<!tpu.dma_semaphore, #tpu.memory_space<semaphore_mem>>) src(%dma_wait3A_1050 : memref<1000000x64xf32, #tpu.memory_space<hbm>>) dst(%dma_wait3A_1044 : memref<26x64xf32, #tpu.memory_space<vmem>>)
      %mul3A_1051 = arith.constant 4 : i32
      %mul3A_1052 = arith.muli %scan3A_806, %mul3A_1051 : i32
      %add3A_1053 = arith.constant 0 : i32
      %add3A_1054 = arith.addi %mul3A_1052, %add3A_1053 : i32
      %mul3A_1055 = arith.constant 16 : i32
      %mul3A_1056 = arith.muli %add3A_1054, %mul3A_1055 : i32
      %add3A_1057 = arith.addi %mul3A_2, %mul3A_1056 : i32
      %dma_start3A_1058 = arith.constant 0 : i32
      %dma_start3A_1059 = arith.constant 0 : i32
      %dma_start3A_1060 = tpu.memref_slice %arg4[%add3A_1057, %dma_start3A_1058, %dma_start3A_1059] : memref<16384x26x64xf32, #tpu.memory_space<hbm>> -> memref<16x26x64xf32, #tpu.memory_space<hbm>>
      %dma_start3A_1061 = arith.constant 0 : i32
      %dma_start3A_1062 = arith.constant 0 : i32
      %dma_start3A_1063 = tpu.memref_slice %arg4[%add3A_1057, %dma_start3A_1061, %dma_start3A_1062] : memref<16384x26x64xf32, #tpu.memory_space<hbm>> -> memref<16x26x64xf32, #tpu.memory_space<hbm>>
      tpu.enqueue_dma source(%arg6 : memref<16x26x64xf32, #tpu.memory_space<vmem>>) target(%dma_start3A_1063 : memref<16x26x64xf32, #tpu.memory_space<hbm>>) target_semaphore(%arg14 : memref<!tpu.dma_semaphore, #tpu.memory_space<semaphore_mem>>)
      %mul3A_1064 = arith.constant 4 : i32
      %mul3A_1065 = arith.muli %scan3A_806, %mul3A_1064 : i32
      %add3A_1066 = arith.constant 1 : i32
      %add3A_1067 = arith.addi %mul3A_1065, %add3A_1066 : i32
      %mul3A_1068 = arith.constant 16 : i32
      %mul3A_1069 = arith.muli %add3A_1067, %mul3A_1068 : i32
      %add3A_1070 = arith.constant 0 : i32
      %add3A_1071 = arith.addi %mul3A_1069, %add3A_1070 : i32
      %dma_wait3A_1072 = arith.constant 0 : i32
      %dma_wait3A_1073 = arith.constant 0 : i32
      %dma_wait3A_1074 = arith.constant 0 : i32
      %dma_wait3A_1075 = tpu.memref_slice %arg7[%dma_wait3A_1072, %dma_wait3A_1073, %dma_wait3A_1074] : memref<16x26x64xf32, #tpu.memory_space<vmem>> -> memref<1x26x64xf32, #tpu.memory_space<vmem>>
      %dma_wait3A_1076 = tpu.memref_squeeze %dma_wait3A_1075 : memref<1x26x64xf32, #tpu.memory_space<vmem>> -> memref<26x64xf32, #tpu.memory_space<vmem>>
      %dma_wait3A_1077 = arith.constant 0 : i32
      %dma_wait3A_1078 = tpu.memref_slice %arg5[%add3A_1071, %dma_wait3A_1077] : memref<512x26xi32, #tpu.memory_space<vmem>> -> memref<1x26xi32, #tpu.memory_space<vmem>>
      %dma_wait3A_1079 = tpu.memref_squeeze %dma_wait3A_1078 : memref<1x26xi32, #tpu.memory_space<vmem>> -> memref<26xi32, #tpu.memory_space<vmem>>
      %dma_wait3A_1080 = arith.constant 0 : i32
      %dma_wait3A_1081 = arith.constant 0 : i32
      %dma_wait3A_1082 = tpu.memref_slice %arg3[%dma_wait3A_1080, %dma_wait3A_1081] : memref<1000000x64xf32, #tpu.memory_space<hbm>> -> memref<1000000x64xf32, #tpu.memory_space<hbm>>
      tpu.wait_indirect_dma semaphore(%arg11 : memref<!tpu.dma_semaphore, #tpu.memory_space<semaphore_mem>>) src(%dma_wait3A_1082 : memref<1000000x64xf32, #tpu.memory_space<hbm>>) dst(%dma_wait3A_1076 : memref<26x64xf32, #tpu.memory_space<vmem>>)
      %mul3A_1083 = arith.constant 16 : i32
      %mul3A_1084 = arith.muli %add3A_1067, %mul3A_1083 : i32
      %add3A_1085 = arith.constant 1 : i32
      %add3A_1086 = arith.addi %mul3A_1084, %add3A_1085 : i32
      %dma_wait3A_1087 = arith.constant 1 : i32
      %dma_wait3A_1088 = arith.constant 0 : i32
      %dma_wait3A_1089 = arith.constant 0 : i32
      %dma_wait3A_1090 = tpu.memref_slice %arg7[%dma_wait3A_1087, %dma_wait3A_1088, %dma_wait3A_1089] : memref<16x26x64xf32, #tpu.memory_space<vmem>> -> memref<1x26x64xf32, #tpu.memory_space<vmem>>
      %dma_wait3A_1091 = tpu.memref_squeeze %dma_wait3A_1090 : memref<1x26x64xf32, #tpu.memory_space<vmem>> -> memref<26x64xf32, #tpu.memory_space<vmem>>
      %dma_wait3A_1092 = arith.constant 0 : i32
      %dma_wait3A_1093 = tpu.memref_slice %arg5[%add3A_1086, %dma_wait3A_1092] : memref<512x26xi32, #tpu.memory_space<vmem>> -> memref<1x26xi32, #tpu.memory_space<vmem>>
      %dma_wait3A_1094 = tpu.memref_squeeze %dma_wait3A_1093 : memref<1x26xi32, #tpu.memory_space<vmem>> -> memref<26xi32, #tpu.memory_space<vmem>>
      %dma_wait3A_1095 = arith.constant 0 : i32
      %dma_wait3A_1096 = arith.constant 0 : i32
      %dma_wait3A_1097 = tpu.memref_slice %arg3[%dma_wait3A_1095, %dma_wait3A_1096] : memref<1000000x64xf32, #tpu.memory_space<hbm>> -> memref<1000000x64xf32, #tpu.memory_space<hbm>>
      tpu.wait_indirect_dma semaphore(%arg11 : memref<!tpu.dma_semaphore, #tpu.memory_space<semaphore_mem>>) src(%dma_wait3A_1097 : memref<1000000x64xf32, #tpu.memory_space<hbm>>) dst(%dma_wait3A_1091 : memref<26x64xf32, #tpu.memory_space<vmem>>)
      %mul3A_1098 = arith.constant 16 : i32
      %mul3A_1099 = arith.muli %add3A_1067, %mul3A_1098 : i32
      %add3A_1100 = arith.constant 2 : i32
      %add3A_1101 = arith.addi %mul3A_1099, %add3A_1100 : i32
      %dma_wait3A_1102 = arith.constant 2 : i32
      %dma_wait3A_1103 = arith.constant 0 : i32
      %dma_wait3A_1104 = arith.constant 0 : i32
      %dma_wait3A_1105 = tpu.memref_slice %arg7[%dma_wait3A_1102, %dma_wait3A_1103, %dma_wait3A_1104] : memref<16x26x64xf32, #tpu.memory_space<vmem>> -> memref<1x26x64xf32, #tpu.memory_space<vmem>>
      %dma_wait3A_1106 = tpu.memref_squeeze %dma_wait3A_1105 : memref<1x26x64xf32, #tpu.memory_space<vmem>> -> memref<26x64xf32, #tpu.memory_space<vmem>>
      %dma_wait3A_1107 = arith.constant 0 : i32
      %dma_wait3A_1108 = tpu.memref_slice %arg5[%add3A_1101, %dma_wait3A_1107] : memref<512x26xi32, #tpu.memory_space<vmem>> -> memref<1x26xi32, #tpu.memory_space<vmem>>
      %dma_wait3A_1109 = tpu.memref_squeeze %dma_wait3A_1108 : memref<1x26xi32, #tpu.memory_space<vmem>> -> memref<26xi32, #tpu.memory_space<vmem>>
      %dma_wait3A_1110 = arith.constant 0 : i32
      %dma_wait3A_1111 = arith.constant 0 : i32
      %dma_wait3A_1112 = tpu.memref_slice %arg3[%dma_wait3A_1110, %dma_wait3A_1111] : memref<1000000x64xf32, #tpu.memory_space<hbm>> -> memref<1000000x64xf32, #tpu.memory_space<hbm>>
      tpu.wait_indirect_dma semaphore(%arg11 : memref<!tpu.dma_semaphore, #tpu.memory_space<semaphore_mem>>) src(%dma_wait3A_1112 : memref<1000000x64xf32, #tpu.memory_space<hbm>>) dst(%dma_wait3A_1106 : memref<26x64xf32, #tpu.memory_space<vmem>>)
      %mul3A_1113 = arith.constant 16 : i32
      %mul3A_1114 = arith.muli %add3A_1067, %mul3A_1113 : i32
      %add3A_1115 = arith.constant 3 : i32
      %add3A_1116 = arith.addi %mul3A_1114, %add3A_1115 : i32
      %dma_wait3A_1117 = arith.constant 3 : i32
      %dma_wait3A_1118 = arith.constant 0 : i32
      %dma_wait3A_1119 = arith.constant 0 : i32
      %dma_wait3A_1120 = tpu.memref_slice %arg7[%dma_wait3A_1117, %dma_wait3A_1118, %dma_wait3A_1119] : memref<16x26x64xf32, #tpu.memory_space<vmem>> -> memref<1x26x64xf32, #tpu.memory_space<vmem>>
      %dma_wait3A_1121 = tpu.memref_squeeze %dma_wait3A_1120 : memref<1x26x64xf32, #tpu.memory_space<vmem>> -> memref<26x64xf32, #tpu.memory_space<vmem>>
      %dma_wait3A_1122 = arith.constant 0 : i32
      %dma_wait3A_1123 = tpu.memref_slice %arg5[%add3A_1116, %dma_wait3A_1122] : memref<512x26xi32, #tpu.memory_space<vmem>> -> memref<1x26xi32, #tpu.memory_space<vmem>>
      %dma_wait3A_1124 = tpu.memref_squeeze %dma_wait3A_1123 : memref<1x26xi32, #tpu.memory_space<vmem>> -> memref<26xi32, #tpu.memory_space<vmem>>
      %dma_wait3A_1125 = arith.constant 0 : i32
      %dma_wait3A_1126 = arith.constant 0 : i32
      %dma_wait3A_1127 = tpu.memref_slice %arg3[%dma_wait3A_1125, %dma_wait3A_1126] : memref<1000000x64xf32, #tpu.memory_space<hbm>> -> memref<1000000x64xf32, #tpu.memory_space<hbm>>
      tpu.wait_indirect_dma semaphore(%arg11 : memref<!tpu.dma_semaphore, #tpu.memory_space<semaphore_mem>>) src(%dma_wait3A_1127 : memref<1000000x64xf32, #tpu.memory_space<hbm>>) dst(%dma_wait3A_1121 : memref<26x64xf32, #tpu.memory_space<vmem>>)
      %mul3A_1128 = arith.constant 16 : i32
      %mul3A_1129 = arith.muli %add3A_1067, %mul3A_1128 : i32
      %add3A_1130 = arith.constant 4 : i32
      %add3A_1131 = arith.addi %mul3A_1129, %add3A_1130 : i32
      %dma_wait3A_1132 = arith.constant 4 : i32
      %dma_wait3A_1133 = arith.constant 0 : i32
      %dma_wait3A_1134 = arith.constant 0 : i32
      %dma_wait3A_1135 = tpu.memref_slice %arg7[%dma_wait3A_1132, %dma_wait3A_1133, %dma_wait3A_1134] : memref<16x26x64xf32, #tpu.memory_space<vmem>> -> memref<1x26x64xf32, #tpu.memory_space<vmem>>
      %dma_wait3A_1136 = tpu.memref_squeeze %dma_wait3A_1135 : memref<1x26x64xf32, #tpu.memory_space<vmem>> -> memref<26x64xf32, #tpu.memory_space<vmem>>
      %dma_wait3A_1137 = arith.constant 0 : i32
      %dma_wait3A_1138 = tpu.memref_slice %arg5[%add3A_1131, %dma_wait3A_1137] : memref<512x26xi32, #tpu.memory_space<vmem>> -> memref<1x26xi32, #tpu.memory_space<vmem>>
      %dma_wait3A_1139 = tpu.memref_squeeze %dma_wait3A_1138 : memref<1x26xi32, #tpu.memory_space<vmem>> -> memref<26xi32, #tpu.memory_space<vmem>>
      %dma_wait3A_1140 = arith.constant 0 : i32
      %dma_wait3A_1141 = arith.constant 0 : i32
      %dma_wait3A_1142 = tpu.memref_slice %arg3[%dma_wait3A_1140, %dma_wait3A_1141] : memref<1000000x64xf32, #tpu.memory_space<hbm>> -> memref<1000000x64xf32, #tpu.memory_space<hbm>>
      tpu.wait_indirect_dma semaphore(%arg11 : memref<!tpu.dma_semaphore, #tpu.memory_space<semaphore_mem>>) src(%dma_wait3A_1142 : memref<1000000x64xf32, #tpu.memory_space<hbm>>) dst(%dma_wait3A_1136 : memref<26x64xf32, #tpu.memory_space<vmem>>)
      %mul3A_1143 = arith.constant 16 : i32
      %mul3A_1144 = arith.muli %add3A_1067, %mul3A_1143 : i32
      %add3A_1145 = arith.constant 5 : i32
      %add3A_1146 = arith.addi %mul3A_1144, %add3A_1145 : i32
      %dma_wait3A_1147 = arith.constant 5 : i32
      %dma_wait3A_1148 = arith.constant 0 : i32
      %dma_wait3A_1149 = arith.constant 0 : i32
      %dma_wait3A_1150 = tpu.memref_slice %arg7[%dma_wait3A_1147, %dma_wait3A_1148, %dma_wait3A_1149] : memref<16x26x64xf32, #tpu.memory_space<vmem>> -> memref<1x26x64xf32, #tpu.memory_space<vmem>>
      %dma_wait3A_1151 = tpu.memref_squeeze %dma_wait3A_1150 : memref<1x26x64xf32, #tpu.memory_space<vmem>> -> memref<26x64xf32, #tpu.memory_space<vmem>>
      %dma_wait3A_1152 = arith.constant 0 : i32
      %dma_wait3A_1153 = tpu.memref_slice %arg5[%add3A_1146, %dma_wait3A_1152] : memref<512x26xi32, #tpu.memory_space<vmem>> -> memref<1x26xi32, #tpu.memory_space<vmem>>
      %dma_wait3A_1154 = tpu.memref_squeeze %dma_wait3A_1153 : memref<1x26xi32, #tpu.memory_space<vmem>> -> memref<26xi32, #tpu.memory_space<vmem>>
      %dma_wait3A_1155 = arith.constant 0 : i32
      %dma_wait3A_1156 = arith.constant 0 : i32
      %dma_wait3A_1157 = tpu.memref_slice %arg3[%dma_wait3A_1155, %dma_wait3A_1156] : memref<1000000x64xf32, #tpu.memory_space<hbm>> -> memref<1000000x64xf32, #tpu.memory_space<hbm>>
      tpu.wait_indirect_dma semaphore(%arg11 : memref<!tpu.dma_semaphore, #tpu.memory_space<semaphore_mem>>) src(%dma_wait3A_1157 : memref<1000000x64xf32, #tpu.memory_space<hbm>>) dst(%dma_wait3A_1151 : memref<26x64xf32, #tpu.memory_space<vmem>>)
      %mul3A_1158 = arith.constant 16 : i32
      %mul3A_1159 = arith.muli %add3A_1067, %mul3A_1158 : i32
      %add3A_1160 = arith.constant 6 : i32
      %add3A_1161 = arith.addi %mul3A_1159, %add3A_1160 : i32
      %dma_wait3A_1162 = arith.constant 6 : i32
      %dma_wait3A_1163 = arith.constant 0 : i32
      %dma_wait3A_1164 = arith.constant 0 : i32
      %dma_wait3A_1165 = tpu.memref_slice %arg7[%dma_wait3A_1162, %dma_wait3A_1163, %dma_wait3A_1164] : memref<16x26x64xf32, #tpu.memory_space<vmem>> -> memref<1x26x64xf32, #tpu.memory_space<vmem>>
      %dma_wait3A_1166 = tpu.memref_squeeze %dma_wait3A_1165 : memref<1x26x64xf32, #tpu.memory_space<vmem>> -> memref<26x64xf32, #tpu.memory_space<vmem>>
      %dma_wait3A_1167 = arith.constant 0 : i32
      %dma_wait3A_1168 = tpu.memref_slice %arg5[%add3A_1161, %dma_wait3A_1167] : memref<512x26xi32, #tpu.memory_space<vmem>> -> memref<1x26xi32, #tpu.memory_space<vmem>>
      %dma_wait3A_1169 = tpu.memref_squeeze %dma_wait3A_1168 : memref<1x26xi32, #tpu.memory_space<vmem>> -> memref<26xi32, #tpu.memory_space<vmem>>
      %dma_wait3A_1170 = arith.constant 0 : i32
      %dma_wait3A_1171 = arith.constant 0 : i32
      %dma_wait3A_1172 = tpu.memref_slice %arg3[%dma_wait3A_1170, %dma_wait3A_1171] : memref<1000000x64xf32, #tpu.memory_space<hbm>> -> memref<1000000x64xf32, #tpu.memory_space<hbm>>
      tpu.wait_indirect_dma semaphore(%arg11 : memref<!tpu.dma_semaphore, #tpu.memory_space<semaphore_mem>>) src(%dma_wait3A_1172 : memref<1000000x64xf32, #tpu.memory_space<hbm>>) dst(%dma_wait3A_1166 : memref<26x64xf32, #tpu.memory_space<vmem>>)
      %mul3A_1173 = arith.constant 16 : i32
      %mul3A_1174 = arith.muli %add3A_1067, %mul3A_1173 : i32
      %add3A_1175 = arith.constant 7 : i32
      %add3A_1176 = arith.addi %mul3A_1174, %add3A_1175 : i32
      %dma_wait3A_1177 = arith.constant 7 : i32
      %dma_wait3A_1178 = arith.constant 0 : i32
      %dma_wait3A_1179 = arith.constant 0 : i32
      %dma_wait3A_1180 = tpu.memref_slice %arg7[%dma_wait3A_1177, %dma_wait3A_1178, %dma_wait3A_1179] : memref<16x26x64xf32, #tpu.memory_space<vmem>> -> memref<1x26x64xf32, #tpu.memory_space<vmem>>
      %dma_wait3A_1181 = tpu.memref_squeeze %dma_wait3A_1180 : memref<1x26x64xf32, #tpu.memory_space<vmem>> -> memref<26x64xf32, #tpu.memory_space<vmem>>
      %dma_wait3A_1182 = arith.constant 0 : i32
      %dma_wait3A_1183 = tpu.memref_slice %arg5[%add3A_1176, %dma_wait3A_1182] : memref<512x26xi32, #tpu.memory_space<vmem>> -> memref<1x26xi32, #tpu.memory_space<vmem>>
      %dma_wait3A_1184 = tpu.memref_squeeze %dma_wait3A_1183 : memref<1x26xi32, #tpu.memory_space<vmem>> -> memref<26xi32, #tpu.memory_space<vmem>>
      %dma_wait3A_1185 = arith.constant 0 : i32
      %dma_wait3A_1186 = arith.constant 0 : i32
      %dma_wait3A_1187 = tpu.memref_slice %arg3[%dma_wait3A_1185, %dma_wait3A_1186] : memref<1000000x64xf32, #tpu.memory_space<hbm>> -> memref<1000000x64xf32, #tpu.memory_space<hbm>>
      tpu.wait_indirect_dma semaphore(%arg11 : memref<!tpu.dma_semaphore, #tpu.memory_space<semaphore_mem>>) src(%dma_wait3A_1187 : memref<1000000x64xf32, #tpu.memory_space<hbm>>) dst(%dma_wait3A_1181 : memref<26x64xf32, #tpu.memory_space<vmem>>)
      %mul3A_1188 = arith.constant 16 : i32
      %mul3A_1189 = arith.muli %add3A_1067, %mul3A_1188 : i32
      %add3A_1190 = arith.constant 8 : i32
      %add3A_1191 = arith.addi %mul3A_1189, %add3A_1190 : i32
      %dma_wait3A_1192 = arith.constant 8 : i32
      %dma_wait3A_1193 = arith.constant 0 : i32
      %dma_wait3A_1194 = arith.constant 0 : i32
      %dma_wait3A_1195 = tpu.memref_slice %arg7[%dma_wait3A_1192, %dma_wait3A_1193, %dma_wait3A_1194] : memref<16x26x64xf32, #tpu.memory_space<vmem>> -> memref<1x26x64xf32, #tpu.memory_space<vmem>>
      %dma_wait3A_1196 = tpu.memref_squeeze %dma_wait3A_1195 : memref<1x26x64xf32, #tpu.memory_space<vmem>> -> memref<26x64xf32, #tpu.memory_space<vmem>>
      %dma_wait3A_1197 = arith.constant 0 : i32
      %dma_wait3A_1198 = tpu.memref_slice %arg5[%add3A_1191, %dma_wait3A_1197] : memref<512x26xi32, #tpu.memory_space<vmem>> -> memref<1x26xi32, #tpu.memory_space<vmem>>
      %dma_wait3A_1199 = tpu.memref_squeeze %dma_wait3A_1198 : memref<1x26xi32, #tpu.memory_space<vmem>> -> memref<26xi32, #tpu.memory_space<vmem>>
      %dma_wait3A_1200 = arith.constant 0 : i32
      %dma_wait3A_1201 = arith.constant 0 : i32
      %dma_wait3A_1202 = tpu.memref_slice %arg3[%dma_wait3A_1200, %dma_wait3A_1201] : memref<1000000x64xf32, #tpu.memory_space<hbm>> -> memref<1000000x64xf32, #tpu.memory_space<hbm>>
      tpu.wait_indirect_dma semaphore(%arg11 : memref<!tpu.dma_semaphore, #tpu.memory_space<semaphore_mem>>) src(%dma_wait3A_1202 : memref<1000000x64xf32, #tpu.memory_space<hbm>>) dst(%dma_wait3A_1196 : memref<26x64xf32, #tpu.memory_space<vmem>>)
      %mul3A_1203 = arith.constant 16 : i32
      %mul3A_1204 = arith.muli %add3A_1067, %mul3A_1203 : i32
      %add3A_1205 = arith.constant 9 : i32
      %add3A_1206 = arith.addi %mul3A_1204, %add3A_1205 : i32
      %dma_wait3A_1207 = arith.constant 9 : i32
      %dma_wait3A_1208 = arith.constant 0 : i32
      %dma_wait3A_1209 = arith.constant 0 : i32
      %dma_wait3A_1210 = tpu.memref_slice %arg7[%dma_wait3A_1207, %dma_wait3A_1208, %dma_wait3A_1209] : memref<16x26x64xf32, #tpu.memory_space<vmem>> -> memref<1x26x64xf32, #tpu.memory_space<vmem>>
      %dma_wait3A_1211 = tpu.memref_squeeze %dma_wait3A_1210 : memref<1x26x64xf32, #tpu.memory_space<vmem>> -> memref<26x64xf32, #tpu.memory_space<vmem>>
      %dma_wait3A_1212 = arith.constant 0 : i32
      %dma_wait3A_1213 = tpu.memref_slice %arg5[%add3A_1206, %dma_wait3A_1212] : memref<512x26xi32, #tpu.memory_space<vmem>> -> memref<1x26xi32, #tpu.memory_space<vmem>>
      %dma_wait3A_1214 = tpu.memref_squeeze %dma_wait3A_1213 : memref<1x26xi32, #tpu.memory_space<vmem>> -> memref<26xi32, #tpu.memory_space<vmem>>
      %dma_wait3A_1215 = arith.constant 0 : i32
      %dma_wait3A_1216 = arith.constant 0 : i32
      %dma_wait3A_1217 = tpu.memref_slice %arg3[%dma_wait3A_1215, %dma_wait3A_1216] : memref<1000000x64xf32, #tpu.memory_space<hbm>> -> memref<1000000x64xf32, #tpu.memory_space<hbm>>
      tpu.wait_indirect_dma semaphore(%arg11 : memref<!tpu.dma_semaphore, #tpu.memory_space<semaphore_mem>>) src(%dma_wait3A_1217 : memref<1000000x64xf32, #tpu.memory_space<hbm>>) dst(%dma_wait3A_1211 : memref<26x64xf32, #tpu.memory_space<vmem>>)
      %mul3A_1218 = arith.constant 16 : i32
      %mul3A_1219 = arith.muli %add3A_1067, %mul3A_1218 : i32
      %add3A_1220 = arith.constant 10 : i32
      %add3A_1221 = arith.addi %mul3A_1219, %add3A_1220 : i32
      %dma_wait3A_1222 = arith.constant 10 : i32
      %dma_wait3A_1223 = arith.constant 0 : i32
      %dma_wait3A_1224 = arith.constant 0 : i32
      %dma_wait3A_1225 = tpu.memref_slice %arg7[%dma_wait3A_1222, %dma_wait3A_1223, %dma_wait3A_1224] : memref<16x26x64xf32, #tpu.memory_space<vmem>> -> memref<1x26x64xf32, #tpu.memory_space<vmem>>
      %dma_wait3A_1226 = tpu.memref_squeeze %dma_wait3A_1225 : memref<1x26x64xf32, #tpu.memory_space<vmem>> -> memref<26x64xf32, #tpu.memory_space<vmem>>
      %dma_wait3A_1227 = arith.constant 0 : i32
      %dma_wait3A_1228 = tpu.memref_slice %arg5[%add3A_1221, %dma_wait3A_1227] : memref<512x26xi32, #tpu.memory_space<vmem>> -> memref<1x26xi32, #tpu.memory_space<vmem>>
      %dma_wait3A_1229 = tpu.memref_squeeze %dma_wait3A_1228 : memref<1x26xi32, #tpu.memory_space<vmem>> -> memref<26xi32, #tpu.memory_space<vmem>>
      %dma_wait3A_1230 = arith.constant 0 : i32
      %dma_wait3A_1231 = arith.constant 0 : i32
      %dma_wait3A_1232 = tpu.memref_slice %arg3[%dma_wait3A_1230, %dma_wait3A_1231] : memref<1000000x64xf32, #tpu.memory_space<hbm>> -> memref<1000000x64xf32, #tpu.memory_space<hbm>>
      tpu.wait_indirect_dma semaphore(%arg11 : memref<!tpu.dma_semaphore, #tpu.memory_space<semaphore_mem>>) src(%dma_wait3A_1232 : memref<1000000x64xf32, #tpu.memory_space<hbm>>) dst(%dma_wait3A_1226 : memref<26x64xf32, #tpu.memory_space<vmem>>)
      %mul3A_1233 = arith.constant 16 : i32
      %mul3A_1234 = arith.muli %add3A_1067, %mul3A_1233 : i32
      %add3A_1235 = arith.constant 11 : i32
      %add3A_1236 = arith.addi %mul3A_1234, %add3A_1235 : i32
      %dma_wait3A_1237 = arith.constant 11 : i32
      %dma_wait3A_1238 = arith.constant 0 : i32
      %dma_wait3A_1239 = arith.constant 0 : i32
      %dma_wait3A_1240 = tpu.memref_slice %arg7[%dma_wait3A_1237, %dma_wait3A_1238, %dma_wait3A_1239] : memref<16x26x64xf32, #tpu.memory_space<vmem>> -> memref<1x26x64xf32, #tpu.memory_space<vmem>>
      %dma_wait3A_1241 = tpu.memref_squeeze %dma_wait3A_1240 : memref<1x26x64xf32, #tpu.memory_space<vmem>> -> memref<26x64xf32, #tpu.memory_space<vmem>>
      %dma_wait3A_1242 = arith.constant 0 : i32
      %dma_wait3A_1243 = tpu.memref_slice %arg5[%add3A_1236, %dma_wait3A_1242] : memref<512x26xi32, #tpu.memory_space<vmem>> -> memref<1x26xi32, #tpu.memory_space<vmem>>
      %dma_wait3A_1244 = tpu.memref_squeeze %dma_wait3A_1243 : memref<1x26xi32, #tpu.memory_space<vmem>> -> memref<26xi32, #tpu.memory_space<vmem>>
      %dma_wait3A_1245 = arith.constant 0 : i32
      %dma_wait3A_1246 = arith.constant 0 : i32
      %dma_wait3A_1247 = tpu.memref_slice %arg3[%dma_wait3A_1245, %dma_wait3A_1246] : memref<1000000x64xf32, #tpu.memory_space<hbm>> -> memref<1000000x64xf32, #tpu.memory_space<hbm>>
      tpu.wait_indirect_dma semaphore(%arg11 : memref<!tpu.dma_semaphore, #tpu.memory_space<semaphore_mem>>) src(%dma_wait3A_1247 : memref<1000000x64xf32, #tpu.memory_space<hbm>>) dst(%dma_wait3A_1241 : memref<26x64xf32, #tpu.memory_space<vmem>>)
      %mul3A_1248 = arith.constant 16 : i32
      %mul3A_1249 = arith.muli %add3A_1067, %mul3A_1248 : i32
      %add3A_1250 = arith.constant 12 : i32
      %add3A_1251 = arith.addi %mul3A_1249, %add3A_1250 : i32
      %dma_wait3A_1252 = arith.constant 12 : i32
      %dma_wait3A_1253 = arith.constant 0 : i32
      %dma_wait3A_1254 = arith.constant 0 : i32
      %dma_wait3A_1255 = tpu.memref_slice %arg7[%dma_wait3A_1252, %dma_wait3A_1253, %dma_wait3A_1254] : memref<16x26x64xf32, #tpu.memory_space<vmem>> -> memref<1x26x64xf32, #tpu.memory_space<vmem>>
      %dma_wait3A_1256 = tpu.memref_squeeze %dma_wait3A_1255 : memref<1x26x64xf32, #tpu.memory_space<vmem>> -> memref<26x64xf32, #tpu.memory_space<vmem>>
      %dma_wait3A_1257 = arith.constant 0 : i32
      %dma_wait3A_1258 = tpu.memref_slice %arg5[%add3A_1251, %dma_wait3A_1257] : memref<512x26xi32, #tpu.memory_space<vmem>> -> memref<1x26xi32, #tpu.memory_space<vmem>>
      %dma_wait3A_1259 = tpu.memref_squeeze %dma_wait3A_1258 : memref<1x26xi32, #tpu.memory_space<vmem>> -> memref<26xi32, #tpu.memory_space<vmem>>
      %dma_wait3A_1260 = arith.constant 0 : i32
      %dma_wait3A_1261 = arith.constant 0 : i32
      %dma_wait3A_1262 = tpu.memref_slice %arg3[%dma_wait3A_1260, %dma_wait3A_1261] : memref<1000000x64xf32, #tpu.memory_space<hbm>> -> memref<1000000x64xf32, #tpu.memory_space<hbm>>
      tpu.wait_indirect_dma semaphore(%arg11 : memref<!tpu.dma_semaphore, #tpu.memory_space<semaphore_mem>>) src(%dma_wait3A_1262 : memref<1000000x64xf32, #tpu.memory_space<hbm>>) dst(%dma_wait3A_1256 : memref<26x64xf32, #tpu.memory_space<vmem>>)
      %mul3A_1263 = arith.constant 16 : i32
      %mul3A_1264 = arith.muli %add3A_1067, %mul3A_1263 : i32
      %add3A_1265 = arith.constant 13 : i32
      %add3A_1266 = arith.addi %mul3A_1264, %add3A_1265 : i32
      %dma_wait3A_1267 = arith.constant 13 : i32
      %dma_wait3A_1268 = arith.constant 0 : i32
      %dma_wait3A_1269 = arith.constant 0 : i32
      %dma_wait3A_1270 = tpu.memref_slice %arg7[%dma_wait3A_1267, %dma_wait3A_1268, %dma_wait3A_1269] : memref<16x26x64xf32, #tpu.memory_space<vmem>> -> memref<1x26x64xf32, #tpu.memory_space<vmem>>
      %dma_wait3A_1271 = tpu.memref_squeeze %dma_wait3A_1270 : memref<1x26x64xf32, #tpu.memory_space<vmem>> -> memref<26x64xf32, #tpu.memory_space<vmem>>
      %dma_wait3A_1272 = arith.constant 0 : i32
      %dma_wait3A_1273 = tpu.memref_slice %arg5[%add3A_1266, %dma_wait3A_1272] : memref<512x26xi32, #tpu.memory_space<vmem>> -> memref<1x26xi32, #tpu.memory_space<vmem>>
      %dma_wait3A_1274 = tpu.memref_squeeze %dma_wait3A_1273 : memref<1x26xi32, #tpu.memory_space<vmem>> -> memref<26xi32, #tpu.memory_space<vmem>>
      %dma_wait3A_1275 = arith.constant 0 : i32
      %dma_wait3A_1276 = arith.constant 0 : i32
      %dma_wait3A_1277 = tpu.memref_slice %arg3[%dma_wait3A_1275, %dma_wait3A_1276] : memref<1000000x64xf32, #tpu.memory_space<hbm>> -> memref<1000000x64xf32, #tpu.memory_space<hbm>>
      tpu.wait_indirect_dma semaphore(%arg11 : memref<!tpu.dma_semaphore, #tpu.memory_space<semaphore_mem>>) src(%dma_wait3A_1277 : memref<1000000x64xf32, #tpu.memory_space<hbm>>) dst(%dma_wait3A_1271 : memref<26x64xf32, #tpu.memory_space<vmem>>)
      %mul3A_1278 = arith.constant 16 : i32
      %mul3A_1279 = arith.muli %add3A_1067, %mul3A_1278 : i32
      %add3A_1280 = arith.constant 14 : i32
      %add3A_1281 = arith.addi %mul3A_1279, %add3A_1280 : i32
      %dma_wait3A_1282 = arith.constant 14 : i32
      %dma_wait3A_1283 = arith.constant 0 : i32
      %dma_wait3A_1284 = arith.constant 0 : i32
      %dma_wait3A_1285 = tpu.memref_slice %arg7[%dma_wait3A_1282, %dma_wait3A_1283, %dma_wait3A_1284] : memref<16x26x64xf32, #tpu.memory_space<vmem>> -> memref<1x26x64xf32, #tpu.memory_space<vmem>>
      %dma_wait3A_1286 = tpu.memref_squeeze %dma_wait3A_1285 : memref<1x26x64xf32, #tpu.memory_space<vmem>> -> memref<26x64xf32, #tpu.memory_space<vmem>>
      %dma_wait3A_1287 = arith.constant 0 : i32
      %dma_wait3A_1288 = tpu.memref_slice %arg5[%add3A_1281, %dma_wait3A_1287] : memref<512x26xi32, #tpu.memory_space<vmem>> -> memref<1x26xi32, #tpu.memory_space<vmem>>
      %dma_wait3A_1289 = tpu.memref_squeeze %dma_wait3A_1288 : memref<1x26xi32, #tpu.memory_space<vmem>> -> memref<26xi32, #tpu.memory_space<vmem>>
      %dma_wait3A_1290 = arith.constant 0 : i32
      %dma_wait3A_1291 = arith.constant 0 : i32
      %dma_wait3A_1292 = tpu.memref_slice %arg3[%dma_wait3A_1290, %dma_wait3A_1291] : memref<1000000x64xf32, #tpu.memory_space<hbm>> -> memref<1000000x64xf32, #tpu.memory_space<hbm>>
      tpu.wait_indirect_dma semaphore(%arg11 : memref<!tpu.dma_semaphore, #tpu.memory_space<semaphore_mem>>) src(%dma_wait3A_1292 : memref<1000000x64xf32, #tpu.memory_space<hbm>>) dst(%dma_wait3A_1286 : memref<26x64xf32, #tpu.memory_space<vmem>>)
      %mul3A_1293 = arith.constant 16 : i32
      %mul3A_1294 = arith.muli %add3A_1067, %mul3A_1293 : i32
      %add3A_1295 = arith.constant 15 : i32
      %add3A_1296 = arith.addi %mul3A_1294, %add3A_1295 : i32
      %dma_wait3A_1297 = arith.constant 15 : i32
      %dma_wait3A_1298 = arith.constant 0 : i32
      %dma_wait3A_1299 = arith.constant 0 : i32
      %dma_wait3A_1300 = tpu.memref_slice %arg7[%dma_wait3A_1297, %dma_wait3A_1298, %dma_wait3A_1299] : memref<16x26x64xf32, #tpu.memory_space<vmem>> -> memref<1x26x64xf32, #tpu.memory_space<vmem>>
      %dma_wait3A_1301 = tpu.memref_squeeze %dma_wait3A_1300 : memref<1x26x64xf32, #tpu.memory_space<vmem>> -> memref<26x64xf32, #tpu.memory_space<vmem>>
      %dma_wait3A_1302 = arith.constant 0 : i32
      %dma_wait3A_1303 = tpu.memref_slice %arg5[%add3A_1296, %dma_wait3A_1302] : memref<512x26xi32, #tpu.memory_space<vmem>> -> memref<1x26xi32, #tpu.memory_space<vmem>>
      %dma_wait3A_1304 = tpu.memref_squeeze %dma_wait3A_1303 : memref<1x26xi32, #tpu.memory_space<vmem>> -> memref<26xi32, #tpu.memory_space<vmem>>
      %dma_wait3A_1305 = arith.constant 0 : i32
      %dma_wait3A_1306 = arith.constant 0 : i32
      %dma_wait3A_1307 = tpu.memref_slice %arg3[%dma_wait3A_1305, %dma_wait3A_1306] : memref<1000000x64xf32, #tpu.memory_space<hbm>> -> memref<1000000x64xf32, #tpu.memory_space<hbm>>
      tpu.wait_indirect_dma semaphore(%arg11 : memref<!tpu.dma_semaphore, #tpu.memory_space<semaphore_mem>>) src(%dma_wait3A_1307 : memref<1000000x64xf32, #tpu.memory_space<hbm>>) dst(%dma_wait3A_1301 : memref<26x64xf32, #tpu.memory_space<vmem>>)
      %mul3A_1308 = arith.constant 4 : i32
      %mul3A_1309 = arith.muli %scan3A_806, %mul3A_1308 : i32
      %add3A_1310 = arith.constant 1 : i32
      %add3A_1311 = arith.addi %mul3A_1309, %add3A_1310 : i32
      %mul3A_1312 = arith.constant 16 : i32
      %mul3A_1313 = arith.muli %add3A_1311, %mul3A_1312 : i32
      %add3A_1314 = arith.addi %mul3A_2, %mul3A_1313 : i32
      %dma_start3A_1315 = arith.constant 0 : i32
      %dma_start3A_1316 = arith.constant 0 : i32
      %dma_start3A_1317 = tpu.memref_slice %arg4[%add3A_1314, %dma_start3A_1315, %dma_start3A_1316] : memref<16384x26x64xf32, #tpu.memory_space<hbm>> -> memref<16x26x64xf32, #tpu.memory_space<hbm>>
      %dma_start3A_1318 = arith.constant 0 : i32
      %dma_start3A_1319 = arith.constant 0 : i32
      %dma_start3A_1320 = tpu.memref_slice %arg4[%add3A_1314, %dma_start3A_1318, %dma_start3A_1319] : memref<16384x26x64xf32, #tpu.memory_space<hbm>> -> memref<16x26x64xf32, #tpu.memory_space<hbm>>
      tpu.enqueue_dma source(%arg7 : memref<16x26x64xf32, #tpu.memory_space<vmem>>) target(%dma_start3A_1320 : memref<16x26x64xf32, #tpu.memory_space<hbm>>) target_semaphore(%arg15 : memref<!tpu.dma_semaphore, #tpu.memory_space<semaphore_mem>>)
      %mul3A_1321 = arith.constant 4 : i32
      %mul3A_1322 = arith.muli %scan3A_806, %mul3A_1321 : i32
      %add3A_1323 = arith.constant 2 : i32
      %add3A_1324 = arith.addi %mul3A_1322, %add3A_1323 : i32
      %mul3A_1325 = arith.constant 16 : i32
      %mul3A_1326 = arith.muli %add3A_1324, %mul3A_1325 : i32
      %add3A_1327 = arith.constant 0 : i32
      %add3A_1328 = arith.addi %mul3A_1326, %add3A_1327 : i32
      %dma_wait3A_1329 = arith.constant 0 : i32
      %dma_wait3A_1330 = arith.constant 0 : i32
      %dma_wait3A_1331 = arith.constant 0 : i32
      %dma_wait3A_1332 = tpu.memref_slice %arg8[%dma_wait3A_1329, %dma_wait3A_1330, %dma_wait3A_1331] : memref<16x26x64xf32, #tpu.memory_space<vmem>> -> memref<1x26x64xf32, #tpu.memory_space<vmem>>
      %dma_wait3A_1333 = tpu.memref_squeeze %dma_wait3A_1332 : memref<1x26x64xf32, #tpu.memory_space<vmem>> -> memref<26x64xf32, #tpu.memory_space<vmem>>
      %dma_wait3A_1334 = arith.constant 0 : i32
      %dma_wait3A_1335 = tpu.memref_slice %arg5[%add3A_1328, %dma_wait3A_1334] : memref<512x26xi32, #tpu.memory_space<vmem>> -> memref<1x26xi32, #tpu.memory_space<vmem>>
      %dma_wait3A_1336 = tpu.memref_squeeze %dma_wait3A_1335 : memref<1x26xi32, #tpu.memory_space<vmem>> -> memref<26xi32, #tpu.memory_space<vmem>>
      %dma_wait3A_1337 = arith.constant 0 : i32
      %dma_wait3A_1338 = arith.constant 0 : i32
      %dma_wait3A_1339 = tpu.memref_slice %arg3[%dma_wait3A_1337, %dma_wait3A_1338] : memref<1000000x64xf32, #tpu.memory_space<hbm>> -> memref<1000000x64xf32, #tpu.memory_space<hbm>>
      tpu.wait_indirect_dma semaphore(%arg12 : memref<!tpu.dma_semaphore, #tpu.memory_space<semaphore_mem>>) src(%dma_wait3A_1339 : memref<1000000x64xf32, #tpu.memory_space<hbm>>) dst(%dma_wait3A_1333 : memref<26x64xf32, #tpu.memory_space<vmem>>)
      %mul3A_1340 = arith.constant 16 : i32
      %mul3A_1341 = arith.muli %add3A_1324, %mul3A_1340 : i32
      %add3A_1342 = arith.constant 1 : i32
      %add3A_1343 = arith.addi %mul3A_1341, %add3A_1342 : i32
      %dma_wait3A_1344 = arith.constant 1 : i32
      %dma_wait3A_1345 = arith.constant 0 : i32
      %dma_wait3A_1346 = arith.constant 0 : i32
      %dma_wait3A_1347 = tpu.memref_slice %arg8[%dma_wait3A_1344, %dma_wait3A_1345, %dma_wait3A_1346] : memref<16x26x64xf32, #tpu.memory_space<vmem>> -> memref<1x26x64xf32, #tpu.memory_space<vmem>>
      %dma_wait3A_1348 = tpu.memref_squeeze %dma_wait3A_1347 : memref<1x26x64xf32, #tpu.memory_space<vmem>> -> memref<26x64xf32, #tpu.memory_space<vmem>>
      %dma_wait3A_1349 = arith.constant 0 : i32
      %dma_wait3A_1350 = tpu.memref_slice %arg5[%add3A_1343, %dma_wait3A_1349] : memref<512x26xi32, #tpu.memory_space<vmem>> -> memref<1x26xi32, #tpu.memory_space<vmem>>
      %dma_wait3A_1351 = tpu.memref_squeeze %dma_wait3A_1350 : memref<1x26xi32, #tpu.memory_space<vmem>> -> memref<26xi32, #tpu.memory_space<vmem>>
      %dma_wait3A_1352 = arith.constant 0 : i32
      %dma_wait3A_1353 = arith.constant 0 : i32
      %dma_wait3A_1354 = tpu.memref_slice %arg3[%dma_wait3A_1352, %dma_wait3A_1353] : memref<1000000x64xf32, #tpu.memory_space<hbm>> -> memref<1000000x64xf32, #tpu.memory_space<hbm>>
      tpu.wait_indirect_dma semaphore(%arg12 : memref<!tpu.dma_semaphore, #tpu.memory_space<semaphore_mem>>) src(%dma_wait3A_1354 : memref<1000000x64xf32, #tpu.memory_space<hbm>>) dst(%dma_wait3A_1348 : memref<26x64xf32, #tpu.memory_space<vmem>>)
      %mul3A_1355 = arith.constant 16 : i32
      %mul3A_1356 = arith.muli %add3A_1324, %mul3A_1355 : i32
      %add3A_1357 = arith.constant 2 : i32
      %add3A_1358 = arith.addi %mul3A_1356, %add3A_1357 : i32
      %dma_wait3A_1359 = arith.constant 2 : i32
      %dma_wait3A_1360 = arith.constant 0 : i32
      %dma_wait3A_1361 = arith.constant 0 : i32
      %dma_wait3A_1362 = tpu.memref_slice %arg8[%dma_wait3A_1359, %dma_wait3A_1360, %dma_wait3A_1361] : memref<16x26x64xf32, #tpu.memory_space<vmem>> -> memref<1x26x64xf32, #tpu.memory_space<vmem>>
      %dma_wait3A_1363 = tpu.memref_squeeze %dma_wait3A_1362 : memref<1x26x64xf32, #tpu.memory_space<vmem>> -> memref<26x64xf32, #tpu.memory_space<vmem>>
      %dma_wait3A_1364 = arith.constant 0 : i32
      %dma_wait3A_1365 = tpu.memref_slice %arg5[%add3A_1358, %dma_wait3A_1364] : memref<512x26xi32, #tpu.memory_space<vmem>> -> memref<1x26xi32, #tpu.memory_space<vmem>>
      %dma_wait3A_1366 = tpu.memref_squeeze %dma_wait3A_1365 : memref<1x26xi32, #tpu.memory_space<vmem>> -> memref<26xi32, #tpu.memory_space<vmem>>
      %dma_wait3A_1367 = arith.constant 0 : i32
      %dma_wait3A_1368 = arith.constant 0 : i32
      %dma_wait3A_1369 = tpu.memref_slice %arg3[%dma_wait3A_1367, %dma_wait3A_1368] : memref<1000000x64xf32, #tpu.memory_space<hbm>> -> memref<1000000x64xf32, #tpu.memory_space<hbm>>
      tpu.wait_indirect_dma semaphore(%arg12 : memref<!tpu.dma_semaphore, #tpu.memory_space<semaphore_mem>>) src(%dma_wait3A_1369 : memref<1000000x64xf32, #tpu.memory_space<hbm>>) dst(%dma_wait3A_1363 : memref<26x64xf32, #tpu.memory_space<vmem>>)
      %mul3A_1370 = arith.constant 16 : i32
      %mul3A_1371 = arith.muli %add3A_1324, %mul3A_1370 : i32
      %add3A_1372 = arith.constant 3 : i32
      %add3A_1373 = arith.addi %mul3A_1371, %add3A_1372 : i32
      %dma_wait3A_1374 = arith.constant 3 : i32
      %dma_wait3A_1375 = arith.constant 0 : i32
      %dma_wait3A_1376 = arith.constant 0 : i32
      %dma_wait3A_1377 = tpu.memref_slice %arg8[%dma_wait3A_1374, %dma_wait3A_1375, %dma_wait3A_1376] : memref<16x26x64xf32, #tpu.memory_space<vmem>> -> memref<1x26x64xf32, #tpu.memory_space<vmem>>
      %dma_wait3A_1378 = tpu.memref_squeeze %dma_wait3A_1377 : memref<1x26x64xf32, #tpu.memory_space<vmem>> -> memref<26x64xf32, #tpu.memory_space<vmem>>
      %dma_wait3A_1379 = arith.constant 0 : i32
      %dma_wait3A_1380 = tpu.memref_slice %arg5[%add3A_1373, %dma_wait3A_1379] : memref<512x26xi32, #tpu.memory_space<vmem>> -> memref<1x26xi32, #tpu.memory_space<vmem>>
      %dma_wait3A_1381 = tpu.memref_squeeze %dma_wait3A_1380 : memref<1x26xi32, #tpu.memory_space<vmem>> -> memref<26xi32, #tpu.memory_space<vmem>>
      %dma_wait3A_1382 = arith.constant 0 : i32
      %dma_wait3A_1383 = arith.constant 0 : i32
      %dma_wait3A_1384 = tpu.memref_slice %arg3[%dma_wait3A_1382, %dma_wait3A_1383] : memref<1000000x64xf32, #tpu.memory_space<hbm>> -> memref<1000000x64xf32, #tpu.memory_space<hbm>>
      tpu.wait_indirect_dma semaphore(%arg12 : memref<!tpu.dma_semaphore, #tpu.memory_space<semaphore_mem>>) src(%dma_wait3A_1384 : memref<1000000x64xf32, #tpu.memory_space<hbm>>) dst(%dma_wait3A_1378 : memref<26x64xf32, #tpu.memory_space<vmem>>)
      %mul3A_1385 = arith.constant 16 : i32
      %mul3A_1386 = arith.muli %add3A_1324, %mul3A_1385 : i32
      %add3A_1387 = arith.constant 4 : i32
      %add3A_1388 = arith.addi %mul3A_1386, %add3A_1387 : i32
      %dma_wait3A_1389 = arith.constant 4 : i32
      %dma_wait3A_1390 = arith.constant 0 : i32
      %dma_wait3A_1391 = arith.constant 0 : i32
      %dma_wait3A_1392 = tpu.memref_slice %arg8[%dma_wait3A_1389, %dma_wait3A_1390, %dma_wait3A_1391] : memref<16x26x64xf32, #tpu.memory_space<vmem>> -> memref<1x26x64xf32, #tpu.memory_space<vmem>>
      %dma_wait3A_1393 = tpu.memref_squeeze %dma_wait3A_1392 : memref<1x26x64xf32, #tpu.memory_space<vmem>> -> memref<26x64xf32, #tpu.memory_space<vmem>>
      %dma_wait3A_1394 = arith.constant 0 : i32
      %dma_wait3A_1395 = tpu.memref_slice %arg5[%add3A_1388, %dma_wait3A_1394] : memref<512x26xi32, #tpu.memory_space<vmem>> -> memref<1x26xi32, #tpu.memory_space<vmem>>
      %dma_wait3A_1396 = tpu.memref_squeeze %dma_wait3A_1395 : memref<1x26xi32, #tpu.memory_space<vmem>> -> memref<26xi32, #tpu.memory_space<vmem>>
      %dma_wait3A_1397 = arith.constant 0 : i32
      %dma_wait3A_1398 = arith.constant 0 : i32
      %dma_wait3A_1399 = tpu.memref_slice %arg3[%dma_wait3A_1397, %dma_wait3A_1398] : memref<1000000x64xf32, #tpu.memory_space<hbm>> -> memref<1000000x64xf32, #tpu.memory_space<hbm>>
      tpu.wait_indirect_dma semaphore(%arg12 : memref<!tpu.dma_semaphore, #tpu.memory_space<semaphore_mem>>) src(%dma_wait3A_1399 : memref<1000000x64xf32, #tpu.memory_space<hbm>>) dst(%dma_wait3A_1393 : memref<26x64xf32, #tpu.memory_space<vmem>>)
      %mul3A_1400 = arith.constant 16 : i32
      %mul3A_1401 = arith.muli %add3A_1324, %mul3A_1400 : i32
      %add3A_1402 = arith.constant 5 : i32
      %add3A_1403 = arith.addi %mul3A_1401, %add3A_1402 : i32
      %dma_wait3A_1404 = arith.constant 5 : i32
      %dma_wait3A_1405 = arith.constant 0 : i32
      %dma_wait3A_1406 = arith.constant 0 : i32
      %dma_wait3A_1407 = tpu.memref_slice %arg8[%dma_wait3A_1404, %dma_wait3A_1405, %dma_wait3A_1406] : memref<16x26x64xf32, #tpu.memory_space<vmem>> -> memref<1x26x64xf32, #tpu.memory_space<vmem>>
      %dma_wait3A_1408 = tpu.memref_squeeze %dma_wait3A_1407 : memref<1x26x64xf32, #tpu.memory_space<vmem>> -> memref<26x64xf32, #tpu.memory_space<vmem>>
      %dma_wait3A_1409 = arith.constant 0 : i32
      %dma_wait3A_1410 = tpu.memref_slice %arg5[%add3A_1403, %dma_wait3A_1409] : memref<512x26xi32, #tpu.memory_space<vmem>> -> memref<1x26xi32, #tpu.memory_space<vmem>>
      %dma_wait3A_1411 = tpu.memref_squeeze %dma_wait3A_1410 : memref<1x26xi32, #tpu.memory_space<vmem>> -> memref<26xi32, #tpu.memory_space<vmem>>
      %dma_wait3A_1412 = arith.constant 0 : i32
      %dma_wait3A_1413 = arith.constant 0 : i32
      %dma_wait3A_1414 = tpu.memref_slice %arg3[%dma_wait3A_1412, %dma_wait3A_1413] : memref<1000000x64xf32, #tpu.memory_space<hbm>> -> memref<1000000x64xf32, #tpu.memory_space<hbm>>
      tpu.wait_indirect_dma semaphore(%arg12 : memref<!tpu.dma_semaphore, #tpu.memory_space<semaphore_mem>>) src(%dma_wait3A_1414 : memref<1000000x64xf32, #tpu.memory_space<hbm>>) dst(%dma_wait3A_1408 : memref<26x64xf32, #tpu.memory_space<vmem>>)
      %mul3A_1415 = arith.constant 16 : i32
      %mul3A_1416 = arith.muli %add3A_1324, %mul3A_1415 : i32
      %add3A_1417 = arith.constant 6 : i32
      %add3A_1418 = arith.addi %mul3A_1416, %add3A_1417 : i32
      %dma_wait3A_1419 = arith.constant 6 : i32
      %dma_wait3A_1420 = arith.constant 0 : i32
      %dma_wait3A_1421 = arith.constant 0 : i32
      %dma_wait3A_1422 = tpu.memref_slice %arg8[%dma_wait3A_1419, %dma_wait3A_1420, %dma_wait3A_1421] : memref<16x26x64xf32, #tpu.memory_space<vmem>> -> memref<1x26x64xf32, #tpu.memory_space<vmem>>
      %dma_wait3A_1423 = tpu.memref_squeeze %dma_wait3A_1422 : memref<1x26x64xf32, #tpu.memory_space<vmem>> -> memref<26x64xf32, #tpu.memory_space<vmem>>
      %dma_wait3A_1424 = arith.constant 0 : i32
      %dma_wait3A_1425 = tpu.memref_slice %arg5[%add3A_1418, %dma_wait3A_1424] : memref<512x26xi32, #tpu.memory_space<vmem>> -> memref<1x26xi32, #tpu.memory_space<vmem>>
      %dma_wait3A_1426 = tpu.memref_squeeze %dma_wait3A_1425 : memref<1x26xi32, #tpu.memory_space<vmem>> -> memref<26xi32, #tpu.memory_space<vmem>>
      %dma_wait3A_1427 = arith.constant 0 : i32
      %dma_wait3A_1428 = arith.constant 0 : i32
      %dma_wait3A_1429 = tpu.memref_slice %arg3[%dma_wait3A_1427, %dma_wait3A_1428] : memref<1000000x64xf32, #tpu.memory_space<hbm>> -> memref<1000000x64xf32, #tpu.memory_space<hbm>>
      tpu.wait_indirect_dma semaphore(%arg12 : memref<!tpu.dma_semaphore, #tpu.memory_space<semaphore_mem>>) src(%dma_wait3A_1429 : memref<1000000x64xf32, #tpu.memory_space<hbm>>) dst(%dma_wait3A_1423 : memref<26x64xf32, #tpu.memory_space<vmem>>)
      %mul3A_1430 = arith.constant 16 : i32
      %mul3A_1431 = arith.muli %add3A_1324, %mul3A_1430 : i32
      %add3A_1432 = arith.constant 7 : i32
      %add3A_1433 = arith.addi %mul3A_1431, %add3A_1432 : i32
      %dma_wait3A_1434 = arith.constant 7 : i32
      %dma_wait3A_1435 = arith.constant 0 : i32
      %dma_wait3A_1436 = arith.constant 0 : i32
      %dma_wait3A_1437 = tpu.memref_slice %arg8[%dma_wait3A_1434, %dma_wait3A_1435, %dma_wait3A_1436] : memref<16x26x64xf32, #tpu.memory_space<vmem>> -> memref<1x26x64xf32, #tpu.memory_space<vmem>>
      %dma_wait3A_1438 = tpu.memref_squeeze %dma_wait3A_1437 : memref<1x26x64xf32, #tpu.memory_space<vmem>> -> memref<26x64xf32, #tpu.memory_space<vmem>>
      %dma_wait3A_1439 = arith.constant 0 : i32
      %dma_wait3A_1440 = tpu.memref_slice %arg5[%add3A_1433, %dma_wait3A_1439] : memref<512x26xi32, #tpu.memory_space<vmem>> -> memref<1x26xi32, #tpu.memory_space<vmem>>
      %dma_wait3A_1441 = tpu.memref_squeeze %dma_wait3A_1440 : memref<1x26xi32, #tpu.memory_space<vmem>> -> memref<26xi32, #tpu.memory_space<vmem>>
      %dma_wait3A_1442 = arith.constant 0 : i32
      %dma_wait3A_1443 = arith.constant 0 : i32
      %dma_wait3A_1444 = tpu.memref_slice %arg3[%dma_wait3A_1442, %dma_wait3A_1443] : memref<1000000x64xf32, #tpu.memory_space<hbm>> -> memref<1000000x64xf32, #tpu.memory_space<hbm>>
      tpu.wait_indirect_dma semaphore(%arg12 : memref<!tpu.dma_semaphore, #tpu.memory_space<semaphore_mem>>) src(%dma_wait3A_1444 : memref<1000000x64xf32, #tpu.memory_space<hbm>>) dst(%dma_wait3A_1438 : memref<26x64xf32, #tpu.memory_space<vmem>>)
      %mul3A_1445 = arith.constant 16 : i32
      %mul3A_1446 = arith.muli %add3A_1324, %mul3A_1445 : i32
      %add3A_1447 = arith.constant 8 : i32
      %add3A_1448 = arith.addi %mul3A_1446, %add3A_1447 : i32
      %dma_wait3A_1449 = arith.constant 8 : i32
      %dma_wait3A_1450 = arith.constant 0 : i32
      %dma_wait3A_1451 = arith.constant 0 : i32
      %dma_wait3A_1452 = tpu.memref_slice %arg8[%dma_wait3A_1449, %dma_wait3A_1450, %dma_wait3A_1451] : memref<16x26x64xf32, #tpu.memory_space<vmem>> -> memref<1x26x64xf32, #tpu.memory_space<vmem>>
      %dma_wait3A_1453 = tpu.memref_squeeze %dma_wait3A_1452 : memref<1x26x64xf32, #tpu.memory_space<vmem>> -> memref<26x64xf32, #tpu.memory_space<vmem>>
      %dma_wait3A_1454 = arith.constant 0 : i32
      %dma_wait3A_1455 = tpu.memref_slice %arg5[%add3A_1448, %dma_wait3A_1454] : memref<512x26xi32, #tpu.memory_space<vmem>> -> memref<1x26xi32, #tpu.memory_space<vmem>>
      %dma_wait3A_1456 = tpu.memref_squeeze %dma_wait3A_1455 : memref<1x26xi32, #tpu.memory_space<vmem>> -> memref<26xi32, #tpu.memory_space<vmem>>
      %dma_wait3A_1457 = arith.constant 0 : i32
      %dma_wait3A_1458 = arith.constant 0 : i32
      %dma_wait3A_1459 = tpu.memref_slice %arg3[%dma_wait3A_1457, %dma_wait3A_1458] : memref<1000000x64xf32, #tpu.memory_space<hbm>> -> memref<1000000x64xf32, #tpu.memory_space<hbm>>
      tpu.wait_indirect_dma semaphore(%arg12 : memref<!tpu.dma_semaphore, #tpu.memory_space<semaphore_mem>>) src(%dma_wait3A_1459 : memref<1000000x64xf32, #tpu.memory_space<hbm>>) dst(%dma_wait3A_1453 : memref<26x64xf32, #tpu.memory_space<vmem>>)
      %mul3A_1460 = arith.constant 16 : i32
      %mul3A_1461 = arith.muli %add3A_1324, %mul3A_1460 : i32
      %add3A_1462 = arith.constant 9 : i32
      %add3A_1463 = arith.addi %mul3A_1461, %add3A_1462 : i32
      %dma_wait3A_1464 = arith.constant 9 : i32
      %dma_wait3A_1465 = arith.constant 0 : i32
      %dma_wait3A_1466 = arith.constant 0 : i32
      %dma_wait3A_1467 = tpu.memref_slice %arg8[%dma_wait3A_1464, %dma_wait3A_1465, %dma_wait3A_1466] : memref<16x26x64xf32, #tpu.memory_space<vmem>> -> memref<1x26x64xf32, #tpu.memory_space<vmem>>
      %dma_wait3A_1468 = tpu.memref_squeeze %dma_wait3A_1467 : memref<1x26x64xf32, #tpu.memory_space<vmem>> -> memref<26x64xf32, #tpu.memory_space<vmem>>
      %dma_wait3A_1469 = arith.constant 0 : i32
      %dma_wait3A_1470 = tpu.memref_slice %arg5[%add3A_1463, %dma_wait3A_1469] : memref<512x26xi32, #tpu.memory_space<vmem>> -> memref<1x26xi32, #tpu.memory_space<vmem>>
      %dma_wait3A_1471 = tpu.memref_squeeze %dma_wait3A_1470 : memref<1x26xi32, #tpu.memory_space<vmem>> -> memref<26xi32, #tpu.memory_space<vmem>>
      %dma_wait3A_1472 = arith.constant 0 : i32
      %dma_wait3A_1473 = arith.constant 0 : i32
      %dma_wait3A_1474 = tpu.memref_slice %arg3[%dma_wait3A_1472, %dma_wait3A_1473] : memref<1000000x64xf32, #tpu.memory_space<hbm>> -> memref<1000000x64xf32, #tpu.memory_space<hbm>>
      tpu.wait_indirect_dma semaphore(%arg12 : memref<!tpu.dma_semaphore, #tpu.memory_space<semaphore_mem>>) src(%dma_wait3A_1474 : memref<1000000x64xf32, #tpu.memory_space<hbm>>) dst(%dma_wait3A_1468 : memref<26x64xf32, #tpu.memory_space<vmem>>)
      %mul3A_1475 = arith.constant 16 : i32
      %mul3A_1476 = arith.muli %add3A_1324, %mul3A_1475 : i32
      %add3A_1477 = arith.constant 10 : i32
      %add3A_1478 = arith.addi %mul3A_1476, %add3A_1477 : i32
      %dma_wait3A_1479 = arith.constant 10 : i32
      %dma_wait3A_1480 = arith.constant 0 : i32
      %dma_wait3A_1481 = arith.constant 0 : i32
      %dma_wait3A_1482 = tpu.memref_slice %arg8[%dma_wait3A_1479, %dma_wait3A_1480, %dma_wait3A_1481] : memref<16x26x64xf32, #tpu.memory_space<vmem>> -> memref<1x26x64xf32, #tpu.memory_space<vmem>>
      %dma_wait3A_1483 = tpu.memref_squeeze %dma_wait3A_1482 : memref<1x26x64xf32, #tpu.memory_space<vmem>> -> memref<26x64xf32, #tpu.memory_space<vmem>>
      %dma_wait3A_1484 = arith.constant 0 : i32
      %dma_wait3A_1485 = tpu.memref_slice %arg5[%add3A_1478, %dma_wait3A_1484] : memref<512x26xi32, #tpu.memory_space<vmem>> -> memref<1x26xi32, #tpu.memory_space<vmem>>
      %dma_wait3A_1486 = tpu.memref_squeeze %dma_wait3A_1485 : memref<1x26xi32, #tpu.memory_space<vmem>> -> memref<26xi32, #tpu.memory_space<vmem>>
      %dma_wait3A_1487 = arith.constant 0 : i32
      %dma_wait3A_1488 = arith.constant 0 : i32
      %dma_wait3A_1489 = tpu.memref_slice %arg3[%dma_wait3A_1487, %dma_wait3A_1488] : memref<1000000x64xf32, #tpu.memory_space<hbm>> -> memref<1000000x64xf32, #tpu.memory_space<hbm>>
      tpu.wait_indirect_dma semaphore(%arg12 : memref<!tpu.dma_semaphore, #tpu.memory_space<semaphore_mem>>) src(%dma_wait3A_1489 : memref<1000000x64xf32, #tpu.memory_space<hbm>>) dst(%dma_wait3A_1483 : memref<26x64xf32, #tpu.memory_space<vmem>>)
      %mul3A_1490 = arith.constant 16 : i32
      %mul3A_1491 = arith.muli %add3A_1324, %mul3A_1490 : i32
      %add3A_1492 = arith.constant 11 : i32
      %add3A_1493 = arith.addi %mul3A_1491, %add3A_1492 : i32
      %dma_wait3A_1494 = arith.constant 11 : i32
      %dma_wait3A_1495 = arith.constant 0 : i32
      %dma_wait3A_1496 = arith.constant 0 : i32
      %dma_wait3A_1497 = tpu.memref_slice %arg8[%dma_wait3A_1494, %dma_wait3A_1495, %dma_wait3A_1496] : memref<16x26x64xf32, #tpu.memory_space<vmem>> -> memref<1x26x64xf32, #tpu.memory_space<vmem>>
      %dma_wait3A_1498 = tpu.memref_squeeze %dma_wait3A_1497 : memref<1x26x64xf32, #tpu.memory_space<vmem>> -> memref<26x64xf32, #tpu.memory_space<vmem>>
      %dma_wait3A_1499 = arith.constant 0 : i32
      %dma_wait3A_1500 = tpu.memref_slice %arg5[%add3A_1493, %dma_wait3A_1499] : memref<512x26xi32, #tpu.memory_space<vmem>> -> memref<1x26xi32, #tpu.memory_space<vmem>>
      %dma_wait3A_1501 = tpu.memref_squeeze %dma_wait3A_1500 : memref<1x26xi32, #tpu.memory_space<vmem>> -> memref<26xi32, #tpu.memory_space<vmem>>
      %dma_wait3A_1502 = arith.constant 0 : i32
      %dma_wait3A_1503 = arith.constant 0 : i32
      %dma_wait3A_1504 = tpu.memref_slice %arg3[%dma_wait3A_1502, %dma_wait3A_1503] : memref<1000000x64xf32, #tpu.memory_space<hbm>> -> memref<1000000x64xf32, #tpu.memory_space<hbm>>
      tpu.wait_indirect_dma semaphore(%arg12 : memref<!tpu.dma_semaphore, #tpu.memory_space<semaphore_mem>>) src(%dma_wait3A_1504 : memref<1000000x64xf32, #tpu.memory_space<hbm>>) dst(%dma_wait3A_1498 : memref<26x64xf32, #tpu.memory_space<vmem>>)
      %mul3A_1505 = arith.constant 16 : i32
      %mul3A_1506 = arith.muli %add3A_1324, %mul3A_1505 : i32
      %add3A_1507 = arith.constant 12 : i32
      %add3A_1508 = arith.addi %mul3A_1506, %add3A_1507 : i32
      %dma_wait3A_1509 = arith.constant 12 : i32
      %dma_wait3A_1510 = arith.constant 0 : i32
      %dma_wait3A_1511 = arith.constant 0 : i32
      %dma_wait3A_1512 = tpu.memref_slice %arg8[%dma_wait3A_1509, %dma_wait3A_1510, %dma_wait3A_1511] : memref<16x26x64xf32, #tpu.memory_space<vmem>> -> memref<1x26x64xf32, #tpu.memory_space<vmem>>
      %dma_wait3A_1513 = tpu.memref_squeeze %dma_wait3A_1512 : memref<1x26x64xf32, #tpu.memory_space<vmem>> -> memref<26x64xf32, #tpu.memory_space<vmem>>
      %dma_wait3A_1514 = arith.constant 0 : i32
      %dma_wait3A_1515 = tpu.memref_slice %arg5[%add3A_1508, %dma_wait3A_1514] : memref<512x26xi32, #tpu.memory_space<vmem>> -> memref<1x26xi32, #tpu.memory_space<vmem>>
      %dma_wait3A_1516 = tpu.memref_squeeze %dma_wait3A_1515 : memref<1x26xi32, #tpu.memory_space<vmem>> -> memref<26xi32, #tpu.memory_space<vmem>>
      %dma_wait3A_1517 = arith.constant 0 : i32
      %dma_wait3A_1518 = arith.constant 0 : i32
      %dma_wait3A_1519 = tpu.memref_slice %arg3[%dma_wait3A_1517, %dma_wait3A_1518] : memref<1000000x64xf32, #tpu.memory_space<hbm>> -> memref<1000000x64xf32, #tpu.memory_space<hbm>>
      tpu.wait_indirect_dma semaphore(%arg12 : memref<!tpu.dma_semaphore, #tpu.memory_space<semaphore_mem>>) src(%dma_wait3A_1519 : memref<1000000x64xf32, #tpu.memory_space<hbm>>) dst(%dma_wait3A_1513 : memref<26x64xf32, #tpu.memory_space<vmem>>)
      %mul3A_1520 = arith.constant 16 : i32
      %mul3A_1521 = arith.muli %add3A_1324, %mul3A_1520 : i32
      %add3A_1522 = arith.constant 13 : i32
      %add3A_1523 = arith.addi %mul3A_1521, %add3A_1522 : i32
      %dma_wait3A_1524 = arith.constant 13 : i32
      %dma_wait3A_1525 = arith.constant 0 : i32
      %dma_wait3A_1526 = arith.constant 0 : i32
      %dma_wait3A_1527 = tpu.memref_slice %arg8[%dma_wait3A_1524, %dma_wait3A_1525, %dma_wait3A_1526] : memref<16x26x64xf32, #tpu.memory_space<vmem>> -> memref<1x26x64xf32, #tpu.memory_space<vmem>>
      %dma_wait3A_1528 = tpu.memref_squeeze %dma_wait3A_1527 : memref<1x26x64xf32, #tpu.memory_space<vmem>> -> memref<26x64xf32, #tpu.memory_space<vmem>>
      %dma_wait3A_1529 = arith.constant 0 : i32
      %dma_wait3A_1530 = tpu.memref_slice %arg5[%add3A_1523, %dma_wait3A_1529] : memref<512x26xi32, #tpu.memory_space<vmem>> -> memref<1x26xi32, #tpu.memory_space<vmem>>
      %dma_wait3A_1531 = tpu.memref_squeeze %dma_wait3A_1530 : memref<1x26xi32, #tpu.memory_space<vmem>> -> memref<26xi32, #tpu.memory_space<vmem>>
      %dma_wait3A_1532 = arith.constant 0 : i32
      %dma_wait3A_1533 = arith.constant 0 : i32
      %dma_wait3A_1534 = tpu.memref_slice %arg3[%dma_wait3A_1532, %dma_wait3A_1533] : memref<1000000x64xf32, #tpu.memory_space<hbm>> -> memref<1000000x64xf32, #tpu.memory_space<hbm>>
      tpu.wait_indirect_dma semaphore(%arg12 : memref<!tpu.dma_semaphore, #tpu.memory_space<semaphore_mem>>) src(%dma_wait3A_1534 : memref<1000000x64xf32, #tpu.memory_space<hbm>>) dst(%dma_wait3A_1528 : memref<26x64xf32, #tpu.memory_space<vmem>>)
      %mul3A_1535 = arith.constant 16 : i32
      %mul3A_1536 = arith.muli %add3A_1324, %mul3A_1535 : i32
      %add3A_1537 = arith.constant 14 : i32
      %add3A_1538 = arith.addi %mul3A_1536, %add3A_1537 : i32
      %dma_wait3A_1539 = arith.constant 14 : i32
      %dma_wait3A_1540 = arith.constant 0 : i32
      %dma_wait3A_1541 = arith.constant 0 : i32
      %dma_wait3A_1542 = tpu.memref_slice %arg8[%dma_wait3A_1539, %dma_wait3A_1540, %dma_wait3A_1541] : memref<16x26x64xf32, #tpu.memory_space<vmem>> -> memref<1x26x64xf32, #tpu.memory_space<vmem>>
      %dma_wait3A_1543 = tpu.memref_squeeze %dma_wait3A_1542 : memref<1x26x64xf32, #tpu.memory_space<vmem>> -> memref<26x64xf32, #tpu.memory_space<vmem>>
      %dma_wait3A_1544 = arith.constant 0 : i32
      %dma_wait3A_1545 = tpu.memref_slice %arg5[%add3A_1538, %dma_wait3A_1544] : memref<512x26xi32, #tpu.memory_space<vmem>> -> memref<1x26xi32, #tpu.memory_space<vmem>>
      %dma_wait3A_1546 = tpu.memref_squeeze %dma_wait3A_1545 : memref<1x26xi32, #tpu.memory_space<vmem>> -> memref<26xi32, #tpu.memory_space<vmem>>
      %dma_wait3A_1547 = arith.constant 0 : i32
      %dma_wait3A_1548 = arith.constant 0 : i32
      %dma_wait3A_1549 = tpu.memref_slice %arg3[%dma_wait3A_1547, %dma_wait3A_1548] : memref<1000000x64xf32, #tpu.memory_space<hbm>> -> memref<1000000x64xf32, #tpu.memory_space<hbm>>
      tpu.wait_indirect_dma semaphore(%arg12 : memref<!tpu.dma_semaphore, #tpu.memory_space<semaphore_mem>>) src(%dma_wait3A_1549 : memref<1000000x64xf32, #tpu.memory_space<hbm>>) dst(%dma_wait3A_1543 : memref<26x64xf32, #tpu.memory_space<vmem>>)
      %mul3A_1550 = arith.constant 16 : i32
      %mul3A_1551 = arith.muli %add3A_1324, %mul3A_1550 : i32
      %add3A_1552 = arith.constant 15 : i32
      %add3A_1553 = arith.addi %mul3A_1551, %add3A_1552 : i32
      %dma_wait3A_1554 = arith.constant 15 : i32
      %dma_wait3A_1555 = arith.constant 0 : i32
      %dma_wait3A_1556 = arith.constant 0 : i32
      %dma_wait3A_1557 = tpu.memref_slice %arg8[%dma_wait3A_1554, %dma_wait3A_1555, %dma_wait3A_1556] : memref<16x26x64xf32, #tpu.memory_space<vmem>> -> memref<1x26x64xf32, #tpu.memory_space<vmem>>
      %dma_wait3A_1558 = tpu.memref_squeeze %dma_wait3A_1557 : memref<1x26x64xf32, #tpu.memory_space<vmem>> -> memref<26x64xf32, #tpu.memory_space<vmem>>
      %dma_wait3A_1559 = arith.constant 0 : i32
      %dma_wait3A_1560 = tpu.memref_slice %arg5[%add3A_1553, %dma_wait3A_1559] : memref<512x26xi32, #tpu.memory_space<vmem>> -> memref<1x26xi32, #tpu.memory_space<vmem>>
      %dma_wait3A_1561 = tpu.memref_squeeze %dma_wait3A_1560 : memref<1x26xi32, #tpu.memory_space<vmem>> -> memref<26xi32, #tpu.memory_space<vmem>>
      %dma_wait3A_1562 = arith.constant 0 : i32
      %dma_wait3A_1563 = arith.constant 0 : i32
      %dma_wait3A_1564 = tpu.memref_slice %arg3[%dma_wait3A_1562, %dma_wait3A_1563] : memref<1000000x64xf32, #tpu.memory_space<hbm>> -> memref<1000000x64xf32, #tpu.memory_space<hbm>>
      tpu.wait_indirect_dma semaphore(%arg12 : memref<!tpu.dma_semaphore, #tpu.memory_space<semaphore_mem>>) src(%dma_wait3A_1564 : memref<1000000x64xf32, #tpu.memory_space<hbm>>) dst(%dma_wait3A_1558 : memref<26x64xf32, #tpu.memory_space<vmem>>)
      %mul3A_1565 = arith.constant 4 : i32
      %mul3A_1566 = arith.muli %scan3A_806, %mul3A_1565 : i32
      %add3A_1567 = arith.constant 2 : i32
      %add3A_1568 = arith.addi %mul3A_1566, %add3A_1567 : i32
      %mul3A_1569 = arith.constant 16 : i32
      %mul3A_1570 = arith.muli %add3A_1568, %mul3A_1569 : i32
      %add3A_1571 = arith.addi %mul3A_2, %mul3A_1570 : i32
      %dma_start3A_1572 = arith.constant 0 : i32
      %dma_start3A_1573 = arith.constant 0 : i32
      %dma_start3A_1574 = tpu.memref_slice %arg4[%add3A_1571, %dma_start3A_1572, %dma_start3A_1573] : memref<16384x26x64xf32, #tpu.memory_space<hbm>> -> memref<16x26x64xf32, #tpu.memory_space<hbm>>
      %dma_start3A_1575 = arith.constant 0 : i32
      %dma_start3A_1576 = arith.constant 0 : i32
      %dma_start3A_1577 = tpu.memref_slice %arg4[%add3A_1571, %dma_start3A_1575, %dma_start3A_1576] : memref<16384x26x64xf32, #tpu.memory_space<hbm>> -> memref<16x26x64xf32, #tpu.memory_space<hbm>>
      tpu.enqueue_dma source(%arg8 : memref<16x26x64xf32, #tpu.memory_space<vmem>>) target(%dma_start3A_1577 : memref<16x26x64xf32, #tpu.memory_space<hbm>>) target_semaphore(%arg16 : memref<!tpu.dma_semaphore, #tpu.memory_space<semaphore_mem>>)
      %mul3A_1578 = arith.constant 4 : i32
      %mul3A_1579 = arith.muli %scan3A_806, %mul3A_1578 : i32
      %add3A_1580 = arith.constant 3 : i32
      %add3A_1581 = arith.addi %mul3A_1579, %add3A_1580 : i32
      %mul3A_1582 = arith.constant 16 : i32
      %mul3A_1583 = arith.muli %add3A_1581, %mul3A_1582 : i32
      %add3A_1584 = arith.constant 0 : i32
      %add3A_1585 = arith.addi %mul3A_1583, %add3A_1584 : i32
      %dma_wait3A_1586 = arith.constant 0 : i32
      %dma_wait3A_1587 = arith.constant 0 : i32
      %dma_wait3A_1588 = arith.constant 0 : i32
      %dma_wait3A_1589 = tpu.memref_slice %arg9[%dma_wait3A_1586, %dma_wait3A_1587, %dma_wait3A_1588] : memref<16x26x64xf32, #tpu.memory_space<vmem>> -> memref<1x26x64xf32, #tpu.memory_space<vmem>>
      %dma_wait3A_1590 = tpu.memref_squeeze %dma_wait3A_1589 : memref<1x26x64xf32, #tpu.memory_space<vmem>> -> memref<26x64xf32, #tpu.memory_space<vmem>>
      %dma_wait3A_1591 = arith.constant 0 : i32
      %dma_wait3A_1592 = tpu.memref_slice %arg5[%add3A_1585, %dma_wait3A_1591] : memref<512x26xi32, #tpu.memory_space<vmem>> -> memref<1x26xi32, #tpu.memory_space<vmem>>
      %dma_wait3A_1593 = tpu.memref_squeeze %dma_wait3A_1592 : memref<1x26xi32, #tpu.memory_space<vmem>> -> memref<26xi32, #tpu.memory_space<vmem>>
      %dma_wait3A_1594 = arith.constant 0 : i32
      %dma_wait3A_1595 = arith.constant 0 : i32
      %dma_wait3A_1596 = tpu.memref_slice %arg3[%dma_wait3A_1594, %dma_wait3A_1595] : memref<1000000x64xf32, #tpu.memory_space<hbm>> -> memref<1000000x64xf32, #tpu.memory_space<hbm>>
      tpu.wait_indirect_dma semaphore(%arg13 : memref<!tpu.dma_semaphore, #tpu.memory_space<semaphore_mem>>) src(%dma_wait3A_1596 : memref<1000000x64xf32, #tpu.memory_space<hbm>>) dst(%dma_wait3A_1590 : memref<26x64xf32, #tpu.memory_space<vmem>>)
      %mul3A_1597 = arith.constant 16 : i32
      %mul3A_1598 = arith.muli %add3A_1581, %mul3A_1597 : i32
      %add3A_1599 = arith.constant 1 : i32
      %add3A_1600 = arith.addi %mul3A_1598, %add3A_1599 : i32
      %dma_wait3A_1601 = arith.constant 1 : i32
      %dma_wait3A_1602 = arith.constant 0 : i32
      %dma_wait3A_1603 = arith.constant 0 : i32
      %dma_wait3A_1604 = tpu.memref_slice %arg9[%dma_wait3A_1601, %dma_wait3A_1602, %dma_wait3A_1603] : memref<16x26x64xf32, #tpu.memory_space<vmem>> -> memref<1x26x64xf32, #tpu.memory_space<vmem>>
      %dma_wait3A_1605 = tpu.memref_squeeze %dma_wait3A_1604 : memref<1x26x64xf32, #tpu.memory_space<vmem>> -> memref<26x64xf32, #tpu.memory_space<vmem>>
      %dma_wait3A_1606 = arith.constant 0 : i32
      %dma_wait3A_1607 = tpu.memref_slice %arg5[%add3A_1600, %dma_wait3A_1606] : memref<512x26xi32, #tpu.memory_space<vmem>> -> memref<1x26xi32, #tpu.memory_space<vmem>>
      %dma_wait3A_1608 = tpu.memref_squeeze %dma_wait3A_1607 : memref<1x26xi32, #tpu.memory_space<vmem>> -> memref<26xi32, #tpu.memory_space<vmem>>
      %dma_wait3A_1609 = arith.constant 0 : i32
      %dma_wait3A_1610 = arith.constant 0 : i32
      %dma_wait3A_1611 = tpu.memref_slice %arg3[%dma_wait3A_1609, %dma_wait3A_1610] : memref<1000000x64xf32, #tpu.memory_space<hbm>> -> memref<1000000x64xf32, #tpu.memory_space<hbm>>
      tpu.wait_indirect_dma semaphore(%arg13 : memref<!tpu.dma_semaphore, #tpu.memory_space<semaphore_mem>>) src(%dma_wait3A_1611 : memref<1000000x64xf32, #tpu.memory_space<hbm>>) dst(%dma_wait3A_1605 : memref<26x64xf32, #tpu.memory_space<vmem>>)
      %mul3A_1612 = arith.constant 16 : i32
      %mul3A_1613 = arith.muli %add3A_1581, %mul3A_1612 : i32
      %add3A_1614 = arith.constant 2 : i32
      %add3A_1615 = arith.addi %mul3A_1613, %add3A_1614 : i32
      %dma_wait3A_1616 = arith.constant 2 : i32
      %dma_wait3A_1617 = arith.constant 0 : i32
      %dma_wait3A_1618 = arith.constant 0 : i32
      %dma_wait3A_1619 = tpu.memref_slice %arg9[%dma_wait3A_1616, %dma_wait3A_1617, %dma_wait3A_1618] : memref<16x26x64xf32, #tpu.memory_space<vmem>> -> memref<1x26x64xf32, #tpu.memory_space<vmem>>
      %dma_wait3A_1620 = tpu.memref_squeeze %dma_wait3A_1619 : memref<1x26x64xf32, #tpu.memory_space<vmem>> -> memref<26x64xf32, #tpu.memory_space<vmem>>
      %dma_wait3A_1621 = arith.constant 0 : i32
      %dma_wait3A_1622 = tpu.memref_slice %arg5[%add3A_1615, %dma_wait3A_1621] : memref<512x26xi32, #tpu.memory_space<vmem>> -> memref<1x26xi32, #tpu.memory_space<vmem>>
      %dma_wait3A_1623 = tpu.memref_squeeze %dma_wait3A_1622 : memref<1x26xi32, #tpu.memory_space<vmem>> -> memref<26xi32, #tpu.memory_space<vmem>>
      %dma_wait3A_1624 = arith.constant 0 : i32
      %dma_wait3A_1625 = arith.constant 0 : i32
      %dma_wait3A_1626 = tpu.memref_slice %arg3[%dma_wait3A_1624, %dma_wait3A_1625] : memref<1000000x64xf32, #tpu.memory_space<hbm>> -> memref<1000000x64xf32, #tpu.memory_space<hbm>>
      tpu.wait_indirect_dma semaphore(%arg13 : memref<!tpu.dma_semaphore, #tpu.memory_space<semaphore_mem>>) src(%dma_wait3A_1626 : memref<1000000x64xf32, #tpu.memory_space<hbm>>) dst(%dma_wait3A_1620 : memref<26x64xf32, #tpu.memory_space<vmem>>)
      %mul3A_1627 = arith.constant 16 : i32
      %mul3A_1628 = arith.muli %add3A_1581, %mul3A_1627 : i32
      %add3A_1629 = arith.constant 3 : i32
      %add3A_1630 = arith.addi %mul3A_1628, %add3A_1629 : i32
      %dma_wait3A_1631 = arith.constant 3 : i32
      %dma_wait3A_1632 = arith.constant 0 : i32
      %dma_wait3A_1633 = arith.constant 0 : i32
      %dma_wait3A_1634 = tpu.memref_slice %arg9[%dma_wait3A_1631, %dma_wait3A_1632, %dma_wait3A_1633] : memref<16x26x64xf32, #tpu.memory_space<vmem>> -> memref<1x26x64xf32, #tpu.memory_space<vmem>>
      %dma_wait3A_1635 = tpu.memref_squeeze %dma_wait3A_1634 : memref<1x26x64xf32, #tpu.memory_space<vmem>> -> memref<26x64xf32, #tpu.memory_space<vmem>>
      %dma_wait3A_1636 = arith.constant 0 : i32
      %dma_wait3A_1637 = tpu.memref_slice %arg5[%add3A_1630, %dma_wait3A_1636] : memref<512x26xi32, #tpu.memory_space<vmem>> -> memref<1x26xi32, #tpu.memory_space<vmem>>
      %dma_wait3A_1638 = tpu.memref_squeeze %dma_wait3A_1637 : memref<1x26xi32, #tpu.memory_space<vmem>> -> memref<26xi32, #tpu.memory_space<vmem>>
      %dma_wait3A_1639 = arith.constant 0 : i32
      %dma_wait3A_1640 = arith.constant 0 : i32
      %dma_wait3A_1641 = tpu.memref_slice %arg3[%dma_wait3A_1639, %dma_wait3A_1640] : memref<1000000x64xf32, #tpu.memory_space<hbm>> -> memref<1000000x64xf32, #tpu.memory_space<hbm>>
      tpu.wait_indirect_dma semaphore(%arg13 : memref<!tpu.dma_semaphore, #tpu.memory_space<semaphore_mem>>) src(%dma_wait3A_1641 : memref<1000000x64xf32, #tpu.memory_space<hbm>>) dst(%dma_wait3A_1635 : memref<26x64xf32, #tpu.memory_space<vmem>>)
      %mul3A_1642 = arith.constant 16 : i32
      %mul3A_1643 = arith.muli %add3A_1581, %mul3A_1642 : i32
      %add3A_1644 = arith.constant 4 : i32
      %add3A_1645 = arith.addi %mul3A_1643, %add3A_1644 : i32
      %dma_wait3A_1646 = arith.constant 4 : i32
      %dma_wait3A_1647 = arith.constant 0 : i32
      %dma_wait3A_1648 = arith.constant 0 : i32
      %dma_wait3A_1649 = tpu.memref_slice %arg9[%dma_wait3A_1646, %dma_wait3A_1647, %dma_wait3A_1648] : memref<16x26x64xf32, #tpu.memory_space<vmem>> -> memref<1x26x64xf32, #tpu.memory_space<vmem>>
      %dma_wait3A_1650 = tpu.memref_squeeze %dma_wait3A_1649 : memref<1x26x64xf32, #tpu.memory_space<vmem>> -> memref<26x64xf32, #tpu.memory_space<vmem>>
      %dma_wait3A_1651 = arith.constant 0 : i32
      %dma_wait3A_1652 = tpu.memref_slice %arg5[%add3A_1645, %dma_wait3A_1651] : memref<512x26xi32, #tpu.memory_space<vmem>> -> memref<1x26xi32, #tpu.memory_space<vmem>>
      %dma_wait3A_1653 = tpu.memref_squeeze %dma_wait3A_1652 : memref<1x26xi32, #tpu.memory_space<vmem>> -> memref<26xi32, #tpu.memory_space<vmem>>
      %dma_wait3A_1654 = arith.constant 0 : i32
      %dma_wait3A_1655 = arith.constant 0 : i32
      %dma_wait3A_1656 = tpu.memref_slice %arg3[%dma_wait3A_1654, %dma_wait3A_1655] : memref<1000000x64xf32, #tpu.memory_space<hbm>> -> memref<1000000x64xf32, #tpu.memory_space<hbm>>
      tpu.wait_indirect_dma semaphore(%arg13 : memref<!tpu.dma_semaphore, #tpu.memory_space<semaphore_mem>>) src(%dma_wait3A_1656 : memref<1000000x64xf32, #tpu.memory_space<hbm>>) dst(%dma_wait3A_1650 : memref<26x64xf32, #tpu.memory_space<vmem>>)
      %mul3A_1657 = arith.constant 16 : i32
      %mul3A_1658 = arith.muli %add3A_1581, %mul3A_1657 : i32
      %add3A_1659 = arith.constant 5 : i32
      %add3A_1660 = arith.addi %mul3A_1658, %add3A_1659 : i32
      %dma_wait3A_1661 = arith.constant 5 : i32
      %dma_wait3A_1662 = arith.constant 0 : i32
      %dma_wait3A_1663 = arith.constant 0 : i32
      %dma_wait3A_1664 = tpu.memref_slice %arg9[%dma_wait3A_1661, %dma_wait3A_1662, %dma_wait3A_1663] : memref<16x26x64xf32, #tpu.memory_space<vmem>> -> memref<1x26x64xf32, #tpu.memory_space<vmem>>
      %dma_wait3A_1665 = tpu.memref_squeeze %dma_wait3A_1664 : memref<1x26x64xf32, #tpu.memory_space<vmem>> -> memref<26x64xf32, #tpu.memory_space<vmem>>
      %dma_wait3A_1666 = arith.constant 0 : i32
      %dma_wait3A_1667 = tpu.memref_slice %arg5[%add3A_1660, %dma_wait3A_1666] : memref<512x26xi32, #tpu.memory_space<vmem>> -> memref<1x26xi32, #tpu.memory_space<vmem>>
      %dma_wait3A_1668 = tpu.memref_squeeze %dma_wait3A_1667 : memref<1x26xi32, #tpu.memory_space<vmem>> -> memref<26xi32, #tpu.memory_space<vmem>>
      %dma_wait3A_1669 = arith.constant 0 : i32
      %dma_wait3A_1670 = arith.constant 0 : i32
      %dma_wait3A_1671 = tpu.memref_slice %arg3[%dma_wait3A_1669, %dma_wait3A_1670] : memref<1000000x64xf32, #tpu.memory_space<hbm>> -> memref<1000000x64xf32, #tpu.memory_space<hbm>>
      tpu.wait_indirect_dma semaphore(%arg13 : memref<!tpu.dma_semaphore, #tpu.memory_space<semaphore_mem>>) src(%dma_wait3A_1671 : memref<1000000x64xf32, #tpu.memory_space<hbm>>) dst(%dma_wait3A_1665 : memref<26x64xf32, #tpu.memory_space<vmem>>)
      %mul3A_1672 = arith.constant 16 : i32
      %mul3A_1673 = arith.muli %add3A_1581, %mul3A_1672 : i32
      %add3A_1674 = arith.constant 6 : i32
      %add3A_1675 = arith.addi %mul3A_1673, %add3A_1674 : i32
      %dma_wait3A_1676 = arith.constant 6 : i32
      %dma_wait3A_1677 = arith.constant 0 : i32
      %dma_wait3A_1678 = arith.constant 0 : i32
      %dma_wait3A_1679 = tpu.memref_slice %arg9[%dma_wait3A_1676, %dma_wait3A_1677, %dma_wait3A_1678] : memref<16x26x64xf32, #tpu.memory_space<vmem>> -> memref<1x26x64xf32, #tpu.memory_space<vmem>>
      %dma_wait3A_1680 = tpu.memref_squeeze %dma_wait3A_1679 : memref<1x26x64xf32, #tpu.memory_space<vmem>> -> memref<26x64xf32, #tpu.memory_space<vmem>>
      %dma_wait3A_1681 = arith.constant 0 : i32
      %dma_wait3A_1682 = tpu.memref_slice %arg5[%add3A_1675, %dma_wait3A_1681] : memref<512x26xi32, #tpu.memory_space<vmem>> -> memref<1x26xi32, #tpu.memory_space<vmem>>
      %dma_wait3A_1683 = tpu.memref_squeeze %dma_wait3A_1682 : memref<1x26xi32, #tpu.memory_space<vmem>> -> memref<26xi32, #tpu.memory_space<vmem>>
      %dma_wait3A_1684 = arith.constant 0 : i32
      %dma_wait3A_1685 = arith.constant 0 : i32
      %dma_wait3A_1686 = tpu.memref_slice %arg3[%dma_wait3A_1684, %dma_wait3A_1685] : memref<1000000x64xf32, #tpu.memory_space<hbm>> -> memref<1000000x64xf32, #tpu.memory_space<hbm>>
      tpu.wait_indirect_dma semaphore(%arg13 : memref<!tpu.dma_semaphore, #tpu.memory_space<semaphore_mem>>) src(%dma_wait3A_1686 : memref<1000000x64xf32, #tpu.memory_space<hbm>>) dst(%dma_wait3A_1680 : memref<26x64xf32, #tpu.memory_space<vmem>>)
      %mul3A_1687 = arith.constant 16 : i32
      %mul3A_1688 = arith.muli %add3A_1581, %mul3A_1687 : i32
      %add3A_1689 = arith.constant 7 : i32
      %add3A_1690 = arith.addi %mul3A_1688, %add3A_1689 : i32
      %dma_wait3A_1691 = arith.constant 7 : i32
      %dma_wait3A_1692 = arith.constant 0 : i32
      %dma_wait3A_1693 = arith.constant 0 : i32
      %dma_wait3A_1694 = tpu.memref_slice %arg9[%dma_wait3A_1691, %dma_wait3A_1692, %dma_wait3A_1693] : memref<16x26x64xf32, #tpu.memory_space<vmem>> -> memref<1x26x64xf32, #tpu.memory_space<vmem>>
      %dma_wait3A_1695 = tpu.memref_squeeze %dma_wait3A_1694 : memref<1x26x64xf32, #tpu.memory_space<vmem>> -> memref<26x64xf32, #tpu.memory_space<vmem>>
      %dma_wait3A_1696 = arith.constant 0 : i32
      %dma_wait3A_1697 = tpu.memref_slice %arg5[%add3A_1690, %dma_wait3A_1696] : memref<512x26xi32, #tpu.memory_space<vmem>> -> memref<1x26xi32, #tpu.memory_space<vmem>>
      %dma_wait3A_1698 = tpu.memref_squeeze %dma_wait3A_1697 : memref<1x26xi32, #tpu.memory_space<vmem>> -> memref<26xi32, #tpu.memory_space<vmem>>
      %dma_wait3A_1699 = arith.constant 0 : i32
      %dma_wait3A_1700 = arith.constant 0 : i32
      %dma_wait3A_1701 = tpu.memref_slice %arg3[%dma_wait3A_1699, %dma_wait3A_1700] : memref<1000000x64xf32, #tpu.memory_space<hbm>> -> memref<1000000x64xf32, #tpu.memory_space<hbm>>
      tpu.wait_indirect_dma semaphore(%arg13 : memref<!tpu.dma_semaphore, #tpu.memory_space<semaphore_mem>>) src(%dma_wait3A_1701 : memref<1000000x64xf32, #tpu.memory_space<hbm>>) dst(%dma_wait3A_1695 : memref<26x64xf32, #tpu.memory_space<vmem>>)
      %mul3A_1702 = arith.constant 16 : i32
      %mul3A_1703 = arith.muli %add3A_1581, %mul3A_1702 : i32
      %add3A_1704 = arith.constant 8 : i32
      %add3A_1705 = arith.addi %mul3A_1703, %add3A_1704 : i32
      %dma_wait3A_1706 = arith.constant 8 : i32
      %dma_wait3A_1707 = arith.constant 0 : i32
      %dma_wait3A_1708 = arith.constant 0 : i32
      %dma_wait3A_1709 = tpu.memref_slice %arg9[%dma_wait3A_1706, %dma_wait3A_1707, %dma_wait3A_1708] : memref<16x26x64xf32, #tpu.memory_space<vmem>> -> memref<1x26x64xf32, #tpu.memory_space<vmem>>
      %dma_wait3A_1710 = tpu.memref_squeeze %dma_wait3A_1709 : memref<1x26x64xf32, #tpu.memory_space<vmem>> -> memref<26x64xf32, #tpu.memory_space<vmem>>
      %dma_wait3A_1711 = arith.constant 0 : i32
      %dma_wait3A_1712 = tpu.memref_slice %arg5[%add3A_1705, %dma_wait3A_1711] : memref<512x26xi32, #tpu.memory_space<vmem>> -> memref<1x26xi32, #tpu.memory_space<vmem>>
      %dma_wait3A_1713 = tpu.memref_squeeze %dma_wait3A_1712 : memref<1x26xi32, #tpu.memory_space<vmem>> -> memref<26xi32, #tpu.memory_space<vmem>>
      %dma_wait3A_1714 = arith.constant 0 : i32
      %dma_wait3A_1715 = arith.constant 0 : i32
      %dma_wait3A_1716 = tpu.memref_slice %arg3[%dma_wait3A_1714, %dma_wait3A_1715] : memref<1000000x64xf32, #tpu.memory_space<hbm>> -> memref<1000000x64xf32, #tpu.memory_space<hbm>>
      tpu.wait_indirect_dma semaphore(%arg13 : memref<!tpu.dma_semaphore, #tpu.memory_space<semaphore_mem>>) src(%dma_wait3A_1716 : memref<1000000x64xf32, #tpu.memory_space<hbm>>) dst(%dma_wait3A_1710 : memref<26x64xf32, #tpu.memory_space<vmem>>)
      %mul3A_1717 = arith.constant 16 : i32
      %mul3A_1718 = arith.muli %add3A_1581, %mul3A_1717 : i32
      %add3A_1719 = arith.constant 9 : i32
      %add3A_1720 = arith.addi %mul3A_1718, %add3A_1719 : i32
      %dma_wait3A_1721 = arith.constant 9 : i32
      %dma_wait3A_1722 = arith.constant 0 : i32
      %dma_wait3A_1723 = arith.constant 0 : i32
      %dma_wait3A_1724 = tpu.memref_slice %arg9[%dma_wait3A_1721, %dma_wait3A_1722, %dma_wait3A_1723] : memref<16x26x64xf32, #tpu.memory_space<vmem>> -> memref<1x26x64xf32, #tpu.memory_space<vmem>>
      %dma_wait3A_1725 = tpu.memref_squeeze %dma_wait3A_1724 : memref<1x26x64xf32, #tpu.memory_space<vmem>> -> memref<26x64xf32, #tpu.memory_space<vmem>>
      %dma_wait3A_1726 = arith.constant 0 : i32
      %dma_wait3A_1727 = tpu.memref_slice %arg5[%add3A_1720, %dma_wait3A_1726] : memref<512x26xi32, #tpu.memory_space<vmem>> -> memref<1x26xi32, #tpu.memory_space<vmem>>
      %dma_wait3A_1728 = tpu.memref_squeeze %dma_wait3A_1727 : memref<1x26xi32, #tpu.memory_space<vmem>> -> memref<26xi32, #tpu.memory_space<vmem>>
      %dma_wait3A_1729 = arith.constant 0 : i32
      %dma_wait3A_1730 = arith.constant 0 : i32
      %dma_wait3A_1731 = tpu.memref_slice %arg3[%dma_wait3A_1729, %dma_wait3A_1730] : memref<1000000x64xf32, #tpu.memory_space<hbm>> -> memref<1000000x64xf32, #tpu.memory_space<hbm>>
      tpu.wait_indirect_dma semaphore(%arg13 : memref<!tpu.dma_semaphore, #tpu.memory_space<semaphore_mem>>) src(%dma_wait3A_1731 : memref<1000000x64xf32, #tpu.memory_space<hbm>>) dst(%dma_wait3A_1725 : memref<26x64xf32, #tpu.memory_space<vmem>>)
      %mul3A_1732 = arith.constant 16 : i32
      %mul3A_1733 = arith.muli %add3A_1581, %mul3A_1732 : i32
      %add3A_1734 = arith.constant 10 : i32
      %add3A_1735 = arith.addi %mul3A_1733, %add3A_1734 : i32
      %dma_wait3A_1736 = arith.constant 10 : i32
      %dma_wait3A_1737 = arith.constant 0 : i32
      %dma_wait3A_1738 = arith.constant 0 : i32
      %dma_wait3A_1739 = tpu.memref_slice %arg9[%dma_wait3A_1736, %dma_wait3A_1737, %dma_wait3A_1738] : memref<16x26x64xf32, #tpu.memory_space<vmem>> -> memref<1x26x64xf32, #tpu.memory_space<vmem>>
      %dma_wait3A_1740 = tpu.memref_squeeze %dma_wait3A_1739 : memref<1x26x64xf32, #tpu.memory_space<vmem>> -> memref<26x64xf32, #tpu.memory_space<vmem>>
      %dma_wait3A_1741 = arith.constant 0 : i32
      %dma_wait3A_1742 = tpu.memref_slice %arg5[%add3A_1735, %dma_wait3A_1741] : memref<512x26xi32, #tpu.memory_space<vmem>> -> memref<1x26xi32, #tpu.memory_space<vmem>>
      %dma_wait3A_1743 = tpu.memref_squeeze %dma_wait3A_1742 : memref<1x26xi32, #tpu.memory_space<vmem>> -> memref<26xi32, #tpu.memory_space<vmem>>
      %dma_wait3A_1744 = arith.constant 0 : i32
      %dma_wait3A_1745 = arith.constant 0 : i32
      %dma_wait3A_1746 = tpu.memref_slice %arg3[%dma_wait3A_1744, %dma_wait3A_1745] : memref<1000000x64xf32, #tpu.memory_space<hbm>> -> memref<1000000x64xf32, #tpu.memory_space<hbm>>
      tpu.wait_indirect_dma semaphore(%arg13 : memref<!tpu.dma_semaphore, #tpu.memory_space<semaphore_mem>>) src(%dma_wait3A_1746 : memref<1000000x64xf32, #tpu.memory_space<hbm>>) dst(%dma_wait3A_1740 : memref<26x64xf32, #tpu.memory_space<vmem>>)
      %mul3A_1747 = arith.constant 16 : i32
      %mul3A_1748 = arith.muli %add3A_1581, %mul3A_1747 : i32
      %add3A_1749 = arith.constant 11 : i32
      %add3A_1750 = arith.addi %mul3A_1748, %add3A_1749 : i32
      %dma_wait3A_1751 = arith.constant 11 : i32
      %dma_wait3A_1752 = arith.constant 0 : i32
      %dma_wait3A_1753 = arith.constant 0 : i32
      %dma_wait3A_1754 = tpu.memref_slice %arg9[%dma_wait3A_1751, %dma_wait3A_1752, %dma_wait3A_1753] : memref<16x26x64xf32, #tpu.memory_space<vmem>> -> memref<1x26x64xf32, #tpu.memory_space<vmem>>
      %dma_wait3A_1755 = tpu.memref_squeeze %dma_wait3A_1754 : memref<1x26x64xf32, #tpu.memory_space<vmem>> -> memref<26x64xf32, #tpu.memory_space<vmem>>
      %dma_wait3A_1756 = arith.constant 0 : i32
      %dma_wait3A_1757 = tpu.memref_slice %arg5[%add3A_1750, %dma_wait3A_1756] : memref<512x26xi32, #tpu.memory_space<vmem>> -> memref<1x26xi32, #tpu.memory_space<vmem>>
      %dma_wait3A_1758 = tpu.memref_squeeze %dma_wait3A_1757 : memref<1x26xi32, #tpu.memory_space<vmem>> -> memref<26xi32, #tpu.memory_space<vmem>>
      %dma_wait3A_1759 = arith.constant 0 : i32
      %dma_wait3A_1760 = arith.constant 0 : i32
      %dma_wait3A_1761 = tpu.memref_slice %arg3[%dma_wait3A_1759, %dma_wait3A_1760] : memref<1000000x64xf32, #tpu.memory_space<hbm>> -> memref<1000000x64xf32, #tpu.memory_space<hbm>>
      tpu.wait_indirect_dma semaphore(%arg13 : memref<!tpu.dma_semaphore, #tpu.memory_space<semaphore_mem>>) src(%dma_wait3A_1761 : memref<1000000x64xf32, #tpu.memory_space<hbm>>) dst(%dma_wait3A_1755 : memref<26x64xf32, #tpu.memory_space<vmem>>)
      %mul3A_1762 = arith.constant 16 : i32
      %mul3A_1763 = arith.muli %add3A_1581, %mul3A_1762 : i32
      %add3A_1764 = arith.constant 12 : i32
      %add3A_1765 = arith.addi %mul3A_1763, %add3A_1764 : i32
      %dma_wait3A_1766 = arith.constant 12 : i32
      %dma_wait3A_1767 = arith.constant 0 : i32
      %dma_wait3A_1768 = arith.constant 0 : i32
      %dma_wait3A_1769 = tpu.memref_slice %arg9[%dma_wait3A_1766, %dma_wait3A_1767, %dma_wait3A_1768] : memref<16x26x64xf32, #tpu.memory_space<vmem>> -> memref<1x26x64xf32, #tpu.memory_space<vmem>>
      %dma_wait3A_1770 = tpu.memref_squeeze %dma_wait3A_1769 : memref<1x26x64xf32, #tpu.memory_space<vmem>> -> memref<26x64xf32, #tpu.memory_space<vmem>>
      %dma_wait3A_1771 = arith.constant 0 : i32
      %dma_wait3A_1772 = tpu.memref_slice %arg5[%add3A_1765, %dma_wait3A_1771] : memref<512x26xi32, #tpu.memory_space<vmem>> -> memref<1x26xi32, #tpu.memory_space<vmem>>
      %dma_wait3A_1773 = tpu.memref_squeeze %dma_wait3A_1772 : memref<1x26xi32, #tpu.memory_space<vmem>> -> memref<26xi32, #tpu.memory_space<vmem>>
      %dma_wait3A_1774 = arith.constant 0 : i32
      %dma_wait3A_1775 = arith.constant 0 : i32
      %dma_wait3A_1776 = tpu.memref_slice %arg3[%dma_wait3A_1774, %dma_wait3A_1775] : memref<1000000x64xf32, #tpu.memory_space<hbm>> -> memref<1000000x64xf32, #tpu.memory_space<hbm>>
      tpu.wait_indirect_dma semaphore(%arg13 : memref<!tpu.dma_semaphore, #tpu.memory_space<semaphore_mem>>) src(%dma_wait3A_1776 : memref<1000000x64xf32, #tpu.memory_space<hbm>>) dst(%dma_wait3A_1770 : memref<26x64xf32, #tpu.memory_space<vmem>>)
      %mul3A_1777 = arith.constant 16 : i32
      %mul3A_1778 = arith.muli %add3A_1581, %mul3A_1777 : i32
      %add3A_1779 = arith.constant 13 : i32
      %add3A_1780 = arith.addi %mul3A_1778, %add3A_1779 : i32
      %dma_wait3A_1781 = arith.constant 13 : i32
      %dma_wait3A_1782 = arith.constant 0 : i32
      %dma_wait3A_1783 = arith.constant 0 : i32
      %dma_wait3A_1784 = tpu.memref_slice %arg9[%dma_wait3A_1781, %dma_wait3A_1782, %dma_wait3A_1783] : memref<16x26x64xf32, #tpu.memory_space<vmem>> -> memref<1x26x64xf32, #tpu.memory_space<vmem>>
      %dma_wait3A_1785 = tpu.memref_squeeze %dma_wait3A_1784 : memref<1x26x64xf32, #tpu.memory_space<vmem>> -> memref<26x64xf32, #tpu.memory_space<vmem>>
      %dma_wait3A_1786 = arith.constant 0 : i32
      %dma_wait3A_1787 = tpu.memref_slice %arg5[%add3A_1780, %dma_wait3A_1786] : memref<512x26xi32, #tpu.memory_space<vmem>> -> memref<1x26xi32, #tpu.memory_space<vmem>>
      %dma_wait3A_1788 = tpu.memref_squeeze %dma_wait3A_1787 : memref<1x26xi32, #tpu.memory_space<vmem>> -> memref<26xi32, #tpu.memory_space<vmem>>
      %dma_wait3A_1789 = arith.constant 0 : i32
      %dma_wait3A_1790 = arith.constant 0 : i32
      %dma_wait3A_1791 = tpu.memref_slice %arg3[%dma_wait3A_1789, %dma_wait3A_1790] : memref<1000000x64xf32, #tpu.memory_space<hbm>> -> memref<1000000x64xf32, #tpu.memory_space<hbm>>
      tpu.wait_indirect_dma semaphore(%arg13 : memref<!tpu.dma_semaphore, #tpu.memory_space<semaphore_mem>>) src(%dma_wait3A_1791 : memref<1000000x64xf32, #tpu.memory_space<hbm>>) dst(%dma_wait3A_1785 : memref<26x64xf32, #tpu.memory_space<vmem>>)
      %mul3A_1792 = arith.constant 16 : i32
      %mul3A_1793 = arith.muli %add3A_1581, %mul3A_1792 : i32
      %add3A_1794 = arith.constant 14 : i32
      %add3A_1795 = arith.addi %mul3A_1793, %add3A_1794 : i32
      %dma_wait3A_1796 = arith.constant 14 : i32
      %dma_wait3A_1797 = arith.constant 0 : i32
      %dma_wait3A_1798 = arith.constant 0 : i32
      %dma_wait3A_1799 = tpu.memref_slice %arg9[%dma_wait3A_1796, %dma_wait3A_1797, %dma_wait3A_1798] : memref<16x26x64xf32, #tpu.memory_space<vmem>> -> memref<1x26x64xf32, #tpu.memory_space<vmem>>
      %dma_wait3A_1800 = tpu.memref_squeeze %dma_wait3A_1799 : memref<1x26x64xf32, #tpu.memory_space<vmem>> -> memref<26x64xf32, #tpu.memory_space<vmem>>
      %dma_wait3A_1801 = arith.constant 0 : i32
      %dma_wait3A_1802 = tpu.memref_slice %arg5[%add3A_1795, %dma_wait3A_1801] : memref<512x26xi32, #tpu.memory_space<vmem>> -> memref<1x26xi32, #tpu.memory_space<vmem>>
      %dma_wait3A_1803 = tpu.memref_squeeze %dma_wait3A_1802 : memref<1x26xi32, #tpu.memory_space<vmem>> -> memref<26xi32, #tpu.memory_space<vmem>>
      %dma_wait3A_1804 = arith.constant 0 : i32
      %dma_wait3A_1805 = arith.constant 0 : i32
      %dma_wait3A_1806 = tpu.memref_slice %arg3[%dma_wait3A_1804, %dma_wait3A_1805] : memref<1000000x64xf32, #tpu.memory_space<hbm>> -> memref<1000000x64xf32, #tpu.memory_space<hbm>>
      tpu.wait_indirect_dma semaphore(%arg13 : memref<!tpu.dma_semaphore, #tpu.memory_space<semaphore_mem>>) src(%dma_wait3A_1806 : memref<1000000x64xf32, #tpu.memory_space<hbm>>) dst(%dma_wait3A_1800 : memref<26x64xf32, #tpu.memory_space<vmem>>)
      %mul3A_1807 = arith.constant 16 : i32
      %mul3A_1808 = arith.muli %add3A_1581, %mul3A_1807 : i32
      %add3A_1809 = arith.constant 15 : i32
      %add3A_1810 = arith.addi %mul3A_1808, %add3A_1809 : i32
      %dma_wait3A_1811 = arith.constant 15 : i32
      %dma_wait3A_1812 = arith.constant 0 : i32
      %dma_wait3A_1813 = arith.constant 0 : i32
      %dma_wait3A_1814 = tpu.memref_slice %arg9[%dma_wait3A_1811, %dma_wait3A_1812, %dma_wait3A_1813] : memref<16x26x64xf32, #tpu.memory_space<vmem>> -> memref<1x26x64xf32, #tpu.memory_space<vmem>>
      %dma_wait3A_1815 = tpu.memref_squeeze %dma_wait3A_1814 : memref<1x26x64xf32, #tpu.memory_space<vmem>> -> memref<26x64xf32, #tpu.memory_space<vmem>>
      %dma_wait3A_1816 = arith.constant 0 : i32
      %dma_wait3A_1817 = tpu.memref_slice %arg5[%add3A_1810, %dma_wait3A_1816] : memref<512x26xi32, #tpu.memory_space<vmem>> -> memref<1x26xi32, #tpu.memory_space<vmem>>
      %dma_wait3A_1818 = tpu.memref_squeeze %dma_wait3A_1817 : memref<1x26xi32, #tpu.memory_space<vmem>> -> memref<26xi32, #tpu.memory_space<vmem>>
      %dma_wait3A_1819 = arith.constant 0 : i32
      %dma_wait3A_1820 = arith.constant 0 : i32
      %dma_wait3A_1821 = tpu.memref_slice %arg3[%dma_wait3A_1819, %dma_wait3A_1820] : memref<1000000x64xf32, #tpu.memory_space<hbm>> -> memref<1000000x64xf32, #tpu.memory_space<hbm>>
      tpu.wait_indirect_dma semaphore(%arg13 : memref<!tpu.dma_semaphore, #tpu.memory_space<semaphore_mem>>) src(%dma_wait3A_1821 : memref<1000000x64xf32, #tpu.memory_space<hbm>>) dst(%dma_wait3A_1815 : memref<26x64xf32, #tpu.memory_space<vmem>>)
      %mul3A_1822 = arith.constant 4 : i32
      %mul3A_1823 = arith.muli %scan3A_806, %mul3A_1822 : i32
      %add3A_1824 = arith.constant 3 : i32
      %add3A_1825 = arith.addi %mul3A_1823, %add3A_1824 : i32
      %mul3A_1826 = arith.constant 16 : i32
      %mul3A_1827 = arith.muli %add3A_1825, %mul3A_1826 : i32
      %add3A_1828 = arith.addi %mul3A_2, %mul3A_1827 : i32
      %dma_start3A_1829 = arith.constant 0 : i32
      %dma_start3A_1830 = arith.constant 0 : i32
      %dma_start3A_1831 = tpu.memref_slice %arg4[%add3A_1828, %dma_start3A_1829, %dma_start3A_1830] : memref<16384x26x64xf32, #tpu.memory_space<hbm>> -> memref<16x26x64xf32, #tpu.memory_space<hbm>>
      %dma_start3A_1832 = arith.constant 0 : i32
      %dma_start3A_1833 = arith.constant 0 : i32
      %dma_start3A_1834 = tpu.memref_slice %arg4[%add3A_1828, %dma_start3A_1832, %dma_start3A_1833] : memref<16384x26x64xf32, #tpu.memory_space<hbm>> -> memref<16x26x64xf32, #tpu.memory_space<hbm>>
      tpu.enqueue_dma source(%arg9 : memref<16x26x64xf32, #tpu.memory_space<vmem>>) target(%dma_start3A_1834 : memref<16x26x64xf32, #tpu.memory_space<hbm>>) target_semaphore(%arg17 : memref<!tpu.dma_semaphore, #tpu.memory_space<semaphore_mem>>)
      %add3A_1835 = arith.constant 1 : i32
      %add3A_1836 = arith.addi %scan3A_806, %add3A_1835 : i32
      %lt3A = arith.constant 8 : i32
      %lt3A_1837 = arith.cmpi slt, %add3A_1836, %lt3A : i32
      %convert_element_type3A = arith.extui %lt3A_1837 : i1 to i32
      %cond3A = arith.constant 0 : i32
      %cond3A_1838 = arith.cmpi ne, %convert_element_type3A, %cond3A : i32
      scf.if %cond3A_1838 {
        %mul3A_1839 = arith.constant 4 : i32
        %mul3A_1840 = arith.muli %scan3A_806, %mul3A_1839 : i32
        %add3A_1841 = arith.constant 0 : i32
        %add3A_1842 = arith.addi %mul3A_1840, %add3A_1841 : i32
        %mul3A_1843 = arith.constant 16 : i32
        %mul3A_1844 = arith.muli %add3A_1842, %mul3A_1843 : i32
        %add3A_1845 = arith.addi %mul3A_2, %mul3A_1844 : i32
        %dma_wait3A_1846 = arith.constant 0 : i32
        %dma_wait3A_1847 = arith.constant 0 : i32
        %dma_wait3A_1848 = tpu.memref_slice %arg4[%add3A_1845, %dma_wait3A_1846, %dma_wait3A_1847] : memref<16384x26x64xf32, #tpu.memory_space<hbm>> -> memref<16x26x64xf32, #tpu.memory_space<hbm>>
        %dma_wait3A_1849 = arith.constant 0 : i32
        %dma_wait3A_1850 = arith.constant 0 : i32
        %dma_wait3A_1851 = tpu.memref_slice %arg4[%add3A_1845, %dma_wait3A_1849, %dma_wait3A_1850] : memref<16384x26x64xf32, #tpu.memory_space<hbm>> -> memref<16x26x64xf32, #tpu.memory_space<hbm>>
        tpu.wait_dma2 semaphore(%arg14 : memref<!tpu.dma_semaphore, #tpu.memory_space<semaphore_mem>>) src(%arg6 : memref<16x26x64xf32, #tpu.memory_space<vmem>>) dst(%dma_wait3A_1851 : memref<16x26x64xf32, #tpu.memory_space<hbm>>)
        %add3A_1852 = arith.constant 1 : i32
        %add3A_1853 = arith.addi %scan3A_806, %add3A_1852 : i32
        %mul3A_1854 = arith.constant 4 : i32
        %mul3A_1855 = arith.muli %add3A_1853, %mul3A_1854 : i32
        %add3A_1856 = arith.constant 0 : i32
        %add3A_1857 = arith.addi %mul3A_1855, %add3A_1856 : i32
        %mul3A_1858 = arith.constant 16 : i32
        %mul3A_1859 = arith.muli %add3A_1857, %mul3A_1858 : i32
        %add3A_1860 = arith.constant 0 : i32
        %add3A_1861 = arith.addi %mul3A_1859, %add3A_1860 : i32
        %dma_start3A_1862 = arith.constant 0 : i32
        %dma_start3A_1863 = arith.constant 0 : i32
        %dma_start3A_1864 = arith.constant 0 : i32
        %dma_start3A_1865 = tpu.memref_slice %arg6[%dma_start3A_1862, %dma_start3A_1863, %dma_start3A_1864] : memref<16x26x64xf32, #tpu.memory_space<vmem>> -> memref<1x26x64xf32, #tpu.memory_space<vmem>>
        %dma_start3A_1866 = tpu.memref_squeeze %dma_start3A_1865 : memref<1x26x64xf32, #tpu.memory_space<vmem>> -> memref<26x64xf32, #tpu.memory_space<vmem>>
        %dma_start3A_1867 = arith.constant 0 : i32
        %dma_start3A_1868 = tpu.memref_slice %arg5[%add3A_1861, %dma_start3A_1867] : memref<512x26xi32, #tpu.memory_space<vmem>> -> memref<1x26xi32, #tpu.memory_space<vmem>>
        %dma_start3A_1869 = tpu.memref_squeeze %dma_start3A_1868 : memref<1x26xi32, #tpu.memory_space<vmem>> -> memref<26xi32, #tpu.memory_space<vmem>>
        %dma_start3A_1870 = arith.constant 0 : i32
        %dma_start3A_1871 = arith.constant 0 : i32
        %dma_start3A_1872 = tpu.memref_slice %arg3[%dma_start3A_1870, %dma_start3A_1871] : memref<1000000x64xf32, #tpu.memory_space<hbm>> -> memref<1000000x64xf32, #tpu.memory_space<hbm>>
        tpu.enqueue_indirect_dma source(%dma_start3A_1872 : memref<1000000x64xf32, #tpu.memory_space<hbm>>) target(%dma_start3A_1866 : memref<26x64xf32, #tpu.memory_space<vmem>>) offsets(%dma_start3A_1869 : memref<26xi32, #tpu.memory_space<vmem>>) semaphore(%arg10 : memref<!tpu.dma_semaphore, #tpu.memory_space<semaphore_mem>>)
        %mul3A_1873 = arith.constant 16 : i32
        %mul3A_1874 = arith.muli %add3A_1857, %mul3A_1873 : i32
        %add3A_1875 = arith.constant 1 : i32
        %add3A_1876 = arith.addi %mul3A_1874, %add3A_1875 : i32
        %dma_start3A_1877 = arith.constant 1 : i32
        %dma_start3A_1878 = arith.constant 0 : i32
        %dma_start3A_1879 = arith.constant 0 : i32
        %dma_start3A_1880 = tpu.memref_slice %arg6[%dma_start3A_1877, %dma_start3A_1878, %dma_start3A_1879] : memref<16x26x64xf32, #tpu.memory_space<vmem>> -> memref<1x26x64xf32, #tpu.memory_space<vmem>>
        %dma_start3A_1881 = tpu.memref_squeeze %dma_start3A_1880 : memref<1x26x64xf32, #tpu.memory_space<vmem>> -> memref<26x64xf32, #tpu.memory_space<vmem>>
        %dma_start3A_1882 = arith.constant 0 : i32
        %dma_start3A_1883 = tpu.memref_slice %arg5[%add3A_1876, %dma_start3A_1882] : memref<512x26xi32, #tpu.memory_space<vmem>> -> memref<1x26xi32, #tpu.memory_space<vmem>>
        %dma_start3A_1884 = tpu.memref_squeeze %dma_start3A_1883 : memref<1x26xi32, #tpu.memory_space<vmem>> -> memref<26xi32, #tpu.memory_space<vmem>>
        %dma_start3A_1885 = arith.constant 0 : i32
        %dma_start3A_1886 = arith.constant 0 : i32
        %dma_start3A_1887 = tpu.memref_slice %arg3[%dma_start3A_1885, %dma_start3A_1886] : memref<1000000x64xf32, #tpu.memory_space<hbm>> -> memref<1000000x64xf32, #tpu.memory_space<hbm>>
        tpu.enqueue_indirect_dma source(%dma_start3A_1887 : memref<1000000x64xf32, #tpu.memory_space<hbm>>) target(%dma_start3A_1881 : memref<26x64xf32, #tpu.memory_space<vmem>>) offsets(%dma_start3A_1884 : memref<26xi32, #tpu.memory_space<vmem>>) semaphore(%arg10 : memref<!tpu.dma_semaphore, #tpu.memory_space<semaphore_mem>>)
        %mul3A_1888 = arith.constant 16 : i32
        %mul3A_1889 = arith.muli %add3A_1857, %mul3A_1888 : i32
        %add3A_1890 = arith.constant 2 : i32
        %add3A_1891 = arith.addi %mul3A_1889, %add3A_1890 : i32
        %dma_start3A_1892 = arith.constant 2 : i32
        %dma_start3A_1893 = arith.constant 0 : i32
        %dma_start3A_1894 = arith.constant 0 : i32
        %dma_start3A_1895 = tpu.memref_slice %arg6[%dma_start3A_1892, %dma_start3A_1893, %dma_start3A_1894] : memref<16x26x64xf32, #tpu.memory_space<vmem>> -> memref<1x26x64xf32, #tpu.memory_space<vmem>>
        %dma_start3A_1896 = tpu.memref_squeeze %dma_start3A_1895 : memref<1x26x64xf32, #tpu.memory_space<vmem>> -> memref<26x64xf32, #tpu.memory_space<vmem>>
        %dma_start3A_1897 = arith.constant 0 : i32
        %dma_start3A_1898 = tpu.memref_slice %arg5[%add3A_1891, %dma_start3A_1897] : memref<512x26xi32, #tpu.memory_space<vmem>> -> memref<1x26xi32, #tpu.memory_space<vmem>>
        %dma_start3A_1899 = tpu.memref_squeeze %dma_start3A_1898 : memref<1x26xi32, #tpu.memory_space<vmem>> -> memref<26xi32, #tpu.memory_space<vmem>>
        %dma_start3A_1900 = arith.constant 0 : i32
        %dma_start3A_1901 = arith.constant 0 : i32
        %dma_start3A_1902 = tpu.memref_slice %arg3[%dma_start3A_1900, %dma_start3A_1901] : memref<1000000x64xf32, #tpu.memory_space<hbm>> -> memref<1000000x64xf32, #tpu.memory_space<hbm>>
        tpu.enqueue_indirect_dma source(%dma_start3A_1902 : memref<1000000x64xf32, #tpu.memory_space<hbm>>) target(%dma_start3A_1896 : memref<26x64xf32, #tpu.memory_space<vmem>>) offsets(%dma_start3A_1899 : memref<26xi32, #tpu.memory_space<vmem>>) semaphore(%arg10 : memref<!tpu.dma_semaphore, #tpu.memory_space<semaphore_mem>>)
        %mul3A_1903 = arith.constant 16 : i32
        %mul3A_1904 = arith.muli %add3A_1857, %mul3A_1903 : i32
        %add3A_1905 = arith.constant 3 : i32
        %add3A_1906 = arith.addi %mul3A_1904, %add3A_1905 : i32
        %dma_start3A_1907 = arith.constant 3 : i32
        %dma_start3A_1908 = arith.constant 0 : i32
        %dma_start3A_1909 = arith.constant 0 : i32
        %dma_start3A_1910 = tpu.memref_slice %arg6[%dma_start3A_1907, %dma_start3A_1908, %dma_start3A_1909] : memref<16x26x64xf32, #tpu.memory_space<vmem>> -> memref<1x26x64xf32, #tpu.memory_space<vmem>>
        %dma_start3A_1911 = tpu.memref_squeeze %dma_start3A_1910 : memref<1x26x64xf32, #tpu.memory_space<vmem>> -> memref<26x64xf32, #tpu.memory_space<vmem>>
        %dma_start3A_1912 = arith.constant 0 : i32
        %dma_start3A_1913 = tpu.memref_slice %arg5[%add3A_1906, %dma_start3A_1912] : memref<512x26xi32, #tpu.memory_space<vmem>> -> memref<1x26xi32, #tpu.memory_space<vmem>>
        %dma_start3A_1914 = tpu.memref_squeeze %dma_start3A_1913 : memref<1x26xi32, #tpu.memory_space<vmem>> -> memref<26xi32, #tpu.memory_space<vmem>>
        %dma_start3A_1915 = arith.constant 0 : i32
        %dma_start3A_1916 = arith.constant 0 : i32
        %dma_start3A_1917 = tpu.memref_slice %arg3[%dma_start3A_1915, %dma_start3A_1916] : memref<1000000x64xf32, #tpu.memory_space<hbm>> -> memref<1000000x64xf32, #tpu.memory_space<hbm>>
        tpu.enqueue_indirect_dma source(%dma_start3A_1917 : memref<1000000x64xf32, #tpu.memory_space<hbm>>) target(%dma_start3A_1911 : memref<26x64xf32, #tpu.memory_space<vmem>>) offsets(%dma_start3A_1914 : memref<26xi32, #tpu.memory_space<vmem>>) semaphore(%arg10 : memref<!tpu.dma_semaphore, #tpu.memory_space<semaphore_mem>>)
        %mul3A_1918 = arith.constant 16 : i32
        %mul3A_1919 = arith.muli %add3A_1857, %mul3A_1918 : i32
        %add3A_1920 = arith.constant 4 : i32
        %add3A_1921 = arith.addi %mul3A_1919, %add3A_1920 : i32
        %dma_start3A_1922 = arith.constant 4 : i32
        %dma_start3A_1923 = arith.constant 0 : i32
        %dma_start3A_1924 = arith.constant 0 : i32
        %dma_start3A_1925 = tpu.memref_slice %arg6[%dma_start3A_1922, %dma_start3A_1923, %dma_start3A_1924] : memref<16x26x64xf32, #tpu.memory_space<vmem>> -> memref<1x26x64xf32, #tpu.memory_space<vmem>>
        %dma_start3A_1926 = tpu.memref_squeeze %dma_start3A_1925 : memref<1x26x64xf32, #tpu.memory_space<vmem>> -> memref<26x64xf32, #tpu.memory_space<vmem>>
        %dma_start3A_1927 = arith.constant 0 : i32
        %dma_start3A_1928 = tpu.memref_slice %arg5[%add3A_1921, %dma_start3A_1927] : memref<512x26xi32, #tpu.memory_space<vmem>> -> memref<1x26xi32, #tpu.memory_space<vmem>>
        %dma_start3A_1929 = tpu.memref_squeeze %dma_start3A_1928 : memref<1x26xi32, #tpu.memory_space<vmem>> -> memref<26xi32, #tpu.memory_space<vmem>>
        %dma_start3A_1930 = arith.constant 0 : i32
        %dma_start3A_1931 = arith.constant 0 : i32
        %dma_start3A_1932 = tpu.memref_slice %arg3[%dma_start3A_1930, %dma_start3A_1931] : memref<1000000x64xf32, #tpu.memory_space<hbm>> -> memref<1000000x64xf32, #tpu.memory_space<hbm>>
        tpu.enqueue_indirect_dma source(%dma_start3A_1932 : memref<1000000x64xf32, #tpu.memory_space<hbm>>) target(%dma_start3A_1926 : memref<26x64xf32, #tpu.memory_space<vmem>>) offsets(%dma_start3A_1929 : memref<26xi32, #tpu.memory_space<vmem>>) semaphore(%arg10 : memref<!tpu.dma_semaphore, #tpu.memory_space<semaphore_mem>>)
        %mul3A_1933 = arith.constant 16 : i32
        %mul3A_1934 = arith.muli %add3A_1857, %mul3A_1933 : i32
        %add3A_1935 = arith.constant 5 : i32
        %add3A_1936 = arith.addi %mul3A_1934, %add3A_1935 : i32
        %dma_start3A_1937 = arith.constant 5 : i32
        %dma_start3A_1938 = arith.constant 0 : i32
        %dma_start3A_1939 = arith.constant 0 : i32
        %dma_start3A_1940 = tpu.memref_slice %arg6[%dma_start3A_1937, %dma_start3A_1938, %dma_start3A_1939] : memref<16x26x64xf32, #tpu.memory_space<vmem>> -> memref<1x26x64xf32, #tpu.memory_space<vmem>>
        %dma_start3A_1941 = tpu.memref_squeeze %dma_start3A_1940 : memref<1x26x64xf32, #tpu.memory_space<vmem>> -> memref<26x64xf32, #tpu.memory_space<vmem>>
        %dma_start3A_1942 = arith.constant 0 : i32
        %dma_start3A_1943 = tpu.memref_slice %arg5[%add3A_1936, %dma_start3A_1942] : memref<512x26xi32, #tpu.memory_space<vmem>> -> memref<1x26xi32, #tpu.memory_space<vmem>>
        %dma_start3A_1944 = tpu.memref_squeeze %dma_start3A_1943 : memref<1x26xi32, #tpu.memory_space<vmem>> -> memref<26xi32, #tpu.memory_space<vmem>>
        %dma_start3A_1945 = arith.constant 0 : i32
        %dma_start3A_1946 = arith.constant 0 : i32
        %dma_start3A_1947 = tpu.memref_slice %arg3[%dma_start3A_1945, %dma_start3A_1946] : memref<1000000x64xf32, #tpu.memory_space<hbm>> -> memref<1000000x64xf32, #tpu.memory_space<hbm>>
        tpu.enqueue_indirect_dma source(%dma_start3A_1947 : memref<1000000x64xf32, #tpu.memory_space<hbm>>) target(%dma_start3A_1941 : memref<26x64xf32, #tpu.memory_space<vmem>>) offsets(%dma_start3A_1944 : memref<26xi32, #tpu.memory_space<vmem>>) semaphore(%arg10 : memref<!tpu.dma_semaphore, #tpu.memory_space<semaphore_mem>>)
        %mul3A_1948 = arith.constant 16 : i32
        %mul3A_1949 = arith.muli %add3A_1857, %mul3A_1948 : i32
        %add3A_1950 = arith.constant 6 : i32
        %add3A_1951 = arith.addi %mul3A_1949, %add3A_1950 : i32
        %dma_start3A_1952 = arith.constant 6 : i32
        %dma_start3A_1953 = arith.constant 0 : i32
        %dma_start3A_1954 = arith.constant 0 : i32
        %dma_start3A_1955 = tpu.memref_slice %arg6[%dma_start3A_1952, %dma_start3A_1953, %dma_start3A_1954] : memref<16x26x64xf32, #tpu.memory_space<vmem>> -> memref<1x26x64xf32, #tpu.memory_space<vmem>>
        %dma_start3A_1956 = tpu.memref_squeeze %dma_start3A_1955 : memref<1x26x64xf32, #tpu.memory_space<vmem>> -> memref<26x64xf32, #tpu.memory_space<vmem>>
        %dma_start3A_1957 = arith.constant 0 : i32
        %dma_start3A_1958 = tpu.memref_slice %arg5[%add3A_1951, %dma_start3A_1957] : memref<512x26xi32, #tpu.memory_space<vmem>> -> memref<1x26xi32, #tpu.memory_space<vmem>>
        %dma_start3A_1959 = tpu.memref_squeeze %dma_start3A_1958 : memref<1x26xi32, #tpu.memory_space<vmem>> -> memref<26xi32, #tpu.memory_space<vmem>>
        %dma_start3A_1960 = arith.constant 0 : i32
        %dma_start3A_1961 = arith.constant 0 : i32
        %dma_start3A_1962 = tpu.memref_slice %arg3[%dma_start3A_1960, %dma_start3A_1961] : memref<1000000x64xf32, #tpu.memory_space<hbm>> -> memref<1000000x64xf32, #tpu.memory_space<hbm>>
        tpu.enqueue_indirect_dma source(%dma_start3A_1962 : memref<1000000x64xf32, #tpu.memory_space<hbm>>) target(%dma_start3A_1956 : memref<26x64xf32, #tpu.memory_space<vmem>>) offsets(%dma_start3A_1959 : memref<26xi32, #tpu.memory_space<vmem>>) semaphore(%arg10 : memref<!tpu.dma_semaphore, #tpu.memory_space<semaphore_mem>>)
        %mul3A_1963 = arith.constant 16 : i32
        %mul3A_1964 = arith.muli %add3A_1857, %mul3A_1963 : i32
        %add3A_1965 = arith.constant 7 : i32
        %add3A_1966 = arith.addi %mul3A_1964, %add3A_1965 : i32
        %dma_start3A_1967 = arith.constant 7 : i32
        %dma_start3A_1968 = arith.constant 0 : i32
        %dma_start3A_1969 = arith.constant 0 : i32
        %dma_start3A_1970 = tpu.memref_slice %arg6[%dma_start3A_1967, %dma_start3A_1968, %dma_start3A_1969] : memref<16x26x64xf32, #tpu.memory_space<vmem>> -> memref<1x26x64xf32, #tpu.memory_space<vmem>>
        %dma_start3A_1971 = tpu.memref_squeeze %dma_start3A_1970 : memref<1x26x64xf32, #tpu.memory_space<vmem>> -> memref<26x64xf32, #tpu.memory_space<vmem>>
        %dma_start3A_1972 = arith.constant 0 : i32
        %dma_start3A_1973 = tpu.memref_slice %arg5[%add3A_1966, %dma_start3A_1972] : memref<512x26xi32, #tpu.memory_space<vmem>> -> memref<1x26xi32, #tpu.memory_space<vmem>>
        %dma_start3A_1974 = tpu.memref_squeeze %dma_start3A_1973 : memref<1x26xi32, #tpu.memory_space<vmem>> -> memref<26xi32, #tpu.memory_space<vmem>>
        %dma_start3A_1975 = arith.constant 0 : i32
        %dma_start3A_1976 = arith.constant 0 : i32
        %dma_start3A_1977 = tpu.memref_slice %arg3[%dma_start3A_1975, %dma_start3A_1976] : memref<1000000x64xf32, #tpu.memory_space<hbm>> -> memref<1000000x64xf32, #tpu.memory_space<hbm>>
        tpu.enqueue_indirect_dma source(%dma_start3A_1977 : memref<1000000x64xf32, #tpu.memory_space<hbm>>) target(%dma_start3A_1971 : memref<26x64xf32, #tpu.memory_space<vmem>>) offsets(%dma_start3A_1974 : memref<26xi32, #tpu.memory_space<vmem>>) semaphore(%arg10 : memref<!tpu.dma_semaphore, #tpu.memory_space<semaphore_mem>>)
        %mul3A_1978 = arith.constant 16 : i32
        %mul3A_1979 = arith.muli %add3A_1857, %mul3A_1978 : i32
        %add3A_1980 = arith.constant 8 : i32
        %add3A_1981 = arith.addi %mul3A_1979, %add3A_1980 : i32
        %dma_start3A_1982 = arith.constant 8 : i32
        %dma_start3A_1983 = arith.constant 0 : i32
        %dma_start3A_1984 = arith.constant 0 : i32
        %dma_start3A_1985 = tpu.memref_slice %arg6[%dma_start3A_1982, %dma_start3A_1983, %dma_start3A_1984] : memref<16x26x64xf32, #tpu.memory_space<vmem>> -> memref<1x26x64xf32, #tpu.memory_space<vmem>>
        %dma_start3A_1986 = tpu.memref_squeeze %dma_start3A_1985 : memref<1x26x64xf32, #tpu.memory_space<vmem>> -> memref<26x64xf32, #tpu.memory_space<vmem>>
        %dma_start3A_1987 = arith.constant 0 : i32
        %dma_start3A_1988 = tpu.memref_slice %arg5[%add3A_1981, %dma_start3A_1987] : memref<512x26xi32, #tpu.memory_space<vmem>> -> memref<1x26xi32, #tpu.memory_space<vmem>>
        %dma_start3A_1989 = tpu.memref_squeeze %dma_start3A_1988 : memref<1x26xi32, #tpu.memory_space<vmem>> -> memref<26xi32, #tpu.memory_space<vmem>>
        %dma_start3A_1990 = arith.constant 0 : i32
        %dma_start3A_1991 = arith.constant 0 : i32
        %dma_start3A_1992 = tpu.memref_slice %arg3[%dma_start3A_1990, %dma_start3A_1991] : memref<1000000x64xf32, #tpu.memory_space<hbm>> -> memref<1000000x64xf32, #tpu.memory_space<hbm>>
        tpu.enqueue_indirect_dma source(%dma_start3A_1992 : memref<1000000x64xf32, #tpu.memory_space<hbm>>) target(%dma_start3A_1986 : memref<26x64xf32, #tpu.memory_space<vmem>>) offsets(%dma_start3A_1989 : memref<26xi32, #tpu.memory_space<vmem>>) semaphore(%arg10 : memref<!tpu.dma_semaphore, #tpu.memory_space<semaphore_mem>>)
        %mul3A_1993 = arith.constant 16 : i32
        %mul3A_1994 = arith.muli %add3A_1857, %mul3A_1993 : i32
        %add3A_1995 = arith.constant 9 : i32
        %add3A_1996 = arith.addi %mul3A_1994, %add3A_1995 : i32
        %dma_start3A_1997 = arith.constant 9 : i32
        %dma_start3A_1998 = arith.constant 0 : i32
        %dma_start3A_1999 = arith.constant 0 : i32
        %dma_start3A_2000 = tpu.memref_slice %arg6[%dma_start3A_1997, %dma_start3A_1998, %dma_start3A_1999] : memref<16x26x64xf32, #tpu.memory_space<vmem>> -> memref<1x26x64xf32, #tpu.memory_space<vmem>>
        %dma_start3A_2001 = tpu.memref_squeeze %dma_start3A_2000 : memref<1x26x64xf32, #tpu.memory_space<vmem>> -> memref<26x64xf32, #tpu.memory_space<vmem>>
        %dma_start3A_2002 = arith.constant 0 : i32
        %dma_start3A_2003 = tpu.memref_slice %arg5[%add3A_1996, %dma_start3A_2002] : memref<512x26xi32, #tpu.memory_space<vmem>> -> memref<1x26xi32, #tpu.memory_space<vmem>>
        %dma_start3A_2004 = tpu.memref_squeeze %dma_start3A_2003 : memref<1x26xi32, #tpu.memory_space<vmem>> -> memref<26xi32, #tpu.memory_space<vmem>>
        %dma_start3A_2005 = arith.constant 0 : i32
        %dma_start3A_2006 = arith.constant 0 : i32
        %dma_start3A_2007 = tpu.memref_slice %arg3[%dma_start3A_2005, %dma_start3A_2006] : memref<1000000x64xf32, #tpu.memory_space<hbm>> -> memref<1000000x64xf32, #tpu.memory_space<hbm>>
        tpu.enqueue_indirect_dma source(%dma_start3A_2007 : memref<1000000x64xf32, #tpu.memory_space<hbm>>) target(%dma_start3A_2001 : memref<26x64xf32, #tpu.memory_space<vmem>>) offsets(%dma_start3A_2004 : memref<26xi32, #tpu.memory_space<vmem>>) semaphore(%arg10 : memref<!tpu.dma_semaphore, #tpu.memory_space<semaphore_mem>>)
        %mul3A_2008 = arith.constant 16 : i32
        %mul3A_2009 = arith.muli %add3A_1857, %mul3A_2008 : i32
        %add3A_2010 = arith.constant 10 : i32
        %add3A_2011 = arith.addi %mul3A_2009, %add3A_2010 : i32
        %dma_start3A_2012 = arith.constant 10 : i32
        %dma_start3A_2013 = arith.constant 0 : i32
        %dma_start3A_2014 = arith.constant 0 : i32
        %dma_start3A_2015 = tpu.memref_slice %arg6[%dma_start3A_2012, %dma_start3A_2013, %dma_start3A_2014] : memref<16x26x64xf32, #tpu.memory_space<vmem>> -> memref<1x26x64xf32, #tpu.memory_space<vmem>>
        %dma_start3A_2016 = tpu.memref_squeeze %dma_start3A_2015 : memref<1x26x64xf32, #tpu.memory_space<vmem>> -> memref<26x64xf32, #tpu.memory_space<vmem>>
        %dma_start3A_2017 = arith.constant 0 : i32
        %dma_start3A_2018 = tpu.memref_slice %arg5[%add3A_2011, %dma_start3A_2017] : memref<512x26xi32, #tpu.memory_space<vmem>> -> memref<1x26xi32, #tpu.memory_space<vmem>>
        %dma_start3A_2019 = tpu.memref_squeeze %dma_start3A_2018 : memref<1x26xi32, #tpu.memory_space<vmem>> -> memref<26xi32, #tpu.memory_space<vmem>>
        %dma_start3A_2020 = arith.constant 0 : i32
        %dma_start3A_2021 = arith.constant 0 : i32
        %dma_start3A_2022 = tpu.memref_slice %arg3[%dma_start3A_2020, %dma_start3A_2021] : memref<1000000x64xf32, #tpu.memory_space<hbm>> -> memref<1000000x64xf32, #tpu.memory_space<hbm>>
        tpu.enqueue_indirect_dma source(%dma_start3A_2022 : memref<1000000x64xf32, #tpu.memory_space<hbm>>) target(%dma_start3A_2016 : memref<26x64xf32, #tpu.memory_space<vmem>>) offsets(%dma_start3A_2019 : memref<26xi32, #tpu.memory_space<vmem>>) semaphore(%arg10 : memref<!tpu.dma_semaphore, #tpu.memory_space<semaphore_mem>>)
        %mul3A_2023 = arith.constant 16 : i32
        %mul3A_2024 = arith.muli %add3A_1857, %mul3A_2023 : i32
        %add3A_2025 = arith.constant 11 : i32
        %add3A_2026 = arith.addi %mul3A_2024, %add3A_2025 : i32
        %dma_start3A_2027 = arith.constant 11 : i32
        %dma_start3A_2028 = arith.constant 0 : i32
        %dma_start3A_2029 = arith.constant 0 : i32
        %dma_start3A_2030 = tpu.memref_slice %arg6[%dma_start3A_2027, %dma_start3A_2028, %dma_start3A_2029] : memref<16x26x64xf32, #tpu.memory_space<vmem>> -> memref<1x26x64xf32, #tpu.memory_space<vmem>>
        %dma_start3A_2031 = tpu.memref_squeeze %dma_start3A_2030 : memref<1x26x64xf32, #tpu.memory_space<vmem>> -> memref<26x64xf32, #tpu.memory_space<vmem>>
        %dma_start3A_2032 = arith.constant 0 : i32
        %dma_start3A_2033 = tpu.memref_slice %arg5[%add3A_2026, %dma_start3A_2032] : memref<512x26xi32, #tpu.memory_space<vmem>> -> memref<1x26xi32, #tpu.memory_space<vmem>>
        %dma_start3A_2034 = tpu.memref_squeeze %dma_start3A_2033 : memref<1x26xi32, #tpu.memory_space<vmem>> -> memref<26xi32, #tpu.memory_space<vmem>>
        %dma_start3A_2035 = arith.constant 0 : i32
        %dma_start3A_2036 = arith.constant 0 : i32
        %dma_start3A_2037 = tpu.memref_slice %arg3[%dma_start3A_2035, %dma_start3A_2036] : memref<1000000x64xf32, #tpu.memory_space<hbm>> -> memref<1000000x64xf32, #tpu.memory_space<hbm>>
        tpu.enqueue_indirect_dma source(%dma_start3A_2037 : memref<1000000x64xf32, #tpu.memory_space<hbm>>) target(%dma_start3A_2031 : memref<26x64xf32, #tpu.memory_space<vmem>>) offsets(%dma_start3A_2034 : memref<26xi32, #tpu.memory_space<vmem>>) semaphore(%arg10 : memref<!tpu.dma_semaphore, #tpu.memory_space<semaphore_mem>>)
        %mul3A_2038 = arith.constant 16 : i32
        %mul3A_2039 = arith.muli %add3A_1857, %mul3A_2038 : i32
        %add3A_2040 = arith.constant 12 : i32
        %add3A_2041 = arith.addi %mul3A_2039, %add3A_2040 : i32
        %dma_start3A_2042 = arith.constant 12 : i32
        %dma_start3A_2043 = arith.constant 0 : i32
        %dma_start3A_2044 = arith.constant 0 : i32
        %dma_start3A_2045 = tpu.memref_slice %arg6[%dma_start3A_2042, %dma_start3A_2043, %dma_start3A_2044] : memref<16x26x64xf32, #tpu.memory_space<vmem>> -> memref<1x26x64xf32, #tpu.memory_space<vmem>>
        %dma_start3A_2046 = tpu.memref_squeeze %dma_start3A_2045 : memref<1x26x64xf32, #tpu.memory_space<vmem>> -> memref<26x64xf32, #tpu.memory_space<vmem>>
        %dma_start3A_2047 = arith.constant 0 : i32
        %dma_start3A_2048 = tpu.memref_slice %arg5[%add3A_2041, %dma_start3A_2047] : memref<512x26xi32, #tpu.memory_space<vmem>> -> memref<1x26xi32, #tpu.memory_space<vmem>>
        %dma_start3A_2049 = tpu.memref_squeeze %dma_start3A_2048 : memref<1x26xi32, #tpu.memory_space<vmem>> -> memref<26xi32, #tpu.memory_space<vmem>>
        %dma_start3A_2050 = arith.constant 0 : i32
        %dma_start3A_2051 = arith.constant 0 : i32
        %dma_start3A_2052 = tpu.memref_slice %arg3[%dma_start3A_2050, %dma_start3A_2051] : memref<1000000x64xf32, #tpu.memory_space<hbm>> -> memref<1000000x64xf32, #tpu.memory_space<hbm>>
        tpu.enqueue_indirect_dma source(%dma_start3A_2052 : memref<1000000x64xf32, #tpu.memory_space<hbm>>) target(%dma_start3A_2046 : memref<26x64xf32, #tpu.memory_space<vmem>>) offsets(%dma_start3A_2049 : memref<26xi32, #tpu.memory_space<vmem>>) semaphore(%arg10 : memref<!tpu.dma_semaphore, #tpu.memory_space<semaphore_mem>>)
        %mul3A_2053 = arith.constant 16 : i32
        %mul3A_2054 = arith.muli %add3A_1857, %mul3A_2053 : i32
        %add3A_2055 = arith.constant 13 : i32
        %add3A_2056 = arith.addi %mul3A_2054, %add3A_2055 : i32
        %dma_start3A_2057 = arith.constant 13 : i32
        %dma_start3A_2058 = arith.constant 0 : i32
        %dma_start3A_2059 = arith.constant 0 : i32
        %dma_start3A_2060 = tpu.memref_slice %arg6[%dma_start3A_2057, %dma_start3A_2058, %dma_start3A_2059] : memref<16x26x64xf32, #tpu.memory_space<vmem>> -> memref<1x26x64xf32, #tpu.memory_space<vmem>>
        %dma_start3A_2061 = tpu.memref_squeeze %dma_start3A_2060 : memref<1x26x64xf32, #tpu.memory_space<vmem>> -> memref<26x64xf32, #tpu.memory_space<vmem>>
        %dma_start3A_2062 = arith.constant 0 : i32
        %dma_start3A_2063 = tpu.memref_slice %arg5[%add3A_2056, %dma_start3A_2062] : memref<512x26xi32, #tpu.memory_space<vmem>> -> memref<1x26xi32, #tpu.memory_space<vmem>>
        %dma_start3A_2064 = tpu.memref_squeeze %dma_start3A_2063 : memref<1x26xi32, #tpu.memory_space<vmem>> -> memref<26xi32, #tpu.memory_space<vmem>>
        %dma_start3A_2065 = arith.constant 0 : i32
        %dma_start3A_2066 = arith.constant 0 : i32
        %dma_start3A_2067 = tpu.memref_slice %arg3[%dma_start3A_2065, %dma_start3A_2066] : memref<1000000x64xf32, #tpu.memory_space<hbm>> -> memref<1000000x64xf32, #tpu.memory_space<hbm>>
        tpu.enqueue_indirect_dma source(%dma_start3A_2067 : memref<1000000x64xf32, #tpu.memory_space<hbm>>) target(%dma_start3A_2061 : memref<26x64xf32, #tpu.memory_space<vmem>>) offsets(%dma_start3A_2064 : memref<26xi32, #tpu.memory_space<vmem>>) semaphore(%arg10 : memref<!tpu.dma_semaphore, #tpu.memory_space<semaphore_mem>>)
        %mul3A_2068 = arith.constant 16 : i32
        %mul3A_2069 = arith.muli %add3A_1857, %mul3A_2068 : i32
        %add3A_2070 = arith.constant 14 : i32
        %add3A_2071 = arith.addi %mul3A_2069, %add3A_2070 : i32
        %dma_start3A_2072 = arith.constant 14 : i32
        %dma_start3A_2073 = arith.constant 0 : i32
        %dma_start3A_2074 = arith.constant 0 : i32
        %dma_start3A_2075 = tpu.memref_slice %arg6[%dma_start3A_2072, %dma_start3A_2073, %dma_start3A_2074] : memref<16x26x64xf32, #tpu.memory_space<vmem>> -> memref<1x26x64xf32, #tpu.memory_space<vmem>>
        %dma_start3A_2076 = tpu.memref_squeeze %dma_start3A_2075 : memref<1x26x64xf32, #tpu.memory_space<vmem>> -> memref<26x64xf32, #tpu.memory_space<vmem>>
        %dma_start3A_2077 = arith.constant 0 : i32
        %dma_start3A_2078 = tpu.memref_slice %arg5[%add3A_2071, %dma_start3A_2077] : memref<512x26xi32, #tpu.memory_space<vmem>> -> memref<1x26xi32, #tpu.memory_space<vmem>>
        %dma_start3A_2079 = tpu.memref_squeeze %dma_start3A_2078 : memref<1x26xi32, #tpu.memory_space<vmem>> -> memref<26xi32, #tpu.memory_space<vmem>>
        %dma_start3A_2080 = arith.constant 0 : i32
        %dma_start3A_2081 = arith.constant 0 : i32
        %dma_start3A_2082 = tpu.memref_slice %arg3[%dma_start3A_2080, %dma_start3A_2081] : memref<1000000x64xf32, #tpu.memory_space<hbm>> -> memref<1000000x64xf32, #tpu.memory_space<hbm>>
        tpu.enqueue_indirect_dma source(%dma_start3A_2082 : memref<1000000x64xf32, #tpu.memory_space<hbm>>) target(%dma_start3A_2076 : memref<26x64xf32, #tpu.memory_space<vmem>>) offsets(%dma_start3A_2079 : memref<26xi32, #tpu.memory_space<vmem>>) semaphore(%arg10 : memref<!tpu.dma_semaphore, #tpu.memory_space<semaphore_mem>>)
        %mul3A_2083 = arith.constant 16 : i32
        %mul3A_2084 = arith.muli %add3A_1857, %mul3A_2083 : i32
        %add3A_2085 = arith.constant 15 : i32
        %add3A_2086 = arith.addi %mul3A_2084, %add3A_2085 : i32
        %dma_start3A_2087 = arith.constant 15 : i32
        %dma_start3A_2088 = arith.constant 0 : i32
        %dma_start3A_2089 = arith.constant 0 : i32
        %dma_start3A_2090 = tpu.memref_slice %arg6[%dma_start3A_2087, %dma_start3A_2088, %dma_start3A_2089] : memref<16x26x64xf32, #tpu.memory_space<vmem>> -> memref<1x26x64xf32, #tpu.memory_space<vmem>>
        %dma_start3A_2091 = tpu.memref_squeeze %dma_start3A_2090 : memref<1x26x64xf32, #tpu.memory_space<vmem>> -> memref<26x64xf32, #tpu.memory_space<vmem>>
        %dma_start3A_2092 = arith.constant 0 : i32
        %dma_start3A_2093 = tpu.memref_slice %arg5[%add3A_2086, %dma_start3A_2092] : memref<512x26xi32, #tpu.memory_space<vmem>> -> memref<1x26xi32, #tpu.memory_space<vmem>>
        %dma_start3A_2094 = tpu.memref_squeeze %dma_start3A_2093 : memref<1x26xi32, #tpu.memory_space<vmem>> -> memref<26xi32, #tpu.memory_space<vmem>>
        %dma_start3A_2095 = arith.constant 0 : i32
        %dma_start3A_2096 = arith.constant 0 : i32
        %dma_start3A_2097 = tpu.memref_slice %arg3[%dma_start3A_2095, %dma_start3A_2096] : memref<1000000x64xf32, #tpu.memory_space<hbm>> -> memref<1000000x64xf32, #tpu.memory_space<hbm>>
        tpu.enqueue_indirect_dma source(%dma_start3A_2097 : memref<1000000x64xf32, #tpu.memory_space<hbm>>) target(%dma_start3A_2091 : memref<26x64xf32, #tpu.memory_space<vmem>>) offsets(%dma_start3A_2094 : memref<26xi32, #tpu.memory_space<vmem>>) semaphore(%arg10 : memref<!tpu.dma_semaphore, #tpu.memory_space<semaphore_mem>>)
        %mul3A_2098 = arith.constant 4 : i32
        %mul3A_2099 = arith.muli %scan3A_806, %mul3A_2098 : i32
        %add3A_2100 = arith.constant 1 : i32
        %add3A_2101 = arith.addi %mul3A_2099, %add3A_2100 : i32
        %mul3A_2102 = arith.constant 16 : i32
        %mul3A_2103 = arith.muli %add3A_2101, %mul3A_2102 : i32
        %add3A_2104 = arith.addi %mul3A_2, %mul3A_2103 : i32
        %dma_wait3A_2105 = arith.constant 0 : i32
        %dma_wait3A_2106 = arith.constant 0 : i32
        %dma_wait3A_2107 = tpu.memref_slice %arg4[%add3A_2104, %dma_wait3A_2105, %dma_wait3A_2106] : memref<16384x26x64xf32, #tpu.memory_space<hbm>> -> memref<16x26x64xf32, #tpu.memory_space<hbm>>
        %dma_wait3A_2108 = arith.constant 0 : i32
        %dma_wait3A_2109 = arith.constant 0 : i32
        %dma_wait3A_2110 = tpu.memref_slice %arg4[%add3A_2104, %dma_wait3A_2108, %dma_wait3A_2109] : memref<16384x26x64xf32, #tpu.memory_space<hbm>> -> memref<16x26x64xf32, #tpu.memory_space<hbm>>
        tpu.wait_dma2 semaphore(%arg15 : memref<!tpu.dma_semaphore, #tpu.memory_space<semaphore_mem>>) src(%arg7 : memref<16x26x64xf32, #tpu.memory_space<vmem>>) dst(%dma_wait3A_2110 : memref<16x26x64xf32, #tpu.memory_space<hbm>>)
        %add3A_2111 = arith.constant 1 : i32
        %add3A_2112 = arith.addi %scan3A_806, %add3A_2111 : i32
        %mul3A_2113 = arith.constant 4 : i32
        %mul3A_2114 = arith.muli %add3A_2112, %mul3A_2113 : i32
        %add3A_2115 = arith.constant 1 : i32
        %add3A_2116 = arith.addi %mul3A_2114, %add3A_2115 : i32
        %mul3A_2117 = arith.constant 16 : i32
        %mul3A_2118 = arith.muli %add3A_2116, %mul3A_2117 : i32
        %add3A_2119 = arith.constant 0 : i32
        %add3A_2120 = arith.addi %mul3A_2118, %add3A_2119 : i32
        %dma_start3A_2121 = arith.constant 0 : i32
        %dma_start3A_2122 = arith.constant 0 : i32
        %dma_start3A_2123 = arith.constant 0 : i32
        %dma_start3A_2124 = tpu.memref_slice %arg7[%dma_start3A_2121, %dma_start3A_2122, %dma_start3A_2123] : memref<16x26x64xf32, #tpu.memory_space<vmem>> -> memref<1x26x64xf32, #tpu.memory_space<vmem>>
        %dma_start3A_2125 = tpu.memref_squeeze %dma_start3A_2124 : memref<1x26x64xf32, #tpu.memory_space<vmem>> -> memref<26x64xf32, #tpu.memory_space<vmem>>
        %dma_start3A_2126 = arith.constant 0 : i32
        %dma_start3A_2127 = tpu.memref_slice %arg5[%add3A_2120, %dma_start3A_2126] : memref<512x26xi32, #tpu.memory_space<vmem>> -> memref<1x26xi32, #tpu.memory_space<vmem>>
        %dma_start3A_2128 = tpu.memref_squeeze %dma_start3A_2127 : memref<1x26xi32, #tpu.memory_space<vmem>> -> memref<26xi32, #tpu.memory_space<vmem>>
        %dma_start3A_2129 = arith.constant 0 : i32
        %dma_start3A_2130 = arith.constant 0 : i32
        %dma_start3A_2131 = tpu.memref_slice %arg3[%dma_start3A_2129, %dma_start3A_2130] : memref<1000000x64xf32, #tpu.memory_space<hbm>> -> memref<1000000x64xf32, #tpu.memory_space<hbm>>
        tpu.enqueue_indirect_dma source(%dma_start3A_2131 : memref<1000000x64xf32, #tpu.memory_space<hbm>>) target(%dma_start3A_2125 : memref<26x64xf32, #tpu.memory_space<vmem>>) offsets(%dma_start3A_2128 : memref<26xi32, #tpu.memory_space<vmem>>) semaphore(%arg11 : memref<!tpu.dma_semaphore, #tpu.memory_space<semaphore_mem>>)
        %mul3A_2132 = arith.constant 16 : i32
        %mul3A_2133 = arith.muli %add3A_2116, %mul3A_2132 : i32
        %add3A_2134 = arith.constant 1 : i32
        %add3A_2135 = arith.addi %mul3A_2133, %add3A_2134 : i32
        %dma_start3A_2136 = arith.constant 1 : i32
        %dma_start3A_2137 = arith.constant 0 : i32
        %dma_start3A_2138 = arith.constant 0 : i32
        %dma_start3A_2139 = tpu.memref_slice %arg7[%dma_start3A_2136, %dma_start3A_2137, %dma_start3A_2138] : memref<16x26x64xf32, #tpu.memory_space<vmem>> -> memref<1x26x64xf32, #tpu.memory_space<vmem>>
        %dma_start3A_2140 = tpu.memref_squeeze %dma_start3A_2139 : memref<1x26x64xf32, #tpu.memory_space<vmem>> -> memref<26x64xf32, #tpu.memory_space<vmem>>
        %dma_start3A_2141 = arith.constant 0 : i32
        %dma_start3A_2142 = tpu.memref_slice %arg5[%add3A_2135, %dma_start3A_2141] : memref<512x26xi32, #tpu.memory_space<vmem>> -> memref<1x26xi32, #tpu.memory_space<vmem>>
        %dma_start3A_2143 = tpu.memref_squeeze %dma_start3A_2142 : memref<1x26xi32, #tpu.memory_space<vmem>> -> memref<26xi32, #tpu.memory_space<vmem>>
        %dma_start3A_2144 = arith.constant 0 : i32
        %dma_start3A_2145 = arith.constant 0 : i32
        %dma_start3A_2146 = tpu.memref_slice %arg3[%dma_start3A_2144, %dma_start3A_2145] : memref<1000000x64xf32, #tpu.memory_space<hbm>> -> memref<1000000x64xf32, #tpu.memory_space<hbm>>
        tpu.enqueue_indirect_dma source(%dma_start3A_2146 : memref<1000000x64xf32, #tpu.memory_space<hbm>>) target(%dma_start3A_2140 : memref<26x64xf32, #tpu.memory_space<vmem>>) offsets(%dma_start3A_2143 : memref<26xi32, #tpu.memory_space<vmem>>) semaphore(%arg11 : memref<!tpu.dma_semaphore, #tpu.memory_space<semaphore_mem>>)
        %mul3A_2147 = arith.constant 16 : i32
        %mul3A_2148 = arith.muli %add3A_2116, %mul3A_2147 : i32
        %add3A_2149 = arith.constant 2 : i32
        %add3A_2150 = arith.addi %mul3A_2148, %add3A_2149 : i32
        %dma_start3A_2151 = arith.constant 2 : i32
        %dma_start3A_2152 = arith.constant 0 : i32
        %dma_start3A_2153 = arith.constant 0 : i32
        %dma_start3A_2154 = tpu.memref_slice %arg7[%dma_start3A_2151, %dma_start3A_2152, %dma_start3A_2153] : memref<16x26x64xf32, #tpu.memory_space<vmem>> -> memref<1x26x64xf32, #tpu.memory_space<vmem>>
        %dma_start3A_2155 = tpu.memref_squeeze %dma_start3A_2154 : memref<1x26x64xf32, #tpu.memory_space<vmem>> -> memref<26x64xf32, #tpu.memory_space<vmem>>
        %dma_start3A_2156 = arith.constant 0 : i32
        %dma_start3A_2157 = tpu.memref_slice %arg5[%add3A_2150, %dma_start3A_2156] : memref<512x26xi32, #tpu.memory_space<vmem>> -> memref<1x26xi32, #tpu.memory_space<vmem>>
        %dma_start3A_2158 = tpu.memref_squeeze %dma_start3A_2157 : memref<1x26xi32, #tpu.memory_space<vmem>> -> memref<26xi32, #tpu.memory_space<vmem>>
        %dma_start3A_2159 = arith.constant 0 : i32
        %dma_start3A_2160 = arith.constant 0 : i32
        %dma_start3A_2161 = tpu.memref_slice %arg3[%dma_start3A_2159, %dma_start3A_2160] : memref<1000000x64xf32, #tpu.memory_space<hbm>> -> memref<1000000x64xf32, #tpu.memory_space<hbm>>
        tpu.enqueue_indirect_dma source(%dma_start3A_2161 : memref<1000000x64xf32, #tpu.memory_space<hbm>>) target(%dma_start3A_2155 : memref<26x64xf32, #tpu.memory_space<vmem>>) offsets(%dma_start3A_2158 : memref<26xi32, #tpu.memory_space<vmem>>) semaphore(%arg11 : memref<!tpu.dma_semaphore, #tpu.memory_space<semaphore_mem>>)
        %mul3A_2162 = arith.constant 16 : i32
        %mul3A_2163 = arith.muli %add3A_2116, %mul3A_2162 : i32
        %add3A_2164 = arith.constant 3 : i32
        %add3A_2165 = arith.addi %mul3A_2163, %add3A_2164 : i32
        %dma_start3A_2166 = arith.constant 3 : i32
        %dma_start3A_2167 = arith.constant 0 : i32
        %dma_start3A_2168 = arith.constant 0 : i32
        %dma_start3A_2169 = tpu.memref_slice %arg7[%dma_start3A_2166, %dma_start3A_2167, %dma_start3A_2168] : memref<16x26x64xf32, #tpu.memory_space<vmem>> -> memref<1x26x64xf32, #tpu.memory_space<vmem>>
        %dma_start3A_2170 = tpu.memref_squeeze %dma_start3A_2169 : memref<1x26x64xf32, #tpu.memory_space<vmem>> -> memref<26x64xf32, #tpu.memory_space<vmem>>
        %dma_start3A_2171 = arith.constant 0 : i32
        %dma_start3A_2172 = tpu.memref_slice %arg5[%add3A_2165, %dma_start3A_2171] : memref<512x26xi32, #tpu.memory_space<vmem>> -> memref<1x26xi32, #tpu.memory_space<vmem>>
        %dma_start3A_2173 = tpu.memref_squeeze %dma_start3A_2172 : memref<1x26xi32, #tpu.memory_space<vmem>> -> memref<26xi32, #tpu.memory_space<vmem>>
        %dma_start3A_2174 = arith.constant 0 : i32
        %dma_start3A_2175 = arith.constant 0 : i32
        %dma_start3A_2176 = tpu.memref_slice %arg3[%dma_start3A_2174, %dma_start3A_2175] : memref<1000000x64xf32, #tpu.memory_space<hbm>> -> memref<1000000x64xf32, #tpu.memory_space<hbm>>
        tpu.enqueue_indirect_dma source(%dma_start3A_2176 : memref<1000000x64xf32, #tpu.memory_space<hbm>>) target(%dma_start3A_2170 : memref<26x64xf32, #tpu.memory_space<vmem>>) offsets(%dma_start3A_2173 : memref<26xi32, #tpu.memory_space<vmem>>) semaphore(%arg11 : memref<!tpu.dma_semaphore, #tpu.memory_space<semaphore_mem>>)
        %mul3A_2177 = arith.constant 16 : i32
        %mul3A_2178 = arith.muli %add3A_2116, %mul3A_2177 : i32
        %add3A_2179 = arith.constant 4 : i32
        %add3A_2180 = arith.addi %mul3A_2178, %add3A_2179 : i32
        %dma_start3A_2181 = arith.constant 4 : i32
        %dma_start3A_2182 = arith.constant 0 : i32
        %dma_start3A_2183 = arith.constant 0 : i32
        %dma_start3A_2184 = tpu.memref_slice %arg7[%dma_start3A_2181, %dma_start3A_2182, %dma_start3A_2183] : memref<16x26x64xf32, #tpu.memory_space<vmem>> -> memref<1x26x64xf32, #tpu.memory_space<vmem>>
        %dma_start3A_2185 = tpu.memref_squeeze %dma_start3A_2184 : memref<1x26x64xf32, #tpu.memory_space<vmem>> -> memref<26x64xf32, #tpu.memory_space<vmem>>
        %dma_start3A_2186 = arith.constant 0 : i32
        %dma_start3A_2187 = tpu.memref_slice %arg5[%add3A_2180, %dma_start3A_2186] : memref<512x26xi32, #tpu.memory_space<vmem>> -> memref<1x26xi32, #tpu.memory_space<vmem>>
        %dma_start3A_2188 = tpu.memref_squeeze %dma_start3A_2187 : memref<1x26xi32, #tpu.memory_space<vmem>> -> memref<26xi32, #tpu.memory_space<vmem>>
        %dma_start3A_2189 = arith.constant 0 : i32
        %dma_start3A_2190 = arith.constant 0 : i32
        %dma_start3A_2191 = tpu.memref_slice %arg3[%dma_start3A_2189, %dma_start3A_2190] : memref<1000000x64xf32, #tpu.memory_space<hbm>> -> memref<1000000x64xf32, #tpu.memory_space<hbm>>
        tpu.enqueue_indirect_dma source(%dma_start3A_2191 : memref<1000000x64xf32, #tpu.memory_space<hbm>>) target(%dma_start3A_2185 : memref<26x64xf32, #tpu.memory_space<vmem>>) offsets(%dma_start3A_2188 : memref<26xi32, #tpu.memory_space<vmem>>) semaphore(%arg11 : memref<!tpu.dma_semaphore, #tpu.memory_space<semaphore_mem>>)
        %mul3A_2192 = arith.constant 16 : i32
        %mul3A_2193 = arith.muli %add3A_2116, %mul3A_2192 : i32
        %add3A_2194 = arith.constant 5 : i32
        %add3A_2195 = arith.addi %mul3A_2193, %add3A_2194 : i32
        %dma_start3A_2196 = arith.constant 5 : i32
        %dma_start3A_2197 = arith.constant 0 : i32
        %dma_start3A_2198 = arith.constant 0 : i32
        %dma_start3A_2199 = tpu.memref_slice %arg7[%dma_start3A_2196, %dma_start3A_2197, %dma_start3A_2198] : memref<16x26x64xf32, #tpu.memory_space<vmem>> -> memref<1x26x64xf32, #tpu.memory_space<vmem>>
        %dma_start3A_2200 = tpu.memref_squeeze %dma_start3A_2199 : memref<1x26x64xf32, #tpu.memory_space<vmem>> -> memref<26x64xf32, #tpu.memory_space<vmem>>
        %dma_start3A_2201 = arith.constant 0 : i32
        %dma_start3A_2202 = tpu.memref_slice %arg5[%add3A_2195, %dma_start3A_2201] : memref<512x26xi32, #tpu.memory_space<vmem>> -> memref<1x26xi32, #tpu.memory_space<vmem>>
        %dma_start3A_2203 = tpu.memref_squeeze %dma_start3A_2202 : memref<1x26xi32, #tpu.memory_space<vmem>> -> memref<26xi32, #tpu.memory_space<vmem>>
        %dma_start3A_2204 = arith.constant 0 : i32
        %dma_start3A_2205 = arith.constant 0 : i32
        %dma_start3A_2206 = tpu.memref_slice %arg3[%dma_start3A_2204, %dma_start3A_2205] : memref<1000000x64xf32, #tpu.memory_space<hbm>> -> memref<1000000x64xf32, #tpu.memory_space<hbm>>
        tpu.enqueue_indirect_dma source(%dma_start3A_2206 : memref<1000000x64xf32, #tpu.memory_space<hbm>>) target(%dma_start3A_2200 : memref<26x64xf32, #tpu.memory_space<vmem>>) offsets(%dma_start3A_2203 : memref<26xi32, #tpu.memory_space<vmem>>) semaphore(%arg11 : memref<!tpu.dma_semaphore, #tpu.memory_space<semaphore_mem>>)
        %mul3A_2207 = arith.constant 16 : i32
        %mul3A_2208 = arith.muli %add3A_2116, %mul3A_2207 : i32
        %add3A_2209 = arith.constant 6 : i32
        %add3A_2210 = arith.addi %mul3A_2208, %add3A_2209 : i32
        %dma_start3A_2211 = arith.constant 6 : i32
        %dma_start3A_2212 = arith.constant 0 : i32
        %dma_start3A_2213 = arith.constant 0 : i32
        %dma_start3A_2214 = tpu.memref_slice %arg7[%dma_start3A_2211, %dma_start3A_2212, %dma_start3A_2213] : memref<16x26x64xf32, #tpu.memory_space<vmem>> -> memref<1x26x64xf32, #tpu.memory_space<vmem>>
        %dma_start3A_2215 = tpu.memref_squeeze %dma_start3A_2214 : memref<1x26x64xf32, #tpu.memory_space<vmem>> -> memref<26x64xf32, #tpu.memory_space<vmem>>
        %dma_start3A_2216 = arith.constant 0 : i32
        %dma_start3A_2217 = tpu.memref_slice %arg5[%add3A_2210, %dma_start3A_2216] : memref<512x26xi32, #tpu.memory_space<vmem>> -> memref<1x26xi32, #tpu.memory_space<vmem>>
        %dma_start3A_2218 = tpu.memref_squeeze %dma_start3A_2217 : memref<1x26xi32, #tpu.memory_space<vmem>> -> memref<26xi32, #tpu.memory_space<vmem>>
        %dma_start3A_2219 = arith.constant 0 : i32
        %dma_start3A_2220 = arith.constant 0 : i32
        %dma_start3A_2221 = tpu.memref_slice %arg3[%dma_start3A_2219, %dma_start3A_2220] : memref<1000000x64xf32, #tpu.memory_space<hbm>> -> memref<1000000x64xf32, #tpu.memory_space<hbm>>
        tpu.enqueue_indirect_dma source(%dma_start3A_2221 : memref<1000000x64xf32, #tpu.memory_space<hbm>>) target(%dma_start3A_2215 : memref<26x64xf32, #tpu.memory_space<vmem>>) offsets(%dma_start3A_2218 : memref<26xi32, #tpu.memory_space<vmem>>) semaphore(%arg11 : memref<!tpu.dma_semaphore, #tpu.memory_space<semaphore_mem>>)
        %mul3A_2222 = arith.constant 16 : i32
        %mul3A_2223 = arith.muli %add3A_2116, %mul3A_2222 : i32
        %add3A_2224 = arith.constant 7 : i32
        %add3A_2225 = arith.addi %mul3A_2223, %add3A_2224 : i32
        %dma_start3A_2226 = arith.constant 7 : i32
        %dma_start3A_2227 = arith.constant 0 : i32
        %dma_start3A_2228 = arith.constant 0 : i32
        %dma_start3A_2229 = tpu.memref_slice %arg7[%dma_start3A_2226, %dma_start3A_2227, %dma_start3A_2228] : memref<16x26x64xf32, #tpu.memory_space<vmem>> -> memref<1x26x64xf32, #tpu.memory_space<vmem>>
        %dma_start3A_2230 = tpu.memref_squeeze %dma_start3A_2229 : memref<1x26x64xf32, #tpu.memory_space<vmem>> -> memref<26x64xf32, #tpu.memory_space<vmem>>
        %dma_start3A_2231 = arith.constant 0 : i32
        %dma_start3A_2232 = tpu.memref_slice %arg5[%add3A_2225, %dma_start3A_2231] : memref<512x26xi32, #tpu.memory_space<vmem>> -> memref<1x26xi32, #tpu.memory_space<vmem>>
        %dma_start3A_2233 = tpu.memref_squeeze %dma_start3A_2232 : memref<1x26xi32, #tpu.memory_space<vmem>> -> memref<26xi32, #tpu.memory_space<vmem>>
        %dma_start3A_2234 = arith.constant 0 : i32
        %dma_start3A_2235 = arith.constant 0 : i32
        %dma_start3A_2236 = tpu.memref_slice %arg3[%dma_start3A_2234, %dma_start3A_2235] : memref<1000000x64xf32, #tpu.memory_space<hbm>> -> memref<1000000x64xf32, #tpu.memory_space<hbm>>
        tpu.enqueue_indirect_dma source(%dma_start3A_2236 : memref<1000000x64xf32, #tpu.memory_space<hbm>>) target(%dma_start3A_2230 : memref<26x64xf32, #tpu.memory_space<vmem>>) offsets(%dma_start3A_2233 : memref<26xi32, #tpu.memory_space<vmem>>) semaphore(%arg11 : memref<!tpu.dma_semaphore, #tpu.memory_space<semaphore_mem>>)
        %mul3A_2237 = arith.constant 16 : i32
        %mul3A_2238 = arith.muli %add3A_2116, %mul3A_2237 : i32
        %add3A_2239 = arith.constant 8 : i32
        %add3A_2240 = arith.addi %mul3A_2238, %add3A_2239 : i32
        %dma_start3A_2241 = arith.constant 8 : i32
        %dma_start3A_2242 = arith.constant 0 : i32
        %dma_start3A_2243 = arith.constant 0 : i32
        %dma_start3A_2244 = tpu.memref_slice %arg7[%dma_start3A_2241, %dma_start3A_2242, %dma_start3A_2243] : memref<16x26x64xf32, #tpu.memory_space<vmem>> -> memref<1x26x64xf32, #tpu.memory_space<vmem>>
        %dma_start3A_2245 = tpu.memref_squeeze %dma_start3A_2244 : memref<1x26x64xf32, #tpu.memory_space<vmem>> -> memref<26x64xf32, #tpu.memory_space<vmem>>
        %dma_start3A_2246 = arith.constant 0 : i32
        %dma_start3A_2247 = tpu.memref_slice %arg5[%add3A_2240, %dma_start3A_2246] : memref<512x26xi32, #tpu.memory_space<vmem>> -> memref<1x26xi32, #tpu.memory_space<vmem>>
        %dma_start3A_2248 = tpu.memref_squeeze %dma_start3A_2247 : memref<1x26xi32, #tpu.memory_space<vmem>> -> memref<26xi32, #tpu.memory_space<vmem>>
        %dma_start3A_2249 = arith.constant 0 : i32
        %dma_start3A_2250 = arith.constant 0 : i32
        %dma_start3A_2251 = tpu.memref_slice %arg3[%dma_start3A_2249, %dma_start3A_2250] : memref<1000000x64xf32, #tpu.memory_space<hbm>> -> memref<1000000x64xf32, #tpu.memory_space<hbm>>
        tpu.enqueue_indirect_dma source(%dma_start3A_2251 : memref<1000000x64xf32, #tpu.memory_space<hbm>>) target(%dma_start3A_2245 : memref<26x64xf32, #tpu.memory_space<vmem>>) offsets(%dma_start3A_2248 : memref<26xi32, #tpu.memory_space<vmem>>) semaphore(%arg11 : memref<!tpu.dma_semaphore, #tpu.memory_space<semaphore_mem>>)
        %mul3A_2252 = arith.constant 16 : i32
        %mul3A_2253 = arith.muli %add3A_2116, %mul3A_2252 : i32
        %add3A_2254 = arith.constant 9 : i32
        %add3A_2255 = arith.addi %mul3A_2253, %add3A_2254 : i32
        %dma_start3A_2256 = arith.constant 9 : i32
        %dma_start3A_2257 = arith.constant 0 : i32
        %dma_start3A_2258 = arith.constant 0 : i32
        %dma_start3A_2259 = tpu.memref_slice %arg7[%dma_start3A_2256, %dma_start3A_2257, %dma_start3A_2258] : memref<16x26x64xf32, #tpu.memory_space<vmem>> -> memref<1x26x64xf32, #tpu.memory_space<vmem>>
        %dma_start3A_2260 = tpu.memref_squeeze %dma_start3A_2259 : memref<1x26x64xf32, #tpu.memory_space<vmem>> -> memref<26x64xf32, #tpu.memory_space<vmem>>
        %dma_start3A_2261 = arith.constant 0 : i32
        %dma_start3A_2262 = tpu.memref_slice %arg5[%add3A_2255, %dma_start3A_2261] : memref<512x26xi32, #tpu.memory_space<vmem>> -> memref<1x26xi32, #tpu.memory_space<vmem>>
        %dma_start3A_2263 = tpu.memref_squeeze %dma_start3A_2262 : memref<1x26xi32, #tpu.memory_space<vmem>> -> memref<26xi32, #tpu.memory_space<vmem>>
        %dma_start3A_2264 = arith.constant 0 : i32
        %dma_start3A_2265 = arith.constant 0 : i32
        %dma_start3A_2266 = tpu.memref_slice %arg3[%dma_start3A_2264, %dma_start3A_2265] : memref<1000000x64xf32, #tpu.memory_space<hbm>> -> memref<1000000x64xf32, #tpu.memory_space<hbm>>
        tpu.enqueue_indirect_dma source(%dma_start3A_2266 : memref<1000000x64xf32, #tpu.memory_space<hbm>>) target(%dma_start3A_2260 : memref<26x64xf32, #tpu.memory_space<vmem>>) offsets(%dma_start3A_2263 : memref<26xi32, #tpu.memory_space<vmem>>) semaphore(%arg11 : memref<!tpu.dma_semaphore, #tpu.memory_space<semaphore_mem>>)
        %mul3A_2267 = arith.constant 16 : i32
        %mul3A_2268 = arith.muli %add3A_2116, %mul3A_2267 : i32
        %add3A_2269 = arith.constant 10 : i32
        %add3A_2270 = arith.addi %mul3A_2268, %add3A_2269 : i32
        %dma_start3A_2271 = arith.constant 10 : i32
        %dma_start3A_2272 = arith.constant 0 : i32
        %dma_start3A_2273 = arith.constant 0 : i32
        %dma_start3A_2274 = tpu.memref_slice %arg7[%dma_start3A_2271, %dma_start3A_2272, %dma_start3A_2273] : memref<16x26x64xf32, #tpu.memory_space<vmem>> -> memref<1x26x64xf32, #tpu.memory_space<vmem>>
        %dma_start3A_2275 = tpu.memref_squeeze %dma_start3A_2274 : memref<1x26x64xf32, #tpu.memory_space<vmem>> -> memref<26x64xf32, #tpu.memory_space<vmem>>
        %dma_start3A_2276 = arith.constant 0 : i32
        %dma_start3A_2277 = tpu.memref_slice %arg5[%add3A_2270, %dma_start3A_2276] : memref<512x26xi32, #tpu.memory_space<vmem>> -> memref<1x26xi32, #tpu.memory_space<vmem>>
        %dma_start3A_2278 = tpu.memref_squeeze %dma_start3A_2277 : memref<1x26xi32, #tpu.memory_space<vmem>> -> memref<26xi32, #tpu.memory_space<vmem>>
        %dma_start3A_2279 = arith.constant 0 : i32
        %dma_start3A_2280 = arith.constant 0 : i32
        %dma_start3A_2281 = tpu.memref_slice %arg3[%dma_start3A_2279, %dma_start3A_2280] : memref<1000000x64xf32, #tpu.memory_space<hbm>> -> memref<1000000x64xf32, #tpu.memory_space<hbm>>
        tpu.enqueue_indirect_dma source(%dma_start3A_2281 : memref<1000000x64xf32, #tpu.memory_space<hbm>>) target(%dma_start3A_2275 : memref<26x64xf32, #tpu.memory_space<vmem>>) offsets(%dma_start3A_2278 : memref<26xi32, #tpu.memory_space<vmem>>) semaphore(%arg11 : memref<!tpu.dma_semaphore, #tpu.memory_space<semaphore_mem>>)
        %mul3A_2282 = arith.constant 16 : i32
        %mul3A_2283 = arith.muli %add3A_2116, %mul3A_2282 : i32
        %add3A_2284 = arith.constant 11 : i32
        %add3A_2285 = arith.addi %mul3A_2283, %add3A_2284 : i32
        %dma_start3A_2286 = arith.constant 11 : i32
        %dma_start3A_2287 = arith.constant 0 : i32
        %dma_start3A_2288 = arith.constant 0 : i32
        %dma_start3A_2289 = tpu.memref_slice %arg7[%dma_start3A_2286, %dma_start3A_2287, %dma_start3A_2288] : memref<16x26x64xf32, #tpu.memory_space<vmem>> -> memref<1x26x64xf32, #tpu.memory_space<vmem>>
        %dma_start3A_2290 = tpu.memref_squeeze %dma_start3A_2289 : memref<1x26x64xf32, #tpu.memory_space<vmem>> -> memref<26x64xf32, #tpu.memory_space<vmem>>
        %dma_start3A_2291 = arith.constant 0 : i32
        %dma_start3A_2292 = tpu.memref_slice %arg5[%add3A_2285, %dma_start3A_2291] : memref<512x26xi32, #tpu.memory_space<vmem>> -> memref<1x26xi32, #tpu.memory_space<vmem>>
        %dma_start3A_2293 = tpu.memref_squeeze %dma_start3A_2292 : memref<1x26xi32, #tpu.memory_space<vmem>> -> memref<26xi32, #tpu.memory_space<vmem>>
        %dma_start3A_2294 = arith.constant 0 : i32
        %dma_start3A_2295 = arith.constant 0 : i32
        %dma_start3A_2296 = tpu.memref_slice %arg3[%dma_start3A_2294, %dma_start3A_2295] : memref<1000000x64xf32, #tpu.memory_space<hbm>> -> memref<1000000x64xf32, #tpu.memory_space<hbm>>
        tpu.enqueue_indirect_dma source(%dma_start3A_2296 : memref<1000000x64xf32, #tpu.memory_space<hbm>>) target(%dma_start3A_2290 : memref<26x64xf32, #tpu.memory_space<vmem>>) offsets(%dma_start3A_2293 : memref<26xi32, #tpu.memory_space<vmem>>) semaphore(%arg11 : memref<!tpu.dma_semaphore, #tpu.memory_space<semaphore_mem>>)
        %mul3A_2297 = arith.constant 16 : i32
        %mul3A_2298 = arith.muli %add3A_2116, %mul3A_2297 : i32
        %add3A_2299 = arith.constant 12 : i32
        %add3A_2300 = arith.addi %mul3A_2298, %add3A_2299 : i32
        %dma_start3A_2301 = arith.constant 12 : i32
        %dma_start3A_2302 = arith.constant 0 : i32
        %dma_start3A_2303 = arith.constant 0 : i32
        %dma_start3A_2304 = tpu.memref_slice %arg7[%dma_start3A_2301, %dma_start3A_2302, %dma_start3A_2303] : memref<16x26x64xf32, #tpu.memory_space<vmem>> -> memref<1x26x64xf32, #tpu.memory_space<vmem>>
        %dma_start3A_2305 = tpu.memref_squeeze %dma_start3A_2304 : memref<1x26x64xf32, #tpu.memory_space<vmem>> -> memref<26x64xf32, #tpu.memory_space<vmem>>
        %dma_start3A_2306 = arith.constant 0 : i32
        %dma_start3A_2307 = tpu.memref_slice %arg5[%add3A_2300, %dma_start3A_2306] : memref<512x26xi32, #tpu.memory_space<vmem>> -> memref<1x26xi32, #tpu.memory_space<vmem>>
        %dma_start3A_2308 = tpu.memref_squeeze %dma_start3A_2307 : memref<1x26xi32, #tpu.memory_space<vmem>> -> memref<26xi32, #tpu.memory_space<vmem>>
        %dma_start3A_2309 = arith.constant 0 : i32
        %dma_start3A_2310 = arith.constant 0 : i32
        %dma_start3A_2311 = tpu.memref_slice %arg3[%dma_start3A_2309, %dma_start3A_2310] : memref<1000000x64xf32, #tpu.memory_space<hbm>> -> memref<1000000x64xf32, #tpu.memory_space<hbm>>
        tpu.enqueue_indirect_dma source(%dma_start3A_2311 : memref<1000000x64xf32, #tpu.memory_space<hbm>>) target(%dma_start3A_2305 : memref<26x64xf32, #tpu.memory_space<vmem>>) offsets(%dma_start3A_2308 : memref<26xi32, #tpu.memory_space<vmem>>) semaphore(%arg11 : memref<!tpu.dma_semaphore, #tpu.memory_space<semaphore_mem>>)
        %mul3A_2312 = arith.constant 16 : i32
        %mul3A_2313 = arith.muli %add3A_2116, %mul3A_2312 : i32
        %add3A_2314 = arith.constant 13 : i32
        %add3A_2315 = arith.addi %mul3A_2313, %add3A_2314 : i32
        %dma_start3A_2316 = arith.constant 13 : i32
        %dma_start3A_2317 = arith.constant 0 : i32
        %dma_start3A_2318 = arith.constant 0 : i32
        %dma_start3A_2319 = tpu.memref_slice %arg7[%dma_start3A_2316, %dma_start3A_2317, %dma_start3A_2318] : memref<16x26x64xf32, #tpu.memory_space<vmem>> -> memref<1x26x64xf32, #tpu.memory_space<vmem>>
        %dma_start3A_2320 = tpu.memref_squeeze %dma_start3A_2319 : memref<1x26x64xf32, #tpu.memory_space<vmem>> -> memref<26x64xf32, #tpu.memory_space<vmem>>
        %dma_start3A_2321 = arith.constant 0 : i32
        %dma_start3A_2322 = tpu.memref_slice %arg5[%add3A_2315, %dma_start3A_2321] : memref<512x26xi32, #tpu.memory_space<vmem>> -> memref<1x26xi32, #tpu.memory_space<vmem>>
        %dma_start3A_2323 = tpu.memref_squeeze %dma_start3A_2322 : memref<1x26xi32, #tpu.memory_space<vmem>> -> memref<26xi32, #tpu.memory_space<vmem>>
        %dma_start3A_2324 = arith.constant 0 : i32
        %dma_start3A_2325 = arith.constant 0 : i32
        %dma_start3A_2326 = tpu.memref_slice %arg3[%dma_start3A_2324, %dma_start3A_2325] : memref<1000000x64xf32, #tpu.memory_space<hbm>> -> memref<1000000x64xf32, #tpu.memory_space<hbm>>
        tpu.enqueue_indirect_dma source(%dma_start3A_2326 : memref<1000000x64xf32, #tpu.memory_space<hbm>>) target(%dma_start3A_2320 : memref<26x64xf32, #tpu.memory_space<vmem>>) offsets(%dma_start3A_2323 : memref<26xi32, #tpu.memory_space<vmem>>) semaphore(%arg11 : memref<!tpu.dma_semaphore, #tpu.memory_space<semaphore_mem>>)
        %mul3A_2327 = arith.constant 16 : i32
        %mul3A_2328 = arith.muli %add3A_2116, %mul3A_2327 : i32
        %add3A_2329 = arith.constant 14 : i32
        %add3A_2330 = arith.addi %mul3A_2328, %add3A_2329 : i32
        %dma_start3A_2331 = arith.constant 14 : i32
        %dma_start3A_2332 = arith.constant 0 : i32
        %dma_start3A_2333 = arith.constant 0 : i32
        %dma_start3A_2334 = tpu.memref_slice %arg7[%dma_start3A_2331, %dma_start3A_2332, %dma_start3A_2333] : memref<16x26x64xf32, #tpu.memory_space<vmem>> -> memref<1x26x64xf32, #tpu.memory_space<vmem>>
        %dma_start3A_2335 = tpu.memref_squeeze %dma_start3A_2334 : memref<1x26x64xf32, #tpu.memory_space<vmem>> -> memref<26x64xf32, #tpu.memory_space<vmem>>
        %dma_start3A_2336 = arith.constant 0 : i32
        %dma_start3A_2337 = tpu.memref_slice %arg5[%add3A_2330, %dma_start3A_2336] : memref<512x26xi32, #tpu.memory_space<vmem>> -> memref<1x26xi32, #tpu.memory_space<vmem>>
        %dma_start3A_2338 = tpu.memref_squeeze %dma_start3A_2337 : memref<1x26xi32, #tpu.memory_space<vmem>> -> memref<26xi32, #tpu.memory_space<vmem>>
        %dma_start3A_2339 = arith.constant 0 : i32
        %dma_start3A_2340 = arith.constant 0 : i32
        %dma_start3A_2341 = tpu.memref_slice %arg3[%dma_start3A_2339, %dma_start3A_2340] : memref<1000000x64xf32, #tpu.memory_space<hbm>> -> memref<1000000x64xf32, #tpu.memory_space<hbm>>
        tpu.enqueue_indirect_dma source(%dma_start3A_2341 : memref<1000000x64xf32, #tpu.memory_space<hbm>>) target(%dma_start3A_2335 : memref<26x64xf32, #tpu.memory_space<vmem>>) offsets(%dma_start3A_2338 : memref<26xi32, #tpu.memory_space<vmem>>) semaphore(%arg11 : memref<!tpu.dma_semaphore, #tpu.memory_space<semaphore_mem>>)
        %mul3A_2342 = arith.constant 16 : i32
        %mul3A_2343 = arith.muli %add3A_2116, %mul3A_2342 : i32
        %add3A_2344 = arith.constant 15 : i32
        %add3A_2345 = arith.addi %mul3A_2343, %add3A_2344 : i32
        %dma_start3A_2346 = arith.constant 15 : i32
        %dma_start3A_2347 = arith.constant 0 : i32
        %dma_start3A_2348 = arith.constant 0 : i32
        %dma_start3A_2349 = tpu.memref_slice %arg7[%dma_start3A_2346, %dma_start3A_2347, %dma_start3A_2348] : memref<16x26x64xf32, #tpu.memory_space<vmem>> -> memref<1x26x64xf32, #tpu.memory_space<vmem>>
        %dma_start3A_2350 = tpu.memref_squeeze %dma_start3A_2349 : memref<1x26x64xf32, #tpu.memory_space<vmem>> -> memref<26x64xf32, #tpu.memory_space<vmem>>
        %dma_start3A_2351 = arith.constant 0 : i32
        %dma_start3A_2352 = tpu.memref_slice %arg5[%add3A_2345, %dma_start3A_2351] : memref<512x26xi32, #tpu.memory_space<vmem>> -> memref<1x26xi32, #tpu.memory_space<vmem>>
        %dma_start3A_2353 = tpu.memref_squeeze %dma_start3A_2352 : memref<1x26xi32, #tpu.memory_space<vmem>> -> memref<26xi32, #tpu.memory_space<vmem>>
        %dma_start3A_2354 = arith.constant 0 : i32
        %dma_start3A_2355 = arith.constant 0 : i32
        %dma_start3A_2356 = tpu.memref_slice %arg3[%dma_start3A_2354, %dma_start3A_2355] : memref<1000000x64xf32, #tpu.memory_space<hbm>> -> memref<1000000x64xf32, #tpu.memory_space<hbm>>
        tpu.enqueue_indirect_dma source(%dma_start3A_2356 : memref<1000000x64xf32, #tpu.memory_space<hbm>>) target(%dma_start3A_2350 : memref<26x64xf32, #tpu.memory_space<vmem>>) offsets(%dma_start3A_2353 : memref<26xi32, #tpu.memory_space<vmem>>) semaphore(%arg11 : memref<!tpu.dma_semaphore, #tpu.memory_space<semaphore_mem>>)
        %mul3A_2357 = arith.constant 4 : i32
        %mul3A_2358 = arith.muli %scan3A_806, %mul3A_2357 : i32
        %add3A_2359 = arith.constant 2 : i32
        %add3A_2360 = arith.addi %mul3A_2358, %add3A_2359 : i32
        %mul3A_2361 = arith.constant 16 : i32
        %mul3A_2362 = arith.muli %add3A_2360, %mul3A_2361 : i32
        %add3A_2363 = arith.addi %mul3A_2, %mul3A_2362 : i32
        %dma_wait3A_2364 = arith.constant 0 : i32
        %dma_wait3A_2365 = arith.constant 0 : i32
        %dma_wait3A_2366 = tpu.memref_slice %arg4[%add3A_2363, %dma_wait3A_2364, %dma_wait3A_2365] : memref<16384x26x64xf32, #tpu.memory_space<hbm>> -> memref<16x26x64xf32, #tpu.memory_space<hbm>>
        %dma_wait3A_2367 = arith.constant 0 : i32
        %dma_wait3A_2368 = arith.constant 0 : i32
        %dma_wait3A_2369 = tpu.memref_slice %arg4[%add3A_2363, %dma_wait3A_2367, %dma_wait3A_2368] : memref<16384x26x64xf32, #tpu.memory_space<hbm>> -> memref<16x26x64xf32, #tpu.memory_space<hbm>>
        tpu.wait_dma2 semaphore(%arg16 : memref<!tpu.dma_semaphore, #tpu.memory_space<semaphore_mem>>) src(%arg8 : memref<16x26x64xf32, #tpu.memory_space<vmem>>) dst(%dma_wait3A_2369 : memref<16x26x64xf32, #tpu.memory_space<hbm>>)
        %add3A_2370 = arith.constant 1 : i32
        %add3A_2371 = arith.addi %scan3A_806, %add3A_2370 : i32
        %mul3A_2372 = arith.constant 4 : i32
        %mul3A_2373 = arith.muli %add3A_2371, %mul3A_2372 : i32
        %add3A_2374 = arith.constant 2 : i32
        %add3A_2375 = arith.addi %mul3A_2373, %add3A_2374 : i32
        %mul3A_2376 = arith.constant 16 : i32
        %mul3A_2377 = arith.muli %add3A_2375, %mul3A_2376 : i32
        %add3A_2378 = arith.constant 0 : i32
        %add3A_2379 = arith.addi %mul3A_2377, %add3A_2378 : i32
        %dma_start3A_2380 = arith.constant 0 : i32
        %dma_start3A_2381 = arith.constant 0 : i32
        %dma_start3A_2382 = arith.constant 0 : i32
        %dma_start3A_2383 = tpu.memref_slice %arg8[%dma_start3A_2380, %dma_start3A_2381, %dma_start3A_2382] : memref<16x26x64xf32, #tpu.memory_space<vmem>> -> memref<1x26x64xf32, #tpu.memory_space<vmem>>
        %dma_start3A_2384 = tpu.memref_squeeze %dma_start3A_2383 : memref<1x26x64xf32, #tpu.memory_space<vmem>> -> memref<26x64xf32, #tpu.memory_space<vmem>>
        %dma_start3A_2385 = arith.constant 0 : i32
        %dma_start3A_2386 = tpu.memref_slice %arg5[%add3A_2379, %dma_start3A_2385] : memref<512x26xi32, #tpu.memory_space<vmem>> -> memref<1x26xi32, #tpu.memory_space<vmem>>
        %dma_start3A_2387 = tpu.memref_squeeze %dma_start3A_2386 : memref<1x26xi32, #tpu.memory_space<vmem>> -> memref<26xi32, #tpu.memory_space<vmem>>
        %dma_start3A_2388 = arith.constant 0 : i32
        %dma_start3A_2389 = arith.constant 0 : i32
        %dma_start3A_2390 = tpu.memref_slice %arg3[%dma_start3A_2388, %dma_start3A_2389] : memref<1000000x64xf32, #tpu.memory_space<hbm>> -> memref<1000000x64xf32, #tpu.memory_space<hbm>>
        tpu.enqueue_indirect_dma source(%dma_start3A_2390 : memref<1000000x64xf32, #tpu.memory_space<hbm>>) target(%dma_start3A_2384 : memref<26x64xf32, #tpu.memory_space<vmem>>) offsets(%dma_start3A_2387 : memref<26xi32, #tpu.memory_space<vmem>>) semaphore(%arg12 : memref<!tpu.dma_semaphore, #tpu.memory_space<semaphore_mem>>)
        %mul3A_2391 = arith.constant 16 : i32
        %mul3A_2392 = arith.muli %add3A_2375, %mul3A_2391 : i32
        %add3A_2393 = arith.constant 1 : i32
        %add3A_2394 = arith.addi %mul3A_2392, %add3A_2393 : i32
        %dma_start3A_2395 = arith.constant 1 : i32
        %dma_start3A_2396 = arith.constant 0 : i32
        %dma_start3A_2397 = arith.constant 0 : i32
        %dma_start3A_2398 = tpu.memref_slice %arg8[%dma_start3A_2395, %dma_start3A_2396, %dma_start3A_2397] : memref<16x26x64xf32, #tpu.memory_space<vmem>> -> memref<1x26x64xf32, #tpu.memory_space<vmem>>
        %dma_start3A_2399 = tpu.memref_squeeze %dma_start3A_2398 : memref<1x26x64xf32, #tpu.memory_space<vmem>> -> memref<26x64xf32, #tpu.memory_space<vmem>>
        %dma_start3A_2400 = arith.constant 0 : i32
        %dma_start3A_2401 = tpu.memref_slice %arg5[%add3A_2394, %dma_start3A_2400] : memref<512x26xi32, #tpu.memory_space<vmem>> -> memref<1x26xi32, #tpu.memory_space<vmem>>
        %dma_start3A_2402 = tpu.memref_squeeze %dma_start3A_2401 : memref<1x26xi32, #tpu.memory_space<vmem>> -> memref<26xi32, #tpu.memory_space<vmem>>
        %dma_start3A_2403 = arith.constant 0 : i32
        %dma_start3A_2404 = arith.constant 0 : i32
        %dma_start3A_2405 = tpu.memref_slice %arg3[%dma_start3A_2403, %dma_start3A_2404] : memref<1000000x64xf32, #tpu.memory_space<hbm>> -> memref<1000000x64xf32, #tpu.memory_space<hbm>>
        tpu.enqueue_indirect_dma source(%dma_start3A_2405 : memref<1000000x64xf32, #tpu.memory_space<hbm>>) target(%dma_start3A_2399 : memref<26x64xf32, #tpu.memory_space<vmem>>) offsets(%dma_start3A_2402 : memref<26xi32, #tpu.memory_space<vmem>>) semaphore(%arg12 : memref<!tpu.dma_semaphore, #tpu.memory_space<semaphore_mem>>)
        %mul3A_2406 = arith.constant 16 : i32
        %mul3A_2407 = arith.muli %add3A_2375, %mul3A_2406 : i32
        %add3A_2408 = arith.constant 2 : i32
        %add3A_2409 = arith.addi %mul3A_2407, %add3A_2408 : i32
        %dma_start3A_2410 = arith.constant 2 : i32
        %dma_start3A_2411 = arith.constant 0 : i32
        %dma_start3A_2412 = arith.constant 0 : i32
        %dma_start3A_2413 = tpu.memref_slice %arg8[%dma_start3A_2410, %dma_start3A_2411, %dma_start3A_2412] : memref<16x26x64xf32, #tpu.memory_space<vmem>> -> memref<1x26x64xf32, #tpu.memory_space<vmem>>
        %dma_start3A_2414 = tpu.memref_squeeze %dma_start3A_2413 : memref<1x26x64xf32, #tpu.memory_space<vmem>> -> memref<26x64xf32, #tpu.memory_space<vmem>>
        %dma_start3A_2415 = arith.constant 0 : i32
        %dma_start3A_2416 = tpu.memref_slice %arg5[%add3A_2409, %dma_start3A_2415] : memref<512x26xi32, #tpu.memory_space<vmem>> -> memref<1x26xi32, #tpu.memory_space<vmem>>
        %dma_start3A_2417 = tpu.memref_squeeze %dma_start3A_2416 : memref<1x26xi32, #tpu.memory_space<vmem>> -> memref<26xi32, #tpu.memory_space<vmem>>
        %dma_start3A_2418 = arith.constant 0 : i32
        %dma_start3A_2419 = arith.constant 0 : i32
        %dma_start3A_2420 = tpu.memref_slice %arg3[%dma_start3A_2418, %dma_start3A_2419] : memref<1000000x64xf32, #tpu.memory_space<hbm>> -> memref<1000000x64xf32, #tpu.memory_space<hbm>>
        tpu.enqueue_indirect_dma source(%dma_start3A_2420 : memref<1000000x64xf32, #tpu.memory_space<hbm>>) target(%dma_start3A_2414 : memref<26x64xf32, #tpu.memory_space<vmem>>) offsets(%dma_start3A_2417 : memref<26xi32, #tpu.memory_space<vmem>>) semaphore(%arg12 : memref<!tpu.dma_semaphore, #tpu.memory_space<semaphore_mem>>)
        %mul3A_2421 = arith.constant 16 : i32
        %mul3A_2422 = arith.muli %add3A_2375, %mul3A_2421 : i32
        %add3A_2423 = arith.constant 3 : i32
        %add3A_2424 = arith.addi %mul3A_2422, %add3A_2423 : i32
        %dma_start3A_2425 = arith.constant 3 : i32
        %dma_start3A_2426 = arith.constant 0 : i32
        %dma_start3A_2427 = arith.constant 0 : i32
        %dma_start3A_2428 = tpu.memref_slice %arg8[%dma_start3A_2425, %dma_start3A_2426, %dma_start3A_2427] : memref<16x26x64xf32, #tpu.memory_space<vmem>> -> memref<1x26x64xf32, #tpu.memory_space<vmem>>
        %dma_start3A_2429 = tpu.memref_squeeze %dma_start3A_2428 : memref<1x26x64xf32, #tpu.memory_space<vmem>> -> memref<26x64xf32, #tpu.memory_space<vmem>>
        %dma_start3A_2430 = arith.constant 0 : i32
        %dma_start3A_2431 = tpu.memref_slice %arg5[%add3A_2424, %dma_start3A_2430] : memref<512x26xi32, #tpu.memory_space<vmem>> -> memref<1x26xi32, #tpu.memory_space<vmem>>
        %dma_start3A_2432 = tpu.memref_squeeze %dma_start3A_2431 : memref<1x26xi32, #tpu.memory_space<vmem>> -> memref<26xi32, #tpu.memory_space<vmem>>
        %dma_start3A_2433 = arith.constant 0 : i32
        %dma_start3A_2434 = arith.constant 0 : i32
        %dma_start3A_2435 = tpu.memref_slice %arg3[%dma_start3A_2433, %dma_start3A_2434] : memref<1000000x64xf32, #tpu.memory_space<hbm>> -> memref<1000000x64xf32, #tpu.memory_space<hbm>>
        tpu.enqueue_indirect_dma source(%dma_start3A_2435 : memref<1000000x64xf32, #tpu.memory_space<hbm>>) target(%dma_start3A_2429 : memref<26x64xf32, #tpu.memory_space<vmem>>) offsets(%dma_start3A_2432 : memref<26xi32, #tpu.memory_space<vmem>>) semaphore(%arg12 : memref<!tpu.dma_semaphore, #tpu.memory_space<semaphore_mem>>)
        %mul3A_2436 = arith.constant 16 : i32
        %mul3A_2437 = arith.muli %add3A_2375, %mul3A_2436 : i32
        %add3A_2438 = arith.constant 4 : i32
        %add3A_2439 = arith.addi %mul3A_2437, %add3A_2438 : i32
        %dma_start3A_2440 = arith.constant 4 : i32
        %dma_start3A_2441 = arith.constant 0 : i32
        %dma_start3A_2442 = arith.constant 0 : i32
        %dma_start3A_2443 = tpu.memref_slice %arg8[%dma_start3A_2440, %dma_start3A_2441, %dma_start3A_2442] : memref<16x26x64xf32, #tpu.memory_space<vmem>> -> memref<1x26x64xf32, #tpu.memory_space<vmem>>
        %dma_start3A_2444 = tpu.memref_squeeze %dma_start3A_2443 : memref<1x26x64xf32, #tpu.memory_space<vmem>> -> memref<26x64xf32, #tpu.memory_space<vmem>>
        %dma_start3A_2445 = arith.constant 0 : i32
        %dma_start3A_2446 = tpu.memref_slice %arg5[%add3A_2439, %dma_start3A_2445] : memref<512x26xi32, #tpu.memory_space<vmem>> -> memref<1x26xi32, #tpu.memory_space<vmem>>
        %dma_start3A_2447 = tpu.memref_squeeze %dma_start3A_2446 : memref<1x26xi32, #tpu.memory_space<vmem>> -> memref<26xi32, #tpu.memory_space<vmem>>
        %dma_start3A_2448 = arith.constant 0 : i32
        %dma_start3A_2449 = arith.constant 0 : i32
        %dma_start3A_2450 = tpu.memref_slice %arg3[%dma_start3A_2448, %dma_start3A_2449] : memref<1000000x64xf32, #tpu.memory_space<hbm>> -> memref<1000000x64xf32, #tpu.memory_space<hbm>>
        tpu.enqueue_indirect_dma source(%dma_start3A_2450 : memref<1000000x64xf32, #tpu.memory_space<hbm>>) target(%dma_start3A_2444 : memref<26x64xf32, #tpu.memory_space<vmem>>) offsets(%dma_start3A_2447 : memref<26xi32, #tpu.memory_space<vmem>>) semaphore(%arg12 : memref<!tpu.dma_semaphore, #tpu.memory_space<semaphore_mem>>)
        %mul3A_2451 = arith.constant 16 : i32
        %mul3A_2452 = arith.muli %add3A_2375, %mul3A_2451 : i32
        %add3A_2453 = arith.constant 5 : i32
        %add3A_2454 = arith.addi %mul3A_2452, %add3A_2453 : i32
        %dma_start3A_2455 = arith.constant 5 : i32
        %dma_start3A_2456 = arith.constant 0 : i32
        %dma_start3A_2457 = arith.constant 0 : i32
        %dma_start3A_2458 = tpu.memref_slice %arg8[%dma_start3A_2455, %dma_start3A_2456, %dma_start3A_2457] : memref<16x26x64xf32, #tpu.memory_space<vmem>> -> memref<1x26x64xf32, #tpu.memory_space<vmem>>
        %dma_start3A_2459 = tpu.memref_squeeze %dma_start3A_2458 : memref<1x26x64xf32, #tpu.memory_space<vmem>> -> memref<26x64xf32, #tpu.memory_space<vmem>>
        %dma_start3A_2460 = arith.constant 0 : i32
        %dma_start3A_2461 = tpu.memref_slice %arg5[%add3A_2454, %dma_start3A_2460] : memref<512x26xi32, #tpu.memory_space<vmem>> -> memref<1x26xi32, #tpu.memory_space<vmem>>
        %dma_start3A_2462 = tpu.memref_squeeze %dma_start3A_2461 : memref<1x26xi32, #tpu.memory_space<vmem>> -> memref<26xi32, #tpu.memory_space<vmem>>
        %dma_start3A_2463 = arith.constant 0 : i32
        %dma_start3A_2464 = arith.constant 0 : i32
        %dma_start3A_2465 = tpu.memref_slice %arg3[%dma_start3A_2463, %dma_start3A_2464] : memref<1000000x64xf32, #tpu.memory_space<hbm>> -> memref<1000000x64xf32, #tpu.memory_space<hbm>>
        tpu.enqueue_indirect_dma source(%dma_start3A_2465 : memref<1000000x64xf32, #tpu.memory_space<hbm>>) target(%dma_start3A_2459 : memref<26x64xf32, #tpu.memory_space<vmem>>) offsets(%dma_start3A_2462 : memref<26xi32, #tpu.memory_space<vmem>>) semaphore(%arg12 : memref<!tpu.dma_semaphore, #tpu.memory_space<semaphore_mem>>)
        %mul3A_2466 = arith.constant 16 : i32
        %mul3A_2467 = arith.muli %add3A_2375, %mul3A_2466 : i32
        %add3A_2468 = arith.constant 6 : i32
        %add3A_2469 = arith.addi %mul3A_2467, %add3A_2468 : i32
        %dma_start3A_2470 = arith.constant 6 : i32
        %dma_start3A_2471 = arith.constant 0 : i32
        %dma_start3A_2472 = arith.constant 0 : i32
        %dma_start3A_2473 = tpu.memref_slice %arg8[%dma_start3A_2470, %dma_start3A_2471, %dma_start3A_2472] : memref<16x26x64xf32, #tpu.memory_space<vmem>> -> memref<1x26x64xf32, #tpu.memory_space<vmem>>
        %dma_start3A_2474 = tpu.memref_squeeze %dma_start3A_2473 : memref<1x26x64xf32, #tpu.memory_space<vmem>> -> memref<26x64xf32, #tpu.memory_space<vmem>>
        %dma_start3A_2475 = arith.constant 0 : i32
        %dma_start3A_2476 = tpu.memref_slice %arg5[%add3A_2469, %dma_start3A_2475] : memref<512x26xi32, #tpu.memory_space<vmem>> -> memref<1x26xi32, #tpu.memory_space<vmem>>
        %dma_start3A_2477 = tpu.memref_squeeze %dma_start3A_2476 : memref<1x26xi32, #tpu.memory_space<vmem>> -> memref<26xi32, #tpu.memory_space<vmem>>
        %dma_start3A_2478 = arith.constant 0 : i32
        %dma_start3A_2479 = arith.constant 0 : i32
        %dma_start3A_2480 = tpu.memref_slice %arg3[%dma_start3A_2478, %dma_start3A_2479] : memref<1000000x64xf32, #tpu.memory_space<hbm>> -> memref<1000000x64xf32, #tpu.memory_space<hbm>>
        tpu.enqueue_indirect_dma source(%dma_start3A_2480 : memref<1000000x64xf32, #tpu.memory_space<hbm>>) target(%dma_start3A_2474 : memref<26x64xf32, #tpu.memory_space<vmem>>) offsets(%dma_start3A_2477 : memref<26xi32, #tpu.memory_space<vmem>>) semaphore(%arg12 : memref<!tpu.dma_semaphore, #tpu.memory_space<semaphore_mem>>)
        %mul3A_2481 = arith.constant 16 : i32
        %mul3A_2482 = arith.muli %add3A_2375, %mul3A_2481 : i32
        %add3A_2483 = arith.constant 7 : i32
        %add3A_2484 = arith.addi %mul3A_2482, %add3A_2483 : i32
        %dma_start3A_2485 = arith.constant 7 : i32
        %dma_start3A_2486 = arith.constant 0 : i32
        %dma_start3A_2487 = arith.constant 0 : i32
        %dma_start3A_2488 = tpu.memref_slice %arg8[%dma_start3A_2485, %dma_start3A_2486, %dma_start3A_2487] : memref<16x26x64xf32, #tpu.memory_space<vmem>> -> memref<1x26x64xf32, #tpu.memory_space<vmem>>
        %dma_start3A_2489 = tpu.memref_squeeze %dma_start3A_2488 : memref<1x26x64xf32, #tpu.memory_space<vmem>> -> memref<26x64xf32, #tpu.memory_space<vmem>>
        %dma_start3A_2490 = arith.constant 0 : i32
        %dma_start3A_2491 = tpu.memref_slice %arg5[%add3A_2484, %dma_start3A_2490] : memref<512x26xi32, #tpu.memory_space<vmem>> -> memref<1x26xi32, #tpu.memory_space<vmem>>
        %dma_start3A_2492 = tpu.memref_squeeze %dma_start3A_2491 : memref<1x26xi32, #tpu.memory_space<vmem>> -> memref<26xi32, #tpu.memory_space<vmem>>
        %dma_start3A_2493 = arith.constant 0 : i32
        %dma_start3A_2494 = arith.constant 0 : i32
        %dma_start3A_2495 = tpu.memref_slice %arg3[%dma_start3A_2493, %dma_start3A_2494] : memref<1000000x64xf32, #tpu.memory_space<hbm>> -> memref<1000000x64xf32, #tpu.memory_space<hbm>>
        tpu.enqueue_indirect_dma source(%dma_start3A_2495 : memref<1000000x64xf32, #tpu.memory_space<hbm>>) target(%dma_start3A_2489 : memref<26x64xf32, #tpu.memory_space<vmem>>) offsets(%dma_start3A_2492 : memref<26xi32, #tpu.memory_space<vmem>>) semaphore(%arg12 : memref<!tpu.dma_semaphore, #tpu.memory_space<semaphore_mem>>)
        %mul3A_2496 = arith.constant 16 : i32
        %mul3A_2497 = arith.muli %add3A_2375, %mul3A_2496 : i32
        %add3A_2498 = arith.constant 8 : i32
        %add3A_2499 = arith.addi %mul3A_2497, %add3A_2498 : i32
        %dma_start3A_2500 = arith.constant 8 : i32
        %dma_start3A_2501 = arith.constant 0 : i32
        %dma_start3A_2502 = arith.constant 0 : i32
        %dma_start3A_2503 = tpu.memref_slice %arg8[%dma_start3A_2500, %dma_start3A_2501, %dma_start3A_2502] : memref<16x26x64xf32, #tpu.memory_space<vmem>> -> memref<1x26x64xf32, #tpu.memory_space<vmem>>
        %dma_start3A_2504 = tpu.memref_squeeze %dma_start3A_2503 : memref<1x26x64xf32, #tpu.memory_space<vmem>> -> memref<26x64xf32, #tpu.memory_space<vmem>>
        %dma_start3A_2505 = arith.constant 0 : i32
        %dma_start3A_2506 = tpu.memref_slice %arg5[%add3A_2499, %dma_start3A_2505] : memref<512x26xi32, #tpu.memory_space<vmem>> -> memref<1x26xi32, #tpu.memory_space<vmem>>
        %dma_start3A_2507 = tpu.memref_squeeze %dma_start3A_2506 : memref<1x26xi32, #tpu.memory_space<vmem>> -> memref<26xi32, #tpu.memory_space<vmem>>
        %dma_start3A_2508 = arith.constant 0 : i32
        %dma_start3A_2509 = arith.constant 0 : i32
        %dma_start3A_2510 = tpu.memref_slice %arg3[%dma_start3A_2508, %dma_start3A_2509] : memref<1000000x64xf32, #tpu.memory_space<hbm>> -> memref<1000000x64xf32, #tpu.memory_space<hbm>>
        tpu.enqueue_indirect_dma source(%dma_start3A_2510 : memref<1000000x64xf32, #tpu.memory_space<hbm>>) target(%dma_start3A_2504 : memref<26x64xf32, #tpu.memory_space<vmem>>) offsets(%dma_start3A_2507 : memref<26xi32, #tpu.memory_space<vmem>>) semaphore(%arg12 : memref<!tpu.dma_semaphore, #tpu.memory_space<semaphore_mem>>)
        %mul3A_2511 = arith.constant 16 : i32
        %mul3A_2512 = arith.muli %add3A_2375, %mul3A_2511 : i32
        %add3A_2513 = arith.constant 9 : i32
        %add3A_2514 = arith.addi %mul3A_2512, %add3A_2513 : i32
        %dma_start3A_2515 = arith.constant 9 : i32
        %dma_start3A_2516 = arith.constant 0 : i32
        %dma_start3A_2517 = arith.constant 0 : i32
        %dma_start3A_2518 = tpu.memref_slice %arg8[%dma_start3A_2515, %dma_start3A_2516, %dma_start3A_2517] : memref<16x26x64xf32, #tpu.memory_space<vmem>> -> memref<1x26x64xf32, #tpu.memory_space<vmem>>
        %dma_start3A_2519 = tpu.memref_squeeze %dma_start3A_2518 : memref<1x26x64xf32, #tpu.memory_space<vmem>> -> memref<26x64xf32, #tpu.memory_space<vmem>>
        %dma_start3A_2520 = arith.constant 0 : i32
        %dma_start3A_2521 = tpu.memref_slice %arg5[%add3A_2514, %dma_start3A_2520] : memref<512x26xi32, #tpu.memory_space<vmem>> -> memref<1x26xi32, #tpu.memory_space<vmem>>
        %dma_start3A_2522 = tpu.memref_squeeze %dma_start3A_2521 : memref<1x26xi32, #tpu.memory_space<vmem>> -> memref<26xi32, #tpu.memory_space<vmem>>
        %dma_start3A_2523 = arith.constant 0 : i32
        %dma_start3A_2524 = arith.constant 0 : i32
        %dma_start3A_2525 = tpu.memref_slice %arg3[%dma_start3A_2523, %dma_start3A_2524] : memref<1000000x64xf32, #tpu.memory_space<hbm>> -> memref<1000000x64xf32, #tpu.memory_space<hbm>>
        tpu.enqueue_indirect_dma source(%dma_start3A_2525 : memref<1000000x64xf32, #tpu.memory_space<hbm>>) target(%dma_start3A_2519 : memref<26x64xf32, #tpu.memory_space<vmem>>) offsets(%dma_start3A_2522 : memref<26xi32, #tpu.memory_space<vmem>>) semaphore(%arg12 : memref<!tpu.dma_semaphore, #tpu.memory_space<semaphore_mem>>)
        %mul3A_2526 = arith.constant 16 : i32
        %mul3A_2527 = arith.muli %add3A_2375, %mul3A_2526 : i32
        %add3A_2528 = arith.constant 10 : i32
        %add3A_2529 = arith.addi %mul3A_2527, %add3A_2528 : i32
        %dma_start3A_2530 = arith.constant 10 : i32
        %dma_start3A_2531 = arith.constant 0 : i32
        %dma_start3A_2532 = arith.constant 0 : i32
        %dma_start3A_2533 = tpu.memref_slice %arg8[%dma_start3A_2530, %dma_start3A_2531, %dma_start3A_2532] : memref<16x26x64xf32, #tpu.memory_space<vmem>> -> memref<1x26x64xf32, #tpu.memory_space<vmem>>
        %dma_start3A_2534 = tpu.memref_squeeze %dma_start3A_2533 : memref<1x26x64xf32, #tpu.memory_space<vmem>> -> memref<26x64xf32, #tpu.memory_space<vmem>>
        %dma_start3A_2535 = arith.constant 0 : i32
        %dma_start3A_2536 = tpu.memref_slice %arg5[%add3A_2529, %dma_start3A_2535] : memref<512x26xi32, #tpu.memory_space<vmem>> -> memref<1x26xi32, #tpu.memory_space<vmem>>
        %dma_start3A_2537 = tpu.memref_squeeze %dma_start3A_2536 : memref<1x26xi32, #tpu.memory_space<vmem>> -> memref<26xi32, #tpu.memory_space<vmem>>
        %dma_start3A_2538 = arith.constant 0 : i32
        %dma_start3A_2539 = arith.constant 0 : i32
        %dma_start3A_2540 = tpu.memref_slice %arg3[%dma_start3A_2538, %dma_start3A_2539] : memref<1000000x64xf32, #tpu.memory_space<hbm>> -> memref<1000000x64xf32, #tpu.memory_space<hbm>>
        tpu.enqueue_indirect_dma source(%dma_start3A_2540 : memref<1000000x64xf32, #tpu.memory_space<hbm>>) target(%dma_start3A_2534 : memref<26x64xf32, #tpu.memory_space<vmem>>) offsets(%dma_start3A_2537 : memref<26xi32, #tpu.memory_space<vmem>>) semaphore(%arg12 : memref<!tpu.dma_semaphore, #tpu.memory_space<semaphore_mem>>)
        %mul3A_2541 = arith.constant 16 : i32
        %mul3A_2542 = arith.muli %add3A_2375, %mul3A_2541 : i32
        %add3A_2543 = arith.constant 11 : i32
        %add3A_2544 = arith.addi %mul3A_2542, %add3A_2543 : i32
        %dma_start3A_2545 = arith.constant 11 : i32
        %dma_start3A_2546 = arith.constant 0 : i32
        %dma_start3A_2547 = arith.constant 0 : i32
        %dma_start3A_2548 = tpu.memref_slice %arg8[%dma_start3A_2545, %dma_start3A_2546, %dma_start3A_2547] : memref<16x26x64xf32, #tpu.memory_space<vmem>> -> memref<1x26x64xf32, #tpu.memory_space<vmem>>
        %dma_start3A_2549 = tpu.memref_squeeze %dma_start3A_2548 : memref<1x26x64xf32, #tpu.memory_space<vmem>> -> memref<26x64xf32, #tpu.memory_space<vmem>>
        %dma_start3A_2550 = arith.constant 0 : i32
        %dma_start3A_2551 = tpu.memref_slice %arg5[%add3A_2544, %dma_start3A_2550] : memref<512x26xi32, #tpu.memory_space<vmem>> -> memref<1x26xi32, #tpu.memory_space<vmem>>
        %dma_start3A_2552 = tpu.memref_squeeze %dma_start3A_2551 : memref<1x26xi32, #tpu.memory_space<vmem>> -> memref<26xi32, #tpu.memory_space<vmem>>
        %dma_start3A_2553 = arith.constant 0 : i32
        %dma_start3A_2554 = arith.constant 0 : i32
        %dma_start3A_2555 = tpu.memref_slice %arg3[%dma_start3A_2553, %dma_start3A_2554] : memref<1000000x64xf32, #tpu.memory_space<hbm>> -> memref<1000000x64xf32, #tpu.memory_space<hbm>>
        tpu.enqueue_indirect_dma source(%dma_start3A_2555 : memref<1000000x64xf32, #tpu.memory_space<hbm>>) target(%dma_start3A_2549 : memref<26x64xf32, #tpu.memory_space<vmem>>) offsets(%dma_start3A_2552 : memref<26xi32, #tpu.memory_space<vmem>>) semaphore(%arg12 : memref<!tpu.dma_semaphore, #tpu.memory_space<semaphore_mem>>)
        %mul3A_2556 = arith.constant 16 : i32
        %mul3A_2557 = arith.muli %add3A_2375, %mul3A_2556 : i32
        %add3A_2558 = arith.constant 12 : i32
        %add3A_2559 = arith.addi %mul3A_2557, %add3A_2558 : i32
        %dma_start3A_2560 = arith.constant 12 : i32
        %dma_start3A_2561 = arith.constant 0 : i32
        %dma_start3A_2562 = arith.constant 0 : i32
        %dma_start3A_2563 = tpu.memref_slice %arg8[%dma_start3A_2560, %dma_start3A_2561, %dma_start3A_2562] : memref<16x26x64xf32, #tpu.memory_space<vmem>> -> memref<1x26x64xf32, #tpu.memory_space<vmem>>
        %dma_start3A_2564 = tpu.memref_squeeze %dma_start3A_2563 : memref<1x26x64xf32, #tpu.memory_space<vmem>> -> memref<26x64xf32, #tpu.memory_space<vmem>>
        %dma_start3A_2565 = arith.constant 0 : i32
        %dma_start3A_2566 = tpu.memref_slice %arg5[%add3A_2559, %dma_start3A_2565] : memref<512x26xi32, #tpu.memory_space<vmem>> -> memref<1x26xi32, #tpu.memory_space<vmem>>
        %dma_start3A_2567 = tpu.memref_squeeze %dma_start3A_2566 : memref<1x26xi32, #tpu.memory_space<vmem>> -> memref<26xi32, #tpu.memory_space<vmem>>
        %dma_start3A_2568 = arith.constant 0 : i32
        %dma_start3A_2569 = arith.constant 0 : i32
        %dma_start3A_2570 = tpu.memref_slice %arg3[%dma_start3A_2568, %dma_start3A_2569] : memref<1000000x64xf32, #tpu.memory_space<hbm>> -> memref<1000000x64xf32, #tpu.memory_space<hbm>>
        tpu.enqueue_indirect_dma source(%dma_start3A_2570 : memref<1000000x64xf32, #tpu.memory_space<hbm>>) target(%dma_start3A_2564 : memref<26x64xf32, #tpu.memory_space<vmem>>) offsets(%dma_start3A_2567 : memref<26xi32, #tpu.memory_space<vmem>>) semaphore(%arg12 : memref<!tpu.dma_semaphore, #tpu.memory_space<semaphore_mem>>)
        %mul3A_2571 = arith.constant 16 : i32
        %mul3A_2572 = arith.muli %add3A_2375, %mul3A_2571 : i32
        %add3A_2573 = arith.constant 13 : i32
        %add3A_2574 = arith.addi %mul3A_2572, %add3A_2573 : i32
        %dma_start3A_2575 = arith.constant 13 : i32
        %dma_start3A_2576 = arith.constant 0 : i32
        %dma_start3A_2577 = arith.constant 0 : i32
        %dma_start3A_2578 = tpu.memref_slice %arg8[%dma_start3A_2575, %dma_start3A_2576, %dma_start3A_2577] : memref<16x26x64xf32, #tpu.memory_space<vmem>> -> memref<1x26x64xf32, #tpu.memory_space<vmem>>
        %dma_start3A_2579 = tpu.memref_squeeze %dma_start3A_2578 : memref<1x26x64xf32, #tpu.memory_space<vmem>> -> memref<26x64xf32, #tpu.memory_space<vmem>>
        %dma_start3A_2580 = arith.constant 0 : i32
        %dma_start3A_2581 = tpu.memref_slice %arg5[%add3A_2574, %dma_start3A_2580] : memref<512x26xi32, #tpu.memory_space<vmem>> -> memref<1x26xi32, #tpu.memory_space<vmem>>
        %dma_start3A_2582 = tpu.memref_squeeze %dma_start3A_2581 : memref<1x26xi32, #tpu.memory_space<vmem>> -> memref<26xi32, #tpu.memory_space<vmem>>
        %dma_start3A_2583 = arith.constant 0 : i32
        %dma_start3A_2584 = arith.constant 0 : i32
        %dma_start3A_2585 = tpu.memref_slice %arg3[%dma_start3A_2583, %dma_start3A_2584] : memref<1000000x64xf32, #tpu.memory_space<hbm>> -> memref<1000000x64xf32, #tpu.memory_space<hbm>>
        tpu.enqueue_indirect_dma source(%dma_start3A_2585 : memref<1000000x64xf32, #tpu.memory_space<hbm>>) target(%dma_start3A_2579 : memref<26x64xf32, #tpu.memory_space<vmem>>) offsets(%dma_start3A_2582 : memref<26xi32, #tpu.memory_space<vmem>>) semaphore(%arg12 : memref<!tpu.dma_semaphore, #tpu.memory_space<semaphore_mem>>)
        %mul3A_2586 = arith.constant 16 : i32
        %mul3A_2587 = arith.muli %add3A_2375, %mul3A_2586 : i32
        %add3A_2588 = arith.constant 14 : i32
        %add3A_2589 = arith.addi %mul3A_2587, %add3A_2588 : i32
        %dma_start3A_2590 = arith.constant 14 : i32
        %dma_start3A_2591 = arith.constant 0 : i32
        %dma_start3A_2592 = arith.constant 0 : i32
        %dma_start3A_2593 = tpu.memref_slice %arg8[%dma_start3A_2590, %dma_start3A_2591, %dma_start3A_2592] : memref<16x26x64xf32, #tpu.memory_space<vmem>> -> memref<1x26x64xf32, #tpu.memory_space<vmem>>
        %dma_start3A_2594 = tpu.memref_squeeze %dma_start3A_2593 : memref<1x26x64xf32, #tpu.memory_space<vmem>> -> memref<26x64xf32, #tpu.memory_space<vmem>>
        %dma_start3A_2595 = arith.constant 0 : i32
        %dma_start3A_2596 = tpu.memref_slice %arg5[%add3A_2589, %dma_start3A_2595] : memref<512x26xi32, #tpu.memory_space<vmem>> -> memref<1x26xi32, #tpu.memory_space<vmem>>
        %dma_start3A_2597 = tpu.memref_squeeze %dma_start3A_2596 : memref<1x26xi32, #tpu.memory_space<vmem>> -> memref<26xi32, #tpu.memory_space<vmem>>
        %dma_start3A_2598 = arith.constant 0 : i32
        %dma_start3A_2599 = arith.constant 0 : i32
        %dma_start3A_2600 = tpu.memref_slice %arg3[%dma_start3A_2598, %dma_start3A_2599] : memref<1000000x64xf32, #tpu.memory_space<hbm>> -> memref<1000000x64xf32, #tpu.memory_space<hbm>>
        tpu.enqueue_indirect_dma source(%dma_start3A_2600 : memref<1000000x64xf32, #tpu.memory_space<hbm>>) target(%dma_start3A_2594 : memref<26x64xf32, #tpu.memory_space<vmem>>) offsets(%dma_start3A_2597 : memref<26xi32, #tpu.memory_space<vmem>>) semaphore(%arg12 : memref<!tpu.dma_semaphore, #tpu.memory_space<semaphore_mem>>)
        %mul3A_2601 = arith.constant 16 : i32
        %mul3A_2602 = arith.muli %add3A_2375, %mul3A_2601 : i32
        %add3A_2603 = arith.constant 15 : i32
        %add3A_2604 = arith.addi %mul3A_2602, %add3A_2603 : i32
        %dma_start3A_2605 = arith.constant 15 : i32
        %dma_start3A_2606 = arith.constant 0 : i32
        %dma_start3A_2607 = arith.constant 0 : i32
        %dma_start3A_2608 = tpu.memref_slice %arg8[%dma_start3A_2605, %dma_start3A_2606, %dma_start3A_2607] : memref<16x26x64xf32, #tpu.memory_space<vmem>> -> memref<1x26x64xf32, #tpu.memory_space<vmem>>
        %dma_start3A_2609 = tpu.memref_squeeze %dma_start3A_2608 : memref<1x26x64xf32, #tpu.memory_space<vmem>> -> memref<26x64xf32, #tpu.memory_space<vmem>>
        %dma_start3A_2610 = arith.constant 0 : i32
        %dma_start3A_2611 = tpu.memref_slice %arg5[%add3A_2604, %dma_start3A_2610] : memref<512x26xi32, #tpu.memory_space<vmem>> -> memref<1x26xi32, #tpu.memory_space<vmem>>
        %dma_start3A_2612 = tpu.memref_squeeze %dma_start3A_2611 : memref<1x26xi32, #tpu.memory_space<vmem>> -> memref<26xi32, #tpu.memory_space<vmem>>
        %dma_start3A_2613 = arith.constant 0 : i32
        %dma_start3A_2614 = arith.constant 0 : i32
        %dma_start3A_2615 = tpu.memref_slice %arg3[%dma_start3A_2613, %dma_start3A_2614] : memref<1000000x64xf32, #tpu.memory_space<hbm>> -> memref<1000000x64xf32, #tpu.memory_space<hbm>>
        tpu.enqueue_indirect_dma source(%dma_start3A_2615 : memref<1000000x64xf32, #tpu.memory_space<hbm>>) target(%dma_start3A_2609 : memref<26x64xf32, #tpu.memory_space<vmem>>) offsets(%dma_start3A_2612 : memref<26xi32, #tpu.memory_space<vmem>>) semaphore(%arg12 : memref<!tpu.dma_semaphore, #tpu.memory_space<semaphore_mem>>)
        %mul3A_2616 = arith.constant 4 : i32
        %mul3A_2617 = arith.muli %scan3A_806, %mul3A_2616 : i32
        %add3A_2618 = arith.constant 3 : i32
        %add3A_2619 = arith.addi %mul3A_2617, %add3A_2618 : i32
        %mul3A_2620 = arith.constant 16 : i32
        %mul3A_2621 = arith.muli %add3A_2619, %mul3A_2620 : i32
        %add3A_2622 = arith.addi %mul3A_2, %mul3A_2621 : i32
        %dma_wait3A_2623 = arith.constant 0 : i32
        %dma_wait3A_2624 = arith.constant 0 : i32
        %dma_wait3A_2625 = tpu.memref_slice %arg4[%add3A_2622, %dma_wait3A_2623, %dma_wait3A_2624] : memref<16384x26x64xf32, #tpu.memory_space<hbm>> -> memref<16x26x64xf32, #tpu.memory_space<hbm>>
        %dma_wait3A_2626 = arith.constant 0 : i32
        %dma_wait3A_2627 = arith.constant 0 : i32
        %dma_wait3A_2628 = tpu.memref_slice %arg4[%add3A_2622, %dma_wait3A_2626, %dma_wait3A_2627] : memref<16384x26x64xf32, #tpu.memory_space<hbm>> -> memref<16x26x64xf32, #tpu.memory_space<hbm>>
        tpu.wait_dma2 semaphore(%arg17 : memref<!tpu.dma_semaphore, #tpu.memory_space<semaphore_mem>>) src(%arg9 : memref<16x26x64xf32, #tpu.memory_space<vmem>>) dst(%dma_wait3A_2628 : memref<16x26x64xf32, #tpu.memory_space<hbm>>)
        %add3A_2629 = arith.constant 1 : i32
        %add3A_2630 = arith.addi %scan3A_806, %add3A_2629 : i32
        %mul3A_2631 = arith.constant 4 : i32
        %mul3A_2632 = arith.muli %add3A_2630, %mul3A_2631 : i32
        %add3A_2633 = arith.constant 3 : i32
        %add3A_2634 = arith.addi %mul3A_2632, %add3A_2633 : i32
        %mul3A_2635 = arith.constant 16 : i32
        %mul3A_2636 = arith.muli %add3A_2634, %mul3A_2635 : i32
        %add3A_2637 = arith.constant 0 : i32
        %add3A_2638 = arith.addi %mul3A_2636, %add3A_2637 : i32
        %dma_start3A_2639 = arith.constant 0 : i32
        %dma_start3A_2640 = arith.constant 0 : i32
        %dma_start3A_2641 = arith.constant 0 : i32
        %dma_start3A_2642 = tpu.memref_slice %arg9[%dma_start3A_2639, %dma_start3A_2640, %dma_start3A_2641] : memref<16x26x64xf32, #tpu.memory_space<vmem>> -> memref<1x26x64xf32, #tpu.memory_space<vmem>>
        %dma_start3A_2643 = tpu.memref_squeeze %dma_start3A_2642 : memref<1x26x64xf32, #tpu.memory_space<vmem>> -> memref<26x64xf32, #tpu.memory_space<vmem>>
        %dma_start3A_2644 = arith.constant 0 : i32
        %dma_start3A_2645 = tpu.memref_slice %arg5[%add3A_2638, %dma_start3A_2644] : memref<512x26xi32, #tpu.memory_space<vmem>> -> memref<1x26xi32, #tpu.memory_space<vmem>>
        %dma_start3A_2646 = tpu.memref_squeeze %dma_start3A_2645 : memref<1x26xi32, #tpu.memory_space<vmem>> -> memref<26xi32, #tpu.memory_space<vmem>>
        %dma_start3A_2647 = arith.constant 0 : i32
        %dma_start3A_2648 = arith.constant 0 : i32
        %dma_start3A_2649 = tpu.memref_slice %arg3[%dma_start3A_2647, %dma_start3A_2648] : memref<1000000x64xf32, #tpu.memory_space<hbm>> -> memref<1000000x64xf32, #tpu.memory_space<hbm>>
        tpu.enqueue_indirect_dma source(%dma_start3A_2649 : memref<1000000x64xf32, #tpu.memory_space<hbm>>) target(%dma_start3A_2643 : memref<26x64xf32, #tpu.memory_space<vmem>>) offsets(%dma_start3A_2646 : memref<26xi32, #tpu.memory_space<vmem>>) semaphore(%arg13 : memref<!tpu.dma_semaphore, #tpu.memory_space<semaphore_mem>>)
        %mul3A_2650 = arith.constant 16 : i32
        %mul3A_2651 = arith.muli %add3A_2634, %mul3A_2650 : i32
        %add3A_2652 = arith.constant 1 : i32
        %add3A_2653 = arith.addi %mul3A_2651, %add3A_2652 : i32
        %dma_start3A_2654 = arith.constant 1 : i32
        %dma_start3A_2655 = arith.constant 0 : i32
        %dma_start3A_2656 = arith.constant 0 : i32
        %dma_start3A_2657 = tpu.memref_slice %arg9[%dma_start3A_2654, %dma_start3A_2655, %dma_start3A_2656] : memref<16x26x64xf32, #tpu.memory_space<vmem>> -> memref<1x26x64xf32, #tpu.memory_space<vmem>>
        %dma_start3A_2658 = tpu.memref_squeeze %dma_start3A_2657 : memref<1x26x64xf32, #tpu.memory_space<vmem>> -> memref<26x64xf32, #tpu.memory_space<vmem>>
        %dma_start3A_2659 = arith.constant 0 : i32
        %dma_start3A_2660 = tpu.memref_slice %arg5[%add3A_2653, %dma_start3A_2659] : memref<512x26xi32, #tpu.memory_space<vmem>> -> memref<1x26xi32, #tpu.memory_space<vmem>>
        %dma_start3A_2661 = tpu.memref_squeeze %dma_start3A_2660 : memref<1x26xi32, #tpu.memory_space<vmem>> -> memref<26xi32, #tpu.memory_space<vmem>>
        %dma_start3A_2662 = arith.constant 0 : i32
        %dma_start3A_2663 = arith.constant 0 : i32
        %dma_start3A_2664 = tpu.memref_slice %arg3[%dma_start3A_2662, %dma_start3A_2663] : memref<1000000x64xf32, #tpu.memory_space<hbm>> -> memref<1000000x64xf32, #tpu.memory_space<hbm>>
        tpu.enqueue_indirect_dma source(%dma_start3A_2664 : memref<1000000x64xf32, #tpu.memory_space<hbm>>) target(%dma_start3A_2658 : memref<26x64xf32, #tpu.memory_space<vmem>>) offsets(%dma_start3A_2661 : memref<26xi32, #tpu.memory_space<vmem>>) semaphore(%arg13 : memref<!tpu.dma_semaphore, #tpu.memory_space<semaphore_mem>>)
        %mul3A_2665 = arith.constant 16 : i32
        %mul3A_2666 = arith.muli %add3A_2634, %mul3A_2665 : i32
        %add3A_2667 = arith.constant 2 : i32
        %add3A_2668 = arith.addi %mul3A_2666, %add3A_2667 : i32
        %dma_start3A_2669 = arith.constant 2 : i32
        %dma_start3A_2670 = arith.constant 0 : i32
        %dma_start3A_2671 = arith.constant 0 : i32
        %dma_start3A_2672 = tpu.memref_slice %arg9[%dma_start3A_2669, %dma_start3A_2670, %dma_start3A_2671] : memref<16x26x64xf32, #tpu.memory_space<vmem>> -> memref<1x26x64xf32, #tpu.memory_space<vmem>>
        %dma_start3A_2673 = tpu.memref_squeeze %dma_start3A_2672 : memref<1x26x64xf32, #tpu.memory_space<vmem>> -> memref<26x64xf32, #tpu.memory_space<vmem>>
        %dma_start3A_2674 = arith.constant 0 : i32
        %dma_start3A_2675 = tpu.memref_slice %arg5[%add3A_2668, %dma_start3A_2674] : memref<512x26xi32, #tpu.memory_space<vmem>> -> memref<1x26xi32, #tpu.memory_space<vmem>>
        %dma_start3A_2676 = tpu.memref_squeeze %dma_start3A_2675 : memref<1x26xi32, #tpu.memory_space<vmem>> -> memref<26xi32, #tpu.memory_space<vmem>>
        %dma_start3A_2677 = arith.constant 0 : i32
        %dma_start3A_2678 = arith.constant 0 : i32
        %dma_start3A_2679 = tpu.memref_slice %arg3[%dma_start3A_2677, %dma_start3A_2678] : memref<1000000x64xf32, #tpu.memory_space<hbm>> -> memref<1000000x64xf32, #tpu.memory_space<hbm>>
        tpu.enqueue_indirect_dma source(%dma_start3A_2679 : memref<1000000x64xf32, #tpu.memory_space<hbm>>) target(%dma_start3A_2673 : memref<26x64xf32, #tpu.memory_space<vmem>>) offsets(%dma_start3A_2676 : memref<26xi32, #tpu.memory_space<vmem>>) semaphore(%arg13 : memref<!tpu.dma_semaphore, #tpu.memory_space<semaphore_mem>>)
        %mul3A_2680 = arith.constant 16 : i32
        %mul3A_2681 = arith.muli %add3A_2634, %mul3A_2680 : i32
        %add3A_2682 = arith.constant 3 : i32
        %add3A_2683 = arith.addi %mul3A_2681, %add3A_2682 : i32
        %dma_start3A_2684 = arith.constant 3 : i32
        %dma_start3A_2685 = arith.constant 0 : i32
        %dma_start3A_2686 = arith.constant 0 : i32
        %dma_start3A_2687 = tpu.memref_slice %arg9[%dma_start3A_2684, %dma_start3A_2685, %dma_start3A_2686] : memref<16x26x64xf32, #tpu.memory_space<vmem>> -> memref<1x26x64xf32, #tpu.memory_space<vmem>>
        %dma_start3A_2688 = tpu.memref_squeeze %dma_start3A_2687 : memref<1x26x64xf32, #tpu.memory_space<vmem>> -> memref<26x64xf32, #tpu.memory_space<vmem>>
        %dma_start3A_2689 = arith.constant 0 : i32
        %dma_start3A_2690 = tpu.memref_slice %arg5[%add3A_2683, %dma_start3A_2689] : memref<512x26xi32, #tpu.memory_space<vmem>> -> memref<1x26xi32, #tpu.memory_space<vmem>>
        %dma_start3A_2691 = tpu.memref_squeeze %dma_start3A_2690 : memref<1x26xi32, #tpu.memory_space<vmem>> -> memref<26xi32, #tpu.memory_space<vmem>>
        %dma_start3A_2692 = arith.constant 0 : i32
        %dma_start3A_2693 = arith.constant 0 : i32
        %dma_start3A_2694 = tpu.memref_slice %arg3[%dma_start3A_2692, %dma_start3A_2693] : memref<1000000x64xf32, #tpu.memory_space<hbm>> -> memref<1000000x64xf32, #tpu.memory_space<hbm>>
        tpu.enqueue_indirect_dma source(%dma_start3A_2694 : memref<1000000x64xf32, #tpu.memory_space<hbm>>) target(%dma_start3A_2688 : memref<26x64xf32, #tpu.memory_space<vmem>>) offsets(%dma_start3A_2691 : memref<26xi32, #tpu.memory_space<vmem>>) semaphore(%arg13 : memref<!tpu.dma_semaphore, #tpu.memory_space<semaphore_mem>>)
        %mul3A_2695 = arith.constant 16 : i32
        %mul3A_2696 = arith.muli %add3A_2634, %mul3A_2695 : i32
        %add3A_2697 = arith.constant 4 : i32
        %add3A_2698 = arith.addi %mul3A_2696, %add3A_2697 : i32
        %dma_start3A_2699 = arith.constant 4 : i32
        %dma_start3A_2700 = arith.constant 0 : i32
        %dma_start3A_2701 = arith.constant 0 : i32
        %dma_start3A_2702 = tpu.memref_slice %arg9[%dma_start3A_2699, %dma_start3A_2700, %dma_start3A_2701] : memref<16x26x64xf32, #tpu.memory_space<vmem>> -> memref<1x26x64xf32, #tpu.memory_space<vmem>>
        %dma_start3A_2703 = tpu.memref_squeeze %dma_start3A_2702 : memref<1x26x64xf32, #tpu.memory_space<vmem>> -> memref<26x64xf32, #tpu.memory_space<vmem>>
        %dma_start3A_2704 = arith.constant 0 : i32
        %dma_start3A_2705 = tpu.memref_slice %arg5[%add3A_2698, %dma_start3A_2704] : memref<512x26xi32, #tpu.memory_space<vmem>> -> memref<1x26xi32, #tpu.memory_space<vmem>>
        %dma_start3A_2706 = tpu.memref_squeeze %dma_start3A_2705 : memref<1x26xi32, #tpu.memory_space<vmem>> -> memref<26xi32, #tpu.memory_space<vmem>>
        %dma_start3A_2707 = arith.constant 0 : i32
        %dma_start3A_2708 = arith.constant 0 : i32
        %dma_start3A_2709 = tpu.memref_slice %arg3[%dma_start3A_2707, %dma_start3A_2708] : memref<1000000x64xf32, #tpu.memory_space<hbm>> -> memref<1000000x64xf32, #tpu.memory_space<hbm>>
        tpu.enqueue_indirect_dma source(%dma_start3A_2709 : memref<1000000x64xf32, #tpu.memory_space<hbm>>) target(%dma_start3A_2703 : memref<26x64xf32, #tpu.memory_space<vmem>>) offsets(%dma_start3A_2706 : memref<26xi32, #tpu.memory_space<vmem>>) semaphore(%arg13 : memref<!tpu.dma_semaphore, #tpu.memory_space<semaphore_mem>>)
        %mul3A_2710 = arith.constant 16 : i32
        %mul3A_2711 = arith.muli %add3A_2634, %mul3A_2710 : i32
        %add3A_2712 = arith.constant 5 : i32
        %add3A_2713 = arith.addi %mul3A_2711, %add3A_2712 : i32
        %dma_start3A_2714 = arith.constant 5 : i32
        %dma_start3A_2715 = arith.constant 0 : i32
        %dma_start3A_2716 = arith.constant 0 : i32
        %dma_start3A_2717 = tpu.memref_slice %arg9[%dma_start3A_2714, %dma_start3A_2715, %dma_start3A_2716] : memref<16x26x64xf32, #tpu.memory_space<vmem>> -> memref<1x26x64xf32, #tpu.memory_space<vmem>>
        %dma_start3A_2718 = tpu.memref_squeeze %dma_start3A_2717 : memref<1x26x64xf32, #tpu.memory_space<vmem>> -> memref<26x64xf32, #tpu.memory_space<vmem>>
        %dma_start3A_2719 = arith.constant 0 : i32
        %dma_start3A_2720 = tpu.memref_slice %arg5[%add3A_2713, %dma_start3A_2719] : memref<512x26xi32, #tpu.memory_space<vmem>> -> memref<1x26xi32, #tpu.memory_space<vmem>>
        %dma_start3A_2721 = tpu.memref_squeeze %dma_start3A_2720 : memref<1x26xi32, #tpu.memory_space<vmem>> -> memref<26xi32, #tpu.memory_space<vmem>>
        %dma_start3A_2722 = arith.constant 0 : i32
        %dma_start3A_2723 = arith.constant 0 : i32
        %dma_start3A_2724 = tpu.memref_slice %arg3[%dma_start3A_2722, %dma_start3A_2723] : memref<1000000x64xf32, #tpu.memory_space<hbm>> -> memref<1000000x64xf32, #tpu.memory_space<hbm>>
        tpu.enqueue_indirect_dma source(%dma_start3A_2724 : memref<1000000x64xf32, #tpu.memory_space<hbm>>) target(%dma_start3A_2718 : memref<26x64xf32, #tpu.memory_space<vmem>>) offsets(%dma_start3A_2721 : memref<26xi32, #tpu.memory_space<vmem>>) semaphore(%arg13 : memref<!tpu.dma_semaphore, #tpu.memory_space<semaphore_mem>>)
        %mul3A_2725 = arith.constant 16 : i32
        %mul3A_2726 = arith.muli %add3A_2634, %mul3A_2725 : i32
        %add3A_2727 = arith.constant 6 : i32
        %add3A_2728 = arith.addi %mul3A_2726, %add3A_2727 : i32
        %dma_start3A_2729 = arith.constant 6 : i32
        %dma_start3A_2730 = arith.constant 0 : i32
        %dma_start3A_2731 = arith.constant 0 : i32
        %dma_start3A_2732 = tpu.memref_slice %arg9[%dma_start3A_2729, %dma_start3A_2730, %dma_start3A_2731] : memref<16x26x64xf32, #tpu.memory_space<vmem>> -> memref<1x26x64xf32, #tpu.memory_space<vmem>>
        %dma_start3A_2733 = tpu.memref_squeeze %dma_start3A_2732 : memref<1x26x64xf32, #tpu.memory_space<vmem>> -> memref<26x64xf32, #tpu.memory_space<vmem>>
        %dma_start3A_2734 = arith.constant 0 : i32
        %dma_start3A_2735 = tpu.memref_slice %arg5[%add3A_2728, %dma_start3A_2734] : memref<512x26xi32, #tpu.memory_space<vmem>> -> memref<1x26xi32, #tpu.memory_space<vmem>>
        %dma_start3A_2736 = tpu.memref_squeeze %dma_start3A_2735 : memref<1x26xi32, #tpu.memory_space<vmem>> -> memref<26xi32, #tpu.memory_space<vmem>>
        %dma_start3A_2737 = arith.constant 0 : i32
        %dma_start3A_2738 = arith.constant 0 : i32
        %dma_start3A_2739 = tpu.memref_slice %arg3[%dma_start3A_2737, %dma_start3A_2738] : memref<1000000x64xf32, #tpu.memory_space<hbm>> -> memref<1000000x64xf32, #tpu.memory_space<hbm>>
        tpu.enqueue_indirect_dma source(%dma_start3A_2739 : memref<1000000x64xf32, #tpu.memory_space<hbm>>) target(%dma_start3A_2733 : memref<26x64xf32, #tpu.memory_space<vmem>>) offsets(%dma_start3A_2736 : memref<26xi32, #tpu.memory_space<vmem>>) semaphore(%arg13 : memref<!tpu.dma_semaphore, #tpu.memory_space<semaphore_mem>>)
        %mul3A_2740 = arith.constant 16 : i32
        %mul3A_2741 = arith.muli %add3A_2634, %mul3A_2740 : i32
        %add3A_2742 = arith.constant 7 : i32
        %add3A_2743 = arith.addi %mul3A_2741, %add3A_2742 : i32
        %dma_start3A_2744 = arith.constant 7 : i32
        %dma_start3A_2745 = arith.constant 0 : i32
        %dma_start3A_2746 = arith.constant 0 : i32
        %dma_start3A_2747 = tpu.memref_slice %arg9[%dma_start3A_2744, %dma_start3A_2745, %dma_start3A_2746] : memref<16x26x64xf32, #tpu.memory_space<vmem>> -> memref<1x26x64xf32, #tpu.memory_space<vmem>>
        %dma_start3A_2748 = tpu.memref_squeeze %dma_start3A_2747 : memref<1x26x64xf32, #tpu.memory_space<vmem>> -> memref<26x64xf32, #tpu.memory_space<vmem>>
        %dma_start3A_2749 = arith.constant 0 : i32
        %dma_start3A_2750 = tpu.memref_slice %arg5[%add3A_2743, %dma_start3A_2749] : memref<512x26xi32, #tpu.memory_space<vmem>> -> memref<1x26xi32, #tpu.memory_space<vmem>>
        %dma_start3A_2751 = tpu.memref_squeeze %dma_start3A_2750 : memref<1x26xi32, #tpu.memory_space<vmem>> -> memref<26xi32, #tpu.memory_space<vmem>>
        %dma_start3A_2752 = arith.constant 0 : i32
        %dma_start3A_2753 = arith.constant 0 : i32
        %dma_start3A_2754 = tpu.memref_slice %arg3[%dma_start3A_2752, %dma_start3A_2753] : memref<1000000x64xf32, #tpu.memory_space<hbm>> -> memref<1000000x64xf32, #tpu.memory_space<hbm>>
        tpu.enqueue_indirect_dma source(%dma_start3A_2754 : memref<1000000x64xf32, #tpu.memory_space<hbm>>) target(%dma_start3A_2748 : memref<26x64xf32, #tpu.memory_space<vmem>>) offsets(%dma_start3A_2751 : memref<26xi32, #tpu.memory_space<vmem>>) semaphore(%arg13 : memref<!tpu.dma_semaphore, #tpu.memory_space<semaphore_mem>>)
        %mul3A_2755 = arith.constant 16 : i32
        %mul3A_2756 = arith.muli %add3A_2634, %mul3A_2755 : i32
        %add3A_2757 = arith.constant 8 : i32
        %add3A_2758 = arith.addi %mul3A_2756, %add3A_2757 : i32
        %dma_start3A_2759 = arith.constant 8 : i32
        %dma_start3A_2760 = arith.constant 0 : i32
        %dma_start3A_2761 = arith.constant 0 : i32
        %dma_start3A_2762 = tpu.memref_slice %arg9[%dma_start3A_2759, %dma_start3A_2760, %dma_start3A_2761] : memref<16x26x64xf32, #tpu.memory_space<vmem>> -> memref<1x26x64xf32, #tpu.memory_space<vmem>>
        %dma_start3A_2763 = tpu.memref_squeeze %dma_start3A_2762 : memref<1x26x64xf32, #tpu.memory_space<vmem>> -> memref<26x64xf32, #tpu.memory_space<vmem>>
        %dma_start3A_2764 = arith.constant 0 : i32
        %dma_start3A_2765 = tpu.memref_slice %arg5[%add3A_2758, %dma_start3A_2764] : memref<512x26xi32, #tpu.memory_space<vmem>> -> memref<1x26xi32, #tpu.memory_space<vmem>>
        %dma_start3A_2766 = tpu.memref_squeeze %dma_start3A_2765 : memref<1x26xi32, #tpu.memory_space<vmem>> -> memref<26xi32, #tpu.memory_space<vmem>>
        %dma_start3A_2767 = arith.constant 0 : i32
        %dma_start3A_2768 = arith.constant 0 : i32
        %dma_start3A_2769 = tpu.memref_slice %arg3[%dma_start3A_2767, %dma_start3A_2768] : memref<1000000x64xf32, #tpu.memory_space<hbm>> -> memref<1000000x64xf32, #tpu.memory_space<hbm>>
        tpu.enqueue_indirect_dma source(%dma_start3A_2769 : memref<1000000x64xf32, #tpu.memory_space<hbm>>) target(%dma_start3A_2763 : memref<26x64xf32, #tpu.memory_space<vmem>>) offsets(%dma_start3A_2766 : memref<26xi32, #tpu.memory_space<vmem>>) semaphore(%arg13 : memref<!tpu.dma_semaphore, #tpu.memory_space<semaphore_mem>>)
        %mul3A_2770 = arith.constant 16 : i32
        %mul3A_2771 = arith.muli %add3A_2634, %mul3A_2770 : i32
        %add3A_2772 = arith.constant 9 : i32
        %add3A_2773 = arith.addi %mul3A_2771, %add3A_2772 : i32
        %dma_start3A_2774 = arith.constant 9 : i32
        %dma_start3A_2775 = arith.constant 0 : i32
        %dma_start3A_2776 = arith.constant 0 : i32
        %dma_start3A_2777 = tpu.memref_slice %arg9[%dma_start3A_2774, %dma_start3A_2775, %dma_start3A_2776] : memref<16x26x64xf32, #tpu.memory_space<vmem>> -> memref<1x26x64xf32, #tpu.memory_space<vmem>>
        %dma_start3A_2778 = tpu.memref_squeeze %dma_start3A_2777 : memref<1x26x64xf32, #tpu.memory_space<vmem>> -> memref<26x64xf32, #tpu.memory_space<vmem>>
        %dma_start3A_2779 = arith.constant 0 : i32
        %dma_start3A_2780 = tpu.memref_slice %arg5[%add3A_2773, %dma_start3A_2779] : memref<512x26xi32, #tpu.memory_space<vmem>> -> memref<1x26xi32, #tpu.memory_space<vmem>>
        %dma_start3A_2781 = tpu.memref_squeeze %dma_start3A_2780 : memref<1x26xi32, #tpu.memory_space<vmem>> -> memref<26xi32, #tpu.memory_space<vmem>>
        %dma_start3A_2782 = arith.constant 0 : i32
        %dma_start3A_2783 = arith.constant 0 : i32
        %dma_start3A_2784 = tpu.memref_slice %arg3[%dma_start3A_2782, %dma_start3A_2783] : memref<1000000x64xf32, #tpu.memory_space<hbm>> -> memref<1000000x64xf32, #tpu.memory_space<hbm>>
        tpu.enqueue_indirect_dma source(%dma_start3A_2784 : memref<1000000x64xf32, #tpu.memory_space<hbm>>) target(%dma_start3A_2778 : memref<26x64xf32, #tpu.memory_space<vmem>>) offsets(%dma_start3A_2781 : memref<26xi32, #tpu.memory_space<vmem>>) semaphore(%arg13 : memref<!tpu.dma_semaphore, #tpu.memory_space<semaphore_mem>>)
        %mul3A_2785 = arith.constant 16 : i32
        %mul3A_2786 = arith.muli %add3A_2634, %mul3A_2785 : i32
        %add3A_2787 = arith.constant 10 : i32
        %add3A_2788 = arith.addi %mul3A_2786, %add3A_2787 : i32
        %dma_start3A_2789 = arith.constant 10 : i32
        %dma_start3A_2790 = arith.constant 0 : i32
        %dma_start3A_2791 = arith.constant 0 : i32
        %dma_start3A_2792 = tpu.memref_slice %arg9[%dma_start3A_2789, %dma_start3A_2790, %dma_start3A_2791] : memref<16x26x64xf32, #tpu.memory_space<vmem>> -> memref<1x26x64xf32, #tpu.memory_space<vmem>>
        %dma_start3A_2793 = tpu.memref_squeeze %dma_start3A_2792 : memref<1x26x64xf32, #tpu.memory_space<vmem>> -> memref<26x64xf32, #tpu.memory_space<vmem>>
        %dma_start3A_2794 = arith.constant 0 : i32
        %dma_start3A_2795 = tpu.memref_slice %arg5[%add3A_2788, %dma_start3A_2794] : memref<512x26xi32, #tpu.memory_space<vmem>> -> memref<1x26xi32, #tpu.memory_space<vmem>>
        %dma_start3A_2796 = tpu.memref_squeeze %dma_start3A_2795 : memref<1x26xi32, #tpu.memory_space<vmem>> -> memref<26xi32, #tpu.memory_space<vmem>>
        %dma_start3A_2797 = arith.constant 0 : i32
        %dma_start3A_2798 = arith.constant 0 : i32
        %dma_start3A_2799 = tpu.memref_slice %arg3[%dma_start3A_2797, %dma_start3A_2798] : memref<1000000x64xf32, #tpu.memory_space<hbm>> -> memref<1000000x64xf32, #tpu.memory_space<hbm>>
        tpu.enqueue_indirect_dma source(%dma_start3A_2799 : memref<1000000x64xf32, #tpu.memory_space<hbm>>) target(%dma_start3A_2793 : memref<26x64xf32, #tpu.memory_space<vmem>>) offsets(%dma_start3A_2796 : memref<26xi32, #tpu.memory_space<vmem>>) semaphore(%arg13 : memref<!tpu.dma_semaphore, #tpu.memory_space<semaphore_mem>>)
        %mul3A_2800 = arith.constant 16 : i32
        %mul3A_2801 = arith.muli %add3A_2634, %mul3A_2800 : i32
        %add3A_2802 = arith.constant 11 : i32
        %add3A_2803 = arith.addi %mul3A_2801, %add3A_2802 : i32
        %dma_start3A_2804 = arith.constant 11 : i32
        %dma_start3A_2805 = arith.constant 0 : i32
        %dma_start3A_2806 = arith.constant 0 : i32
        %dma_start3A_2807 = tpu.memref_slice %arg9[%dma_start3A_2804, %dma_start3A_2805, %dma_start3A_2806] : memref<16x26x64xf32, #tpu.memory_space<vmem>> -> memref<1x26x64xf32, #tpu.memory_space<vmem>>
        %dma_start3A_2808 = tpu.memref_squeeze %dma_start3A_2807 : memref<1x26x64xf32, #tpu.memory_space<vmem>> -> memref<26x64xf32, #tpu.memory_space<vmem>>
        %dma_start3A_2809 = arith.constant 0 : i32
        %dma_start3A_2810 = tpu.memref_slice %arg5[%add3A_2803, %dma_start3A_2809] : memref<512x26xi32, #tpu.memory_space<vmem>> -> memref<1x26xi32, #tpu.memory_space<vmem>>
        %dma_start3A_2811 = tpu.memref_squeeze %dma_start3A_2810 : memref<1x26xi32, #tpu.memory_space<vmem>> -> memref<26xi32, #tpu.memory_space<vmem>>
        %dma_start3A_2812 = arith.constant 0 : i32
        %dma_start3A_2813 = arith.constant 0 : i32
        %dma_start3A_2814 = tpu.memref_slice %arg3[%dma_start3A_2812, %dma_start3A_2813] : memref<1000000x64xf32, #tpu.memory_space<hbm>> -> memref<1000000x64xf32, #tpu.memory_space<hbm>>
        tpu.enqueue_indirect_dma source(%dma_start3A_2814 : memref<1000000x64xf32, #tpu.memory_space<hbm>>) target(%dma_start3A_2808 : memref<26x64xf32, #tpu.memory_space<vmem>>) offsets(%dma_start3A_2811 : memref<26xi32, #tpu.memory_space<vmem>>) semaphore(%arg13 : memref<!tpu.dma_semaphore, #tpu.memory_space<semaphore_mem>>)
        %mul3A_2815 = arith.constant 16 : i32
        %mul3A_2816 = arith.muli %add3A_2634, %mul3A_2815 : i32
        %add3A_2817 = arith.constant 12 : i32
        %add3A_2818 = arith.addi %mul3A_2816, %add3A_2817 : i32
        %dma_start3A_2819 = arith.constant 12 : i32
        %dma_start3A_2820 = arith.constant 0 : i32
        %dma_start3A_2821 = arith.constant 0 : i32
        %dma_start3A_2822 = tpu.memref_slice %arg9[%dma_start3A_2819, %dma_start3A_2820, %dma_start3A_2821] : memref<16x26x64xf32, #tpu.memory_space<vmem>> -> memref<1x26x64xf32, #tpu.memory_space<vmem>>
        %dma_start3A_2823 = tpu.memref_squeeze %dma_start3A_2822 : memref<1x26x64xf32, #tpu.memory_space<vmem>> -> memref<26x64xf32, #tpu.memory_space<vmem>>
        %dma_start3A_2824 = arith.constant 0 : i32
        %dma_start3A_2825 = tpu.memref_slice %arg5[%add3A_2818, %dma_start3A_2824] : memref<512x26xi32, #tpu.memory_space<vmem>> -> memref<1x26xi32, #tpu.memory_space<vmem>>
        %dma_start3A_2826 = tpu.memref_squeeze %dma_start3A_2825 : memref<1x26xi32, #tpu.memory_space<vmem>> -> memref<26xi32, #tpu.memory_space<vmem>>
        %dma_start3A_2827 = arith.constant 0 : i32
        %dma_start3A_2828 = arith.constant 0 : i32
        %dma_start3A_2829 = tpu.memref_slice %arg3[%dma_start3A_2827, %dma_start3A_2828] : memref<1000000x64xf32, #tpu.memory_space<hbm>> -> memref<1000000x64xf32, #tpu.memory_space<hbm>>
        tpu.enqueue_indirect_dma source(%dma_start3A_2829 : memref<1000000x64xf32, #tpu.memory_space<hbm>>) target(%dma_start3A_2823 : memref<26x64xf32, #tpu.memory_space<vmem>>) offsets(%dma_start3A_2826 : memref<26xi32, #tpu.memory_space<vmem>>) semaphore(%arg13 : memref<!tpu.dma_semaphore, #tpu.memory_space<semaphore_mem>>)
        %mul3A_2830 = arith.constant 16 : i32
        %mul3A_2831 = arith.muli %add3A_2634, %mul3A_2830 : i32
        %add3A_2832 = arith.constant 13 : i32
        %add3A_2833 = arith.addi %mul3A_2831, %add3A_2832 : i32
        %dma_start3A_2834 = arith.constant 13 : i32
        %dma_start3A_2835 = arith.constant 0 : i32
        %dma_start3A_2836 = arith.constant 0 : i32
        %dma_start3A_2837 = tpu.memref_slice %arg9[%dma_start3A_2834, %dma_start3A_2835, %dma_start3A_2836] : memref<16x26x64xf32, #tpu.memory_space<vmem>> -> memref<1x26x64xf32, #tpu.memory_space<vmem>>
        %dma_start3A_2838 = tpu.memref_squeeze %dma_start3A_2837 : memref<1x26x64xf32, #tpu.memory_space<vmem>> -> memref<26x64xf32, #tpu.memory_space<vmem>>
        %dma_start3A_2839 = arith.constant 0 : i32
        %dma_start3A_2840 = tpu.memref_slice %arg5[%add3A_2833, %dma_start3A_2839] : memref<512x26xi32, #tpu.memory_space<vmem>> -> memref<1x26xi32, #tpu.memory_space<vmem>>
        %dma_start3A_2841 = tpu.memref_squeeze %dma_start3A_2840 : memref<1x26xi32, #tpu.memory_space<vmem>> -> memref<26xi32, #tpu.memory_space<vmem>>
        %dma_start3A_2842 = arith.constant 0 : i32
        %dma_start3A_2843 = arith.constant 0 : i32
        %dma_start3A_2844 = tpu.memref_slice %arg3[%dma_start3A_2842, %dma_start3A_2843] : memref<1000000x64xf32, #tpu.memory_space<hbm>> -> memref<1000000x64xf32, #tpu.memory_space<hbm>>
        tpu.enqueue_indirect_dma source(%dma_start3A_2844 : memref<1000000x64xf32, #tpu.memory_space<hbm>>) target(%dma_start3A_2838 : memref<26x64xf32, #tpu.memory_space<vmem>>) offsets(%dma_start3A_2841 : memref<26xi32, #tpu.memory_space<vmem>>) semaphore(%arg13 : memref<!tpu.dma_semaphore, #tpu.memory_space<semaphore_mem>>)
        %mul3A_2845 = arith.constant 16 : i32
        %mul3A_2846 = arith.muli %add3A_2634, %mul3A_2845 : i32
        %add3A_2847 = arith.constant 14 : i32
        %add3A_2848 = arith.addi %mul3A_2846, %add3A_2847 : i32
        %dma_start3A_2849 = arith.constant 14 : i32
        %dma_start3A_2850 = arith.constant 0 : i32
        %dma_start3A_2851 = arith.constant 0 : i32
        %dma_start3A_2852 = tpu.memref_slice %arg9[%dma_start3A_2849, %dma_start3A_2850, %dma_start3A_2851] : memref<16x26x64xf32, #tpu.memory_space<vmem>> -> memref<1x26x64xf32, #tpu.memory_space<vmem>>
        %dma_start3A_2853 = tpu.memref_squeeze %dma_start3A_2852 : memref<1x26x64xf32, #tpu.memory_space<vmem>> -> memref<26x64xf32, #tpu.memory_space<vmem>>
        %dma_start3A_2854 = arith.constant 0 : i32
        %dma_start3A_2855 = tpu.memref_slice %arg5[%add3A_2848, %dma_start3A_2854] : memref<512x26xi32, #tpu.memory_space<vmem>> -> memref<1x26xi32, #tpu.memory_space<vmem>>
        %dma_start3A_2856 = tpu.memref_squeeze %dma_start3A_2855 : memref<1x26xi32, #tpu.memory_space<vmem>> -> memref<26xi32, #tpu.memory_space<vmem>>
        %dma_start3A_2857 = arith.constant 0 : i32
        %dma_start3A_2858 = arith.constant 0 : i32
        %dma_start3A_2859 = tpu.memref_slice %arg3[%dma_start3A_2857, %dma_start3A_2858] : memref<1000000x64xf32, #tpu.memory_space<hbm>> -> memref<1000000x64xf32, #tpu.memory_space<hbm>>
        tpu.enqueue_indirect_dma source(%dma_start3A_2859 : memref<1000000x64xf32, #tpu.memory_space<hbm>>) target(%dma_start3A_2853 : memref<26x64xf32, #tpu.memory_space<vmem>>) offsets(%dma_start3A_2856 : memref<26xi32, #tpu.memory_space<vmem>>) semaphore(%arg13 : memref<!tpu.dma_semaphore, #tpu.memory_space<semaphore_mem>>)
        %mul3A_2860 = arith.constant 16 : i32
        %mul3A_2861 = arith.muli %add3A_2634, %mul3A_2860 : i32
        %add3A_2862 = arith.constant 15 : i32
        %add3A_2863 = arith.addi %mul3A_2861, %add3A_2862 : i32
        %dma_start3A_2864 = arith.constant 15 : i32
        %dma_start3A_2865 = arith.constant 0 : i32
        %dma_start3A_2866 = arith.constant 0 : i32
        %dma_start3A_2867 = tpu.memref_slice %arg9[%dma_start3A_2864, %dma_start3A_2865, %dma_start3A_2866] : memref<16x26x64xf32, #tpu.memory_space<vmem>> -> memref<1x26x64xf32, #tpu.memory_space<vmem>>
        %dma_start3A_2868 = tpu.memref_squeeze %dma_start3A_2867 : memref<1x26x64xf32, #tpu.memory_space<vmem>> -> memref<26x64xf32, #tpu.memory_space<vmem>>
        %dma_start3A_2869 = arith.constant 0 : i32
        %dma_start3A_2870 = tpu.memref_slice %arg5[%add3A_2863, %dma_start3A_2869] : memref<512x26xi32, #tpu.memory_space<vmem>> -> memref<1x26xi32, #tpu.memory_space<vmem>>
        %dma_start3A_2871 = tpu.memref_squeeze %dma_start3A_2870 : memref<1x26xi32, #tpu.memory_space<vmem>> -> memref<26xi32, #tpu.memory_space<vmem>>
        %dma_start3A_2872 = arith.constant 0 : i32
        %dma_start3A_2873 = arith.constant 0 : i32
        %dma_start3A_2874 = tpu.memref_slice %arg3[%dma_start3A_2872, %dma_start3A_2873] : memref<1000000x64xf32, #tpu.memory_space<hbm>> -> memref<1000000x64xf32, #tpu.memory_space<hbm>>
        tpu.enqueue_indirect_dma source(%dma_start3A_2874 : memref<1000000x64xf32, #tpu.memory_space<hbm>>) target(%dma_start3A_2868 : memref<26x64xf32, #tpu.memory_space<vmem>>) offsets(%dma_start3A_2871 : memref<26xi32, #tpu.memory_space<vmem>>) semaphore(%arg13 : memref<!tpu.dma_semaphore, #tpu.memory_space<semaphore_mem>>)
      } else {
      }
    }
    %scan3A_774 = arith.constant 8 : i32
    %add3A_775 = arith.constant 448 : i32
    %add3A_776 = arith.addi %mul3A_2, %add3A_775 : i32
    %dma_wait3A = arith.constant 0 : i32
    %dma_wait3A_777 = arith.constant 0 : i32
    %dma_wait3A_778 = tpu.memref_slice %arg4[%add3A_776, %dma_wait3A, %dma_wait3A_777] : memref<16384x26x64xf32, #tpu.memory_space<hbm>> -> memref<16x26x64xf32, #tpu.memory_space<hbm>>
    %dma_wait3A_779 = arith.constant 0 : i32
    %dma_wait3A_780 = arith.constant 0 : i32
    %dma_wait3A_781 = tpu.memref_slice %arg4[%add3A_776, %dma_wait3A_779, %dma_wait3A_780] : memref<16384x26x64xf32, #tpu.memory_space<hbm>> -> memref<16x26x64xf32, #tpu.memory_space<hbm>>
    tpu.wait_dma2 semaphore(%arg14 : memref<!tpu.dma_semaphore, #tpu.memory_space<semaphore_mem>>) src(%arg6 : memref<16x26x64xf32, #tpu.memory_space<vmem>>) dst(%dma_wait3A_781 : memref<16x26x64xf32, #tpu.memory_space<hbm>>)
    %add3A_782 = arith.constant 464 : i32
    %add3A_783 = arith.addi %mul3A_2, %add3A_782 : i32
    %dma_wait3A_784 = arith.constant 0 : i32
    %dma_wait3A_785 = arith.constant 0 : i32
    %dma_wait3A_786 = tpu.memref_slice %arg4[%add3A_783, %dma_wait3A_784, %dma_wait3A_785] : memref<16384x26x64xf32, #tpu.memory_space<hbm>> -> memref<16x26x64xf32, #tpu.memory_space<hbm>>
    %dma_wait3A_787 = arith.constant 0 : i32
    %dma_wait3A_788 = arith.constant 0 : i32
    %dma_wait3A_789 = tpu.memref_slice %arg4[%add3A_783, %dma_wait3A_787, %dma_wait3A_788] : memref<16384x26x64xf32, #tpu.memory_space<hbm>> -> memref<16x26x64xf32, #tpu.memory_space<hbm>>
    tpu.wait_dma2 semaphore(%arg15 : memref<!tpu.dma_semaphore, #tpu.memory_space<semaphore_mem>>) src(%arg7 : memref<16x26x64xf32, #tpu.memory_space<vmem>>) dst(%dma_wait3A_789 : memref<16x26x64xf32, #tpu.memory_space<hbm>>)
    %add3A_790 = arith.constant 480 : i32
    %add3A_791 = arith.addi %mul3A_2, %add3A_790 : i32
    %dma_wait3A_792 = arith.constant 0 : i32
    %dma_wait3A_793 = arith.constant 0 : i32
    %dma_wait3A_794 = tpu.memref_slice %arg4[%add3A_791, %dma_wait3A_792, %dma_wait3A_793] : memref<16384x26x64xf32, #tpu.memory_space<hbm>> -> memref<16x26x64xf32, #tpu.memory_space<hbm>>
    %dma_wait3A_795 = arith.constant 0 : i32
    %dma_wait3A_796 = arith.constant 0 : i32
    %dma_wait3A_797 = tpu.memref_slice %arg4[%add3A_791, %dma_wait3A_795, %dma_wait3A_796] : memref<16384x26x64xf32, #tpu.memory_space<hbm>> -> memref<16x26x64xf32, #tpu.memory_space<hbm>>
    tpu.wait_dma2 semaphore(%arg16 : memref<!tpu.dma_semaphore, #tpu.memory_space<semaphore_mem>>) src(%arg8 : memref<16x26x64xf32, #tpu.memory_space<vmem>>) dst(%dma_wait3A_797 : memref<16x26x64xf32, #tpu.memory_space<hbm>>)
    %add3A_798 = arith.constant 496 : i32
    %add3A_799 = arith.addi %mul3A_2, %add3A_798 : i32
    %dma_wait3A_800 = arith.constant 0 : i32
    %dma_wait3A_801 = arith.constant 0 : i32
    %dma_wait3A_802 = tpu.memref_slice %arg4[%add3A_799, %dma_wait3A_800, %dma_wait3A_801] : memref<16384x26x64xf32, #tpu.memory_space<hbm>> -> memref<16x26x64xf32, #tpu.memory_space<hbm>>
    %dma_wait3A_803 = arith.constant 0 : i32
    %dma_wait3A_804 = arith.constant 0 : i32
    %dma_wait3A_805 = tpu.memref_slice %arg4[%add3A_799, %dma_wait3A_803, %dma_wait3A_804] : memref<16384x26x64xf32, #tpu.memory_space<hbm>> -> memref<16x26x64xf32, #tpu.memory_space<hbm>>
    tpu.wait_dma2 semaphore(%arg17 : memref<!tpu.dma_semaphore, #tpu.memory_space<semaphore_mem>>) src(%arg9 : memref<16x26x64xf32, #tpu.memory_space<vmem>>) dst(%dma_wait3A_805 : memref<16x26x64xf32, #tpu.memory_space<hbm>>)
    return
  }
}

</mosaic_0001>

<sc_bundles>
// kernel: kernel.3.cloned.1.call-start
scs
__scs_entry_jumppad:
0x0: {  	(pc) =	sbr.rel $0x88, $3  }
0x1: {  	(tag) =	ssettag $0x0;
	lr =	simm.s32 $0x1  }
0x2: {  	[smem:$0x3F9F] =	sst lr;
	_ =	strace $0xD0000000  }
0x3: {  	_ = 	snop  }
0x4: {  	_ = 	snop  }
0x5: {  	_ = 	snop  }
0x6: {  	_ = 	snop  }
0x7: {  	_ = 	snop  }
__scs_overlays_trampoline_lowered:
0x8: {  	[smem:$0x3FAE] =	sst s0  }
0x9: {  	[smem:$0x3FAF] =	sst s1  }
0xa: {  	[smem:$0x3FB0] =	sst s2  }
0xb: {  	[smem:$0x3FB1] =	sst s3  }
0xc: {  	[smem:$0x3FB2] =	sst s4  }
0xd: {  	[smem:$0x3FB3] =	sst s5  }
0xe: {  	[smem:$0x3FB4] =	sst s6  }
0xf: {  	[smem:$0x3FB5] =	sst s7  }
0x10: {  	[smem:$0x3FB6] =	sst s8  }
0x11: {  	[smem:$0x3FB7] =	sst s9;
	s0 =	simm.s32 @!p0 $0x0  }
0x12: {  	s1 =	sld [smem:$0x3F9D];
	s0 =	simm.s32 @p0 $0x1  }
0x13: {  	[smem:$0x3FB8] =	sst s0;
	s0 =	simm.s32 @!p1 $0x0  }
0x14: {  	s2 =	sld [smem:$0x3F9C];
	s0 =	simm.s32 @p1 $0x1  }
0x15: {  	[smem:$0x3FB9] =	sst s0;
	s0 =	simm.s32 @!p2 $0x0  }
0x16: {  	s3 =	sld [smem:$0x3FDB];
	s0 =	simm.s32 @p2 $0x1  }
0x17: {  	s4 =	simm.s32 $0x1BF5;
	[smem:$0x3FBB] =	sst s0  }
0x18: {  	s0 =	sld [smem:$0x3F9E];
	_ =	swait.ge [sflag:s4], $0x0  }
0x19: {  	s7 =	sld [smem:$0x3F9F]  }
0x1a: {  	s8 =	sadd.s32 $0xFFFFE003, lr  }
0x1b: {  	s9 =	sadd.s32 $0xFFFFFEF7, lr;
	s5 =	simm.s32 $0xFFFFFFFF;
	p2 =	slt.u32 s8, $0xFFFFF086  }
0x1c: {  	p1 =	slt.u32 s9, $0xF7A;
	s5 =	simm.s32 @!p2 $0x0  }
0x1d: {  	s5 =	simm.s32 @p1 $0x1;
	p0 =	seq.s32 s7, s2  }
0x1e: {  	s7 =	smul.u32 @!p0 $0xF7A, s2;
	p2 =	seq.s32 @!p0 s5, $0x0  }
0x1f: {  	s9 =	smul.u32 $0xF7A, s1;
	s8 =	simm.s32 @!p0 $0x1BF5;
	p2 =	por !p2, p0  }
0x20: {  	[sflag:s8] =	ssyncset.s32 @!p0 $0xFFFFF086;
	s6 =	sadd.s32 @!p0 s3, s7;
	s7 =	simm.s32 @!p0 $0x108  }
0x21: {  	s3 =	sadd.s32 s3, s9;
	s6 =	sadd.s32 @!p0 $0x88, s6;
	s7 =	simm.s32 @p2 $0x1082  }
0x22: {  	[simem:s7], [sflag:s8] =	dma.local @!p0 [hbm:s6], $0xF7A  }
0x23: {  	s9 =	sor.u32 $0xD0000000, s2;
	s6 =	simm.s32 $0x108;
	_ =	swait.ge @!p0 [sflag:s8], $0x0  }
0x24: {  	s3 =	sadd.s32 $0x88, s3;
	s6 =	simm.s32 @!p1 $0x1082;
	[sflag:s4] =	ssyncset.s32 $0xFFFFF086  }
0x25: {  	[simem:s6], [sflag:s4] =	dma.local [hbm:s3], $0xF7A  }
0x26: {  	[smem:$0x3F9F] =	sst s1;
	(tag) =	ssettag s2;
	_ =	strace s9  }
0x27: {  	s1 =	sld [smem:$0x3FAF]  }
0x28: {  	s2 =	sld [smem:$0x3FB0]  }
0x29: {  	s4 =	sld [smem:$0x3FB2]  }
0x2a: {  	p0 =	seq.s32 s5, $0x0;
	s5 =	sld [smem:$0x3FB3]  }
0x2b: {  	s6 =	sld [smem:$0x3FB4]  }
0x2c: {  	s7 =	sld [smem:$0x3FB5]  }
0x2d: {  	s3 =	simm.s32 $0x108;
	s8 =	sld [smem:$0x3FB6]  }
0x2e: {  	s3 =	simm.s32 @!p0 $0x1082;
	s9 =	sld [smem:$0x3FB7]  }
0x2f: {  	lr =	sadd.s32 s0, s3;
	s0 =	sld [smem:$0x3FAE]  }
0x30: {  	s3 =	sld [smem:$0x3FB1]  }
0x31: {  	[smem:$0x3FBA] =	sst s10  }
0x32: {  	s10 =	sld [smem:$0x3FB8];
	_ =	sdelay $0x3  }
0x33: {  	p0 =	seq.s32 s10, $0x1;
	s10 =	sld [smem:$0x3FBA];
	_ =	sdelay $0x3  }
0x34: {  	[smem:$0x3FBA] =	sst s10  }
0x35: {  	s10 =	sld [smem:$0x3FB9];
	_ =	sdelay $0x3  }
0x36: {  	p1 =	seq.s32 s10, $0x1;
	s10 =	sld [smem:$0x3FBA];
	_ =	sdelay $0x3  }
0x37: {  	[smem:$0x3FBA] =	sst s10  }
0x38: {  	s10 =	sld [smem:$0x3FBB]  }
0x39: {  	_ = 	snop;
	(pc) =	sbr.ind lr, $3  }
0x3a: {  	_ = 	snop  }
0x3b: {  	_ = 	snop  }
0x3c: {  	p2 =	seq.s32 s10, $0x1;
	s10 =	sld [smem:$0x3FBA]  }
0x3d: {  	_ =	shalt  }
0x3e: {  	_ =	shalt  }
0x3f: {  	_ =	shalt  }
0x40: {  	_ =	shalt  }
0x41: {  	_ =	shalt  }
0x42: {  	_ =	shalt  }
0x43: {  	_ =	shalt  }
0x44: {  	_ =	shalt  }
0x45: {  	_ =	shalt  }
0x46: {  	_ =	shalt  }
0x47: {  	_ =	shalt  }
0x48: {  	_ =	shalt  }
0x49: {  	_ =	shalt  }
0x4a: {  	_ =	shalt  }
0x4b: {  	_ =	shalt  }
0x4c: {  	_ =	shalt  }
0x4d: {  	_ =	shalt  }
0x4e: {  	_ =	shalt  }
0x4f: {  	_ =	shalt  }
0x50: {  	_ =	shalt  }
0x51: {  	_ =	shalt  }
0x52: {  	_ =	shalt  }
0x53: {  	_ =	shalt  }
0x54: {  	_ =	shalt  }
0x55: {  	_ =	shalt  }
0x56: {  	_ =	shalt  }
0x57: {  	_ =	shalt  }
0x58: {  	_ =	shalt  }
0x59: {  	_ =	shalt  }
0x5a: {  	_ =	shalt  }
0x5b: {  	_ =	shalt  }
0x5c: {  	_ =	shalt  }
0x5d: {  	_ =	shalt  }
0x5e: {  	_ =	shalt  }
0x5f: {  	_ =	shalt  }
0x60: {  	_ =	shalt  }
0x61: {  	_ =	shalt  }
0x62: {  	_ =	shalt  }
0x63: {  	_ =	shalt  }
0x64: {  	_ =	shalt  }
0x65: {  	_ =	shalt  }
0x66: {  	_ =	shalt  }
0x67: {  	_ =	shalt  }
0x68: {  	_ =	shalt  }
0x69: {  	_ =	shalt  }
0x6a: {  	_ =	shalt  }
0x6b: {  	_ =	shalt  }
0x6c: {  	_ =	shalt  }
0x6d: {  	_ =	shalt  }
0x6e: {  	_ =	shalt  }
0x6f: {  	_ =	shalt  }
0x70: {  	_ =	shalt  }
0x71: {  	_ =	shalt  }
0x72: {  	_ =	shalt  }
0x73: {  	_ =	shalt  }
0x74: {  	_ =	shalt  }
0x75: {  	_ =	shalt  }
0x76: {  	_ =	shalt  }
0x77: {  	_ =	shalt  }
0x78: {  	_ =	shalt  }
0x79: {  	_ =	shalt  }
0x7a: {  	_ =	shalt  }
0x7b: {  	_ =	shalt  }
0x7c: {  	_ =	shalt  }
0x7d: {  	_ =	shalt  }
0x7e: {  	_ =	shalt  }
0x7f: {  	_ =	shalt  }
0x80: {  	_ =	shalt  }
0x81: {  	_ =	shalt  }
0x82: {  	_ =	shalt  }
0x83: {  	_ =	shalt  }
0x84: {  	_ =	shalt  }
0x85: {  	_ =	shalt  }
0x86: {  	_ =	shalt  }
0x87: {  	_ =	shalt  }
.Lfunc_end0:
.L_simem_size_0:
called_computation.1_lowered:
.L_overlay_start_0:
0x88: {  	s2 =	sld [smem:$0x3FD9]  }
0x89: {  	s3 =	sld [smem:$0x3FFE];
	_ =	sdelay $0x1  }
0x8a: {  	s1 =	srdreg.scid  }
0x8b: {  	s0 =	sand.u32 $0x1, s1  }
0x8c: {  	s17 =	sshll.u32 s0, $0xA;
	s2 =	sadd.s32 s3, s2  }
0x8d: {  	s2 =	sadd.s32 s2, s17  }
0x8e: {  	[smem:$0x3FC6] =	sst s2  }
0x8f: {  	_ = 	snop  }
0x90: {  	s2 =	sld [smem:$0x3FD0];
	(tm) =	ssettm $0x1  }
0x91: {  	s18 =	sld [smem:$0x3FFB];
	_ =	sdelay $0x3  }
0x92: {  	_ =	strace s18  }
0x93: {  	s3 =	sld [smem:$0x3FFC];
	_ =	sdelay $0x3  }
0x94: {  	_ =	strace s3  }
0x95: {  	s3 =	sld [smem:$0x3FFD];
	_ =	sdelay $0x3  }
0x96: {  	_ =	strace s3  }
0x97: {  	_ =	strace $0x8FFFFFFF  }
0x98: {  	s19 =	sld [smem:$0x3FDB];
	_ =	sdelay $0x1  }
0x99: {  	s4 =	simm.s32 $_scs_section_size  }
0x9a: {  	s5 =	simm.s32 $_size__tile_overlayer_lowered;
	s6 =	simm.s32 $_tile_overlayer_lowered  }
0x9b: {  	s22 =	simm.s32 $0x1BFF;
	s21 =	sshll.u32 s6, $0x1;
	s3 =	sadd.s32 s4, s19  }
0x9c: {  	s7 =	simm.s32 $0x0;
	s20 =	sshll.u32 s5, $0x1;
	s5 =	sadd.s32 s21, s3  }
0x9d: {  	[timem:s7], [sflag:s22] =	dma.local [hbm:s5], s20  }
0x9e: {  	_ =	swait.ge [sflag:s22], s20  }
0x9f: {  	s4 =	ssub.s32 $0x0, s20;
	[sflag:s22] =	ssyncset.done $0x0  }
0xa0: {  	[sflag:s22] =	ssyncadd.s32 s4;
	_ =	sdelay $0x1  }
0xa1: {  	s23 =	simm.s32 $0x1B8B  }
0xa2: {  	_ =	swait.ge [sflag:s23], $0x1  }
0xa3: {  	[sflag:s23] =	ssyncset.done $0x0  }
0xa4: {  	s25 =	simm.s32 $0x1B8E;
	s24 =	sld [smem:$0x3FFE];
	[sflag:s23] =	ssyncadd.s32 $0xFFFFFFFF  }
0xa5: {  	s26 =	simm.s32 $execute0_lowered;
	[smem:$0x3FD2] =	sst s25  }
0xa6: {  	s5 =	sshll.u32 s26, $0x1;
	_ =	strace $0x80000046;
	[dreg:$0x1] =	wrdreg $0xFFFFFFFF  }
0xa7: {  	s28 =	simm.s32 $_size_execute0_lowered;
	s3 =	sadd.s32 s3, s5;
	[dreg:$0x0] =	wrdreg $0x0  }
0xa8: {  	s5 =	sshll.u32 s28, $0x1;
	[dreg:$0x2] =	wrdreg s3  }
0xa9: {  	[dreg:$0x3] =	wrdreg s5  }
0xaa: {  	[dreg:$0x4] =	wrdreg $0xC0  }
0xab: {  	_ =	task [dreg:s7], $0x5FFFF  }
0xac: {  	[dreg:$0x1] =	wrdreg $0xFFFFFFFF  }
0xad: {  	[dreg:$0x0] =	wrdreg $0x60  }
0xae: {  	[dreg:$0x2] =	wrdreg s24  }
0xaf: {  	[dreg:$0x3] =	wrdreg s2  }
0xb0: {  	[dreg:$0x4] =	wrdreg $0x9  }
0xb1: {  	_ =	task.clear_ibuf [dreg:s7], $0x5FFFF;
	_ =	strace $0x90000046  }
0xb2: {  	s29 =	simm.s32 $0x9;
	_ =	strace $0x80000048  }
0xb3: {  	_ =	swait.ge [sflag:s29], $0x1  }
0xb4: {  	[sflag:s29] =	ssyncadd.s32 $0xFFFFFFFF  }
0xb5: {  	_ =	strace $0x90000048  }
0xb6: {  	_ =	sfence  }
0xb7: {  	s30 =	sld [smem:$0x0];
	_ =	sdelay $0x2  }
0xb8: {  	s31 =	sshll.u32 s1, $0xD;
	s1 =	sshrl.u32 s1, $0x2  }
0xb9: {  	s3 =	sand.u32 $0x4000, s31;
	s1 =	sadd.s32 s1, s30  }
0xba: {  	s0 =	sor.u32 s3, s0;
	s1 =	sshll.u32 s1, $0x11  }
0xbb: {  	s0 =	sor.u32 s1, s0  }
0xbc: {  	s0 =	sadd.s32 $0x8F2B, s0  }
0xbd: {  	[sflag:s0] =	ssyncadd.remote.s32 $0x1  }
0xbe: {  	_ =	sfence.sel $0xFFFF  }
0xbf: {  	[dreg:$0x0] =	wrdreg $0xFFFFFFFF;
	(pc) =	sbr.abs _section_cstart, $3  }
0xc0: {  	[dreg:$0x1] =	wrdreg $0xFFFFFFFF  }
0xc1: {  	_ =	task.clear_ibuf [dreg:s7], $0x2FFFF;
	_ =	strace $0x9FFFFFFF  }
0xc2: {  	(tm) =	ssettm $0x7FFFFFFF  }
0xc3: {  	_ =	shalt  }
tec
execute0_lowered:
.L_overlay_start_1:
0x0: {  	(tag) =	ssettag $0x1  }
0x1: {  	s0 =	rddreg [dreg:$0x0]  }
0x2: {  	s1 =	rddreg [dreg:$0x1];
	s2 =	simm.s32 $0x0  }
0x3: {  	s3 =	srdreg.scid;
	s6 =	stileid.u32;
	s9 =	simm.s32 $0x4000  }
0x4: {  	s19 =	simm.s32 $0x11000;
	s11 =	simm.s32 $0x19F00;
	s13 =	simm.s32 $0x1A580  }
0x5: {  	s15 =	simm.s32 $0x1AC00;
	s17 =	simm.s32 $0x1B280;
	s21 =	simm.s32 $0x1B900  }
0x6: {  	s23 =	simm.s32 $0x1BF80;
	s28 =	simm.s32 $0x1CC80;
	s30 =	simm.s32 $0x1D300  }
0x7: {  	s10 =	simm.s32 $0x1;
	s14 =	simm.s32 $0x2;
	s18 =	simm.s32 $0x3  }
0x8: {  	s22 =	simm.s32 $0x4;
	s31 =	simm.s32 $0x5;
	s12 =	simm.s32 $0x6  }
0x9: {  	s20 =	simm.s32 $0x7;
	s29 =	simm.s32 $0x8;
	[smem:$0x7FF] =	sst s2  }
0xa: {  	s3 =	sand.u32 $0x1, s3;
	s4 =	sshll.u32 s6, $0xC;
	s6 =	smul.u32 $0x34000, s6  }
0xb: {  	_ =	strace $0x80000047;
	s5 =	sshll.u32 s3, $0xB;
	s24 =	ssub.s32 $0x2, s3  }
0xc: {  	s8 =	smul.u32 $0x1A000, s3;
	s3 =	sadd.s32 $0xF42E00, s0;
	s4 =	sor.u32 s5, s4  }
0xd: {  	s7 =	sshrl.u32 s24, $0x1;
	s1 =	sadd.s32 s6, s1;
	s5 =	simm.s32 $0x0  }
.Ltmp0:
0xe: {  	s4 =	sadd.s32 s4, s0;
	s25 =	ssub.s32 s24, s7;
	(pc) =	sbr.rel .LBB2_1-.Ltmp0, $4  }
0xf: {  	s26 =	sadd.s32 s8, s1;
	s8 =	simm.s32 $0x1A;
	s1 =	simm.s32 $0x17800  }
0x10: {  	s7 =	simm.s32 $0x19880;
	s4 =	sadd.s32 $0xA00, s4;
	[dreg:$0x5] =	wrdreg s26  }
0x11: {  	s0 =	smax.u32 s25, $0x1;
	s26 =	simm.s32 $0xA800;
	[dreg:$0x3] =	wrdreg s4  }
0x12: {  	s25 =	simm.s32 $0x1C600;
	[dreg:$0x4] =	wrdreg s0;
	s0 =	simm.s32 $0x1D980  }
.LBB2_4:
0x13: {  	_ =	swait.ge [sflag:s31], $0x6800  }
0x14: {  	[sflag:s31] =	ssyncset.done $0x0  }
0x15: {  	[sflag:s31] =	ssyncadd.s32 $0xFFFF9800  }
0x16: {  	_ =	swait.ge [sflag:s12], $0x6800  }
0x17: {  	[sflag:s12] =	ssyncset.done $0x0  }
0x18: {  	[sflag:s12] =	ssyncadd.s32 $0xFFFF9800  }
0x19: {  	_ =	swait.ge [sflag:s20], $0x6800  }
0x1a: {  	[sflag:s20] =	ssyncset.done $0x0  }
0x1b: {  	[sflag:s20] =	ssyncadd.s32 $0xFFFF9800  }
0x1c: {  	_ =	swait.ge [sflag:s29], $0x6800  }
0x1d: {  	s5 =	rddreg [dreg:$0x6]  }
0x1e: {  	s4 =	rddreg [dreg:$0x4];
	s5 =	sadd.s32 $0x1, s5  }
0x1f: {  	p0 =	sne.s32 s5, s4  }
.Ltmp1:
0x20: {  	_ = 	snop;
	(pc) =	sbr.rel @!p0 .LBB2_5-.Ltmp1, $3  }
0x21: {  	_ =	sdelay $0x1  }
0x22: {  	[sflag:s29] =	ssyncset.done $0x0  }
0x23: {  	[sflag:s29] =	ssyncadd.s32 $0xFFFF9800  }
.LBB2_1:
0x24: {  	[dreg:$0x6] =	wrdreg s5  }
0x25: {  	s4 =	rddreg [dreg:$0x3];
	s24 =	simm.s32 $0x9  }
0x26: {  	[tilespmem:s2], [sflag:$0x9] =	stream.linear.gather [hbm4b:s4+s2], $0x4000, $0x38;
	[tilespmem:$0x1E000] =	vst v63  }
0x27: {  	_ =	swait.ge [sflag:s24], $0x4000  }
0x28: {  	[sflag:s24] =	ssyncset.done $0x0  }
0x29: {  	[sflag:s24] =	ssyncadd.s32 $0xFFFFC000  }
0x2a: {  	[tilespmem:s9], [sflag:$0x1] =	stream.indirect.gather [hbm4b:s3+s8], $0x40, s2, s8, $0xb8;
	[tilespmem:$0x1E000] =	vst v63  }
0x2b: {  	s5 =	simm.s32 $0x20;
	s6 =	simm.s32 $0x4680  }
0x2c: {  	[tilespmem:s6], [sflag:$0x1] =	stream.indirect.gather [hbm4b:s3+s8], $0x40, s5, s8, $0xb8;
	[tilespmem:$0x1E000] =	vst v63  }
0x2d: {  	s16 =	simm.s32 $0x40;
	s24 =	simm.s32 $0x4D00  }
0x2e: {  	[tilespmem:s24], [sflag:$0x1] =	stream.indirect.gather [hbm4b:s3+s8], $0x40, s16, s8, $0xb8;
	[tilespmem:$0x1E000] =	vst v63  }
0x2f: {  	s5 =	simm.s32 $0x60;
	s6 =	simm.s32 $0x5380  }
0x30: {  	[tilespmem:s6], [sflag:$0x1] =	stream.indirect.gather [hbm4b:s3+s8], $0x40, s5, s8, $0xb8;
	[tilespmem:$0x1E000] =	vst v63  }
0x31: {  	s16 =	simm.s32 $0x80;
	s24 =	simm.s32 $0x5A00  }
0x32: {  	[tilespmem:s24], [sflag:$0x1] =	stream.indirect.gather [hbm4b:s3+s8], $0x40, s16, s8, $0xb8;
	[tilespmem:$0x1E000] =	vst v63  }
0x33: {  	s5 =	simm.s32 $0xA0;
	s6 =	simm.s32 $0x6080  }
0x34: {  	[tilespmem:s6], [sflag:$0x1] =	stream.indirect.gather [hbm4b:s3+s8], $0x40, s5, s8, $0xb8;
	[tilespmem:$0x1E000] =	vst v63  }
0x35: {  	s16 =	simm.s32 $0xC0;
	s24 =	simm.s32 $0x6700  }
0x36: {  	[tilespmem:s24], [sflag:$0x1] =	stream.indirect.gather [hbm4b:s3+s8], $0x40, s16, s8, $0xb8;
	[tilespmem:$0x1E000] =	vst v63  }
0x37: {  	s5 =	simm.s32 $0xE0;
	s6 =	simm.s32 $0x6D80  }
0x38: {  	[tilespmem:s6], [sflag:$0x1] =	stream.indirect.gather [hbm4b:s3+s8], $0x40, s5, s8, $0xb8;
	[tilespmem:$0x1E000] =	vst v63  }
0x39: {  	s16 =	simm.s32 $0x100;
	s24 =	simm.s32 $0x7400  }
0x3a: {  	[tilespmem:s24], [sflag:$0x1] =	stream.indirect.gather [hbm4b:s3+s8], $0x40, s16, s8, $0xb8;
	[tilespmem:$0x1E000] =	vst v63  }
0x3b: {  	s5 =	simm.s32 $0x120;
	s6 =	simm.s32 $0x7A80  }
0x3c: {  	[tilespmem:s6], [sflag:$0x1] =	stream.indirect.gather [hbm4b:s3+s8], $0x40, s5, s8, $0xb8;
	[tilespmem:$0x1E000] =	vst v63  }
0x3d: {  	s16 =	simm.s32 $0x140;
	s24 =	simm.s32 $0x8100  }
0x3e: {  	[tilespmem:s24], [sflag:$0x1] =	stream.indirect.gather [hbm4b:s3+s8], $0x40, s16, s8, $0xb8;
	[tilespmem:$0x1E000] =	vst v63  }
0x3f: {  	s5 =	simm.s32 $0x160;
	s6 =	simm.s32 $0x8780  }
0x40: {  	[tilespmem:s6], [sflag:$0x1] =	stream.indirect.gather [hbm4b:s3+s8], $0x40, s5, s8, $0xb8;
	[tilespmem:$0x1E000] =	vst v63  }
0x41: {  	s16 =	simm.s32 $0x180;
	s24 =	simm.s32 $0x8E00  }
0x42: {  	[tilespmem:s24], [sflag:$0x1] =	stream.indirect.gather [hbm4b:s3+s8], $0x40, s16, s8, $0xb8;
	[tilespmem:$0x1E000] =	vst v63  }
0x43: {  	s5 =	simm.s32 $0x1A0;
	s6 =	simm.s32 $0x9480  }
0x44: {  	[tilespmem:s6], [sflag:$0x1] =	stream.indirect.gather [hbm4b:s3+s8], $0x40, s5, s8, $0xb8;
	[tilespmem:$0x1E000] =	vst v63  }
0x45: {  	s16 =	simm.s32 $0x1C0;
	s24 =	simm.s32 $0x9B00  }
0x46: {  	[tilespmem:s24], [sflag:$0x1] =	stream.indirect.gather [hbm4b:s3+s8], $0x40, s16, s8, $0xb8;
	[tilespmem:$0x1E000] =	vst v63  }
0x47: {  	s6 =	simm.s32 $0x1E0;
	s16 =	simm.s32 $0xA180  }
0x48: {  	[tilespmem:s16], [sflag:$0x1] =	stream.indirect.gather [hbm4b:s3+s8], $0x40, s6, s8, $0xb8;
	[tilespmem:$0x1E000] =	vst v63  }
0x49: {  	s24 =	simm.s32 $0x200  }
0x4a: {  	[tilespmem:s26], [sflag:$0x2] =	stream.indirect.gather [hbm4b:s3+s8], $0x40, s24, s8, $0xb8;
	[tilespmem:$0x1E000] =	vst v63  }
0x4b: {  	s5 =	simm.s32 $0x220;
	s6 =	simm.s32 $0xAE80  }
0x4c: {  	[tilespmem:s6], [sflag:$0x2] =	stream.indirect.gather [hbm4b:s3+s8], $0x40, s5, s8, $0xb8;
	[tilespmem:$0x1E000] =	vst v63  }
0x4d: {  	s16 =	simm.s32 $0x240;
	s24 =	simm.s32 $0xB500  }
0x4e: {  	[tilespmem:s24], [sflag:$0x2] =	stream.indirect.gather [hbm4b:s3+s8], $0x40, s16, s8, $0xb8;
	[tilespmem:$0x1E000] =	vst v63  }
0x4f: {  	s5 =	simm.s32 $0x260;
	s6 =	simm.s32 $0xBB80  }
0x50: {  	[tilespmem:s6], [sflag:$0x2] =	stream.indirect.gather [hbm4b:s3+s8], $0x40, s5, s8, $0xb8;
	[tilespmem:$0x1E000] =	vst v63  }
0x51: {  	s16 =	simm.s32 $0x280;
	s24 =	simm.s32 $0xC200  }
0x52: {  	[tilespmem:s24], [sflag:$0x2] =	stream.indirect.gather [hbm4b:s3+s8], $0x40, s16, s8, $0xb8;
	[tilespmem:$0x1E000] =	vst v63  }
0x53: {  	s5 =	simm.s32 $0x2A0;
	s6 =	simm.s32 $0xC880  }
0x54: {  	[tilespmem:s6], [sflag:$0x2] =	stream.indirect.gather [hbm4b:s3+s8], $0x40, s5, s8, $0xb8;
	[tilespmem:$0x1E000] =	vst v63  }
0x55: {  	s16 =	simm.s32 $0x2C0;
	s24 =	simm.s32 $0xCF00  }
0x56: {  	[tilespmem:s24], [sflag:$0x2] =	stream.indirect.gather [hbm4b:s3+s8], $0x40, s16, s8, $0xb8;
	[tilespmem:$0x1E000] =	vst v63  }
0x57: {  	s5 =	simm.s32 $0x2E0;
	s6 =	simm.s32 $0xD580  }
0x58: {  	[tilespmem:s6], [sflag:$0x2] =	stream.indirect.gather [hbm4b:s3+s8], $0x40, s5, s8, $0xb8;
	[tilespmem:$0x1E000] =	vst v63  }
0x59: {  	s16 =	simm.s32 $0x300;
	s24 =	simm.s32 $0xDC00  }
0x5a: {  	[tilespmem:s24], [sflag:$0x2] =	stream.indirect.gather [hbm4b:s3+s8], $0x40, s16, s8, $0xb8;
	[tilespmem:$0x1E000] =	vst v63  }
0x5b: {  	s5 =	simm.s32 $0x320;
	s6 =	simm.s32 $0xE280  }
0x5c: {  	[tilespmem:s6], [sflag:$0x2] =	stream.indirect.gather [hbm4b:s3+s8], $0x40, s5, s8, $0xb8;
	[tilespmem:$0x1E000] =	vst v63  }
0x5d: {  	s16 =	simm.s32 $0x340;
	s24 =	simm.s32 $0xE900  }
0x5e: {  	[tilespmem:s24], [sflag:$0x2] =	stream.indirect.gather [hbm4b:s3+s8], $0x40, s16, s8, $0xb8;
	[tilespmem:$0x1E000] =	vst v63  }
0x5f: {  	s5 =	simm.s32 $0x360;
	s6 =	simm.s32 $0xEF80  }
0x60: {  	[tilespmem:s6], [sflag:$0x2] =	stream.indirect.gather [hbm4b:s3+s8], $0x40, s5, s8, $0xb8;
	[tilespmem:$0x1E000] =	vst v63  }
0x61: {  	s16 =	simm.s32 $0x380;
	s24 =	simm.s32 $0xF600  }
0x62: {  	[tilespmem:s24], [sflag:$0x2] =	stream.indirect.gather [hbm4b:s3+s8], $0x40, s16, s8, $0xb8;
	[tilespmem:$0x1E000] =	vst v63  }
0x63: {  	s5 =	simm.s32 $0x3A0;
	s6 =	simm.s32 $0xFC80  }
0x64: {  	[tilespmem:s6], [sflag:$0x2] =	stream.indirect.gather [hbm4b:s3+s8], $0x40, s5, s8, $0xb8;
	[tilespmem:$0x1E000] =	vst v63  }
0x65: {  	s16 =	simm.s32 $0x3C0;
	s24 =	simm.s32 $0x10300  }
0x66: {  	[tilespmem:s24], [sflag:$0x2] =	stream.indirect.gather [hbm4b:s3+s8], $0x40, s16, s8, $0xb8;
	[tilespmem:$0x1E000] =	vst v63  }
0x67: {  	s6 =	simm.s32 $0x3E0;
	s16 =	simm.s32 $0x10980  }
0x68: {  	[tilespmem:s16], [sflag:$0x2] =	stream.indirect.gather [hbm4b:s3+s8], $0x40, s6, s8, $0xb8;
	[tilespmem:$0x1E000] =	vst v63  }
0x69: {  	s24 =	simm.s32 $0x400  }
0x6a: {  	[tilespmem:s19], [sflag:$0x3] =	stream.indirect.gather [hbm4b:s3+s8], $0x40, s24, s8, $0xb8;
	[tilespmem:$0x1E000] =	vst v63  }
0x6b: {  	s5 =	simm.s32 $0x420;
	s6 =	simm.s32 $0x11680  }
0x6c: {  	[tilespmem:s6], [sflag:$0x3] =	stream.indirect.gather [hbm4b:s3+s8], $0x40, s5, s8, $0xb8;
	[tilespmem:$0x1E000] =	vst v63  }
0x6d: {  	s16 =	simm.s32 $0x440;
	s24 =	simm.s32 $0x11D00  }
0x6e: {  	[tilespmem:s24], [sflag:$0x3] =	stream.indirect.gather [hbm4b:s3+s8], $0x40, s16, s8, $0xb8;
	[tilespmem:$0x1E000] =	vst v63  }
0x6f: {  	s5 =	simm.s32 $0x460;
	s6 =	simm.s32 $0x12380  }
0x70: {  	[tilespmem:s6], [sflag:$0x3] =	stream.indirect.gather [hbm4b:s3+s8], $0x40, s5, s8, $0xb8;
	[tilespmem:$0x1E000] =	vst v63  }
0x71: {  	s16 =	simm.s32 $0x480;
	s24 =	simm.s32 $0x12A00  }
0x72: {  	[tilespmem:s24], [sflag:$0x3] =	stream.indirect.gather [hbm4b:s3+s8], $0x40, s16, s8, $0xb8;
	[tilespmem:$0x1E000] =	vst v63  }
0x73: {  	s5 =	simm.s32 $0x4A0;
	s6 =	simm.s32 $0x13080  }
0x74: {  	[tilespmem:s6], [sflag:$0x3] =	stream.indirect.gather [hbm4b:s3+s8], $0x40, s5, s8, $0xb8;
	[tilespmem:$0x1E000] =	vst v63  }
0x75: {  	s16 =	simm.s32 $0x4C0;
	s24 =	simm.s32 $0x13700  }
0x76: {  	[tilespmem:s24], [sflag:$0x3] =	stream.indirect.gather [hbm4b:s3+s8], $0x40, s16, s8, $0xb8;
	[tilespmem:$0x1E000] =	vst v63  }
0x77: {  	s5 =	simm.s32 $0x4E0;
	s6 =	simm.s32 $0x13D80  }
0x78: {  	[tilespmem:s6], [sflag:$0x3] =	stream.indirect.gather [hbm4b:s3+s8], $0x40, s5, s8, $0xb8;
	[tilespmem:$0x1E000] =	vst v63  }
0x79: {  	s16 =	simm.s32 $0x500;
	s24 =	simm.s32 $0x14400  }
0x7a: {  	[tilespmem:s24], [sflag:$0x3] =	stream.indirect.gather [hbm4b:s3+s8], $0x40, s16, s8, $0xb8;
	[tilespmem:$0x1E000] =	vst v63  }
0x7b: {  	s5 =	simm.s32 $0x520;
	s6 =	simm.s32 $0x14A80  }
0x7c: {  	[tilespmem:s6], [sflag:$0x3] =	stream.indirect.gather [hbm4b:s3+s8], $0x40, s5, s8, $0xb8;
	[tilespmem:$0x1E000] =	vst v63  }
0x7d: {  	s16 =	simm.s32 $0x540;
	s24 =	simm.s32 $0x15100  }
0x7e: {  	[tilespmem:s24], [sflag:$0x3] =	stream.indirect.gather [hbm4b:s3+s8], $0x40, s16, s8, $0xb8;
	[tilespmem:$0x1E000] =	vst v63  }
0x7f: {  	s5 =	simm.s32 $0x560;
	s6 =	simm.s32 $0x15780  }
0x80: {  	[tilespmem:s6], [sflag:$0x3] =	stream.indirect.gather [hbm4b:s3+s8], $0x40, s5, s8, $0xb8;
	[tilespmem:$0x1E000] =	vst v63  }
0x81: {  	s16 =	simm.s32 $0x580;
	s24 =	simm.s32 $0x15E00  }
0x82: {  	[tilespmem:s24], [sflag:$0x3] =	stream.indirect.gather [hbm4b:s3+s8], $0x40, s16, s8, $0xb8;
	[tilespmem:$0x1E000] =	vst v63  }
0x83: {  	s5 =	simm.s32 $0x5A0;
	s6 =	simm.s32 $0x16480  }
0x84: {  	[tilespmem:s6], [sflag:$0x3] =	stream.indirect.gather [hbm4b:s3+s8], $0x40, s5, s8, $0xb8;
	[tilespmem:$0x1E000] =	vst v63  }
0x85: {  	s16 =	simm.s32 $0x5C0;
	s24 =	simm.s32 $0x16B00  }
0x86: {  	[tilespmem:s24], [sflag:$0x3] =	stream.indirect.gather [hbm4b:s3+s8], $0x40, s16, s8, $0xb8;
	[tilespmem:$0x1E000] =	vst v63  }
0x87: {  	s6 =	simm.s32 $0x5E0;
	s16 =	simm.s32 $0x17180  }
0x88: {  	[tilespmem:s16], [sflag:$0x3] =	stream.indirect.gather [hbm4b:s3+s8], $0x40, s6, s8, $0xb8;
	[tilespmem:$0x1E000] =	vst v63  }
0x89: {  	s24 =	simm.s32 $0x600  }
0x8a: {  	[tilespmem:s1], [sflag:$0x4] =	stream.indirect.gather [hbm4b:s3+s8], $0x40, s24, s8, $0xb8;
	[tilespmem:$0x1E000] =	vst v63  }
0x8b: {  	s5 =	simm.s32 $0x620;
	s6 =	simm.s32 $0x17E80  }
0x8c: {  	[tilespmem:s6], [sflag:$0x4] =	stream.indirect.gather [hbm4b:s3+s8], $0x40, s5, s8, $0xb8;
	[tilespmem:$0x1E000] =	vst v63  }
0x8d: {  	s16 =	simm.s32 $0x640;
	s24 =	simm.s32 $0x18500  }
0x8e: {  	[tilespmem:s24], [sflag:$0x4] =	stream.indirect.gather [hbm4b:s3+s8], $0x40, s16, s8, $0xb8;
	[tilespmem:$0x1E000] =	vst v63  }
0x8f: {  	s5 =	simm.s32 $0x660;
	s6 =	simm.s32 $0x18B80  }
0x90: {  	[tilespmem:s6], [sflag:$0x4] =	stream.indirect.gather [hbm4b:s3+s8], $0x40, s5, s8, $0xb8;
	[tilespmem:$0x1E000] =	vst v63  }
0x91: {  	s16 =	simm.s32 $0x680;
	s24 =	simm.s32 $0x19200  }
0x92: {  	[tilespmem:s24], [sflag:$0x4] =	stream.indirect.gather [hbm4b:s3+s8], $0x40, s16, s8, $0xb8;
	[tilespmem:$0x1E000] =	vst v63  }
0x93: {  	s6 =	simm.s32 $0x6A0  }
0x94: {  	[tilespmem:s7], [sflag:$0x4] =	stream.indirect.gather [hbm4b:s3+s8], $0x40, s6, s8, $0xb8;
	[tilespmem:$0x1E000] =	vst v63  }
0x95: {  	s16 =	simm.s32 $0x6C0  }
0x96: {  	[tilespmem:s11], [sflag:$0x4] =	stream.indirect.gather [hbm4b:s3+s8], $0x40, s16, s8, $0xb8;
	[tilespmem:$0x1E000] =	vst v63  }
0x97: {  	s24 =	simm.s32 $0x6E0  }
0x98: {  	[tilespmem:s13], [sflag:$0x4] =	stream.indirect.gather [hbm4b:s3+s8], $0x40, s24, s8, $0xb8;
	[tilespmem:$0x1E000] =	vst v63  }
0x99: {  	s5 =	simm.s32 $0x700  }
0x9a: {  	[tilespmem:s15], [sflag:$0x4] =	stream.indirect.gather [hbm4b:s3+s8], $0x40, s5, s8, $0xb8;
	[tilespmem:$0x1E000] =	vst v63  }
0x9b: {  	s6 =	simm.s32 $0x720  }
0x9c: {  	[tilespmem:s17], [sflag:$0x4] =	stream.indirect.gather [hbm4b:s3+s8], $0x40, s6, s8, $0xb8;
	[tilespmem:$0x1E000] =	vst v63  }
0x9d: {  	s16 =	simm.s32 $0x740  }
0x9e: {  	[tilespmem:s21], [sflag:$0x4] =	stream.indirect.gather [hbm4b:s3+s8], $0x40, s16, s8, $0xb8;
	[tilespmem:$0x1E000] =	vst v63  }
0x9f: {  	s24 =	simm.s32 $0x760  }
0xa0: {  	[tilespmem:s23], [sflag:$0x4] =	stream.indirect.gather [hbm4b:s3+s8], $0x40, s24, s8, $0xb8;
	[tilespmem:$0x1E000] =	vst v63  }
0xa1: {  	s5 =	simm.s32 $0x780  }
0xa2: {  	[tilespmem:s25], [sflag:$0x4] =	stream.indirect.gather [hbm4b:s3+s8], $0x40, s5, s8, $0xb8;
	[tilespmem:$0x1E000] =	vst v63  }
0xa3: {  	s6 =	simm.s32 $0x7A0  }
0xa4: {  	[tilespmem:s28], [sflag:$0x4] =	stream.indirect.gather [hbm4b:s3+s8], $0x40, s6, s8, $0xb8;
	[tilespmem:$0x1E000] =	vst v63  }
0xa5: {  	s16 =	simm.s32 $0x7C0  }
0xa6: {  	[tilespmem:s30], [sflag:$0x4] =	stream.indirect.gather [hbm4b:s3+s8], $0x40, s16, s8, $0xb8;
	[tilespmem:$0x1E000] =	vst v63  }
0xa7: {  	s24 =	simm.s32 $0x7E0  }
0xa8: {  	[tilespmem:s0], [sflag:$0x4] =	stream.indirect.gather [hbm4b:s3+s8], $0x40, s24, s8, $0xb8;
	[tilespmem:$0x1E000] =	vst v63  }
0xa9: {  	s16 =	rddreg [dreg:$0x5];
	s24 =	simm.s32 $0x0  }
.LBB2_2:
0xaa: {  	_ =	swait.ge [sflag:s10], $0x680  }
0xab: {  	[sflag:s10] =	ssyncset.done $0x0  }
0xac: {  	[sflag:s10] =	ssyncadd.s32 $0xFFFFF980  }
0xad: {  	_ =	swait.ge [sflag:s10], $0x680  }
0xae: {  	[sflag:s10] =	ssyncset.done $0x0  }
0xaf: {  	[sflag:s10] =	ssyncadd.s32 $0xFFFFF980  }
0xb0: {  	_ =	swait.ge [sflag:s10], $0x680  }
0xb1: {  	[sflag:s10] =	ssyncset.done $0x0  }
0xb2: {  	[sflag:s10] =	ssyncadd.s32 $0xFFFFF980  }
0xb3: {  	_ =	swait.ge [sflag:s10], $0x680  }
0xb4: {  	[sflag:s10] =	ssyncset.done $0x0  }
0xb5: {  	[sflag:s10] =	ssyncadd.s32 $0xFFFFF980  }
0xb6: {  	_ =	swait.ge [sflag:s10], $0x680  }
0xb7: {  	[sflag:s10] =	ssyncset.done $0x0  }
0xb8: {  	[sflag:s10] =	ssyncadd.s32 $0xFFFFF980  }
0xb9: {  	_ =	swait.ge [sflag:s10], $0x680  }
0xba: {  	[sflag:s10] =	ssyncset.done $0x0  }
0xbb: {  	[sflag:s10] =	ssyncadd.s32 $0xFFFFF980  }
0xbc: {  	_ =	swait.ge [sflag:s10], $0x680  }
0xbd: {  	[sflag:s10] =	ssyncset.done $0x0  }
0xbe: {  	[sflag:s10] =	ssyncadd.s32 $0xFFFFF980  }
0xbf: {  	_ =	swait.ge [sflag:s10], $0x680  }
0xc0: {  	[sflag:s10] =	ssyncset.done $0x0  }
0xc1: {  	[sflag:s10] =	ssyncadd.s32 $0xFFFFF980  }
0xc2: {  	_ =	swait.ge [sflag:s10], $0x680  }
0xc3: {  	[sflag:s10] =	ssyncset.done $0x0  }
0xc4: {  	[sflag:s10] =	ssyncadd.s32 $0xFFFFF980  }
0xc5: {  	_ =	swait.ge [sflag:s10], $0x680  }
0xc6: {  	[sflag:s10] =	ssyncset.done $0x0  }
0xc7: {  	[sflag:s10] =	ssyncadd.s32 $0xFFFFF980  }
0xc8: {  	_ =	swait.ge [sflag:s10], $0x680  }
0xc9: {  	[sflag:s10] =	ssyncset.done $0x0  }
0xca: {  	[sflag:s10] =	ssyncadd.s32 $0xFFFFF980  }
0xcb: {  	_ =	swait.ge [sflag:s10], $0x680  }
0xcc: {  	[sflag:s10] =	ssyncset.done $0x0  }
0xcd: {  	[sflag:s10] =	ssyncadd.s32 $0xFFFFF980  }
0xce: {  	_ =	swait.ge [sflag:s10], $0x680  }
0xcf: {  	[sflag:s10] =	ssyncset.done $0x0  }
0xd0: {  	[sflag:s10] =	ssyncadd.s32 $0xFFFFF980  }
0xd1: {  	_ =	swait.ge [sflag:s10], $0x680  }
0xd2: {  	[sflag:s10] =	ssyncset.done $0x0  }
0xd3: {  	[sflag:s10] =	ssyncadd.s32 $0xFFFFF980  }
0xd4: {  	_ =	swait.ge [sflag:s10], $0x680  }
0xd5: {  	[sflag:s10] =	ssyncset.done $0x0  }
0xd6: {  	[sflag:s10] =	ssyncadd.s32 $0xFFFFF980  }
0xd7: {  	_ =	swait.ge [sflag:s10], $0x680  }
0xd8: {  	[sflag:s10] =	ssyncset.done $0x0  }
0xd9: {  	[sflag:s10] =	ssyncadd.s32 $0xFFFFF980  }
0xda: {  	[hbm4b:s16+s2] =	stream.linear.scatter [tilespmem:s9], [sflag:$0x5], $0x6800, $0x38;
	[tilespmem:$0x1E000] =	vst v63  }
0xdb: {  	_ =	swait.ge [sflag:s14], $0x680  }
0xdc: {  	[sflag:s14] =	ssyncset.done $0x0  }
0xdd: {  	[sflag:s14] =	ssyncadd.s32 $0xFFFFF980  }
0xde: {  	_ =	swait.ge [sflag:s14], $0x680  }
0xdf: {  	[sflag:s14] =	ssyncset.done $0x0  }
0xe0: {  	[sflag:s14] =	ssyncadd.s32 $0xFFFFF980  }
0xe1: {  	_ =	swait.ge [sflag:s14], $0x680  }
0xe2: {  	[sflag:s14] =	ssyncset.done $0x0  }
0xe3: {  	[sflag:s14] =	ssyncadd.s32 $0xFFFFF980  }
0xe4: {  	_ =	swait.ge [sflag:s14], $0x680  }
0xe5: {  	[sflag:s14] =	ssyncset.done $0x0  }
0xe6: {  	[sflag:s14] =	ssyncadd.s32 $0xFFFFF980  }
0xe7: {  	_ =	swait.ge [sflag:s14], $0x680  }
0xe8: {  	[sflag:s14] =	ssyncset.done $0x0  }
0xe9: {  	[sflag:s14] =	ssyncadd.s32 $0xFFFFF980  }
0xea: {  	_ =	swait.ge [sflag:s14], $0x680  }
0xeb: {  	[sflag:s14] =	ssyncset.done $0x0  }
0xec: {  	[sflag:s14] =	ssyncadd.s32 $0xFFFFF980  }
0xed: {  	_ =	swait.ge [sflag:s14], $0x680  }
0xee: {  	[sflag:s14] =	ssyncset.done $0x0  }
0xef: {  	[sflag:s14] =	ssyncadd.s32 $0xFFFFF980  }
0xf0: {  	_ =	swait.ge [sflag:s14], $0x680  }
0xf1: {  	[sflag:s14] =	ssyncset.done $0x0  }
0xf2: {  	[sflag:s14] =	ssyncadd.s32 $0xFFFFF980  }
0xf3: {  	_ =	swait.ge [sflag:s14], $0x680  }
0xf4: {  	[sflag:s14] =	ssyncset.done $0x0  }
0xf5: {  	[sflag:s14] =	ssyncadd.s32 $0xFFFFF980  }
0xf6: {  	_ =	swait.ge [sflag:s14], $0x680  }
0xf7: {  	[sflag:s14] =	ssyncset.done $0x0  }
0xf8: {  	[sflag:s14] =	ssyncadd.s32 $0xFFFFF980  }
0xf9: {  	_ =	swait.ge [sflag:s14], $0x680  }
0xfa: {  	[sflag:s14] =	ssyncset.done $0x0  }
0xfb: {  	[sflag:s14] =	ssyncadd.s32 $0xFFFFF980  }
0xfc: {  	_ =	swait.ge [sflag:s14], $0x680  }
0xfd: {  	[sflag:s14] =	ssyncset.done $0x0  }
0xfe: {  	[sflag:s14] =	ssyncadd.s32 $0xFFFFF980  }
0xff: {  	_ =	swait.ge [sflag:s14], $0x680  }
0x100: {  	[sflag:s14] =	ssyncset.done $0x0  }
0x101: {  	[sflag:s14] =	ssyncadd.s32 $0xFFFFF980  }
0x102: {  	_ =	swait.ge [sflag:s14], $0x680  }
0x103: {  	[sflag:s14] =	ssyncset.done $0x0  }
0x104: {  	[sflag:s14] =	ssyncadd.s32 $0xFFFFF980  }
0x105: {  	_ =	swait.ge [sflag:s14], $0x680  }
0x106: {  	[sflag:s14] =	ssyncset.done $0x0  }
0x107: {  	[sflag:s14] =	ssyncadd.s32 $0xFFFFF980  }
0x108: {  	_ =	swait.ge [sflag:s14], $0x680  }
0x109: {  	[sflag:s14] =	ssyncset.done $0x0  }
0x10a: {  	s4 =	sadd.s32 $0xD00, s16;
	[sflag:s14] =	ssyncadd.s32 $0xFFFFF980  }
0x10b: {  	[hbm4b:s4+s2] =	stream.linear.scatter [tilespmem:s26], [sflag:$0x6], $0x6800, $0x38;
	[tilespmem:$0x1E000] =	vst v63  }
0x10c: {  	_ =	swait.ge [sflag:s18], $0x680  }
0x10d: {  	[sflag:s18] =	ssyncset.done $0x0  }
0x10e: {  	[sflag:s18] =	ssyncadd.s32 $0xFFFFF980  }
0x10f: {  	_ =	swait.ge [sflag:s18], $0x680  }
0x110: {  	[sflag:s18] =	ssyncset.done $0x0  }
0x111: {  	[sflag:s18] =	ssyncadd.s32 $0xFFFFF980  }
0x112: {  	_ =	swait.ge [sflag:s18], $0x680  }
0x113: {  	[sflag:s18] =	ssyncset.done $0x0  }
0x114: {  	[sflag:s18] =	ssyncadd.s32 $0xFFFFF980  }
0x115: {  	_ =	swait.ge [sflag:s18], $0x680  }
0x116: {  	[sflag:s18] =	ssyncset.done $0x0  }
0x117: {  	[sflag:s18] =	ssyncadd.s32 $0xFFFFF980  }
0x118: {  	_ =	swait.ge [sflag:s18], $0x680  }
0x119: {  	[sflag:s18] =	ssyncset.done $0x0  }
0x11a: {  	[sflag:s18] =	ssyncadd.s32 $0xFFFFF980  }
0x11b: {  	_ =	swait.ge [sflag:s18], $0x680  }
0x11c: {  	[sflag:s18] =	ssyncset.done $0x0  }
0x11d: {  	[sflag:s18] =	ssyncadd.s32 $0xFFFFF980  }
0x11e: {  	_ =	swait.ge [sflag:s18], $0x680  }
0x11f: {  	[sflag:s18] =	ssyncset.done $0x0  }
0x120: {  	[sflag:s18] =	ssyncadd.s32 $0xFFFFF980  }
0x121: {  	_ =	swait.ge [sflag:s18], $0x680  }
0x122: {  	[sflag:s18] =	ssyncset.done $0x0  }
0x123: {  	[sflag:s18] =	ssyncadd.s32 $0xFFFFF980  }
0x124: {  	_ =	swait.ge [sflag:s18], $0x680  }
0x125: {  	[sflag:s18] =	ssyncset.done $0x0  }
0x126: {  	[sflag:s18] =	ssyncadd.s32 $0xFFFFF980  }
0x127: {  	_ =	swait.ge [sflag:s18], $0x680  }
0x128: {  	[sflag:s18] =	ssyncset.done $0x0  }
0x129: {  	[sflag:s18] =	ssyncadd.s32 $0xFFFFF980  }
0x12a: {  	_ =	swait.ge [sflag:s18], $0x680  }
0x12b: {  	[sflag:s18] =	ssyncset.done $0x0  }
0x12c: {  	[sflag:s18] =	ssyncadd.s32 $0xFFFFF980  }
0x12d: {  	_ =	swait.ge [sflag:s18], $0x680  }
0x12e: {  	[sflag:s18] =	ssyncset.done $0x0  }
0x12f: {  	[sflag:s18] =	ssyncadd.s32 $0xFFFFF980  }
0x130: {  	_ =	swait.ge [sflag:s18], $0x680  }
0x131: {  	[sflag:s18] =	ssyncset.done $0x0  }
0x132: {  	[sflag:s18] =	ssyncadd.s32 $0xFFFFF980  }
0x133: {  	_ =	swait.ge [sflag:s18], $0x680  }
0x134: {  	[sflag:s18] =	ssyncset.done $0x0  }
0x135: {  	[sflag:s18] =	ssyncadd.s32 $0xFFFFF980  }
0x136: {  	_ =	swait.ge [sflag:s18], $0x680  }
0x137: {  	[sflag:s18] =	ssyncset.done $0x0  }
0x138: {  	[sflag:s18] =	ssyncadd.s32 $0xFFFFF980  }
0x139: {  	_ =	swait.ge [sflag:s18], $0x680  }
0x13a: {  	[sflag:s18] =	ssyncset.done $0x0  }
0x13b: {  	s5 =	sadd.s32 $0x1A00, s16;
	[sflag:s18] =	ssyncadd.s32 $0xFFFFF980  }
0x13c: {  	[hbm4b:s5+s2] =	stream.linear.scatter [tilespmem:s19], [sflag:$0x7], $0x6800, $0x38;
	[tilespmem:$0x1E000] =	vst v63  }
0x13d: {  	_ =	swait.ge [sflag:s22], $0x680  }
0x13e: {  	[sflag:s22] =	ssyncset.done $0x0  }
0x13f: {  	[sflag:s22] =	ssyncadd.s32 $0xFFFFF980  }
0x140: {  	_ =	swait.ge [sflag:s22], $0x680  }
0x141: {  	[sflag:s22] =	ssyncset.done $0x0  }
0x142: {  	[sflag:s22] =	ssyncadd.s32 $0xFFFFF980  }
0x143: {  	_ =	swait.ge [sflag:s22], $0x680  }
0x144: {  	[sflag:s22] =	ssyncset.done $0x0  }
0x145: {  	[sflag:s22] =	ssyncadd.s32 $0xFFFFF980  }
0x146: {  	_ =	swait.ge [sflag:s22], $0x680  }
0x147: {  	[sflag:s22] =	ssyncset.done $0x0  }
0x148: {  	[sflag:s22] =	ssyncadd.s32 $0xFFFFF980  }
0x149: {  	_ =	swait.ge [sflag:s22], $0x680  }
0x14a: {  	[sflag:s22] =	ssyncset.done $0x0  }
0x14b: {  	[sflag:s22] =	ssyncadd.s32 $0xFFFFF980  }
0x14c: {  	_ =	swait.ge [sflag:s22], $0x680  }
0x14d: {  	[sflag:s22] =	ssyncset.done $0x0  }
0x14e: {  	[sflag:s22] =	ssyncadd.s32 $0xFFFFF980  }
0x14f: {  	_ =	swait.ge [sflag:s22], $0x680  }
0x150: {  	[sflag:s22] =	ssyncset.done $0x0  }
0x151: {  	[sflag:s22] =	ssyncadd.s32 $0xFFFFF980  }
0x152: {  	_ =	swait.ge [sflag:s22], $0x680  }
0x153: {  	[sflag:s22] =	ssyncset.done $0x0  }
0x154: {  	[sflag:s22] =	ssyncadd.s32 $0xFFFFF980  }
0x155: {  	_ =	swait.ge [sflag:s22], $0x680  }
0x156: {  	[sflag:s22] =	ssyncset.done $0x0  }
0x157: {  	[sflag:s22] =	ssyncadd.s32 $0xFFFFF980  }
0x158: {  	_ =	swait.ge [sflag:s22], $0x680  }
0x159: {  	[sflag:s22] =	ssyncset.done $0x0  }
0x15a: {  	[sflag:s22] =	ssyncadd.s32 $0xFFFFF980  }
0x15b: {  	_ =	swait.ge [sflag:s22], $0x680  }
0x15c: {  	[sflag:s22] =	ssyncset.done $0x0  }
0x15d: {  	[sflag:s22] =	ssyncadd.s32 $0xFFFFF980  }
0x15e: {  	_ =	swait.ge [sflag:s22], $0x680  }
0x15f: {  	[sflag:s22] =	ssyncset.done $0x0  }
0x160: {  	[sflag:s22] =	ssyncadd.s32 $0xFFFFF980  }
0x161: {  	_ =	swait.ge [sflag:s22], $0x680  }
0x162: {  	[sflag:s22] =	ssyncset.done $0x0  }
0x163: {  	[sflag:s22] =	ssyncadd.s32 $0xFFFFF980  }
0x164: {  	_ =	swait.ge [sflag:s22], $0x680  }
0x165: {  	[sflag:s22] =	ssyncset.done $0x0  }
0x166: {  	[sflag:s22] =	ssyncadd.s32 $0xFFFFF980  }
0x167: {  	_ =	swait.ge [sflag:s22], $0x680  }
0x168: {  	p0 =	seq.s32 s24, $0xE000;
	[sflag:s22] =	ssyncset.done $0x0  }
.Ltmp2:
0x169: {  	[sflag:s22] =	ssyncadd.s32 $0xFFFFF980;
	(pc) =	sbr.rel @p0 .LBB2_4-.Ltmp2, $4  }
0x16a: {  	_ =	swait.ge [sflag:s22], $0x680  }
0x16b: {  	[sflag:s22] =	ssyncset.done $0x0  }
0x16c: {  	s6 =	sadd.s32 $0x2700, s16;
	[sflag:s22] =	ssyncadd.s32 $0xFFFFF980  }
0x16d: {  	[hbm4b:s6+s2] =	stream.linear.scatter [tilespmem:s1], [sflag:$0x8], $0x6800, $0x38;
	[tilespmem:$0x1E000] =	vst v63  }
0x16e: {  	_ =	swait.ge [sflag:s31], $0x6800  }
0x16f: {  	s4 =	sshra.s32 s24, $0x2;
	[sflag:s31] =	ssyncset.done $0x0  }
0x170: {  	s5 =	sadd.s32 $0x800, s4;
	[sflag:s31] =	ssyncadd.s32 $0xFFFF9800  }
0x171: {  	[tilespmem:s9], [sflag:$0x1] =	stream.indirect.gather [hbm4b:s3+s8], $0x40, s5, s8, $0xb8;
	[tilespmem:$0x1E000] =	vst v63  }
0x172: {  	s6 =	simm.s32 $0x4680;
	s5 =	sadd.s32 $0x820, s4  }
0x173: {  	[tilespmem:s6], [sflag:$0x1] =	stream.indirect.gather [hbm4b:s3+s8], $0x40, s5, s8, $0xb8;
	[tilespmem:$0x1E000] =	vst v63  }
0x174: {  	s5 =	sadd.s32 $0x840, s4;
	s6 =	simm.s32 $0x4D00  }
0x175: {  	[tilespmem:s6], [sflag:$0x1] =	stream.indirect.gather [hbm4b:s3+s8], $0x40, s5, s8, $0xb8;
	[tilespmem:$0x1E000] =	vst v63  }
0x176: {  	s5 =	sadd.s32 $0x860, s4;
	s6 =	simm.s32 $0x5380  }
0x177: {  	[tilespmem:s6], [sflag:$0x1] =	stream.indirect.gather [hbm4b:s3+s8], $0x40, s5, s8, $0xb8;
	[tilespmem:$0x1E000] =	vst v63  }
0x178: {  	s5 =	sadd.s32 $0x880, s4;
	s6 =	simm.s32 $0x5A00  }
0x179: {  	[tilespmem:s6], [sflag:$0x1] =	stream.indirect.gather [hbm4b:s3+s8], $0x40, s5, s8, $0xb8;
	[tilespmem:$0x1E000] =	vst v63  }
0x17a: {  	s5 =	sadd.s32 $0x8A0, s4;
	s6 =	simm.s32 $0x6080  }
0x17b: {  	[tilespmem:s6], [sflag:$0x1] =	stream.indirect.gather [hbm4b:s3+s8], $0x40, s5, s8, $0xb8;
	[tilespmem:$0x1E000] =	vst v63  }
0x17c: {  	s5 =	sadd.s32 $0x8C0, s4;
	s6 =	simm.s32 $0x6700  }
0x17d: {  	[tilespmem:s6], [sflag:$0x1] =	stream.indirect.gather [hbm4b:s3+s8], $0x40, s5, s8, $0xb8;
	[tilespmem:$0x1E000] =	vst v63  }
0x17e: {  	s5 =	sadd.s32 $0x8E0, s4;
	s6 =	simm.s32 $0x6D80  }
0x17f: {  	[tilespmem:s6], [sflag:$0x1] =	stream.indirect.gather [hbm4b:s3+s8], $0x40, s5, s8, $0xb8;
	[tilespmem:$0x1E000] =	vst v63  }
0x180: {  	s5 =	sadd.s32 $0x900, s4;
	s6 =	simm.s32 $0x7400  }
0x181: {  	[tilespmem:s6], [sflag:$0x1] =	stream.indirect.gather [hbm4b:s3+s8], $0x40, s5, s8, $0xb8;
	[tilespmem:$0x1E000] =	vst v63  }
0x182: {  	s5 =	sadd.s32 $0x920, s4;
	s6 =	simm.s32 $0x7A80  }
0x183: {  	[tilespmem:s6], [sflag:$0x1] =	stream.indirect.gather [hbm4b:s3+s8], $0x40, s5, s8, $0xb8;
	[tilespmem:$0x1E000] =	vst v63  }
0x184: {  	s5 =	sadd.s32 $0x940, s4;
	s6 =	simm.s32 $0x8100  }
0x185: {  	[tilespmem:s6], [sflag:$0x1] =	stream.indirect.gather [hbm4b:s3+s8], $0x40, s5, s8, $0xb8;
	[tilespmem:$0x1E000] =	vst v63  }
0x186: {  	s5 =	sadd.s32 $0x960, s4;
	s6 =	simm.s32 $0x8780  }
0x187: {  	[tilespmem:s6], [sflag:$0x1] =	stream.indirect.gather [hbm4b:s3+s8], $0x40, s5, s8, $0xb8;
	[tilespmem:$0x1E000] =	vst v63  }
0x188: {  	s5 =	sadd.s32 $0x980, s4;
	s6 =	simm.s32 $0x8E00  }
0x189: {  	[tilespmem:s6], [sflag:$0x1] =	stream.indirect.gather [hbm4b:s3+s8], $0x40, s5, s8, $0xb8;
	[tilespmem:$0x1E000] =	vst v63  }
0x18a: {  	s5 =	sadd.s32 $0x9A0, s4;
	s6 =	simm.s32 $0x9480  }
0x18b: {  	[tilespmem:s6], [sflag:$0x1] =	stream.indirect.gather [hbm4b:s3+s8], $0x40, s5, s8, $0xb8;
	[tilespmem:$0x1E000] =	vst v63  }
0x18c: {  	s5 =	sadd.s32 $0x9C0, s4;
	s6 =	simm.s32 $0x9B00  }
0x18d: {  	[tilespmem:s6], [sflag:$0x1] =	stream.indirect.gather [hbm4b:s3+s8], $0x40, s5, s8, $0xb8;
	[tilespmem:$0x1E000] =	vst v63  }
0x18e: {  	s5 =	sadd.s32 $0x9E0, s4;
	s6 =	simm.s32 $0xA180  }
0x18f: {  	[tilespmem:s6], [sflag:$0x1] =	stream.indirect.gather [hbm4b:s3+s8], $0x40, s5, s8, $0xb8;
	[tilespmem:$0x1E000] =	vst v63  }
0x190: {  	_ =	swait.ge [sflag:s12], $0x6800  }
0x191: {  	[sflag:s12] =	ssyncset.done $0x0  }
0x192: {  	s6 =	sadd.s32 $0xA00, s4;
	[sflag:s12] =	ssyncadd.s32 $0xFFFF9800  }
0x193: {  	[tilespmem:s26], [sflag:$0x2] =	stream.indirect.gather [hbm4b:s3+s8], $0x40, s6, s8, $0xb8;
	[tilespmem:$0x1E000] =	vst v63  }
0x194: {  	s5 =	sadd.s32 $0xA20, s4;
	s6 =	simm.s32 $0xAE80  }
0x195: {  	[tilespmem:s6], [sflag:$0x2] =	stream.indirect.gather [hbm4b:s3+s8], $0x40, s5, s8, $0xb8;
	[tilespmem:$0x1E000] =	vst v63  }
0x196: {  	s5 =	sadd.s32 $0xA40, s4;
	s6 =	simm.s32 $0xB500  }
0x197: {  	[tilespmem:s6], [sflag:$0x2] =	stream.indirect.gather [hbm4b:s3+s8], $0x40, s5, s8, $0xb8;
	[tilespmem:$0x1E000] =	vst v63  }
0x198: {  	s5 =	sadd.s32 $0xA60, s4;
	s6 =	simm.s32 $0xBB80  }
0x199: {  	[tilespmem:s6], [sflag:$0x2] =	stream.indirect.gather [hbm4b:s3+s8], $0x40, s5, s8, $0xb8;
	[tilespmem:$0x1E000] =	vst v63  }
0x19a: {  	s5 =	sadd.s32 $0xA80, s4;
	s6 =	simm.s32 $0xC200  }
0x19b: {  	[tilespmem:s6], [sflag:$0x2] =	stream.indirect.gather [hbm4b:s3+s8], $0x40, s5, s8, $0xb8;
	[tilespmem:$0x1E000] =	vst v63  }
0x19c: {  	s5 =	sadd.s32 $0xAA0, s4;
	s6 =	simm.s32 $0xC880  }
0x19d: {  	[tilespmem:s6], [sflag:$0x2] =	stream.indirect.gather [hbm4b:s3+s8], $0x40, s5, s8, $0xb8;
	[tilespmem:$0x1E000] =	vst v63  }
0x19e: {  	s5 =	sadd.s32 $0xAC0, s4;
	s6 =	simm.s32 $0xCF00  }
0x19f: {  	[tilespmem:s6], [sflag:$0x2] =	stream.indirect.gather [hbm4b:s3+s8], $0x40, s5, s8, $0xb8;
	[tilespmem:$0x1E000] =	vst v63  }
0x1a0: {  	s5 =	sadd.s32 $0xAE0, s4;
	s6 =	simm.s32 $0xD580  }
0x1a1: {  	[tilespmem:s6], [sflag:$0x2] =	stream.indirect.gather [hbm4b:s3+s8], $0x40, s5, s8, $0xb8;
	[tilespmem:$0x1E000] =	vst v63  }
0x1a2: {  	s5 =	sadd.s32 $0xB00, s4;
	s6 =	simm.s32 $0xDC00  }
0x1a3: {  	[tilespmem:s6], [sflag:$0x2] =	stream.indirect.gather [hbm4b:s3+s8], $0x40, s5, s8, $0xb8;
	[tilespmem:$0x1E000] =	vst v63  }
0x1a4: {  	s5 =	sadd.s32 $0xB20, s4;
	s6 =	simm.s32 $0xE280  }
0x1a5: {  	[tilespmem:s6], [sflag:$0x2] =	stream.indirect.gather [hbm4b:s3+s8], $0x40, s5, s8, $0xb8;
	[tilespmem:$0x1E000] =	vst v63  }
0x1a6: {  	s5 =	sadd.s32 $0xB40, s4;
	s6 =	simm.s32 $0xE900  }
0x1a7: {  	[tilespmem:s6], [sflag:$0x2] =	stream.indirect.gather [hbm4b:s3+s8], $0x40, s5, s8, $0xb8;
	[tilespmem:$0x1E000] =	vst v63  }
0x1a8: {  	s5 =	sadd.s32 $0xB60, s4;
	s6 =	simm.s32 $0xEF80  }
0x1a9: {  	[tilespmem:s6], [sflag:$0x2] =	stream.indirect.gather [hbm4b:s3+s8], $0x40, s5, s8, $0xb8;
	[tilespmem:$0x1E000] =	vst v63  }
0x1aa: {  	s5 =	sadd.s32 $0xB80, s4;
	s6 =	simm.s32 $0xF600  }
0x1ab: {  	[tilespmem:s6], [sflag:$0x2] =	stream.indirect.gather [hbm4b:s3+s8], $0x40, s5, s8, $0xb8;
	[tilespmem:$0x1E000] =	vst v63  }
0x1ac: {  	s5 =	sadd.s32 $0xBA0, s4;
	s6 =	simm.s32 $0xFC80  }
0x1ad: {  	[tilespmem:s6], [sflag:$0x2] =	stream.indirect.gather [hbm4b:s3+s8], $0x40, s5, s8, $0xb8;
	[tilespmem:$0x1E000] =	vst v63  }
0x1ae: {  	s5 =	sadd.s32 $0xBC0, s4;
	s6 =	simm.s32 $0x10300  }
0x1af: {  	[tilespmem:s6], [sflag:$0x2] =	stream.indirect.gather [hbm4b:s3+s8], $0x40, s5, s8, $0xb8;
	[tilespmem:$0x1E000] =	vst v63  }
0x1b0: {  	s5 =	sadd.s32 $0xBE0, s4;
	s6 =	simm.s32 $0x10980  }
0x1b1: {  	[tilespmem:s6], [sflag:$0x2] =	stream.indirect.gather [hbm4b:s3+s8], $0x40, s5, s8, $0xb8;
	[tilespmem:$0x1E000] =	vst v63  }
0x1b2: {  	_ =	swait.ge [sflag:s20], $0x6800  }
0x1b3: {  	[sflag:s20] =	ssyncset.done $0x0  }
0x1b4: {  	s6 =	sadd.s32 $0xC00, s4;
	[sflag:s20] =	ssyncadd.s32 $0xFFFF9800  }
0x1b5: {  	[tilespmem:s19], [sflag:$0x3] =	stream.indirect.gather [hbm4b:s3+s8], $0x40, s6, s8, $0xb8;
	[tilespmem:$0x1E000] =	vst v63  }
0x1b6: {  	s5 =	sadd.s32 $0xC20, s4;
	s6 =	simm.s32 $0x11680  }
0x1b7: {  	[tilespmem:s6], [sflag:$0x3] =	stream.indirect.gather [hbm4b:s3+s8], $0x40, s5, s8, $0xb8;
	[tilespmem:$0x1E000] =	vst v63  }
0x1b8: {  	s5 =	sadd.s32 $0xC40, s4;
	s6 =	simm.s32 $0x11D00  }
0x1b9: {  	[tilespmem:s6], [sflag:$0x3] =	stream.indirect.gather [hbm4b:s3+s8], $0x40, s5, s8, $0xb8;
	[tilespmem:$0x1E000] =	vst v63  }
0x1ba: {  	s5 =	sadd.s32 $0xC60, s4;
	s6 =	simm.s32 $0x12380  }
0x1bb: {  	[tilespmem:s6], [sflag:$0x3] =	stream.indirect.gather [hbm4b:s3+s8], $0x40, s5, s8, $0xb8;
	[tilespmem:$0x1E000] =	vst v63  }
0x1bc: {  	s5 =	sadd.s32 $0xC80, s4;
	s6 =	simm.s32 $0x12A00  }
0x1bd: {  	[tilespmem:s6], [sflag:$0x3] =	stream.indirect.gather [hbm4b:s3+s8], $0x40, s5, s8, $0xb8;
	[tilespmem:$0x1E000] =	vst v63  }
0x1be: {  	s5 =	sadd.s32 $0xCA0, s4;
	s6 =	simm.s32 $0x13080  }
0x1bf: {  	[tilespmem:s6], [sflag:$0x3] =	stream.indirect.gather [hbm4b:s3+s8], $0x40, s5, s8, $0xb8;
	[tilespmem:$0x1E000] =	vst v63  }
0x1c0: {  	s5 =	sadd.s32 $0xCC0, s4;
	s6 =	simm.s32 $0x13700  }
0x1c1: {  	[tilespmem:s6], [sflag:$0x3] =	stream.indirect.gather [hbm4b:s3+s8], $0x40, s5, s8, $0xb8;
	[tilespmem:$0x1E000] =	vst v63  }
0x1c2: {  	s5 =	sadd.s32 $0xCE0, s4;
	s6 =	simm.s32 $0x13D80  }
0x1c3: {  	[tilespmem:s6], [sflag:$0x3] =	stream.indirect.gather [hbm4b:s3+s8], $0x40, s5, s8, $0xb8;
	[tilespmem:$0x1E000] =	vst v63  }
0x1c4: {  	s5 =	sadd.s32 $0xD00, s4;
	s6 =	simm.s32 $0x14400  }
0x1c5: {  	[tilespmem:s6], [sflag:$0x3] =	stream.indirect.gather [hbm4b:s3+s8], $0x40, s5, s8, $0xb8;
	[tilespmem:$0x1E000] =	vst v63  }
0x1c6: {  	s5 =	sadd.s32 $0xD20, s4;
	s6 =	simm.s32 $0x14A80  }
0x1c7: {  	[tilespmem:s6], [sflag:$0x3] =	stream.indirect.gather [hbm4b:s3+s8], $0x40, s5, s8, $0xb8;
	[tilespmem:$0x1E000] =	vst v63  }
0x1c8: {  	s5 =	sadd.s32 $0xD40, s4;
	s6 =	simm.s32 $0x15100  }
0x1c9: {  	[tilespmem:s6], [sflag:$0x3] =	stream.indirect.gather [hbm4b:s3+s8], $0x40, s5, s8, $0xb8;
	[tilespmem:$0x1E000] =	vst v63  }
0x1ca: {  	s5 =	sadd.s32 $0xD60, s4;
	s6 =	simm.s32 $0x15780  }
0x1cb: {  	[tilespmem:s6], [sflag:$0x3] =	stream.indirect.gather [hbm4b:s3+s8], $0x40, s5, s8, $0xb8;
	[tilespmem:$0x1E000] =	vst v63  }
0x1cc: {  	s5 =	sadd.s32 $0xD80, s4;
	s6 =	simm.s32 $0x15E00  }
0x1cd: {  	[tilespmem:s6], [sflag:$0x3] =	stream.indirect.gather [hbm4b:s3+s8], $0x40, s5, s8, $0xb8;
	[tilespmem:$0x1E000] =	vst v63  }
0x1ce: {  	s5 =	sadd.s32 $0xDA0, s4;
	s6 =	simm.s32 $0x16480  }
0x1cf: {  	[tilespmem:s6], [sflag:$0x3] =	stream.indirect.gather [hbm4b:s3+s8], $0x40, s5, s8, $0xb8;
	[tilespmem:$0x1E000] =	vst v63  }
0x1d0: {  	s5 =	sadd.s32 $0xDC0, s4;
	s6 =	simm.s32 $0x16B00  }
0x1d1: {  	[tilespmem:s6], [sflag:$0x3] =	stream.indirect.gather [hbm4b:s3+s8], $0x40, s5, s8, $0xb8;
	[tilespmem:$0x1E000] =	vst v63  }
0x1d2: {  	s5 =	sadd.s32 $0xDE0, s4;
	s6 =	simm.s32 $0x17180  }
0x1d3: {  	[tilespmem:s6], [sflag:$0x3] =	stream.indirect.gather [hbm4b:s3+s8], $0x40, s5, s8, $0xb8;
	[tilespmem:$0x1E000] =	vst v63  }
0x1d4: {  	_ =	swait.ge [sflag:s29], $0x6800  }
0x1d5: {  	[sflag:s29] =	ssyncset.done $0x0  }
0x1d6: {  	s6 =	sadd.s32 $0xE00, s4;
	[sflag:s29] =	ssyncadd.s32 $0xFFFF9800  }
0x1d7: {  	[tilespmem:s1], [sflag:$0x4] =	stream.indirect.gather [hbm4b:s3+s8], $0x40, s6, s8, $0xb8;
	[tilespmem:$0x1E000] =	vst v63  }
0x1d8: {  	s5 =	sadd.s32 $0xE20, s4;
	s6 =	simm.s32 $0x17E80  }
0x1d9: {  	[tilespmem:s6], [sflag:$0x4] =	stream.indirect.gather [hbm4b:s3+s8], $0x40, s5, s8, $0xb8;
	[tilespmem:$0x1E000] =	vst v63  }
0x1da: {  	s5 =	sadd.s32 $0xE40, s4;
	s6 =	simm.s32 $0x18500  }
0x1db: {  	[tilespmem:s6], [sflag:$0x4] =	stream.indirect.gather [hbm4b:s3+s8], $0x40, s5, s8, $0xb8;
	[tilespmem:$0x1E000] =	vst v63  }
0x1dc: {  	s5 =	sadd.s32 $0xE60, s4;
	s6 =	simm.s32 $0x18B80  }
0x1dd: {  	[tilespmem:s6], [sflag:$0x4] =	stream.indirect.gather [hbm4b:s3+s8], $0x40, s5, s8, $0xb8;
	[tilespmem:$0x1E000] =	vst v63  }
0x1de: {  	s5 =	sadd.s32 $0xE80, s4;
	s6 =	simm.s32 $0x19200  }
0x1df: {  	[tilespmem:s6], [sflag:$0x4] =	stream.indirect.gather [hbm4b:s3+s8], $0x40, s5, s8, $0xb8;
	[tilespmem:$0x1E000] =	vst v63  }
0x1e0: {  	s6 =	sadd.s32 $0xEA0, s4  }
0x1e1: {  	[tilespmem:s7], [sflag:$0x4] =	stream.indirect.gather [hbm4b:s3+s8], $0x40, s6, s8, $0xb8;
	[tilespmem:$0x1E000] =	vst v63  }
0x1e2: {  	s6 =	sadd.s32 $0xEC0, s4  }
0x1e3: {  	[tilespmem:s11], [sflag:$0x4] =	stream.indirect.gather [hbm4b:s3+s8], $0x40, s6, s8, $0xb8;
	[tilespmem:$0x1E000] =	vst v63  }
0x1e4: {  	s6 =	sadd.s32 $0xEE0, s4  }
0x1e5: {  	[tilespmem:s13], [sflag:$0x4] =	stream.indirect.gather [hbm4b:s3+s8], $0x40, s6, s8, $0xb8;
	[tilespmem:$0x1E000] =	vst v63  }
0x1e6: {  	s6 =	sadd.s32 $0xF00, s4  }
0x1e7: {  	[tilespmem:s15], [sflag:$0x4] =	stream.indirect.gather [hbm4b:s3+s8], $0x40, s6, s8, $0xb8;
	[tilespmem:$0x1E000] =	vst v63  }
0x1e8: {  	s6 =	sadd.s32 $0xF20, s4  }
0x1e9: {  	[tilespmem:s17], [sflag:$0x4] =	stream.indirect.gather [hbm4b:s3+s8], $0x40, s6, s8, $0xb8;
	[tilespmem:$0x1E000] =	vst v63  }
0x1ea: {  	s6 =	sadd.s32 $0xF40, s4  }
0x1eb: {  	[tilespmem:s21], [sflag:$0x4] =	stream.indirect.gather [hbm4b:s3+s8], $0x40, s6, s8, $0xb8;
	[tilespmem:$0x1E000] =	vst v63  }
0x1ec: {  	s6 =	sadd.s32 $0xF60, s4  }
0x1ed: {  	[tilespmem:s23], [sflag:$0x4] =	stream.indirect.gather [hbm4b:s3+s8], $0x40, s6, s8, $0xb8;
	[tilespmem:$0x1E000] =	vst v63  }
0x1ee: {  	s24 =	sadd.s32 $0x2000, s24;
	s6 =	sadd.s32 $0xF80, s4  }
0x1ef: {  	[tilespmem:s25], [sflag:$0x4] =	stream.indirect.gather [hbm4b:s3+s8], $0x40, s6, s8, $0xb8;
	[tilespmem:$0x1E000] =	vst v63  }
0x1f0: {  	p0 =	sne.s32 s24, $0x10000;
	s6 =	sadd.s32 $0xFA0, s4  }
0x1f1: {  	[tilespmem:s28], [sflag:$0x4] =	stream.indirect.gather [hbm4b:s3+s8], $0x40, s6, s8, $0xb8;
	[tilespmem:$0x1E000] =	vst v63  }
.Ltmp3:
0x1f2: {  	_ = 	snop;
	(pc) =	sbr.rel @p0 .LBB2_2-.Ltmp3, $4  }
.Ltmp4:
0x1f3: {  	s6 =	sadd.s32 $0xFC0, s4;
	(pc) =	sbr.rel @!p0 .LBB2_4-.Ltmp4, $4  }
0x1f4: {  	[tilespmem:s30], [sflag:$0x4] =	stream.indirect.gather [hbm4b:s3+s8], $0x40, s6, s8, $0xb8;
	[tilespmem:$0x1E000] =	vst v63  }
0x1f5: {  	s16 =	sadd.s32 $0x3400, s16;
	s4 =	sadd.s32 $0xFE0, s4  }
0x1f6: {  	[tilespmem:s0], [sflag:$0x4] =	stream.indirect.gather [hbm4b:s3+s8], $0x40, s4, s8, $0xb8;
	[tilespmem:$0x1E000] =	vst v63  }
0x1f7: {  	_ = 	snop  }
.LBB2_5:
0x1f8: {  	_ =	sfence.sel $0x180000  }
0x1f9: {  	[bflag:$0x0] =	sbarrier.arrive $0xFFFF  }
0x1fa: {  	_ =	strace $0x90000047  }
0x1fb: {  	s0 =	stileid.u32;
	[bflag:$0x2] =	sbarrier.arrive $0xFFFF  }
0x1fc: {  	p0 =	sne.s32 s0, $0x0;
	s0 =	rddreg [dreg:$0x2]  }
0x1fd: {  	s0 =	sadd.s32 @!p0 $0x100000, s0  }
0x1fe: {  	[sflag:s0] =	ssyncadd.tile.s32 @!p0 $0x1;
	_ =	shalt  }
.Lfunc_end2:
_tile_overlayer_lowered:
.L_overlay_start_2:
0x1ff: {  	(tag) =	ssettag $0x2  }
0x200: {  	s0 =	rddreg [dreg:$0x0];
	s2 =	stileid.u32  }
0x201: {  	s1 =	rddreg [dreg:$0x1];
	p0 =	sne.s32 s2, $0x0  }
0x202: {  	s3 =	rddreg [dreg:$0x2];
	[bflag:$0x3] =	sbarrier.arrive $0xFFFF;
	s2 =	simm.s32 @!p0 $0x1C09  }
0x203: {  	[timem:s3], [sflag:s2] =	dma.local @!p0 [hbm:s0], s1  }
0x204: {  	s0 =	simm.s32 @!p0 $0x9  }
0x205: {  	_ =	swait.ge @!p0 [sflag:s0], s1  }
0x206: {  	s1 =	ssub.s32 @!p0 $0x0, s1;
	[sflag:s0] =	ssyncset.done @!p0 $0x0  }
0x207: {  	[sflag:s0] =	ssyncadd.s32 @!p0 s1  }
0x208: {  	[bflag:$0x3] =	sbarrier.arrive $0xFFFF  }
0x209: {  	_ =	shalt  }

// kernel: sparse-core-data-format-call.cloned.1.call-start
scs
called_computation_lowered:
.L_overlay_start_0:
0x0: {  	s2 =	sld [smem:$0x3FD9]  }
0x1: {  	s3 =	sld [smem:$0x3FFE];
	_ =	sdelay $0x1  }
0x2: {  	s1 =	srdreg.scid  }
0x3: {  	s0 =	sand.u32 $0x1, s1  }
0x4: {  	s18 =	sshll.u32 s0, $0xA;
	s2 =	sadd.s32 s3, s2  }
0x5: {  	s2 =	sadd.s32 s2, s18  }
0x6: {  	[smem:$0x3FC6] =	sst s2  }
0x7: {  	_ = 	snop  }
0x8: {  	s2 =	sld [smem:$0x3FD0];
	(tm) =	ssettm $0x1  }
0x9: {  	s19 =	sld [smem:$0x3FFB];
	_ =	sdelay $0x3  }
0xa: {  	_ =	strace s19  }
0xb: {  	s3 =	sld [smem:$0x3FFC];
	_ =	sdelay $0x3  }
0xc: {  	_ =	strace s3  }
0xd: {  	s3 =	sld [smem:$0x3FFD];
	_ =	sdelay $0x3  }
0xe: {  	_ =	strace s3  }
0xf: {  	_ =	strace $0x8FFFFFFF  }
0x10: {  	s20 =	sld [smem:$0x3FDB];
	_ =	sdelay $0x1  }
0x11: {  	s4 =	simm.s32 $_scs_section_size  }
0x12: {  	s5 =	simm.s32 $_size__tile_overlayer_lowered;
	s6 =	simm.s32 $_tile_overlayer_lowered  }
0x13: {  	s23 =	simm.s32 $0x1BFF;
	s22 =	sshll.u32 s6, $0x1;
	s3 =	sadd.s32 s4, s20  }
0x14: {  	s7 =	simm.s32 $0x0;
	s21 =	sshll.u32 s5, $0x1;
	s5 =	sadd.s32 s22, s3  }
0x15: {  	[timem:s7], [sflag:s23] =	dma.local [hbm:s5], s21  }
0x16: {  	_ =	swait.ge [sflag:s23], s21  }
0x17: {  	s4 =	ssub.s32 $0x0, s21;
	[sflag:s23] =	ssyncset.done $0x0  }
0x18: {  	[sflag:s23] =	ssyncadd.s32 s4;
	_ =	sdelay $0x1  }
0x19: {  	s24 =	simm.s32 $0x1B8B  }
0x1a: {  	_ =	swait.ge [sflag:s24], $0x1  }
0x1b: {  	[sflag:s24] =	ssyncset.done $0x0  }
0x1c: {  	s26 =	simm.s32 $0x1B8E;
	s25 =	sld [smem:$0x3FFE];
	[sflag:s24] =	ssyncadd.s32 $0xFFFFFFFF  }
0x1d: {  	s27 =	simm.s32 $execute0_lowered;
	[smem:$0x3FD2] =	sst s26  }
0x1e: {  	s5 =	sshll.u32 s27, $0x1;
	_ =	strace $0x80000049;
	[dreg:$0x1] =	wrdreg $0xFFFFFFFF  }
0x1f: {  	s28 =	simm.s32 $_size_execute0_lowered;
	s3 =	sadd.s32 s3, s5;
	[dreg:$0x0] =	wrdreg $0x0  }
0x20: {  	s5 =	sshll.u32 s28, $0x1;
	[dreg:$0x2] =	wrdreg s3  }
0x21: {  	[dreg:$0x3] =	wrdreg s5  }
0x22: {  	[dreg:$0x4] =	wrdreg $0xC0  }
0x23: {  	_ =	task [dreg:s7], $0x5FFFF  }
0x24: {  	[dreg:$0x1] =	wrdreg $0xFFFFFFFF  }
0x25: {  	[dreg:$0x0] =	wrdreg $0x60  }
0x26: {  	[dreg:$0x2] =	wrdreg s25  }
0x27: {  	[dreg:$0x3] =	wrdreg s2  }
0x28: {  	[dreg:$0x4] =	wrdreg $0x9  }
0x29: {  	_ =	task.clear_ibuf [dreg:s7], $0x5FFFF;
	_ =	strace $0x90000049  }
0x2a: {  	s29 =	simm.s32 $0x9;
	_ =	strace $0x8000004B  }
0x2b: {  	_ =	swait.ge [sflag:s29], $0x1  }
0x2c: {  	[sflag:s29] =	ssyncadd.s32 $0xFFFFFFFF  }
0x2d: {  	_ =	strace $0x9000004B  }
0x2e: {  	_ =	sfence  }
0x2f: {  	s30 =	sld [smem:$0x0];
	_ =	sdelay $0x2  }
0x30: {  	s31 =	sshll.u32 s1, $0xD;
	s1 =	sshrl.u32 s1, $0x2  }
0x31: {  	s3 =	sand.u32 $0x4000, s31;
	s1 =	sadd.s32 s1, s30  }
0x32: {  	s0 =	sor.u32 s3, s0;
	s1 =	sshll.u32 s1, $0x11  }
0x33: {  	s0 =	sor.u32 s1, s0  }
0x34: {  	s0 =	sadd.s32 $0x8F2B, s0  }
0x35: {  	[sflag:s0] =	ssyncadd.remote.s32 $0x1  }
0x36: {  	_ =	sfence.sel $0xFFFF  }
0x37: {  	[dreg:$0x0] =	wrdreg $0xFFFFFFFF;
	(pc) =	sbr.abs _section_cstart, $3  }
0x38: {  	[dreg:$0x1] =	wrdreg $0xFFFFFFFF  }
0x39: {  	_ =	task.clear_ibuf [dreg:s7], $0x2FFFF;
	_ =	strace $0x9FFFFFFF  }
0x3a: {  	(tm) =	ssettm $0x7FFFFFFF  }
0x3b: {  	_ =	shalt  }
tec
execute0_lowered:
.L_overlay_start_1:
0x0: {  	(tag) =	ssettag $0x1  }
0x1: {  	s0 =	srdreg.scid  }
0x2: {  	s1 =	sshll.u32 s0, $0x4  }
0x3: {  	s0 =	stileid.u32;
	s1 =	sand.u32 $0x10, s1  }
0x4: {  	s1 =	sor.u32 s0, s1  }
0x5: {  	s6 =	rddreg [dreg:$0x0];
	s4 =	simm.s32 $0x1;
	s2 =	sshll.u32 s1, $0x7  }
0x6: {  	s7 =	simm.s32 $0x2;
	s12 =	simm.s32 $0x0;
	s1 =	ssub.s32 $0x4000, s2  }
0x7: {  	s8 =	simm.s32 $0x20000;
	s13 =	simm.s32 $0x0;
	s3 =	sand.u32 $0xF80, s1  }
0x8: {  	s9 =	simm.s32 $0x0;
	s5 =	sshrl.u32 s1, $0xC;
	p0 =	sne.s32 s3, $0x0  }
.Ltmp0:
0x9: {  	s1 =	rddreg [dreg:$0x2];
	s4 =	simm.s32 @!p0 $0x0;
	(pc) =	sbr.rel .LBB1_1-.Ltmp0, $4  }
0xa: {  	s11 =	simm.s32 $0x0;
	s3 =	rddreg [dreg:$0x1];
	s5 =	sadd.s32 s4, s5  }
0xb: {  	_ =	strace $0x8000004A;
	s4 =	simm.s32 $0x1;
	s5 =	smul.u32 $0x1A, s5  }
0xc: {  	s6 =	sadd.s32 $0xA00, s6;
	s10 =	smov.u32 s2;
	[sflag:s4] =	ssyncpa.u1 $0x0  }
0xd: {  	p0 =	por $0x0, $0x0;
	[sflag:s7] =	ssyncpa.u1 $0x0;
	s7 =	sor.u32 $0x1, s5  }
.LBB1_4:
0xe: {  	s16 =	sshll.u32 s13, $0x3;
	s17 =	sand.u32 $0x78, s13  }
0xf: {  	s30 =	sand.u32 $0x1F800, s13;
	s12 =	sshll.u32 s12, $0x11;
	s16 =	sand.u32 $0x3C00, s16  }
0x10: {  	[tilespmem:s15+$0x810 ss:$0x81] =	vst.msk $0xffff, v2;
	s31 =	sand.u32 $0x7, s13;
	s16 =	sor.u32 s17, s16;
	s17 =	sadd.s32 s3, s30  }
0x11: {  	[tilespmem:s15+$0x1020 ss:$0x81] =	vst.msk $0xffff, v0;
	s13 =	sshll.u32 s31, $0x12;
	s12 =	sadd.s32 s12, s17;
	s16 =	sshrl.u32 s16, $0x3  }
0x12: {  	[tilespmem:s15+$0x0 ss:$0x81] =	vst.msk $0xffff, v1;
	s13 =	sor.u32 $0x400, s13;
	s12 =	sadd.s32 s16, s12  }
0x13: {  	[hbm4b:s12+s13] =	stream.strided.scatter [tilespmem:s14], [sflag:$0x2], $0x2000, s8, s13, $0x20;
	[tilespmem:$0x8080] =	vst v63  }
.LBB1_5:
0x14: {  	s14 =	sadd.s32 $0x1, s9  }
0x15: {  	s12 =	sadd.s32 $0x1000, s10;
	s16 =	smov.u32 s10;
	p2 =	sgt.s32 s14, $0x19  }
0x16: {  	s16 =	smov.u32 @p2 s12  }
0x17: {  	s14 =	simm.s32 @p2 $0x0;
	p2 =	sgt.s32 s16, $0x3FFF  }
0x18: {  	s16 =	smov.u32 @p2 s2;
	p2 =	sne.s32 s11, s7  }
.Ltmp1:
0x19: {  	p1 =	slt.u32 s11, $0x2;
	(pc) =	sbr.rel @!p2 .LBB1_6-.Ltmp1, $4  }
0x1a: {  	s15 =	simm.s32 @!p1 $0x2  }
0x1b: {  	s13 =	smov.u32 s10;
	p0 =	por !p0, !p0;
	_ =	swait.ge @!p1 [sflag:s15], $0x2000  }
0x1c: {  	s12 =	smov.u32 s9;
	[sflag:s15] =	ssyncset.done @!p1 $0x0;
	s9 =	smov.u32 s14  }
0x1d: {  	s11 =	sadd.s32 $0x1, s11;
	[sflag:s15] =	ssyncadd.s32 @!p1 $0xFFFFE000;
	s10 =	smov.u32 s16  }
.LBB1_1:
0x1e: {  	p1 =	sge.u32 s11, s5  }
0x1f: {  	s31 =	sadd.s32 $0xFFFFFFFF, s11;
	s14 =	sxor.u32 @!p1 $0xFFFFFFFF, s11  }
0x20: {  	s15 =	sshll.u32 @!p1 s10, $0x9;
	s16 =	sshll.u32 @!p1 s9, $0x4;
	s17 =	simm.s32 @!p1 $0x1000  }
0x21: {  	s14 =	sshll.u32 @!p1 s14, $0xD;
	s16 =	sand.u32 @!p1 $0x1F0, s16;
	s15 =	sadd.s32 @!p1 s6, s15  }
0x22: {  	s14 =	sand.u32 @!p1 $0x2000, s14;
	s15 =	sadd.s32 @!p1 s16, s15;
	s16 =	simm.s32 @!p1 $0x40  }
0x23: {  	[tilespmem:s14], [sflag:$0x1] =	stream.strided.gather @!p1 [hbm4b:s15+s16], $0x2000, s17, s16, $0x38;
	[tilespmem:$0x8080] =	vst v63  }
0x24: {  	p1 =	sge.u32 s31, s5  }
.Ltmp2:
0x25: {  	_ = 	snop;
	(pc) =	sbr.rel @p1 .LBB1_5-.Ltmp2, $1  }
0x26: {  	_ =	sdelay $0x3  }
0x27: {  	s14 =	simm.s32 $0x1  }
0x28: {  	_ =	swait.ge [sflag:s4], $0x2000;
	s14 =	simm.s32 @!p0 $0x0  }
0x29: {  	[sflag:s4] =	ssyncset.done $0x0;
	s15 =	sshll.u32 s14, $0xD  }
0x2a: {  	[sflag:s4] =	ssyncadd.s32 $0xFFFFE000;
	s18 =	sor.u32 $0x20, s15  }
0x2b: {  	s14 =	smul.u32 $0x8100, s14;
	v3 =	vld [tilespmem:s18+$0x10]  }
0x2c: {  	s30 =	sand.u32 $0x1, s11;
	v2 =	vld [tilespmem:s18+$0xFFFFFFF0]  }
0x2d: {  	s15 =	smul.u32 $0x8100, s30;
	s14 =	sshrl.u32 s14, $0x2;
	v0 =	vld [tilespmem:s18+$0x0]  }
0x2e: {  	v1 =	vld [tilespmem:s18+$0xFFFFFFE0];
	s16 =	sor.u32 $0x4000, s14  }
0x2f: {  	s31 =	sshrl.u32 s15, $0x2;
	s15 =	sadd.s32 $0x0, s16  }
0x30: {  	s17 =	simm.s32 $0x4;
	s18 =	sadd.s32 $0x40, s18;
	s14 =	sor.u32 $0x4000, s31;
	[tilespmem:s15+$0x1830 ss:$0x81] =	vst.msk $0xffff, v3  }
.LBB1_3:
0x31: {  	v3 =	vld [tilespmem:s18+$0x10];
	p1 =	sne.s32 s17, $0x1FC;
	[tilespmem:s15+$0x810 ss:$0x81] =	vst.msk $0xffff, v2;
	s19 =	smov.u32 s17;
	s17 =	sadd.s32 $0x4, s17  }
.Ltmp3:
0x32: {  	v2 =	vld [tilespmem:s18+$0xFFFFFFF0];
	[tilespmem:s15+$0x1020 ss:$0x81] =	vst.msk $0xffff, v0;
	(pc) =	sbr.rel @p1 .LBB1_3-.Ltmp3, $4  }
0x33: {  	v0 =	vld [tilespmem:s18+$0x0];
	[tilespmem:s15+$0x0 ss:$0x81] =	vst.msk $0xffff, v1  }
0x34: {  	s15 =	sshra.s32 s19, $0x2;
	v1 =	vld [tilespmem:s18+$0xFFFFFFE0]  }
0x35: {  	s15 =	sadd.s32 s15, s16  }
0x36: {  	s18 =	sadd.s32 $0x40, s18;
	[tilespmem:s15+$0x1830 ss:$0x81] =	vst.msk $0xffff, v3  }
.Ltmp4:
0x37: {  	_ = 	snop;
	(pc) =	sbr.rel .LBB1_4-.Ltmp4, $1  }
0x38: {  	_ =	sdelay $0x3  }
.LBB1_6:
0x39: {  	_ =	sfence.sel $0x180000  }
0x3a: {  	s2 =	simm.s32 $0x1;
	[bflag:$0x0] =	sbarrier.arrive $0xFFFF  }
0x3b: {  	s31 =	simm.s32 $0x2;
	[sflag:s2] =	ssyncpa.u1 $0x1  }
0x3c: {  	[sflag:s31] =	ssyncpa.u1 $0x1  }
0x3d: {  	p0 =	sne.s32 s0, $0x0;
	_ =	strace $0x9000004A  }
0x3e: {  	s0 =	sadd.s32 @!p0 $0x100000, s1;
	[bflag:$0x2] =	sbarrier.arrive $0xFFFF  }
0x3f: {  	[sflag:s0] =	ssyncadd.tile.s32 @!p0 $0x1;
	_ =	shalt  }
.Lfunc_end1:
_tile_overlayer_lowered:
.L_overlay_start_2:
0x40: {  	(tag) =	ssettag $0x2  }
0x41: {  	s0 =	rddreg [dreg:$0x0];
	s2 =	stileid.u32  }
0x42: {  	s1 =	rddreg [dreg:$0x1];
	p0 =	sne.s32 s2, $0x0  }
0x43: {  	s3 =	rddreg [dreg:$0x2];
	[bflag:$0x3] =	sbarrier.arrive $0xFFFF;
	s2 =	simm.s32 @!p0 $0x1C01  }
0x44: {  	[timem:s3], [sflag:s2] =	dma.local @!p0 [hbm:s0], s1  }
0x45: {  	s0 =	simm.s32 @!p0 $0x1  }
0x46: {  	_ =	swait.ge @!p0 [sflag:s0], s1  }
0x47: {  	s1 =	ssub.s32 @!p0 $0x0, s1;
	[sflag:s0] =	ssyncset.done @!p0 $0x0  }
0x48: {  	[sflag:s0] =	ssyncadd.s32 @!p0 s1  }
0x49: {  	[bflag:$0x3] =	sbarrier.arrive $0xFFFF  }
0x4a: {  	_ =	shalt  }

</sc_bundles>
